<compile_context>
chip_gen: v7x
topology: tpu7x:2x2x1
jax: 0.10.2.dev20260603
libtpu: 0.0.44.dev20260713+nightly
codegen_flags: <defaults>
</compile_context>

<pallas_src>
import functools

import jax
import jax.numpy as jnp
import numpy as np
from jax import lax
from jax.experimental import pallas as pl
from jax.experimental.pallas import tpu as pltpu
from jax.experimental.pallas import tpu_sc as plsc

N = 10000
E = 320000
IN_DIM = 128
H = 8
D = 16
HD = H * D

NC = 2
NS = 16
CH = H // NC
KC = CH * D
EPT = E // NS
C = 80
NCHUNK = EPT // C
ROW = 80
N_PAD = 10240
RPS = N_PAD // NS

INV_SQRT_D = 1.0 / np.sqrt(D)


def _proj_body(h_ref, wq_ref, wkv_ref, bq_ref, bkv_ref, q_ref, kv_ref):
    hb = h_ref[...]
    q_ref[...] = jnp.dot(hb, wq_ref[...], preferred_element_type=jnp.float32) + bq_ref[...]
    kv_ref[...] = jnp.dot(hb, wkv_ref[...], preferred_element_type=jnp.float32) + bkv_ref[...]


def _projections(h, wq, wkv, bq, bkv):
    blk = 400
    grid = N // blk
    return pl.pallas_call(
        _proj_body,
        grid=(grid,),
        in_specs=[
            pl.BlockSpec((blk, IN_DIM), lambda i: (i, 0)),
            pl.BlockSpec((IN_DIM, HD), lambda i: (0, 0)),
            pl.BlockSpec((IN_DIM, 2 * HD), lambda i: (0, 0)),
            pl.BlockSpec((1, HD), lambda i: (0, 0)),
            pl.BlockSpec((1, 2 * HD), lambda i: (0, 0)),
        ],
        out_specs=[
            pl.BlockSpec((blk, HD), lambda i: (i, 0)),
            pl.BlockSpec((blk, 2 * HD), lambda i: (i, 0)),
        ],
        out_shape=[
            jax.ShapeDtypeStruct((N, HD), jnp.float32),
            jax.ShapeDtypeStruct((N, 2 * HD), jnp.float32),
        ],
    )(h, wq, wkv, bq, bkv)


def _sc_body(kv_hbm, q_hbm, src_hbm, dst_hbm, zeros_hbm, part_hbm,
             src_all, dst_all, dst0, dst1, gs0, gs1, gd0, gd1, kv0, kv1, q0, q1,
             m_v, acc, semg0, semg1):
    c = lax.axis_index("c")
    s = lax.axis_index("s")
    coff = c * N
    dst_b = (dst0, dst1)
    gs_b = (gs0, gs1)
    gd_b = (gd0, gd1)
    kv_b = (kv0, kv1)
    q_b = (q0, q1)
    sem_b = (semg0, semg1)

    zr = pl.multiple_of(s * RPS, 8)
    pltpu.sync_copy(zeros_hbm.at[pl.ds(zr, RPS)], acc.at[pl.ds(zr, RPS)])

    pltpu.sync_copy(src_hbm.at[pl.ds(pl.multiple_of(s * EPT, 8), EPT)], src_all)
    pltpu.sync_copy(dst_hbm.at[pl.ds(pl.multiple_of(s * EPT, 8), EPT)], dst_all)
    plsc.subcore_barrier()

    lane = lax.broadcasted_iota(jnp.int32, (16,), 0)

    def prefetch(ci, t):
        base = ci * C
        for j in range(C // 16):
            sl = pl.ds(j * 16, 16)
            dv = dst_all[pl.ds(base + j * 16, 16)]
            dst_b[t][sl] = dv
            gs_b[t][sl] = src_all[pl.ds(base + j * 16, 16)] + coff
            gd_b[t][sl] = dv + coff
        pltpu.async_copy(kv_hbm.at[gs_b[t]], kv_b[t], sem_b[t])
        pltpu.async_copy(q_hbm.at[gd_b[t]], q_b[t], sem_b[t])

    def process(t):
        pltpu.make_async_copy(kv_hbm.at[gs_b[t]], kv_b[t], sem_b[t]).wait()
        pltpu.make_async_copy(q_hbm.at[gd_b[t]], q_b[t], sem_b[t]).wait()
        kv_v = kv_b[t]
        q_v = q_b[t]

        @plsc.parallel_loop(0, C, 1, unroll=4)
        def edge(e):
            zacc = jnp.zeros((16,), jnp.float32)
            for hh in range(CH):
                kvec = kv_v[e, pl.ds(hh * D, D)]
                qvec = q_v[e, pl.ds(hh * D, D)]
                sca = jnp.sum(kvec * qvec) * INV_SQRT_D
                ex = jnp.exp(jnp.clip(jnp.full((16,), sca), -5.0, 5.0))
                m_v[e, pl.ds(hh * D, D)] = kv_v[e, pl.ds(KC + hh * D, D)] * ex
                zacc = zacc + jnp.where(lane == hh, ex, 0.0)
            m_v[e, pl.ds(KC, 16)] = zacc

        pltpu.sync_copy(m_v, acc.at[dst_b[t]], add=True)

    prefetch(0, 0)

    def pair(i2, _):
        prefetch(2 * i2 + 1, 1)
        process(0)
        prefetch(2 * i2 + 2, 0)
        process(1)
        return 0

    lax.fori_loop(0, NCHUNK // 2 - 1, pair, 0)
    prefetch(NCHUNK - 1, 1)
    process(0)
    process(1)
    plsc.subcore_barrier()

    row0 = pl.multiple_of(s * RPS, 8)
    pltpu.sync_copy(acc.at[pl.ds(row0, RPS)], part_hbm.at[c, pl.ds(row0, RPS)])


def _sc_edge_phase(kv2, q2, src, dst):
    mesh = plsc.VectorSubcoreMesh(core_axis_name="c", subcore_axis_name="s",
                                  num_cores=NC, num_subcores=NS)
    f = pl.kernel(
        _sc_body,
        out_type=jax.ShapeDtypeStruct((NC, N_PAD, ROW), jnp.float32),
        mesh=mesh,
        compiler_params=pltpu.CompilerParams(needs_layout_passes=False,
                                             use_tc_tiling_on_sc=False),
        scratch_types=[
            pltpu.VMEM((EPT,), jnp.int32),
            pltpu.VMEM((EPT,), jnp.int32),
            pltpu.VMEM((C,), jnp.int32),
            pltpu.VMEM((C,), jnp.int32),
            pltpu.VMEM((C,), jnp.int32),
            pltpu.VMEM((C,), jnp.int32),
            pltpu.VMEM((C,), jnp.int32),
            pltpu.VMEM((C,), jnp.int32),
            pltpu.VMEM((C, 2 * KC), jnp.float32),
            pltpu.VMEM((C, 2 * KC), jnp.float32),
            pltpu.VMEM((C, KC), jnp.float32),
            pltpu.VMEM((C, KC), jnp.float32),
            pltpu.VMEM((C, ROW), jnp.float32),
            pltpu.VMEM_SHARED((N_PAD, ROW), jnp.float32),
            pltpu.SemaphoreType.DMA,
            pltpu.SemaphoreType.DMA,
        ],
    )
    return f(kv2, q2, src, dst, jnp.zeros((N_PAD, ROW), jnp.float32))


def _combine_body(p0_ref, p1_ref, s1a_ref, s1b_ref, s2a_ref, s2b_ref, o_ref):
    p0 = p0_ref[0]
    p1 = p1_ref[0]
    wv = (jnp.dot(p0, s1a_ref[...], preferred_element_type=jnp.float32)
          + jnp.dot(p1, s1b_ref[...], preferred_element_type=jnp.float32))
    z = (jnp.dot(p0, s2a_ref[...], preferred_element_type=jnp.float32)
         + jnp.dot(p1, s2b_ref[...], preferred_element_type=jnp.float32))
    o_ref[...] = wv / (z + 1e-6)


def _combine(part, s1a, s1b, s2a, s2b):
    blk = 400
    grid = N // blk
    return pl.pallas_call(
        _combine_body,
        grid=(grid,),
        in_specs=[
            pl.BlockSpec((1, blk, ROW), lambda i: (0, i, 0)),
            pl.BlockSpec((1, blk, ROW), lambda i: (1, i, 0)),
            pl.BlockSpec((ROW, HD), lambda i: (0, 0)),
            pl.BlockSpec((ROW, HD), lambda i: (0, 0)),
            pl.BlockSpec((ROW, HD), lambda i: (0, 0)),
            pl.BlockSpec((ROW, HD), lambda i: (0, 0)),
        ],
        out_specs=pl.BlockSpec((blk, HD), lambda i: (i, 0)),
        out_shape=jax.ShapeDtypeStruct((N, HD), jnp.float32),
    )(part, part, s1a, s1b, s2a, s2b)


def _selectors():
    s1a = np.zeros((ROW, HD), np.float32)
    s1b = np.zeros((ROW, HD), np.float32)
    s2a = np.zeros((ROW, HD), np.float32)
    s2b = np.zeros((ROW, HD), np.float32)
    for hl in range(CH):
        for d in range(D):
            s1a[hl * D + d, hl * D + d] = 1.0
            s1b[hl * D + d, KC + hl * D + d] = 1.0
            s2a[KC + hl, hl * D + d] = 1.0
            s2b[KC + hl, KC + hl * D + d] = 1.0
    return s1a, s1b, s2a, s2b


_S1A, _S1B, _S2A, _S2B = _selectors()


def kernel(h, edge_index, Wq, bq, Wk, bk, Wv, bv):
    wkv = jnp.concatenate([Wk[:, :KC], Wv[:, :KC], Wk[:, KC:], Wv[:, KC:]], axis=1)
    bkv = jnp.concatenate([bk[:KC], bv[:KC], bk[KC:], bv[KC:]])[None, :]
    q, kvp = _projections(h, Wq, wkv, bq[None, :], bkv)
    kv2 = jnp.concatenate([kvp[:, :2 * KC], kvp[:, 2 * KC:]], axis=0)
    q2 = jnp.concatenate([q[:, :KC], q[:, KC:]], axis=0)
    part = _sc_edge_phase(kv2, q2, edge_index[0], edge_index[1])
    return _combine(part, jnp.asarray(_S1A), jnp.asarray(_S1B),
                    jnp.asarray(_S2A), jnp.asarray(_S2B))

# --- scband reference (transcript-rebuilt; emitter-appended) ---
"""Pipeline reference for scband-multi-head-attention-layer-38989713113820 (READ-ONLY COPY).

The authoritative reference and input builder live on the scoring server;
editing this copy changes nothing except your own understanding.
"""

import jax, jax.numpy as jnp
import numpy as np

N = 10000
E = 320000
IN_DIM = 128
NUM_HEADS = 8
OUT_DIM = 16


def setup_inputs(seed: int = 0) -> dict:
    key = jax.random.key(seed)
    ks = jax.random.split(key, 8)
    h = jax.random.normal(ks[0], (N, IN_DIM), dtype=jnp.float32)
    edge_index = jax.random.randint(ks[1], (2, E), 0, N, dtype=jnp.int32)
    Wq = jax.random.normal(ks[2], (IN_DIM, NUM_HEADS * OUT_DIM), dtype=jnp.float32) * 0.05
    Wk = jax.random.normal(ks[3], (IN_DIM, NUM_HEADS * OUT_DIM), dtype=jnp.float32) * 0.05
    Wv = jax.random.normal(ks[4], (IN_DIM, NUM_HEADS * OUT_DIM), dtype=jnp.float32) * 0.05
    bq = jnp.zeros((NUM_HEADS * OUT_DIM,), dtype=jnp.float32)
    bk = jnp.zeros((NUM_HEADS * OUT_DIM,), dtype=jnp.float32)
    bv = jnp.zeros((NUM_HEADS * OUT_DIM,), dtype=jnp.float32)
    return {"h": h, "edge_index": edge_index, "Wq": Wq, "bq": bq, "Wk": Wk, "bk": bk, "Wv": Wv, "bv": bv}


def reference(h, edge_index, Wq, bq, Wk, bk, Wv, bv):
    # Linear projections
    Q_h = h @ Wq + bq
    K_h = h @ Wk + bk
    V_h = h @ Wv + bv
    src = edge_index[0]
    dst = edge_index[1]
    # Per-edge attention scores (DGL: src -> K/V, dst -> Q)
    K_e = K_h[src].reshape(-1, NUM_HEADS, OUT_DIM)
    Q_e = Q_h[dst].reshape(-1, NUM_HEADS, OUT_DIM)
    score = (K_e * Q_e).sum(axis=-1) / np.sqrt(OUT_DIM)
    score = jnp.exp(jnp.clip(score, -5.0, 5.0))  # [E, H]
    # Weighted messages
    V_e = V_h[src].reshape(-1, NUM_HEADS, OUT_DIM)
    m = V_e * score[..., None]  # [E, H, D]
    # Scatter-add reduce to destination nodes
    wV = jax.ops.segment_sum(m, dst, num_segments=N)  # [N, H, D]
    z = jax.ops.segment_sum(score, dst, num_segments=N)  # [N, H]
    h_out = wV / (z[..., None] + 1e-06)
    return h_out.reshape(-1, NUM_HEADS * OUT_DIM)

if __name__ == "__main__":
    import jax
    _d = setup_inputs()
    print(jax.jit(kernel)(*tuple(_d.values())))

</pallas_src>

<mosaic_0001>
#map = affine_map<(d0, d1) -> (0, 0)>
#map1 = affine_map<(d0, d1) -> (0)>
#map2 = affine_map<(d0, d1) -> (0, 0, 0)>
module attributes {stable_mosaic.version = 14 : i64} {
  func.func @_sc_body(%arg0: i32, %arg1: i32, %arg2: memref<20000x128xf32, #tpu.memory_space<hbm>>, %arg3: memref<20000x64xf32, #tpu.memory_space<hbm>>, %arg4: memref<320000xi32, #tpu.memory_space<hbm>>, %arg5: memref<320000xi32, #tpu.memory_space<hbm>>, %arg6: memref<10240x80xf32, #tpu.memory_space<hbm>>, %arg7: memref<2x10240x80xf32, #tpu.memory_space<hbm>>, %arg8: memref<20000xi32, #tpu.memory_space<vmem>>, %arg9: memref<20000xi32, #tpu.memory_space<vmem>>, %arg10: memref<80xi32, #tpu.memory_space<vmem>>, %arg11: memref<80xi32, #tpu.memory_space<vmem>>, %arg12: memref<80xi32, #tpu.memory_space<vmem>>, %arg13: memref<80xi32, #tpu.memory_space<vmem>>, %arg14: memref<80xi32, #tpu.memory_space<vmem>>, %arg15: memref<80xi32, #tpu.memory_space<vmem>>, %arg16: memref<80x128xf32, #tpu.memory_space<vmem>>, %arg17: memref<80x128xf32, #tpu.memory_space<vmem>>, %arg18: memref<80x64xf32, #tpu.memory_space<vmem>>, %arg19: memref<80x64xf32, #tpu.memory_space<vmem>>, %arg20: memref<80x80xf32, #tpu.memory_space<vmem>>, %arg21: memref<10240x80xf32, #tpu.memory_space<vmem_shared>>, %arg22: memref<!tpu.dma_semaphore, #tpu.memory_space<semaphore_mem>>, %arg23: memref<!tpu.dma_semaphore, #tpu.memory_space<semaphore_mem>>) attributes {dimension_semantics = [#tpu.dimension_semantics<core_parallel>, #tpu.dimension_semantics<subcore_parallel>], iteration_bounds = array<i64: 2, 16>, scalar_prefetch = 0 : i64, scratch_operands = 16 : i64, tpu.core_type = #tpu.core_type<sc_vector_subcore>, window_params = [{transform_indices = #map}, {transform_indices = #map}, {transform_indices = #map1}, {transform_indices = #map1}, {transform_indices = #map}, {transform_indices = #map2}]} {
    %mul3A = arith.constant 10000 : i32
    %mul3A_0 = arith.muli %arg0, %mul3A : i32
    %mul3A_1 = arith.constant 640 : i32
    %mul3A_2 = arith.muli %arg1, %mul3A_1 : i32
    %multiple_of3A = tpu.assume_multiple %mul3A_2, 8 : i32
    "tpu.region"() ({
      %run_scoped3A = tpu.sem_alloc : memref<!tpu.dma_semaphore, #tpu.memory_space<semaphore_mem>>
      %dma_start3A_183 = arith.constant 0 : i32
      %dma_start3A_184 = tpu.memref_slice %arg21[%multiple_of3A, %dma_start3A_183] : memref<10240x80xf32, #tpu.memory_space<vmem_shared>> -> memref<640x80xf32, #tpu.memory_space<vmem_shared>>
      %dma_start3A_185 = arith.constant 0 : i32
      %dma_start3A_186 = tpu.memref_slice %arg6[%multiple_of3A, %dma_start3A_185] : memref<10240x80xf32, #tpu.memory_space<hbm>> -> memref<640x80xf32, #tpu.memory_space<hbm>>
      tpu.enqueue_dma source(%dma_start3A_186 : memref<640x80xf32, #tpu.memory_space<hbm>>) target(%dma_start3A_184 : memref<640x80xf32, #tpu.memory_space<vmem_shared>>) target_semaphore(%run_scoped3A : memref<!tpu.dma_semaphore, #tpu.memory_space<semaphore_mem>>)
      %dma_wait3A_187 = arith.constant 0 : i32
      %dma_wait3A_188 = tpu.memref_slice %arg21[%multiple_of3A, %dma_wait3A_187] : memref<10240x80xf32, #tpu.memory_space<vmem_shared>> -> memref<640x80xf32, #tpu.memory_space<vmem_shared>>
      %dma_wait3A_189 = arith.constant 0 : i32
      %dma_wait3A_190 = tpu.memref_slice %arg6[%multiple_of3A, %dma_wait3A_189] : memref<10240x80xf32, #tpu.memory_space<hbm>> -> memref<640x80xf32, #tpu.memory_space<hbm>>
      tpu.wait_dma2 semaphore(%run_scoped3A : memref<!tpu.dma_semaphore, #tpu.memory_space<semaphore_mem>>) src(%dma_wait3A_190 : memref<640x80xf32, #tpu.memory_space<hbm>>) dst(%dma_wait3A_188 : memref<640x80xf32, #tpu.memory_space<vmem_shared>>)
      tpu.yield
    }) : () -> ()
    %mul3A_3 = arith.constant 20000 : i32
    %mul3A_4 = arith.muli %arg1, %mul3A_3 : i32
    %multiple_of3A_5 = tpu.assume_multiple %mul3A_4, 8 : i32
    "tpu.region"() ({
      %run_scoped3A = tpu.sem_alloc : memref<!tpu.dma_semaphore, #tpu.memory_space<semaphore_mem>>
      %dma_start3A_183 = tpu.memref_slice %arg4[%multiple_of3A_5] : memref<320000xi32, #tpu.memory_space<hbm>> -> memref<20000xi32, #tpu.memory_space<hbm>>
      %dma_start3A_184 = tpu.memref_slice %arg4[%multiple_of3A_5] : memref<320000xi32, #tpu.memory_space<hbm>> -> memref<20000xi32, #tpu.memory_space<hbm>>
      tpu.enqueue_dma source(%dma_start3A_184 : memref<20000xi32, #tpu.memory_space<hbm>>) target(%arg8 : memref<20000xi32, #tpu.memory_space<vmem>>) target_semaphore(%run_scoped3A : memref<!tpu.dma_semaphore, #tpu.memory_space<semaphore_mem>>)
      %dma_wait3A_185 = tpu.memref_slice %arg4[%multiple_of3A_5] : memref<320000xi32, #tpu.memory_space<hbm>> -> memref<20000xi32, #tpu.memory_space<hbm>>
      %dma_wait3A_186 = tpu.memref_slice %arg4[%multiple_of3A_5] : memref<320000xi32, #tpu.memory_space<hbm>> -> memref<20000xi32, #tpu.memory_space<hbm>>
      tpu.wait_dma2 semaphore(%run_scoped3A : memref<!tpu.dma_semaphore, #tpu.memory_space<semaphore_mem>>) src(%dma_wait3A_186 : memref<20000xi32, #tpu.memory_space<hbm>>) dst(%arg8 : memref<20000xi32, #tpu.memory_space<vmem>>)
      tpu.yield
    }) : () -> ()
    %mul3A_6 = arith.constant 20000 : i32
    %mul3A_7 = arith.muli %arg1, %mul3A_6 : i32
    %multiple_of3A_8 = tpu.assume_multiple %mul3A_7, 8 : i32
    "tpu.region"() ({
      %run_scoped3A = tpu.sem_alloc : memref<!tpu.dma_semaphore, #tpu.memory_space<semaphore_mem>>
      %dma_start3A_183 = tpu.memref_slice %arg5[%multiple_of3A_8] : memref<320000xi32, #tpu.memory_space<hbm>> -> memref<20000xi32, #tpu.memory_space<hbm>>
      %dma_start3A_184 = tpu.memref_slice %arg5[%multiple_of3A_8] : memref<320000xi32, #tpu.memory_space<hbm>> -> memref<20000xi32, #tpu.memory_space<hbm>>
      tpu.enqueue_dma source(%dma_start3A_184 : memref<20000xi32, #tpu.memory_space<hbm>>) target(%arg9 : memref<20000xi32, #tpu.memory_space<vmem>>) target_semaphore(%run_scoped3A : memref<!tpu.dma_semaphore, #tpu.memory_space<semaphore_mem>>)
      %dma_wait3A_185 = tpu.memref_slice %arg5[%multiple_of3A_8] : memref<320000xi32, #tpu.memory_space<hbm>> -> memref<20000xi32, #tpu.memory_space<hbm>>
      %dma_wait3A_186 = tpu.memref_slice %arg5[%multiple_of3A_8] : memref<320000xi32, #tpu.memory_space<hbm>> -> memref<20000xi32, #tpu.memory_space<hbm>>
      tpu.wait_dma2 semaphore(%run_scoped3A : memref<!tpu.dma_semaphore, #tpu.memory_space<semaphore_mem>>) src(%dma_wait3A_186 : memref<20000xi32, #tpu.memory_space<hbm>>) dst(%arg9 : memref<20000xi32, #tpu.memory_space<vmem>>)
      tpu.yield
    }) : () -> ()
    %barrier3A = arith.constant 0 : index
    tpu.barrier barrier_id(%barrier3A)
    %iota3A = tpu.iota {dimensions = array<i32: 0>} : vector<16xi32>
    %get3A = arith.constant 0 : index
    %get3A_9 = tpu.vector_load %arg9[%get3A] {strides = array<i32>} : memref<20000xi32, #tpu.memory_space<vmem>>, vector<16xi32>,
    %swap3A = arith.constant 0 : index
    %swap3A_10 = tpu.vector_load %arg10[%swap3A] {strides = array<i32>} : memref<80xi32, #tpu.memory_space<vmem>>, vector<16xi32>,
    tpu.vector_store %arg10[%swap3A], %get3A_9 {strides = array<i32>} : memref<80xi32, #tpu.memory_space<vmem>>, vector<16xi32>,
    %get3A_11 = arith.constant 0 : index
    %get3A_12 = tpu.vector_load %arg8[%get3A_11] {strides = array<i32>} : memref<20000xi32, #tpu.memory_space<vmem>>, vector<16xi32>,
    %add3A = vector.broadcast %mul3A_0 : i32 to vector<16xi32>
    %add3A_13 = arith.addi %get3A_12, %add3A : vector<16xi32>
    %swap3A_14 = arith.constant 0 : index
    %swap3A_15 = tpu.vector_load %arg12[%swap3A_14] {strides = array<i32>} : memref<80xi32, #tpu.memory_space<vmem>>, vector<16xi32>,
    tpu.vector_store %arg12[%swap3A_14], %add3A_13 {strides = array<i32>} : memref<80xi32, #tpu.memory_space<vmem>>, vector<16xi32>,
    %add3A_16 = vector.broadcast %mul3A_0 : i32 to vector<16xi32>
    %add3A_17 = arith.addi %get3A_9, %add3A_16 : vector<16xi32>
    %swap3A_18 = arith.constant 0 : index
    %swap3A_19 = tpu.vector_load %arg14[%swap3A_18] {strides = array<i32>} : memref<80xi32, #tpu.memory_space<vmem>>, vector<16xi32>,
    tpu.vector_store %arg14[%swap3A_18], %add3A_17 {strides = array<i32>} : memref<80xi32, #tpu.memory_space<vmem>>, vector<16xi32>,
    %get3A_20 = arith.constant 16 : index
    %get3A_21 = tpu.vector_load %arg9[%get3A_20] {strides = array<i32>} : memref<20000xi32, #tpu.memory_space<vmem>>, vector<16xi32>,
    %swap3A_22 = arith.constant 16 : index
    %swap3A_23 = tpu.vector_load %arg10[%swap3A_22] {strides = array<i32>} : memref<80xi32, #tpu.memory_space<vmem>>, vector<16xi32>,
    tpu.vector_store %arg10[%swap3A_22], %get3A_21 {strides = array<i32>} : memref<80xi32, #tpu.memory_space<vmem>>, vector<16xi32>,
    %get3A_24 = arith.constant 16 : index
    %get3A_25 = tpu.vector_load %arg8[%get3A_24] {strides = array<i32>} : memref<20000xi32, #tpu.memory_space<vmem>>, vector<16xi32>,
    %add3A_26 = vector.broadcast %mul3A_0 : i32 to vector<16xi32>
    %add3A_27 = arith.addi %get3A_25, %add3A_26 : vector<16xi32>
    %swap3A_28 = arith.constant 16 : index
    %swap3A_29 = tpu.vector_load %arg12[%swap3A_28] {strides = array<i32>} : memref<80xi32, #tpu.memory_space<vmem>>, vector<16xi32>,
    tpu.vector_store %arg12[%swap3A_28], %add3A_27 {strides = array<i32>} : memref<80xi32, #tpu.memory_space<vmem>>, vector<16xi32>,
    %add3A_30 = vector.broadcast %mul3A_0 : i32 to vector<16xi32>
    %add3A_31 = arith.addi %get3A_21, %add3A_30 : vector<16xi32>
    %swap3A_32 = arith.constant 16 : index
    %swap3A_33 = tpu.vector_load %arg14[%swap3A_32] {strides = array<i32>} : memref<80xi32, #tpu.memory_space<vmem>>, vector<16xi32>,
    tpu.vector_store %arg14[%swap3A_32], %add3A_31 {strides = array<i32>} : memref<80xi32, #tpu.memory_space<vmem>>, vector<16xi32>,
    %get3A_34 = arith.constant 32 : index
    %get3A_35 = tpu.vector_load %arg9[%get3A_34] {strides = array<i32>} : memref<20000xi32, #tpu.memory_space<vmem>>, vector<16xi32>,
    %swap3A_36 = arith.constant 32 : index
    %swap3A_37 = tpu.vector_load %arg10[%swap3A_36] {strides = array<i32>} : memref<80xi32, #tpu.memory_space<vmem>>, vector<16xi32>,
    tpu.vector_store %arg10[%swap3A_36], %get3A_35 {strides = array<i32>} : memref<80xi32, #tpu.memory_space<vmem>>, vector<16xi32>,
    %get3A_38 = arith.constant 32 : index
    %get3A_39 = tpu.vector_load %arg8[%get3A_38] {strides = array<i32>} : memref<20000xi32, #tpu.memory_space<vmem>>, vector<16xi32>,
    %add3A_40 = vector.broadcast %mul3A_0 : i32 to vector<16xi32>
    %add3A_41 = arith.addi %get3A_39, %add3A_40 : vector<16xi32>
    %swap3A_42 = arith.constant 32 : index
    %swap3A_43 = tpu.vector_load %arg12[%swap3A_42] {strides = array<i32>} : memref<80xi32, #tpu.memory_space<vmem>>, vector<16xi32>,
    tpu.vector_store %arg12[%swap3A_42], %add3A_41 {strides = array<i32>} : memref<80xi32, #tpu.memory_space<vmem>>, vector<16xi32>,
    %add3A_44 = vector.broadcast %mul3A_0 : i32 to vector<16xi32>
    %add3A_45 = arith.addi %get3A_35, %add3A_44 : vector<16xi32>
    %swap3A_46 = arith.constant 32 : index
    %swap3A_47 = tpu.vector_load %arg14[%swap3A_46] {strides = array<i32>} : memref<80xi32, #tpu.memory_space<vmem>>, vector<16xi32>,
    tpu.vector_store %arg14[%swap3A_46], %add3A_45 {strides = array<i32>} : memref<80xi32, #tpu.memory_space<vmem>>, vector<16xi32>,
    %get3A_48 = arith.constant 48 : index
    %get3A_49 = tpu.vector_load %arg9[%get3A_48] {strides = array<i32>} : memref<20000xi32, #tpu.memory_space<vmem>>, vector<16xi32>,
    %swap3A_50 = arith.constant 48 : index
    %swap3A_51 = tpu.vector_load %arg10[%swap3A_50] {strides = array<i32>} : memref<80xi32, #tpu.memory_space<vmem>>, vector<16xi32>,
    tpu.vector_store %arg10[%swap3A_50], %get3A_49 {strides = array<i32>} : memref<80xi32, #tpu.memory_space<vmem>>, vector<16xi32>,
    %get3A_52 = arith.constant 48 : index
    %get3A_53 = tpu.vector_load %arg8[%get3A_52] {strides = array<i32>} : memref<20000xi32, #tpu.memory_space<vmem>>, vector<16xi32>,
    %add3A_54 = vector.broadcast %mul3A_0 : i32 to vector<16xi32>
    %add3A_55 = arith.addi %get3A_53, %add3A_54 : vector<16xi32>
    %swap3A_56 = arith.constant 48 : index
    %swap3A_57 = tpu.vector_load %arg12[%swap3A_56] {strides = array<i32>} : memref<80xi32, #tpu.memory_space<vmem>>, vector<16xi32>,
    tpu.vector_store %arg12[%swap3A_56], %add3A_55 {strides = array<i32>} : memref<80xi32, #tpu.memory_space<vmem>>, vector<16xi32>,
    %add3A_58 = vector.broadcast %mul3A_0 : i32 to vector<16xi32>
    %add3A_59 = arith.addi %get3A_49, %add3A_58 : vector<16xi32>
    %swap3A_60 = arith.constant 48 : index
    %swap3A_61 = tpu.vector_load %arg14[%swap3A_60] {strides = array<i32>} : memref<80xi32, #tpu.memory_space<vmem>>, vector<16xi32>,
    tpu.vector_store %arg14[%swap3A_60], %add3A_59 {strides = array<i32>} : memref<80xi32, #tpu.memory_space<vmem>>, vector<16xi32>,
    %get3A_62 = arith.constant 64 : index
    %get3A_63 = tpu.vector_load %arg9[%get3A_62] {strides = array<i32>} : memref<20000xi32, #tpu.memory_space<vmem>>, vector<16xi32>,
    %swap3A_64 = arith.constant 64 : index
    %swap3A_65 = tpu.vector_load %arg10[%swap3A_64] {strides = array<i32>} : memref<80xi32, #tpu.memory_space<vmem>>, vector<16xi32>,
    tpu.vector_store %arg10[%swap3A_64], %get3A_63 {strides = array<i32>} : memref<80xi32, #tpu.memory_space<vmem>>, vector<16xi32>,
    %get3A_66 = arith.constant 64 : index
    %get3A_67 = tpu.vector_load %arg8[%get3A_66] {strides = array<i32>} : memref<20000xi32, #tpu.memory_space<vmem>>, vector<16xi32>,
    %add3A_68 = vector.broadcast %mul3A_0 : i32 to vector<16xi32>
    %add3A_69 = arith.addi %get3A_67, %add3A_68 : vector<16xi32>
    %swap3A_70 = arith.constant 64 : index
    %swap3A_71 = tpu.vector_load %arg12[%swap3A_70] {strides = array<i32>} : memref<80xi32, #tpu.memory_space<vmem>>, vector<16xi32>,
    tpu.vector_store %arg12[%swap3A_70], %add3A_69 {strides = array<i32>} : memref<80xi32, #tpu.memory_space<vmem>>, vector<16xi32>,
    %add3A_72 = vector.broadcast %mul3A_0 : i32 to vector<16xi32>
    %add3A_73 = arith.addi %get3A_63, %add3A_72 : vector<16xi32>
    %swap3A_74 = arith.constant 64 : index
    %swap3A_75 = tpu.vector_load %arg14[%swap3A_74] {strides = array<i32>} : memref<80xi32, #tpu.memory_space<vmem>>, vector<16xi32>,
    tpu.vector_store %arg14[%swap3A_74], %add3A_73 {strides = array<i32>} : memref<80xi32, #tpu.memory_space<vmem>>, vector<16xi32>,
    %dma_start3A = arith.constant 0 : i32
    %dma_start3A_76 = arith.constant 0 : i32
    %dma_start3A_77 = tpu.memref_slice %arg2[%dma_start3A, %dma_start3A_76] : memref<20000x128xf32, #tpu.memory_space<hbm>> -> memref<20000x128xf32, #tpu.memory_space<hbm>>
    tpu.enqueue_indirect_dma source(%dma_start3A_77 : memref<20000x128xf32, #tpu.memory_space<hbm>>) target(%arg16 : memref<80x128xf32, #tpu.memory_space<vmem>>) offsets(%arg12 : memref<80xi32, #tpu.memory_space<vmem>>) semaphore(%arg22 : memref<!tpu.dma_semaphore, #tpu.memory_space<semaphore_mem>>)
    %dma_start3A_78 = arith.constant 0 : i32
    %dma_start3A_79 = arith.constant 0 : i32
    %dma_start3A_80 = tpu.memref_slice %arg3[%dma_start3A_78, %dma_start3A_79] : memref<20000x64xf32, #tpu.memory_space<hbm>> -> memref<20000x64xf32, #tpu.memory_space<hbm>>
    tpu.enqueue_indirect_dma source(%dma_start3A_80 : memref<20000x64xf32, #tpu.memory_space<hbm>>) target(%arg18 : memref<80x64xf32, #tpu.memory_space<vmem>>) offsets(%arg14 : memref<80xi32, #tpu.memory_space<vmem>>) semaphore(%arg22 : memref<!tpu.dma_semaphore, #tpu.memory_space<semaphore_mem>>)
    %scan3A = arith.constant 0 : i32
    %scan3A_81 = arith.constant 0 : i32
    %scan3A_82 = arith.constant 124 : i32
    %scan3A_83 = arith.addi %scan3A_81, %scan3A_82 : i32
    %scan3A_84 = arith.constant 1 : i32
    %scan3A_85 = scf.for %scan3A_183 = %scan3A_81 to %scan3A_83 step %scan3A_84 iter_args(%scan3A_184 = %scan3A) -> (i32)  : i32 {
      %mul3A_185 = arith.constant 2 : i32
      %mul3A_186 = arith.muli %mul3A_185, %scan3A_183 : i32
      %add3A_187 = arith.constant 1 : i32
      %add3A_188 = arith.addi %mul3A_186, %add3A_187 : i32
      %mul3A_189 = arith.constant 80 : i32
      %mul3A_190 = arith.muli %add3A_188, %mul3A_189 : i32
      %add3A_191 = arith.constant 0 : i32
      %add3A_192 = arith.addi %mul3A_190, %add3A_191 : i32
      %get3A_193 = arith.index_cast %add3A_192 : i32 to index
      %get3A_194 = tpu.vector_load %arg9[%get3A_193] {strides = array<i32>} : memref<20000xi32, #tpu.memory_space<vmem>>, vector<16xi32>,
      %swap3A_195 = arith.constant 0 : index
      %swap3A_196 = tpu.vector_load %arg11[%swap3A_195] {strides = array<i32>} : memref<80xi32, #tpu.memory_space<vmem>>, vector<16xi32>,
      tpu.vector_store %arg11[%swap3A_195], %get3A_194 {strides = array<i32>} : memref<80xi32, #tpu.memory_space<vmem>>, vector<16xi32>,
      %add3A_197 = arith.constant 0 : i32
      %add3A_198 = arith.addi %mul3A_190, %add3A_197 : i32
      %get3A_199 = arith.index_cast %add3A_198 : i32 to index
      %get3A_200 = tpu.vector_load %arg8[%get3A_199] {strides = array<i32>} : memref<20000xi32, #tpu.memory_space<vmem>>, vector<16xi32>,
      %add3A_201 = vector.broadcast %mul3A_0 : i32 to vector<16xi32>
      %add3A_202 = arith.addi %get3A_200, %add3A_201 : vector<16xi32>
      %swap3A_203 = arith.constant 0 : index
      %swap3A_204 = tpu.vector_load %arg13[%swap3A_203] {strides = array<i32>} : memref<80xi32, #tpu.memory_space<vmem>>, vector<16xi32>,
      tpu.vector_store %arg13[%swap3A_203], %add3A_202 {strides = array<i32>} : memref<80xi32, #tpu.memory_space<vmem>>, vector<16xi32>,
      %add3A_205 = vector.broadcast %mul3A_0 : i32 to vector<16xi32>
      %add3A_206 = arith.addi %get3A_194, %add3A_205 : vector<16xi32>
      %swap3A_207 = arith.constant 0 : index
      %swap3A_208 = tpu.vector_load %arg15[%swap3A_207] {strides = array<i32>} : memref<80xi32, #tpu.memory_space<vmem>>, vector<16xi32>,
      tpu.vector_store %arg15[%swap3A_207], %add3A_206 {strides = array<i32>} : memref<80xi32, #tpu.memory_space<vmem>>, vector<16xi32>,
      %add3A_209 = arith.constant 16 : i32
      %add3A_210 = arith.addi %mul3A_190, %add3A_209 : i32
      %get3A_211 = arith.index_cast %add3A_210 : i32 to index
      %get3A_212 = tpu.vector_load %arg9[%get3A_211] {strides = array<i32>} : memref<20000xi32, #tpu.memory_space<vmem>>, vector<16xi32>,
      %swap3A_213 = arith.constant 16 : index
      %swap3A_214 = tpu.vector_load %arg11[%swap3A_213] {strides = array<i32>} : memref<80xi32, #tpu.memory_space<vmem>>, vector<16xi32>,
      tpu.vector_store %arg11[%swap3A_213], %get3A_212 {strides = array<i32>} : memref<80xi32, #tpu.memory_space<vmem>>, vector<16xi32>,
      %add3A_215 = arith.constant 16 : i32
      %add3A_216 = arith.addi %mul3A_190, %add3A_215 : i32
      %get3A_217 = arith.index_cast %add3A_216 : i32 to index
      %get3A_218 = tpu.vector_load %arg8[%get3A_217] {strides = array<i32>} : memref<20000xi32, #tpu.memory_space<vmem>>, vector<16xi32>,
      %add3A_219 = vector.broadcast %mul3A_0 : i32 to vector<16xi32>
      %add3A_220 = arith.addi %get3A_218, %add3A_219 : vector<16xi32>
      %swap3A_221 = arith.constant 16 : index
      %swap3A_222 = tpu.vector_load %arg13[%swap3A_221] {strides = array<i32>} : memref<80xi32, #tpu.memory_space<vmem>>, vector<16xi32>,
      tpu.vector_store %arg13[%swap3A_221], %add3A_220 {strides = array<i32>} : memref<80xi32, #tpu.memory_space<vmem>>, vector<16xi32>,
      %add3A_223 = vector.broadcast %mul3A_0 : i32 to vector<16xi32>
      %add3A_224 = arith.addi %get3A_212, %add3A_223 : vector<16xi32>
      %swap3A_225 = arith.constant 16 : index
      %swap3A_226 = tpu.vector_load %arg15[%swap3A_225] {strides = array<i32>} : memref<80xi32, #tpu.memory_space<vmem>>, vector<16xi32>,
      tpu.vector_store %arg15[%swap3A_225], %add3A_224 {strides = array<i32>} : memref<80xi32, #tpu.memory_space<vmem>>, vector<16xi32>,
      %add3A_227 = arith.constant 32 : i32
      %add3A_228 = arith.addi %mul3A_190, %add3A_227 : i32
      %get3A_229 = arith.index_cast %add3A_228 : i32 to index
      %get3A_230 = tpu.vector_load %arg9[%get3A_229] {strides = array<i32>} : memref<20000xi32, #tpu.memory_space<vmem>>, vector<16xi32>,
      %swap3A_231 = arith.constant 32 : index
      %swap3A_232 = tpu.vector_load %arg11[%swap3A_231] {strides = array<i32>} : memref<80xi32, #tpu.memory_space<vmem>>, vector<16xi32>,
      tpu.vector_store %arg11[%swap3A_231], %get3A_230 {strides = array<i32>} : memref<80xi32, #tpu.memory_space<vmem>>, vector<16xi32>,
      %add3A_233 = arith.constant 32 : i32
      %add3A_234 = arith.addi %mul3A_190, %add3A_233 : i32
      %get3A_235 = arith.index_cast %add3A_234 : i32 to index
      %get3A_236 = tpu.vector_load %arg8[%get3A_235] {strides = array<i32>} : memref<20000xi32, #tpu.memory_space<vmem>>, vector<16xi32>,
      %add3A_237 = vector.broadcast %mul3A_0 : i32 to vector<16xi32>
      %add3A_238 = arith.addi %get3A_236, %add3A_237 : vector<16xi32>
      %swap3A_239 = arith.constant 32 : index
      %swap3A_240 = tpu.vector_load %arg13[%swap3A_239] {strides = array<i32>} : memref<80xi32, #tpu.memory_space<vmem>>, vector<16xi32>,
      tpu.vector_store %arg13[%swap3A_239], %add3A_238 {strides = array<i32>} : memref<80xi32, #tpu.memory_space<vmem>>, vector<16xi32>,
      %add3A_241 = vector.broadcast %mul3A_0 : i32 to vector<16xi32>
      %add3A_242 = arith.addi %get3A_230, %add3A_241 : vector<16xi32>
      %swap3A_243 = arith.constant 32 : index
      %swap3A_244 = tpu.vector_load %arg15[%swap3A_243] {strides = array<i32>} : memref<80xi32, #tpu.memory_space<vmem>>, vector<16xi32>,
      tpu.vector_store %arg15[%swap3A_243], %add3A_242 {strides = array<i32>} : memref<80xi32, #tpu.memory_space<vmem>>, vector<16xi32>,
      %add3A_245 = arith.constant 48 : i32
      %add3A_246 = arith.addi %mul3A_190, %add3A_245 : i32
      %get3A_247 = arith.index_cast %add3A_246 : i32 to index
      %get3A_248 = tpu.vector_load %arg9[%get3A_247] {strides = array<i32>} : memref<20000xi32, #tpu.memory_space<vmem>>, vector<16xi32>,
      %swap3A_249 = arith.constant 48 : index
      %swap3A_250 = tpu.vector_load %arg11[%swap3A_249] {strides = array<i32>} : memref<80xi32, #tpu.memory_space<vmem>>, vector<16xi32>,
      tpu.vector_store %arg11[%swap3A_249], %get3A_248 {strides = array<i32>} : memref<80xi32, #tpu.memory_space<vmem>>, vector<16xi32>,
      %add3A_251 = arith.constant 48 : i32
      %add3A_252 = arith.addi %mul3A_190, %add3A_251 : i32
      %get3A_253 = arith.index_cast %add3A_252 : i32 to index
      %get3A_254 = tpu.vector_load %arg8[%get3A_253] {strides = array<i32>} : memref<20000xi32, #tpu.memory_space<vmem>>, vector<16xi32>,
      %add3A_255 = vector.broadcast %mul3A_0 : i32 to vector<16xi32>
      %add3A_256 = arith.addi %get3A_254, %add3A_255 : vector<16xi32>
      %swap3A_257 = arith.constant 48 : index
      %swap3A_258 = tpu.vector_load %arg13[%swap3A_257] {strides = array<i32>} : memref<80xi32, #tpu.memory_space<vmem>>, vector<16xi32>,
      tpu.vector_store %arg13[%swap3A_257], %add3A_256 {strides = array<i32>} : memref<80xi32, #tpu.memory_space<vmem>>, vector<16xi32>,
      %add3A_259 = vector.broadcast %mul3A_0 : i32 to vector<16xi32>
      %add3A_260 = arith.addi %get3A_248, %add3A_259 : vector<16xi32>
      %swap3A_261 = arith.constant 48 : index
      %swap3A_262 = tpu.vector_load %arg15[%swap3A_261] {strides = array<i32>} : memref<80xi32, #tpu.memory_space<vmem>>, vector<16xi32>,
      tpu.vector_store %arg15[%swap3A_261], %add3A_260 {strides = array<i32>} : memref<80xi32, #tpu.memory_space<vmem>>, vector<16xi32>,
      %add3A_263 = arith.constant 64 : i32
      %add3A_264 = arith.addi %mul3A_190, %add3A_263 : i32
      %get3A_265 = arith.index_cast %add3A_264 : i32 to index
      %get3A_266 = tpu.vector_load %arg9[%get3A_265] {strides = array<i32>} : memref<20000xi32, #tpu.memory_space<vmem>>, vector<16xi32>,
      %swap3A_267 = arith.constant 64 : index
      %swap3A_268 = tpu.vector_load %arg11[%swap3A_267] {strides = array<i32>} : memref<80xi32, #tpu.memory_space<vmem>>, vector<16xi32>,
      tpu.vector_store %arg11[%swap3A_267], %get3A_266 {strides = array<i32>} : memref<80xi32, #tpu.memory_space<vmem>>, vector<16xi32>,
      %add3A_269 = arith.constant 64 : i32
      %add3A_270 = arith.addi %mul3A_190, %add3A_269 : i32
      %get3A_271 = arith.index_cast %add3A_270 : i32 to index
      %get3A_272 = tpu.vector_load %arg8[%get3A_271] {strides = array<i32>} : memref<20000xi32, #tpu.memory_space<vmem>>, vector<16xi32>,
      %add3A_273 = vector.broadcast %mul3A_0 : i32 to vector<16xi32>
      %add3A_274 = arith.addi %get3A_272, %add3A_273 : vector<16xi32>
      %swap3A_275 = arith.constant 64 : index
      %swap3A_276 = tpu.vector_load %arg13[%swap3A_275] {strides = array<i32>} : memref<80xi32, #tpu.memory_space<vmem>>, vector<16xi32>,
      tpu.vector_store %arg13[%swap3A_275], %add3A_274 {strides = array<i32>} : memref<80xi32, #tpu.memory_space<vmem>>, vector<16xi32>,
      %add3A_277 = vector.broadcast %mul3A_0 : i32 to vector<16xi32>
      %add3A_278 = arith.addi %get3A_266, %add3A_277 : vector<16xi32>
      %swap3A_279 = arith.constant 64 : index
      %swap3A_280 = tpu.vector_load %arg15[%swap3A_279] {strides = array<i32>} : memref<80xi32, #tpu.memory_space<vmem>>, vector<16xi32>,
      tpu.vector_store %arg15[%swap3A_279], %add3A_278 {strides = array<i32>} : memref<80xi32, #tpu.memory_space<vmem>>, vector<16xi32>,
      %dma_start3A_281 = arith.constant 0 : i32
      %dma_start3A_282 = arith.constant 0 : i32
      %dma_start3A_283 = tpu.memref_slice %arg2[%dma_start3A_281, %dma_start3A_282] : memref<20000x128xf32, #tpu.memory_space<hbm>> -> memref<20000x128xf32, #tpu.memory_space<hbm>>
      tpu.enqueue_indirect_dma source(%dma_start3A_283 : memref<20000x128xf32, #tpu.memory_space<hbm>>) target(%arg17 : memref<80x128xf32, #tpu.memory_space<vmem>>) offsets(%arg13 : memref<80xi32, #tpu.memory_space<vmem>>) semaphore(%arg23 : memref<!tpu.dma_semaphore, #tpu.memory_space<semaphore_mem>>)
      %dma_start3A_284 = arith.constant 0 : i32
      %dma_start3A_285 = arith.constant 0 : i32
      %dma_start3A_286 = tpu.memref_slice %arg3[%dma_start3A_284, %dma_start3A_285] : memref<20000x64xf32, #tpu.memory_space<hbm>> -> memref<20000x64xf32, #tpu.memory_space<hbm>>
      tpu.enqueue_indirect_dma source(%dma_start3A_286 : memref<20000x64xf32, #tpu.memory_space<hbm>>) target(%arg19 : memref<80x64xf32, #tpu.memory_space<vmem>>) offsets(%arg15 : memref<80xi32, #tpu.memory_space<vmem>>) semaphore(%arg23 : memref<!tpu.dma_semaphore, #tpu.memory_space<semaphore_mem>>)
      %dma_wait3A_287 = arith.constant 0 : i32
      %dma_wait3A_288 = arith.constant 0 : i32
      %dma_wait3A_289 = tpu.memref_slice %arg2[%dma_wait3A_287, %dma_wait3A_288] : memref<20000x128xf32, #tpu.memory_space<hbm>> -> memref<20000x128xf32, #tpu.memory_space<hbm>>
      tpu.wait_indirect_dma semaphore(%arg22 : memref<!tpu.dma_semaphore, #tpu.memory_space<semaphore_mem>>) src(%dma_wait3A_289 : memref<20000x128xf32, #tpu.memory_space<hbm>>) dst(%arg16 : memref<80x128xf32, #tpu.memory_space<vmem>>)
      %dma_wait3A_290 = arith.constant 0 : i32
      %dma_wait3A_291 = arith.constant 0 : i32
      %dma_wait3A_292 = tpu.memref_slice %arg3[%dma_wait3A_290, %dma_wait3A_291] : memref<20000x64xf32, #tpu.memory_space<hbm>> -> memref<20000x64xf32, #tpu.memory_space<hbm>>
      tpu.wait_indirect_dma semaphore(%arg22 : memref<!tpu.dma_semaphore, #tpu.memory_space<semaphore_mem>>) src(%dma_wait3A_292 : memref<20000x64xf32, #tpu.memory_space<hbm>>) dst(%arg18 : memref<80x64xf32, #tpu.memory_space<vmem>>)
      %parallel_loop3A_293 = arith.constant 0 : i32
      %parallel_loop3A_294 = arith.constant 80 : i32
      %parallel_loop3A_295 = arith.constant 1 : i32
      scf.for %parallel_loop3A_408 = %parallel_loop3A_293 to %parallel_loop3A_294 step %parallel_loop3A_295  : i32 {
        %parallel_loop3A_409 = arith.constant 0.000000e+00 : f32
        %parallel_loop3A_410 = vector.broadcast %parallel_loop3A_409 : f32 to vector<16xf32>
        %parallel_loop3A_411 = arith.index_cast %parallel_loop3A_408 : i32 to index
        %parallel_loop3A_412 = arith.constant 0 : index
        %parallel_loop3A_413 = tpu.vector_load %arg16[%parallel_loop3A_411, %parallel_loop3A_412] {strides = array<i32>} : memref<80x128xf32, #tpu.memory_space<vmem>>, vector<16xf32>,
        %parallel_loop3A_414 = arith.index_cast %parallel_loop3A_408 : i32 to index
        %parallel_loop3A_415 = arith.constant 0 : index
        %parallel_loop3A_416 = tpu.vector_load %arg18[%parallel_loop3A_414, %parallel_loop3A_415] {strides = array<i32>} : memref<80x64xf32, #tpu.memory_space<vmem>>, vector<16xf32>,
        %parallel_loop3A_417 = arith.mulf %parallel_loop3A_413, %parallel_loop3A_416 : vector<16xf32>
        %parallel_loop3A_418 = arith.constant true
        %parallel_loop3A_419 = vector.broadcast %parallel_loop3A_418 : i1 to vector<16xi1>
        %parallel_loop3A_420 = tpu.scan <sum>, %parallel_loop3A_417 masked %parallel_loop3A_419 : vector<16xf32>, vector<16xi1> -> vector<16xf32>
        %parallel_loop3A_421 = vector.extract %parallel_loop3A_420[15] : f32 from vector<16xf32>
        %parallel_loop3A_422 = arith.constant 2.500000e-01 : f32
        %parallel_loop3A_423 = arith.mulf %parallel_loop3A_421, %parallel_loop3A_422 : f32
        %parallel_loop3A_424 = vector.broadcast %parallel_loop3A_423 : f32 to vector<16xf32>
        %parallel_loop3A_425 = arith.constant -5.000000e+00 : f32
        %parallel_loop3A_426 = arith.constant 5.000000e+00 : f32
        %parallel_loop3A_427 = vector.broadcast %parallel_loop3A_425 : f32 to vector<16xf32>
        %parallel_loop3A_428 = arith.maximumf %parallel_loop3A_427, %parallel_loop3A_424 : vector<16xf32>
        %parallel_loop3A_429 = vector.broadcast %parallel_loop3A_426 : f32 to vector<16xf32>
        %parallel_loop3A_430 = arith.minimumf %parallel_loop3A_429, %parallel_loop3A_428 : vector<16xf32>
        %parallel_loop3A_431 = math.exp %parallel_loop3A_430 : vector<16xf32>
        %parallel_loop3A_432 = arith.index_cast %parallel_loop3A_408 : i32 to index
        %parallel_loop3A_433 = arith.constant 64 : index
        %parallel_loop3A_434 = tpu.vector_load %arg16[%parallel_loop3A_432, %parallel_loop3A_433] {strides = array<i32>} : memref<80x128xf32, #tpu.memory_space<vmem>>, vector<16xf32>,
        %parallel_loop3A_435 = arith.mulf %parallel_loop3A_434, %parallel_loop3A_431 : vector<16xf32>
        %parallel_loop3A_436 = arith.index_cast %parallel_loop3A_408 : i32 to index
        %parallel_loop3A_437 = arith.constant 0 : index
        %parallel_loop3A_438 = tpu.vector_load %arg20[%parallel_loop3A_436, %parallel_loop3A_437] {strides = array<i32>} : memref<80x80xf32, #tpu.memory_space<vmem>>, vector<16xf32>,
        tpu.vector_store %arg20[%parallel_loop3A_436, %parallel_loop3A_437], %parallel_loop3A_435 {strides = array<i32>} : memref<80x80xf32, #tpu.memory_space<vmem>>, vector<16xf32>,
        %parallel_loop3A_439 = arith.constant 0 : i32
        %parallel_loop3A_440 = vector.broadcast %parallel_loop3A_439 : i32 to vector<16xi32>
        %parallel_loop3A_441 = arith.cmpi eq, %iota3A, %parallel_loop3A_440 : vector<16xi32>
        %parallel_loop3A_442 = arith.constant 0.000000e+00 : f32
        %parallel_loop3A_443 = vector.broadcast %parallel_loop3A_442 : f32 to vector<16xf32>
        %parallel_loop3A_444 = arith.select %parallel_loop3A_441, %parallel_loop3A_431, %parallel_loop3A_443 : vector<16xi1>, vector<16xf32>
        %parallel_loop3A_445 = arith.addf %parallel_loop3A_410, %parallel_loop3A_444 : vector<16xf32>
        %parallel_loop3A_446 = arith.index_cast %parallel_loop3A_408 : i32 to index
        %parallel_loop3A_447 = arith.constant 16 : index
        %parallel_loop3A_448 = tpu.vector_load %arg16[%parallel_loop3A_446, %parallel_loop3A_447] {strides = array<i32>} : memref<80x128xf32, #tpu.memory_space<vmem>>, vector<16xf32>,
        %parallel_loop3A_449 = arith.index_cast %parallel_loop3A_408 : i32 to index
        %parallel_loop3A_450 = arith.constant 16 : index
        %parallel_loop3A_451 = tpu.vector_load %arg18[%parallel_loop3A_449, %parallel_loop3A_450] {strides = array<i32>} : memref<80x64xf32, #tpu.memory_space<vmem>>, vector<16xf32>,
        %parallel_loop3A_452 = arith.mulf %parallel_loop3A_448, %parallel_loop3A_451 : vector<16xf32>
        %parallel_loop3A_453 = arith.constant true
        %parallel_loop3A_454 = vector.broadcast %parallel_loop3A_453 : i1 to vector<16xi1>
        %parallel_loop3A_455 = tpu.scan <sum>, %parallel_loop3A_452 masked %parallel_loop3A_454 : vector<16xf32>, vector<16xi1> -> vector<16xf32>
        %parallel_loop3A_456 = vector.extract %parallel_loop3A_455[15] : f32 from vector<16xf32>
        %parallel_loop3A_457 = arith.constant 2.500000e-01 : f32
        %parallel_loop3A_458 = arith.mulf %parallel_loop3A_456, %parallel_loop3A_457 : f32
        %parallel_loop3A_459 = vector.broadcast %parallel_loop3A_458 : f32 to vector<16xf32>
        %parallel_loop3A_460 = arith.constant -5.000000e+00 : f32
        %parallel_loop3A_461 = arith.constant 5.000000e+00 : f32
        %parallel_loop3A_462 = vector.broadcast %parallel_loop3A_460 : f32 to vector<16xf32>
        %parallel_loop3A_463 = arith.maximumf %parallel_loop3A_462, %parallel_loop3A_459 : vector<16xf32>
        %parallel_loop3A_464 = vector.broadcast %parallel_loop3A_461 : f32 to vector<16xf32>
        %parallel_loop3A_465 = arith.minimumf %parallel_loop3A_464, %parallel_loop3A_463 : vector<16xf32>
        %parallel_loop3A_466 = math.exp %parallel_loop3A_465 : vector<16xf32>
        %parallel_loop3A_467 = arith.index_cast %parallel_loop3A_408 : i32 to index
        %parallel_loop3A_468 = arith.constant 80 : index
        %parallel_loop3A_469 = tpu.vector_load %arg16[%parallel_loop3A_467, %parallel_loop3A_468] {strides = array<i32>} : memref<80x128xf32, #tpu.memory_space<vmem>>, vector<16xf32>,
        %parallel_loop3A_470 = arith.mulf %parallel_loop3A_469, %parallel_loop3A_466 : vector<16xf32>
        %parallel_loop3A_471 = arith.index_cast %parallel_loop3A_408 : i32 to index
        %parallel_loop3A_472 = arith.constant 16 : index
        %parallel_loop3A_473 = tpu.vector_load %arg20[%parallel_loop3A_471, %parallel_loop3A_472] {strides = array<i32>} : memref<80x80xf32, #tpu.memory_space<vmem>>, vector<16xf32>,
        tpu.vector_store %arg20[%parallel_loop3A_471, %parallel_loop3A_472], %parallel_loop3A_470 {strides = array<i32>} : memref<80x80xf32, #tpu.memory_space<vmem>>, vector<16xf32>,
        %parallel_loop3A_474 = arith.constant 1 : i32
        %parallel_loop3A_475 = vector.broadcast %parallel_loop3A_474 : i32 to vector<16xi32>
        %parallel_loop3A_476 = arith.cmpi eq, %iota3A, %parallel_loop3A_475 : vector<16xi32>
        %parallel_loop3A_477 = arith.constant 0.000000e+00 : f32
        %parallel_loop3A_478 = vector.broadcast %parallel_loop3A_477 : f32 to vector<16xf32>
        %parallel_loop3A_479 = arith.select %parallel_loop3A_476, %parallel_loop3A_466, %parallel_loop3A_478 : vector<16xi1>, vector<16xf32>
        %parallel_loop3A_480 = arith.addf %parallel_loop3A_445, %parallel_loop3A_479 : vector<16xf32>
        %parallel_loop3A_481 = arith.index_cast %parallel_loop3A_408 : i32 to index
        %parallel_loop3A_482 = arith.constant 32 : index
        %parallel_loop3A_483 = tpu.vector_load %arg16[%parallel_loop3A_481, %parallel_loop3A_482] {strides = array<i32>} : memref<80x128xf32, #tpu.memory_space<vmem>>, vector<16xf32>,
        %parallel_loop3A_484 = arith.index_cast %parallel_loop3A_408 : i32 to index
        %parallel_loop3A_485 = arith.constant 32 : index
        %parallel_loop3A_486 = tpu.vector_load %arg18[%parallel_loop3A_484, %parallel_loop3A_485] {strides = array<i32>} : memref<80x64xf32, #tpu.memory_space<vmem>>, vector<16xf32>,
        %parallel_loop3A_487 = arith.mulf %parallel_loop3A_483, %parallel_loop3A_486 : vector<16xf32>
        %parallel_loop3A_488 = arith.constant true
        %parallel_loop3A_489 = vector.broadcast %parallel_loop3A_488 : i1 to vector<16xi1>
        %parallel_loop3A_490 = tpu.scan <sum>, %parallel_loop3A_487 masked %parallel_loop3A_489 : vector<16xf32>, vector<16xi1> -> vector<16xf32>
        %parallel_loop3A_491 = vector.extract %parallel_loop3A_490[15] : f32 from vector<16xf32>
        %parallel_loop3A_492 = arith.constant 2.500000e-01 : f32
        %parallel_loop3A_493 = arith.mulf %parallel_loop3A_491, %parallel_loop3A_492 : f32
        %parallel_loop3A_494 = vector.broadcast %parallel_loop3A_493 : f32 to vector<16xf32>
        %parallel_loop3A_495 = arith.constant -5.000000e+00 : f32
        %parallel_loop3A_496 = arith.constant 5.000000e+00 : f32
        %parallel_loop3A_497 = vector.broadcast %parallel_loop3A_495 : f32 to vector<16xf32>
        %parallel_loop3A_498 = arith.maximumf %parallel_loop3A_497, %parallel_loop3A_494 : vector<16xf32>
        %parallel_loop3A_499 = vector.broadcast %parallel_loop3A_496 : f32 to vector<16xf32>
        %parallel_loop3A_500 = arith.minimumf %parallel_loop3A_499, %parallel_loop3A_498 : vector<16xf32>
        %parallel_loop3A_501 = math.exp %parallel_loop3A_500 : vector<16xf32>
        %parallel_loop3A_502 = arith.index_cast %parallel_loop3A_408 : i32 to index
        %parallel_loop3A_503 = arith.constant 96 : index
        %parallel_loop3A_504 = tpu.vector_load %arg16[%parallel_loop3A_502, %parallel_loop3A_503] {strides = array<i32>} : memref<80x128xf32, #tpu.memory_space<vmem>>, vector<16xf32>,
        %parallel_loop3A_505 = arith.mulf %parallel_loop3A_504, %parallel_loop3A_501 : vector<16xf32>
        %parallel_loop3A_506 = arith.index_cast %parallel_loop3A_408 : i32 to index
        %parallel_loop3A_507 = arith.constant 32 : index
        %parallel_loop3A_508 = tpu.vector_load %arg20[%parallel_loop3A_506, %parallel_loop3A_507] {strides = array<i32>} : memref<80x80xf32, #tpu.memory_space<vmem>>, vector<16xf32>,
        tpu.vector_store %arg20[%parallel_loop3A_506, %parallel_loop3A_507], %parallel_loop3A_505 {strides = array<i32>} : memref<80x80xf32, #tpu.memory_space<vmem>>, vector<16xf32>,
        %parallel_loop3A_509 = arith.constant 2 : i32
        %parallel_loop3A_510 = vector.broadcast %parallel_loop3A_509 : i32 to vector<16xi32>
        %parallel_loop3A_511 = arith.cmpi eq, %iota3A, %parallel_loop3A_510 : vector<16xi32>
        %parallel_loop3A_512 = arith.constant 0.000000e+00 : f32
        %parallel_loop3A_513 = vector.broadcast %parallel_loop3A_512 : f32 to vector<16xf32>
        %parallel_loop3A_514 = arith.select %parallel_loop3A_511, %parallel_loop3A_501, %parallel_loop3A_513 : vector<16xi1>, vector<16xf32>
        %parallel_loop3A_515 = arith.addf %parallel_loop3A_480, %parallel_loop3A_514 : vector<16xf32>
        %parallel_loop3A_516 = arith.index_cast %parallel_loop3A_408 : i32 to index
        %parallel_loop3A_517 = arith.constant 48 : index
        %parallel_loop3A_518 = tpu.vector_load %arg16[%parallel_loop3A_516, %parallel_loop3A_517] {strides = array<i32>} : memref<80x128xf32, #tpu.memory_space<vmem>>, vector<16xf32>,
        %parallel_loop3A_519 = arith.index_cast %parallel_loop3A_408 : i32 to index
        %parallel_loop3A_520 = arith.constant 48 : index
        %parallel_loop3A_521 = tpu.vector_load %arg18[%parallel_loop3A_519, %parallel_loop3A_520] {strides = array<i32>} : memref<80x64xf32, #tpu.memory_space<vmem>>, vector<16xf32>,
        %parallel_loop3A_522 = arith.mulf %parallel_loop3A_518, %parallel_loop3A_521 : vector<16xf32>
        %parallel_loop3A_523 = arith.constant true
        %parallel_loop3A_524 = vector.broadcast %parallel_loop3A_523 : i1 to vector<16xi1>
        %parallel_loop3A_525 = tpu.scan <sum>, %parallel_loop3A_522 masked %parallel_loop3A_524 : vector<16xf32>, vector<16xi1> -> vector<16xf32>
        %parallel_loop3A_526 = vector.extract %parallel_loop3A_525[15] : f32 from vector<16xf32>
        %parallel_loop3A_527 = arith.constant 2.500000e-01 : f32
        %parallel_loop3A_528 = arith.mulf %parallel_loop3A_526, %parallel_loop3A_527 : f32
        %parallel_loop3A_529 = vector.broadcast %parallel_loop3A_528 : f32 to vector<16xf32>
        %parallel_loop3A_530 = arith.constant -5.000000e+00 : f32
        %parallel_loop3A_531 = arith.constant 5.000000e+00 : f32
        %parallel_loop3A_532 = vector.broadcast %parallel_loop3A_530 : f32 to vector<16xf32>
        %parallel_loop3A_533 = arith.maximumf %parallel_loop3A_532, %parallel_loop3A_529 : vector<16xf32>
        %parallel_loop3A_534 = vector.broadcast %parallel_loop3A_531 : f32 to vector<16xf32>
        %parallel_loop3A_535 = arith.minimumf %parallel_loop3A_534, %parallel_loop3A_533 : vector<16xf32>
        %parallel_loop3A_536 = math.exp %parallel_loop3A_535 : vector<16xf32>
        %parallel_loop3A_537 = arith.index_cast %parallel_loop3A_408 : i32 to index
        %parallel_loop3A_538 = arith.constant 112 : index
        %parallel_loop3A_539 = tpu.vector_load %arg16[%parallel_loop3A_537, %parallel_loop3A_538] {strides = array<i32>} : memref<80x128xf32, #tpu.memory_space<vmem>>, vector<16xf32>,
        %parallel_loop3A_540 = arith.mulf %parallel_loop3A_539, %parallel_loop3A_536 : vector<16xf32>
        %parallel_loop3A_541 = arith.index_cast %parallel_loop3A_408 : i32 to index
        %parallel_loop3A_542 = arith.constant 48 : index
        %parallel_loop3A_543 = tpu.vector_load %arg20[%parallel_loop3A_541, %parallel_loop3A_542] {strides = array<i32>} : memref<80x80xf32, #tpu.memory_space<vmem>>, vector<16xf32>,
        tpu.vector_store %arg20[%parallel_loop3A_541, %parallel_loop3A_542], %parallel_loop3A_540 {strides = array<i32>} : memref<80x80xf32, #tpu.memory_space<vmem>>, vector<16xf32>,
        %parallel_loop3A_544 = arith.constant 3 : i32
        %parallel_loop3A_545 = vector.broadcast %parallel_loop3A_544 : i32 to vector<16xi32>
        %parallel_loop3A_546 = arith.cmpi eq, %iota3A, %parallel_loop3A_545 : vector<16xi32>
        %parallel_loop3A_547 = arith.constant 0.000000e+00 : f32
        %parallel_loop3A_548 = vector.broadcast %parallel_loop3A_547 : f32 to vector<16xf32>
        %parallel_loop3A_549 = arith.select %parallel_loop3A_546, %parallel_loop3A_536, %parallel_loop3A_548 : vector<16xi1>, vector<16xf32>
        %parallel_loop3A_550 = arith.addf %parallel_loop3A_515, %parallel_loop3A_549 : vector<16xf32>
        %parallel_loop3A_551 = arith.index_cast %parallel_loop3A_408 : i32 to index
        %parallel_loop3A_552 = arith.constant 64 : index
        %parallel_loop3A_553 = tpu.vector_load %arg20[%parallel_loop3A_551, %parallel_loop3A_552] {strides = array<i32>} : memref<80x80xf32, #tpu.memory_space<vmem>>, vector<16xf32>,
        tpu.vector_store %arg20[%parallel_loop3A_551, %parallel_loop3A_552], %parallel_loop3A_550 {strides = array<i32>} : memref<80x80xf32, #tpu.memory_space<vmem>>, vector<16xf32>,
      } {sc.loop_unroll_factor = 4 : i64, sc.parallel_access}
      "tpu.region"() ({
        %run_scoped3A = tpu.sem_alloc : memref<!tpu.dma_semaphore, #tpu.memory_space<semaphore_mem>>
        %dma_start3A_408 = arith.constant 0 : i32
        %dma_start3A_409 = arith.constant 0 : i32
        %dma_start3A_410 = tpu.memref_slice %arg21[%dma_start3A_408, %dma_start3A_409] : memref<10240x80xf32, #tpu.memory_space<vmem_shared>> -> memref<10240x80xf32, #tpu.memory_space<vmem_shared>>
        tpu.enqueue_indirect_dma source(%arg20 : memref<80x80xf32, #tpu.memory_space<vmem>>) target(%dma_start3A_410 : memref<10240x80xf32, #tpu.memory_space<vmem_shared>>) offsets(%arg10 : memref<80xi32, #tpu.memory_space<vmem>>) semaphore(%run_scoped3A : memref<!tpu.dma_semaphore, #tpu.memory_space<semaphore_mem>>) {add = true}
        %dma_wait3A_411 = arith.constant 0 : i32
        %dma_wait3A_412 = arith.constant 0 : i32
        %dma_wait3A_413 = tpu.memref_slice %arg21[%dma_wait3A_411, %dma_wait3A_412] : memref<10240x80xf32, #tpu.memory_space<vmem_shared>> -> memref<10240x80xf32, #tpu.memory_space<vmem_shared>>
        tpu.wait_indirect_dma semaphore(%run_scoped3A : memref<!tpu.dma_semaphore, #tpu.memory_space<semaphore_mem>>) src(%arg20 : memref<80x80xf32, #tpu.memory_space<vmem>>) dst(%dma_wait3A_413 : memref<10240x80xf32, #tpu.memory_space<vmem_shared>>)
        tpu.yield
      }) : () -> ()
      %mul3A_296 = arith.constant 2 : i32
      %mul3A_297 = arith.muli %mul3A_296, %scan3A_183 : i32
      %add3A_298 = arith.constant 2 : i32
      %add3A_299 = arith.addi %mul3A_297, %add3A_298 : i32
      %mul3A_300 = arith.constant 80 : i32
      %mul3A_301 = arith.muli %add3A_299, %mul3A_300 : i32
      %add3A_302 = arith.constant 0 : i32
      %add3A_303 = arith.addi %mul3A_301, %add3A_302 : i32
      %get3A_304 = arith.index_cast %add3A_303 : i32 to index
      %get3A_305 = tpu.vector_load %arg9[%get3A_304] {strides = array<i32>} : memref<20000xi32, #tpu.memory_space<vmem>>, vector<16xi32>,
      %swap3A_306 = arith.constant 0 : index
      %swap3A_307 = tpu.vector_load %arg10[%swap3A_306] {strides = array<i32>} : memref<80xi32, #tpu.memory_space<vmem>>, vector<16xi32>,
      tpu.vector_store %arg10[%swap3A_306], %get3A_305 {strides = array<i32>} : memref<80xi32, #tpu.memory_space<vmem>>, vector<16xi32>,
      %add3A_308 = arith.constant 0 : i32
      %add3A_309 = arith.addi %mul3A_301, %add3A_308 : i32
      %get3A_310 = arith.index_cast %add3A_309 : i32 to index
      %get3A_311 = tpu.vector_load %arg8[%get3A_310] {strides = array<i32>} : memref<20000xi32, #tpu.memory_space<vmem>>, vector<16xi32>,
      %add3A_312 = vector.broadcast %mul3A_0 : i32 to vector<16xi32>
      %add3A_313 = arith.addi %get3A_311, %add3A_312 : vector<16xi32>
      %swap3A_314 = arith.constant 0 : index
      %swap3A_315 = tpu.vector_load %arg12[%swap3A_314] {strides = array<i32>} : memref<80xi32, #tpu.memory_space<vmem>>, vector<16xi32>,
      tpu.vector_store %arg12[%swap3A_314], %add3A_313 {strides = array<i32>} : memref<80xi32, #tpu.memory_space<vmem>>, vector<16xi32>,
      %add3A_316 = vector.broadcast %mul3A_0 : i32 to vector<16xi32>
      %add3A_317 = arith.addi %get3A_305, %add3A_316 : vector<16xi32>
      %swap3A_318 = arith.constant 0 : index
      %swap3A_319 = tpu.vector_load %arg14[%swap3A_318] {strides = array<i32>} : memref<80xi32, #tpu.memory_space<vmem>>, vector<16xi32>,
      tpu.vector_store %arg14[%swap3A_318], %add3A_317 {strides = array<i32>} : memref<80xi32, #tpu.memory_space<vmem>>, vector<16xi32>,
      %add3A_320 = arith.constant 16 : i32
      %add3A_321 = arith.addi %mul3A_301, %add3A_320 : i32
      %get3A_322 = arith.index_cast %add3A_321 : i32 to index
      %get3A_323 = tpu.vector_load %arg9[%get3A_322] {strides = array<i32>} : memref<20000xi32, #tpu.memory_space<vmem>>, vector<16xi32>,
      %swap3A_324 = arith.constant 16 : index
      %swap3A_325 = tpu.vector_load %arg10[%swap3A_324] {strides = array<i32>} : memref<80xi32, #tpu.memory_space<vmem>>, vector<16xi32>,
      tpu.vector_store %arg10[%swap3A_324], %get3A_323 {strides = array<i32>} : memref<80xi32, #tpu.memory_space<vmem>>, vector<16xi32>,
      %add3A_326 = arith.constant 16 : i32
      %add3A_327 = arith.addi %mul3A_301, %add3A_326 : i32
      %get3A_328 = arith.index_cast %add3A_327 : i32 to index
      %get3A_329 = tpu.vector_load %arg8[%get3A_328] {strides = array<i32>} : memref<20000xi32, #tpu.memory_space<vmem>>, vector<16xi32>,
      %add3A_330 = vector.broadcast %mul3A_0 : i32 to vector<16xi32>
      %add3A_331 = arith.addi %get3A_329, %add3A_330 : vector<16xi32>
      %swap3A_332 = arith.constant 16 : index
      %swap3A_333 = tpu.vector_load %arg12[%swap3A_332] {strides = array<i32>} : memref<80xi32, #tpu.memory_space<vmem>>, vector<16xi32>,
      tpu.vector_store %arg12[%swap3A_332], %add3A_331 {strides = array<i32>} : memref<80xi32, #tpu.memory_space<vmem>>, vector<16xi32>,
      %add3A_334 = vector.broadcast %mul3A_0 : i32 to vector<16xi32>
      %add3A_335 = arith.addi %get3A_323, %add3A_334 : vector<16xi32>
      %swap3A_336 = arith.constant 16 : index
      %swap3A_337 = tpu.vector_load %arg14[%swap3A_336] {strides = array<i32>} : memref<80xi32, #tpu.memory_space<vmem>>, vector<16xi32>,
      tpu.vector_store %arg14[%swap3A_336], %add3A_335 {strides = array<i32>} : memref<80xi32, #tpu.memory_space<vmem>>, vector<16xi32>,
      %add3A_338 = arith.constant 32 : i32
      %add3A_339 = arith.addi %mul3A_301, %add3A_338 : i32
      %get3A_340 = arith.index_cast %add3A_339 : i32 to index
      %get3A_341 = tpu.vector_load %arg9[%get3A_340] {strides = array<i32>} : memref<20000xi32, #tpu.memory_space<vmem>>, vector<16xi32>,
      %swap3A_342 = arith.constant 32 : index
      %swap3A_343 = tpu.vector_load %arg10[%swap3A_342] {strides = array<i32>} : memref<80xi32, #tpu.memory_space<vmem>>, vector<16xi32>,
      tpu.vector_store %arg10[%swap3A_342], %get3A_341 {strides = array<i32>} : memref<80xi32, #tpu.memory_space<vmem>>, vector<16xi32>,
      %add3A_344 = arith.constant 32 : i32
      %add3A_345 = arith.addi %mul3A_301, %add3A_344 : i32
      %get3A_346 = arith.index_cast %add3A_345 : i32 to index
      %get3A_347 = tpu.vector_load %arg8[%get3A_346] {strides = array<i32>} : memref<20000xi32, #tpu.memory_space<vmem>>, vector<16xi32>,
      %add3A_348 = vector.broadcast %mul3A_0 : i32 to vector<16xi32>
      %add3A_349 = arith.addi %get3A_347, %add3A_348 : vector<16xi32>
      %swap3A_350 = arith.constant 32 : index
      %swap3A_351 = tpu.vector_load %arg12[%swap3A_350] {strides = array<i32>} : memref<80xi32, #tpu.memory_space<vmem>>, vector<16xi32>,
      tpu.vector_store %arg12[%swap3A_350], %add3A_349 {strides = array<i32>} : memref<80xi32, #tpu.memory_space<vmem>>, vector<16xi32>,
      %add3A_352 = vector.broadcast %mul3A_0 : i32 to vector<16xi32>
      %add3A_353 = arith.addi %get3A_341, %add3A_352 : vector<16xi32>
      %swap3A_354 = arith.constant 32 : index
      %swap3A_355 = tpu.vector_load %arg14[%swap3A_354] {strides = array<i32>} : memref<80xi32, #tpu.memory_space<vmem>>, vector<16xi32>,
      tpu.vector_store %arg14[%swap3A_354], %add3A_353 {strides = array<i32>} : memref<80xi32, #tpu.memory_space<vmem>>, vector<16xi32>,
      %add3A_356 = arith.constant 48 : i32
      %add3A_357 = arith.addi %mul3A_301, %add3A_356 : i32
      %get3A_358 = arith.index_cast %add3A_357 : i32 to index
      %get3A_359 = tpu.vector_load %arg9[%get3A_358] {strides = array<i32>} : memref<20000xi32, #tpu.memory_space<vmem>>, vector<16xi32>,
      %swap3A_360 = arith.constant 48 : index
      %swap3A_361 = tpu.vector_load %arg10[%swap3A_360] {strides = array<i32>} : memref<80xi32, #tpu.memory_space<vmem>>, vector<16xi32>,
      tpu.vector_store %arg10[%swap3A_360], %get3A_359 {strides = array<i32>} : memref<80xi32, #tpu.memory_space<vmem>>, vector<16xi32>,
      %add3A_362 = arith.constant 48 : i32
      %add3A_363 = arith.addi %mul3A_301, %add3A_362 : i32
      %get3A_364 = arith.index_cast %add3A_363 : i32 to index
      %get3A_365 = tpu.vector_load %arg8[%get3A_364] {strides = array<i32>} : memref<20000xi32, #tpu.memory_space<vmem>>, vector<16xi32>,
      %add3A_366 = vector.broadcast %mul3A_0 : i32 to vector<16xi32>
      %add3A_367 = arith.addi %get3A_365, %add3A_366 : vector<16xi32>
      %swap3A_368 = arith.constant 48 : index
      %swap3A_369 = tpu.vector_load %arg12[%swap3A_368] {strides = array<i32>} : memref<80xi32, #tpu.memory_space<vmem>>, vector<16xi32>,
      tpu.vector_store %arg12[%swap3A_368], %add3A_367 {strides = array<i32>} : memref<80xi32, #tpu.memory_space<vmem>>, vector<16xi32>,
      %add3A_370 = vector.broadcast %mul3A_0 : i32 to vector<16xi32>
      %add3A_371 = arith.addi %get3A_359, %add3A_370 : vector<16xi32>
      %swap3A_372 = arith.constant 48 : index
      %swap3A_373 = tpu.vector_load %arg14[%swap3A_372] {strides = array<i32>} : memref<80xi32, #tpu.memory_space<vmem>>, vector<16xi32>,
      tpu.vector_store %arg14[%swap3A_372], %add3A_371 {strides = array<i32>} : memref<80xi32, #tpu.memory_space<vmem>>, vector<16xi32>,
      %add3A_374 = arith.constant 64 : i32
      %add3A_375 = arith.addi %mul3A_301, %add3A_374 : i32
      %get3A_376 = arith.index_cast %add3A_375 : i32 to index
      %get3A_377 = tpu.vector_load %arg9[%get3A_376] {strides = array<i32>} : memref<20000xi32, #tpu.memory_space<vmem>>, vector<16xi32>,
      %swap3A_378 = arith.constant 64 : index
      %swap3A_379 = tpu.vector_load %arg10[%swap3A_378] {strides = array<i32>} : memref<80xi32, #tpu.memory_space<vmem>>, vector<16xi32>,
      tpu.vector_store %arg10[%swap3A_378], %get3A_377 {strides = array<i32>} : memref<80xi32, #tpu.memory_space<vmem>>, vector<16xi32>,
      %add3A_380 = arith.constant 64 : i32
      %add3A_381 = arith.addi %mul3A_301, %add3A_380 : i32
      %get3A_382 = arith.index_cast %add3A_381 : i32 to index
      %get3A_383 = tpu.vector_load %arg8[%get3A_382] {strides = array<i32>} : memref<20000xi32, #tpu.memory_space<vmem>>, vector<16xi32>,
      %add3A_384 = vector.broadcast %mul3A_0 : i32 to vector<16xi32>
      %add3A_385 = arith.addi %get3A_383, %add3A_384 : vector<16xi32>
      %swap3A_386 = arith.constant 64 : index
      %swap3A_387 = tpu.vector_load %arg12[%swap3A_386] {strides = array<i32>} : memref<80xi32, #tpu.memory_space<vmem>>, vector<16xi32>,
      tpu.vector_store %arg12[%swap3A_386], %add3A_385 {strides = array<i32>} : memref<80xi32, #tpu.memory_space<vmem>>, vector<16xi32>,
      %add3A_388 = vector.broadcast %mul3A_0 : i32 to vector<16xi32>
      %add3A_389 = arith.addi %get3A_377, %add3A_388 : vector<16xi32>
      %swap3A_390 = arith.constant 64 : index
      %swap3A_391 = tpu.vector_load %arg14[%swap3A_390] {strides = array<i32>} : memref<80xi32, #tpu.memory_space<vmem>>, vector<16xi32>,
      tpu.vector_store %arg14[%swap3A_390], %add3A_389 {strides = array<i32>} : memref<80xi32, #tpu.memory_space<vmem>>, vector<16xi32>,
      %dma_start3A_392 = arith.constant 0 : i32
      %dma_start3A_393 = arith.constant 0 : i32
      %dma_start3A_394 = tpu.memref_slice %arg2[%dma_start3A_392, %dma_start3A_393] : memref<20000x128xf32, #tpu.memory_space<hbm>> -> memref<20000x128xf32, #tpu.memory_space<hbm>>
      tpu.enqueue_indirect_dma source(%dma_start3A_394 : memref<20000x128xf32, #tpu.memory_space<hbm>>) target(%arg16 : memref<80x128xf32, #tpu.memory_space<vmem>>) offsets(%arg12 : memref<80xi32, #tpu.memory_space<vmem>>) semaphore(%arg22 : memref<!tpu.dma_semaphore, #tpu.memory_space<semaphore_mem>>)
      %dma_start3A_395 = arith.constant 0 : i32
      %dma_start3A_396 = arith.constant 0 : i32
      %dma_start3A_397 = tpu.memref_slice %arg3[%dma_start3A_395, %dma_start3A_396] : memref<20000x64xf32, #tpu.memory_space<hbm>> -> memref<20000x64xf32, #tpu.memory_space<hbm>>
      tpu.enqueue_indirect_dma source(%dma_start3A_397 : memref<20000x64xf32, #tpu.memory_space<hbm>>) target(%arg18 : memref<80x64xf32, #tpu.memory_space<vmem>>) offsets(%arg14 : memref<80xi32, #tpu.memory_space<vmem>>) semaphore(%arg22 : memref<!tpu.dma_semaphore, #tpu.memory_space<semaphore_mem>>)
      %dma_wait3A_398 = arith.constant 0 : i32
      %dma_wait3A_399 = arith.constant 0 : i32
      %dma_wait3A_400 = tpu.memref_slice %arg2[%dma_wait3A_398, %dma_wait3A_399] : memref<20000x128xf32, #tpu.memory_space<hbm>> -> memref<20000x128xf32, #tpu.memory_space<hbm>>
      tpu.wait_indirect_dma semaphore(%arg23 : memref<!tpu.dma_semaphore, #tpu.memory_space<semaphore_mem>>) src(%dma_wait3A_400 : memref<20000x128xf32, #tpu.memory_space<hbm>>) dst(%arg17 : memref<80x128xf32, #tpu.memory_space<vmem>>)
      %dma_wait3A_401 = arith.constant 0 : i32
      %dma_wait3A_402 = arith.constant 0 : i32
      %dma_wait3A_403 = tpu.memref_slice %arg3[%dma_wait3A_401, %dma_wait3A_402] : memref<20000x64xf32, #tpu.memory_space<hbm>> -> memref<20000x64xf32, #tpu.memory_space<hbm>>
      tpu.wait_indirect_dma semaphore(%arg23 : memref<!tpu.dma_semaphore, #tpu.memory_space<semaphore_mem>>) src(%dma_wait3A_403 : memref<20000x64xf32, #tpu.memory_space<hbm>>) dst(%arg19 : memref<80x64xf32, #tpu.memory_space<vmem>>)
      %parallel_loop3A_404 = arith.constant 0 : i32
      %parallel_loop3A_405 = arith.constant 80 : i32
      %parallel_loop3A_406 = arith.constant 1 : i32
      scf.for %parallel_loop3A_408 = %parallel_loop3A_404 to %parallel_loop3A_405 step %parallel_loop3A_406  : i32 {
        %parallel_loop3A_409 = arith.constant 0.000000e+00 : f32
        %parallel_loop3A_410 = vector.broadcast %parallel_loop3A_409 : f32 to vector<16xf32>
        %parallel_loop3A_411 = arith.index_cast %parallel_loop3A_408 : i32 to index
        %parallel_loop3A_412 = arith.constant 0 : index
        %parallel_loop3A_413 = tpu.vector_load %arg17[%parallel_loop3A_411, %parallel_loop3A_412] {strides = array<i32>} : memref<80x128xf32, #tpu.memory_space<vmem>>, vector<16xf32>,
        %parallel_loop3A_414 = arith.index_cast %parallel_loop3A_408 : i32 to index
        %parallel_loop3A_415 = arith.constant 0 : index
        %parallel_loop3A_416 = tpu.vector_load %arg19[%parallel_loop3A_414, %parallel_loop3A_415] {strides = array<i32>} : memref<80x64xf32, #tpu.memory_space<vmem>>, vector<16xf32>,
        %parallel_loop3A_417 = arith.mulf %parallel_loop3A_413, %parallel_loop3A_416 : vector<16xf32>
        %parallel_loop3A_418 = arith.constant true
        %parallel_loop3A_419 = vector.broadcast %parallel_loop3A_418 : i1 to vector<16xi1>
        %parallel_loop3A_420 = tpu.scan <sum>, %parallel_loop3A_417 masked %parallel_loop3A_419 : vector<16xf32>, vector<16xi1> -> vector<16xf32>
        %parallel_loop3A_421 = vector.extract %parallel_loop3A_420[15] : f32 from vector<16xf32>
        %parallel_loop3A_422 = arith.constant 2.500000e-01 : f32
        %parallel_loop3A_423 = arith.mulf %parallel_loop3A_421, %parallel_loop3A_422 : f32
        %parallel_loop3A_424 = vector.broadcast %parallel_loop3A_423 : f32 to vector<16xf32>
        %parallel_loop3A_425 = arith.constant -5.000000e+00 : f32
        %parallel_loop3A_426 = arith.constant 5.000000e+00 : f32
        %parallel_loop3A_427 = vector.broadcast %parallel_loop3A_425 : f32 to vector<16xf32>
        %parallel_loop3A_428 = arith.maximumf %parallel_loop3A_427, %parallel_loop3A_424 : vector<16xf32>
        %parallel_loop3A_429 = vector.broadcast %parallel_loop3A_426 : f32 to vector<16xf32>
        %parallel_loop3A_430 = arith.minimumf %parallel_loop3A_429, %parallel_loop3A_428 : vector<16xf32>
        %parallel_loop3A_431 = math.exp %parallel_loop3A_430 : vector<16xf32>
        %parallel_loop3A_432 = arith.index_cast %parallel_loop3A_408 : i32 to index
        %parallel_loop3A_433 = arith.constant 64 : index
        %parallel_loop3A_434 = tpu.vector_load %arg17[%parallel_loop3A_432, %parallel_loop3A_433] {strides = array<i32>} : memref<80x128xf32, #tpu.memory_space<vmem>>, vector<16xf32>,
        %parallel_loop3A_435 = arith.mulf %parallel_loop3A_434, %parallel_loop3A_431 : vector<16xf32>
        %parallel_loop3A_436 = arith.index_cast %parallel_loop3A_408 : i32 to index
        %parallel_loop3A_437 = arith.constant 0 : index
        %parallel_loop3A_438 = tpu.vector_load %arg20[%parallel_loop3A_436, %parallel_loop3A_437] {strides = array<i32>} : memref<80x80xf32, #tpu.memory_space<vmem>>, vector<16xf32>,
        tpu.vector_store %arg20[%parallel_loop3A_436, %parallel_loop3A_437], %parallel_loop3A_435 {strides = array<i32>} : memref<80x80xf32, #tpu.memory_space<vmem>>, vector<16xf32>,
        %parallel_loop3A_439 = arith.constant 0 : i32
        %parallel_loop3A_440 = vector.broadcast %parallel_loop3A_439 : i32 to vector<16xi32>
        %parallel_loop3A_441 = arith.cmpi eq, %iota3A, %parallel_loop3A_440 : vector<16xi32>
        %parallel_loop3A_442 = arith.constant 0.000000e+00 : f32
        %parallel_loop3A_443 = vector.broadcast %parallel_loop3A_442 : f32 to vector<16xf32>
        %parallel_loop3A_444 = arith.select %parallel_loop3A_441, %parallel_loop3A_431, %parallel_loop3A_443 : vector<16xi1>, vector<16xf32>
        %parallel_loop3A_445 = arith.addf %parallel_loop3A_410, %parallel_loop3A_444 : vector<16xf32>
        %parallel_loop3A_446 = arith.index_cast %parallel_loop3A_408 : i32 to index
        %parallel_loop3A_447 = arith.constant 16 : index
        %parallel_loop3A_448 = tpu.vector_load %arg17[%parallel_loop3A_446, %parallel_loop3A_447] {strides = array<i32>} : memref<80x128xf32, #tpu.memory_space<vmem>>, vector<16xf32>,
        %parallel_loop3A_449 = arith.index_cast %parallel_loop3A_408 : i32 to index
        %parallel_loop3A_450 = arith.constant 16 : index
        %parallel_loop3A_451 = tpu.vector_load %arg19[%parallel_loop3A_449, %parallel_loop3A_450] {strides = array<i32>} : memref<80x64xf32, #tpu.memory_space<vmem>>, vector<16xf32>,
        %parallel_loop3A_452 = arith.mulf %parallel_loop3A_448, %parallel_loop3A_451 : vector<16xf32>
        %parallel_loop3A_453 = arith.constant true
        %parallel_loop3A_454 = vector.broadcast %parallel_loop3A_453 : i1 to vector<16xi1>
        %parallel_loop3A_455 = tpu.scan <sum>, %parallel_loop3A_452 masked %parallel_loop3A_454 : vector<16xf32>, vector<16xi1> -> vector<16xf32>
        %parallel_loop3A_456 = vector.extract %parallel_loop3A_455[15] : f32 from vector<16xf32>
        %parallel_loop3A_457 = arith.constant 2.500000e-01 : f32
        %parallel_loop3A_458 = arith.mulf %parallel_loop3A_456, %parallel_loop3A_457 : f32
        %parallel_loop3A_459 = vector.broadcast %parallel_loop3A_458 : f32 to vector<16xf32>
        %parallel_loop3A_460 = arith.constant -5.000000e+00 : f32
        %parallel_loop3A_461 = arith.constant 5.000000e+00 : f32
        %parallel_loop3A_462 = vector.broadcast %parallel_loop3A_460 : f32 to vector<16xf32>
        %parallel_loop3A_463 = arith.maximumf %parallel_loop3A_462, %parallel_loop3A_459 : vector<16xf32>
        %parallel_loop3A_464 = vector.broadcast %parallel_loop3A_461 : f32 to vector<16xf32>
        %parallel_loop3A_465 = arith.minimumf %parallel_loop3A_464, %parallel_loop3A_463 : vector<16xf32>
        %parallel_loop3A_466 = math.exp %parallel_loop3A_465 : vector<16xf32>
        %parallel_loop3A_467 = arith.index_cast %parallel_loop3A_408 : i32 to index
        %parallel_loop3A_468 = arith.constant 80 : index
        %parallel_loop3A_469 = tpu.vector_load %arg17[%parallel_loop3A_467, %parallel_loop3A_468] {strides = array<i32>} : memref<80x128xf32, #tpu.memory_space<vmem>>, vector<16xf32>,
        %parallel_loop3A_470 = arith.mulf %parallel_loop3A_469, %parallel_loop3A_466 : vector<16xf32>
        %parallel_loop3A_471 = arith.index_cast %parallel_loop3A_408 : i32 to index
        %parallel_loop3A_472 = arith.constant 16 : index
        %parallel_loop3A_473 = tpu.vector_load %arg20[%parallel_loop3A_471, %parallel_loop3A_472] {strides = array<i32>} : memref<80x80xf32, #tpu.memory_space<vmem>>, vector<16xf32>,
        tpu.vector_store %arg20[%parallel_loop3A_471, %parallel_loop3A_472], %parallel_loop3A_470 {strides = array<i32>} : memref<80x80xf32, #tpu.memory_space<vmem>>, vector<16xf32>,
        %parallel_loop3A_474 = arith.constant 1 : i32
        %parallel_loop3A_475 = vector.broadcast %parallel_loop3A_474 : i32 to vector<16xi32>
        %parallel_loop3A_476 = arith.cmpi eq, %iota3A, %parallel_loop3A_475 : vector<16xi32>
        %parallel_loop3A_477 = arith.constant 0.000000e+00 : f32
        %parallel_loop3A_478 = vector.broadcast %parallel_loop3A_477 : f32 to vector<16xf32>
        %parallel_loop3A_479 = arith.select %parallel_loop3A_476, %parallel_loop3A_466, %parallel_loop3A_478 : vector<16xi1>, vector<16xf32>
        %parallel_loop3A_480 = arith.addf %parallel_loop3A_445, %parallel_loop3A_479 : vector<16xf32>
        %parallel_loop3A_481 = arith.index_cast %parallel_loop3A_408 : i32 to index
        %parallel_loop3A_482 = arith.constant 32 : index
        %parallel_loop3A_483 = tpu.vector_load %arg17[%parallel_loop3A_481, %parallel_loop3A_482] {strides = array<i32>} : memref<80x128xf32, #tpu.memory_space<vmem>>, vector<16xf32>,
        %parallel_loop3A_484 = arith.index_cast %parallel_loop3A_408 : i32 to index
        %parallel_loop3A_485 = arith.constant 32 : index
        %parallel_loop3A_486 = tpu.vector_load %arg19[%parallel_loop3A_484, %parallel_loop3A_485] {strides = array<i32>} : memref<80x64xf32, #tpu.memory_space<vmem>>, vector<16xf32>,
        %parallel_loop3A_487 = arith.mulf %parallel_loop3A_483, %parallel_loop3A_486 : vector<16xf32>
        %parallel_loop3A_488 = arith.constant true
        %parallel_loop3A_489 = vector.broadcast %parallel_loop3A_488 : i1 to vector<16xi1>
        %parallel_loop3A_490 = tpu.scan <sum>, %parallel_loop3A_487 masked %parallel_loop3A_489 : vector<16xf32>, vector<16xi1> -> vector<16xf32>
        %parallel_loop3A_491 = vector.extract %parallel_loop3A_490[15] : f32 from vector<16xf32>
        %parallel_loop3A_492 = arith.constant 2.500000e-01 : f32
        %parallel_loop3A_493 = arith.mulf %parallel_loop3A_491, %parallel_loop3A_492 : f32
        %parallel_loop3A_494 = vector.broadcast %parallel_loop3A_493 : f32 to vector<16xf32>
        %parallel_loop3A_495 = arith.constant -5.000000e+00 : f32
        %parallel_loop3A_496 = arith.constant 5.000000e+00 : f32
        %parallel_loop3A_497 = vector.broadcast %parallel_loop3A_495 : f32 to vector<16xf32>
        %parallel_loop3A_498 = arith.maximumf %parallel_loop3A_497, %parallel_loop3A_494 : vector<16xf32>
        %parallel_loop3A_499 = vector.broadcast %parallel_loop3A_496 : f32 to vector<16xf32>
        %parallel_loop3A_500 = arith.minimumf %parallel_loop3A_499, %parallel_loop3A_498 : vector<16xf32>
        %parallel_loop3A_501 = math.exp %parallel_loop3A_500 : vector<16xf32>
        %parallel_loop3A_502 = arith.index_cast %parallel_loop3A_408 : i32 to index
        %parallel_loop3A_503 = arith.constant 96 : index
        %parallel_loop3A_504 = tpu.vector_load %arg17[%parallel_loop3A_502, %parallel_loop3A_503] {strides = array<i32>} : memref<80x128xf32, #tpu.memory_space<vmem>>, vector<16xf32>,
        %parallel_loop3A_505 = arith.mulf %parallel_loop3A_504, %parallel_loop3A_501 : vector<16xf32>
        %parallel_loop3A_506 = arith.index_cast %parallel_loop3A_408 : i32 to index
        %parallel_loop3A_507 = arith.constant 32 : index
        %parallel_loop3A_508 = tpu.vector_load %arg20[%parallel_loop3A_506, %parallel_loop3A_507] {strides = array<i32>} : memref<80x80xf32, #tpu.memory_space<vmem>>, vector<16xf32>,
        tpu.vector_store %arg20[%parallel_loop3A_506, %parallel_loop3A_507], %parallel_loop3A_505 {strides = array<i32>} : memref<80x80xf32, #tpu.memory_space<vmem>>, vector<16xf32>,
        %parallel_loop3A_509 = arith.constant 2 : i32
        %parallel_loop3A_510 = vector.broadcast %parallel_loop3A_509 : i32 to vector<16xi32>
        %parallel_loop3A_511 = arith.cmpi eq, %iota3A, %parallel_loop3A_510 : vector<16xi32>
        %parallel_loop3A_512 = arith.constant 0.000000e+00 : f32
        %parallel_loop3A_513 = vector.broadcast %parallel_loop3A_512 : f32 to vector<16xf32>
        %parallel_loop3A_514 = arith.select %parallel_loop3A_511, %parallel_loop3A_501, %parallel_loop3A_513 : vector<16xi1>, vector<16xf32>
        %parallel_loop3A_515 = arith.addf %parallel_loop3A_480, %parallel_loop3A_514 : vector<16xf32>
        %parallel_loop3A_516 = arith.index_cast %parallel_loop3A_408 : i32 to index
        %parallel_loop3A_517 = arith.constant 48 : index
        %parallel_loop3A_518 = tpu.vector_load %arg17[%parallel_loop3A_516, %parallel_loop3A_517] {strides = array<i32>} : memref<80x128xf32, #tpu.memory_space<vmem>>, vector<16xf32>,
        %parallel_loop3A_519 = arith.index_cast %parallel_loop3A_408 : i32 to index
        %parallel_loop3A_520 = arith.constant 48 : index
        %parallel_loop3A_521 = tpu.vector_load %arg19[%parallel_loop3A_519, %parallel_loop3A_520] {strides = array<i32>} : memref<80x64xf32, #tpu.memory_space<vmem>>, vector<16xf32>,
        %parallel_loop3A_522 = arith.mulf %parallel_loop3A_518, %parallel_loop3A_521 : vector<16xf32>
        %parallel_loop3A_523 = arith.constant true
        %parallel_loop3A_524 = vector.broadcast %parallel_loop3A_523 : i1 to vector<16xi1>
        %parallel_loop3A_525 = tpu.scan <sum>, %parallel_loop3A_522 masked %parallel_loop3A_524 : vector<16xf32>, vector<16xi1> -> vector<16xf32>
        %parallel_loop3A_526 = vector.extract %parallel_loop3A_525[15] : f32 from vector<16xf32>
        %parallel_loop3A_527 = arith.constant 2.500000e-01 : f32
        %parallel_loop3A_528 = arith.mulf %parallel_loop3A_526, %parallel_loop3A_527 : f32
        %parallel_loop3A_529 = vector.broadcast %parallel_loop3A_528 : f32 to vector<16xf32>
        %parallel_loop3A_530 = arith.constant -5.000000e+00 : f32
        %parallel_loop3A_531 = arith.constant 5.000000e+00 : f32
        %parallel_loop3A_532 = vector.broadcast %parallel_loop3A_530 : f32 to vector<16xf32>
        %parallel_loop3A_533 = arith.maximumf %parallel_loop3A_532, %parallel_loop3A_529 : vector<16xf32>
        %parallel_loop3A_534 = vector.broadcast %parallel_loop3A_531 : f32 to vector<16xf32>
        %parallel_loop3A_535 = arith.minimumf %parallel_loop3A_534, %parallel_loop3A_533 : vector<16xf32>
        %parallel_loop3A_536 = math.exp %parallel_loop3A_535 : vector<16xf32>
        %parallel_loop3A_537 = arith.index_cast %parallel_loop3A_408 : i32 to index
        %parallel_loop3A_538 = arith.constant 112 : index
        %parallel_loop3A_539 = tpu.vector_load %arg17[%parallel_loop3A_537, %parallel_loop3A_538] {strides = array<i32>} : memref<80x128xf32, #tpu.memory_space<vmem>>, vector<16xf32>,
        %parallel_loop3A_540 = arith.mulf %parallel_loop3A_539, %parallel_loop3A_536 : vector<16xf32>
        %parallel_loop3A_541 = arith.index_cast %parallel_loop3A_408 : i32 to index
        %parallel_loop3A_542 = arith.constant 48 : index
        %parallel_loop3A_543 = tpu.vector_load %arg20[%parallel_loop3A_541, %parallel_loop3A_542] {strides = array<i32>} : memref<80x80xf32, #tpu.memory_space<vmem>>, vector<16xf32>,
        tpu.vector_store %arg20[%parallel_loop3A_541, %parallel_loop3A_542], %parallel_loop3A_540 {strides = array<i32>} : memref<80x80xf32, #tpu.memory_space<vmem>>, vector<16xf32>,
        %parallel_loop3A_544 = arith.constant 3 : i32
        %parallel_loop3A_545 = vector.broadcast %parallel_loop3A_544 : i32 to vector<16xi32>
        %parallel_loop3A_546 = arith.cmpi eq, %iota3A, %parallel_loop3A_545 : vector<16xi32>
        %parallel_loop3A_547 = arith.constant 0.000000e+00 : f32
        %parallel_loop3A_548 = vector.broadcast %parallel_loop3A_547 : f32 to vector<16xf32>
        %parallel_loop3A_549 = arith.select %parallel_loop3A_546, %parallel_loop3A_536, %parallel_loop3A_548 : vector<16xi1>, vector<16xf32>
        %parallel_loop3A_550 = arith.addf %parallel_loop3A_515, %parallel_loop3A_549 : vector<16xf32>
        %parallel_loop3A_551 = arith.index_cast %parallel_loop3A_408 : i32 to index
        %parallel_loop3A_552 = arith.constant 64 : index
        %parallel_loop3A_553 = tpu.vector_load %arg20[%parallel_loop3A_551, %parallel_loop3A_552] {strides = array<i32>} : memref<80x80xf32, #tpu.memory_space<vmem>>, vector<16xf32>,
        tpu.vector_store %arg20[%parallel_loop3A_551, %parallel_loop3A_552], %parallel_loop3A_550 {strides = array<i32>} : memref<80x80xf32, #tpu.memory_space<vmem>>, vector<16xf32>,
      } {sc.loop_unroll_factor = 4 : i64, sc.parallel_access}
      "tpu.region"() ({
        %run_scoped3A = tpu.sem_alloc : memref<!tpu.dma_semaphore, #tpu.memory_space<semaphore_mem>>
        %dma_start3A_408 = arith.constant 0 : i32
        %dma_start3A_409 = arith.constant 0 : i32
        %dma_start3A_410 = tpu.memref_slice %arg21[%dma_start3A_408, %dma_start3A_409] : memref<10240x80xf32, #tpu.memory_space<vmem_shared>> -> memref<10240x80xf32, #tpu.memory_space<vmem_shared>>
        tpu.enqueue_indirect_dma source(%arg20 : memref<80x80xf32, #tpu.memory_space<vmem>>) target(%dma_start3A_410 : memref<10240x80xf32, #tpu.memory_space<vmem_shared>>) offsets(%arg11 : memref<80xi32, #tpu.memory_space<vmem>>) semaphore(%run_scoped3A : memref<!tpu.dma_semaphore, #tpu.memory_space<semaphore_mem>>) {add = true}
        %dma_wait3A_411 = arith.constant 0 : i32
        %dma_wait3A_412 = arith.constant 0 : i32
        %dma_wait3A_413 = tpu.memref_slice %arg21[%dma_wait3A_411, %dma_wait3A_412] : memref<10240x80xf32, #tpu.memory_space<vmem_shared>> -> memref<10240x80xf32, #tpu.memory_space<vmem_shared>>
        tpu.wait_indirect_dma semaphore(%run_scoped3A : memref<!tpu.dma_semaphore, #tpu.memory_space<semaphore_mem>>) src(%arg20 : memref<80x80xf32, #tpu.memory_space<vmem>>) dst(%dma_wait3A_413 : memref<10240x80xf32, #tpu.memory_space<vmem_shared>>)
        tpu.yield
      }) : () -> ()
      %scan3A_407 = arith.constant 0 : i32
      scf.yield %scan3A_407 : i32
    }
    %scan3A_86 = arith.constant 124 : i32
    %get3A_87 = arith.constant 19920 : index
    %get3A_88 = tpu.vector_load %arg9[%get3A_87] {strides = array<i32>} : memref<20000xi32, #tpu.memory_space<vmem>>, vector<16xi32>,
    %swap3A_89 = arith.constant 0 : index
    %swap3A_90 = tpu.vector_load %arg11[%swap3A_89] {strides = array<i32>} : memref<80xi32, #tpu.memory_space<vmem>>, vector<16xi32>,
    tpu.vector_store %arg11[%swap3A_89], %get3A_88 {strides = array<i32>} : memref<80xi32, #tpu.memory_space<vmem>>, vector<16xi32>,
    %get3A_91 = arith.constant 19920 : index
    %get3A_92 = tpu.vector_load %arg8[%get3A_91] {strides = array<i32>} : memref<20000xi32, #tpu.memory_space<vmem>>, vector<16xi32>,
    %add3A_93 = vector.broadcast %mul3A_0 : i32 to vector<16xi32>
    %add3A_94 = arith.addi %get3A_92, %add3A_93 : vector<16xi32>
    %swap3A_95 = arith.constant 0 : index
    %swap3A_96 = tpu.vector_load %arg13[%swap3A_95] {strides = array<i32>} : memref<80xi32, #tpu.memory_space<vmem>>, vector<16xi32>,
    tpu.vector_store %arg13[%swap3A_95], %add3A_94 {strides = array<i32>} : memref<80xi32, #tpu.memory_space<vmem>>, vector<16xi32>,
    %add3A_97 = vector.broadcast %mul3A_0 : i32 to vector<16xi32>
    %add3A_98 = arith.addi %get3A_88, %add3A_97 : vector<16xi32>
    %swap3A_99 = arith.constant 0 : index
    %swap3A_100 = tpu.vector_load %arg15[%swap3A_99] {strides = array<i32>} : memref<80xi32, #tpu.memory_space<vmem>>, vector<16xi32>,
    tpu.vector_store %arg15[%swap3A_99], %add3A_98 {strides = array<i32>} : memref<80xi32, #tpu.memory_space<vmem>>, vector<16xi32>,
    %get3A_101 = arith.constant 19936 : index
    %get3A_102 = tpu.vector_load %arg9[%get3A_101] {strides = array<i32>} : memref<20000xi32, #tpu.memory_space<vmem>>, vector<16xi32>,
    %swap3A_103 = arith.constant 16 : index
    %swap3A_104 = tpu.vector_load %arg11[%swap3A_103] {strides = array<i32>} : memref<80xi32, #tpu.memory_space<vmem>>, vector<16xi32>,
    tpu.vector_store %arg11[%swap3A_103], %get3A_102 {strides = array<i32>} : memref<80xi32, #tpu.memory_space<vmem>>, vector<16xi32>,
    %get3A_105 = arith.constant 19936 : index
    %get3A_106 = tpu.vector_load %arg8[%get3A_105] {strides = array<i32>} : memref<20000xi32, #tpu.memory_space<vmem>>, vector<16xi32>,
    %add3A_107 = vector.broadcast %mul3A_0 : i32 to vector<16xi32>
    %add3A_108 = arith.addi %get3A_106, %add3A_107 : vector<16xi32>
    %swap3A_109 = arith.constant 16 : index
    %swap3A_110 = tpu.vector_load %arg13[%swap3A_109] {strides = array<i32>} : memref<80xi32, #tpu.memory_space<vmem>>, vector<16xi32>,
    tpu.vector_store %arg13[%swap3A_109], %add3A_108 {strides = array<i32>} : memref<80xi32, #tpu.memory_space<vmem>>, vector<16xi32>,
    %add3A_111 = vector.broadcast %mul3A_0 : i32 to vector<16xi32>
    %add3A_112 = arith.addi %get3A_102, %add3A_111 : vector<16xi32>
    %swap3A_113 = arith.constant 16 : index
    %swap3A_114 = tpu.vector_load %arg15[%swap3A_113] {strides = array<i32>} : memref<80xi32, #tpu.memory_space<vmem>>, vector<16xi32>,
    tpu.vector_store %arg15[%swap3A_113], %add3A_112 {strides = array<i32>} : memref<80xi32, #tpu.memory_space<vmem>>, vector<16xi32>,
    %get3A_115 = arith.constant 19952 : index
    %get3A_116 = tpu.vector_load %arg9[%get3A_115] {strides = array<i32>} : memref<20000xi32, #tpu.memory_space<vmem>>, vector<16xi32>,
    %swap3A_117 = arith.constant 32 : index
    %swap3A_118 = tpu.vector_load %arg11[%swap3A_117] {strides = array<i32>} : memref<80xi32, #tpu.memory_space<vmem>>, vector<16xi32>,
    tpu.vector_store %arg11[%swap3A_117], %get3A_116 {strides = array<i32>} : memref<80xi32, #tpu.memory_space<vmem>>, vector<16xi32>,
    %get3A_119 = arith.constant 19952 : index
    %get3A_120 = tpu.vector_load %arg8[%get3A_119] {strides = array<i32>} : memref<20000xi32, #tpu.memory_space<vmem>>, vector<16xi32>,
    %add3A_121 = vector.broadcast %mul3A_0 : i32 to vector<16xi32>
    %add3A_122 = arith.addi %get3A_120, %add3A_121 : vector<16xi32>
    %swap3A_123 = arith.constant 32 : index
    %swap3A_124 = tpu.vector_load %arg13[%swap3A_123] {strides = array<i32>} : memref<80xi32, #tpu.memory_space<vmem>>, vector<16xi32>,
    tpu.vector_store %arg13[%swap3A_123], %add3A_122 {strides = array<i32>} : memref<80xi32, #tpu.memory_space<vmem>>, vector<16xi32>,
    %add3A_125 = vector.broadcast %mul3A_0 : i32 to vector<16xi32>
    %add3A_126 = arith.addi %get3A_116, %add3A_125 : vector<16xi32>
    %swap3A_127 = arith.constant 32 : index
    %swap3A_128 = tpu.vector_load %arg15[%swap3A_127] {strides = array<i32>} : memref<80xi32, #tpu.memory_space<vmem>>, vector<16xi32>,
    tpu.vector_store %arg15[%swap3A_127], %add3A_126 {strides = array<i32>} : memref<80xi32, #tpu.memory_space<vmem>>, vector<16xi32>,
    %get3A_129 = arith.constant 19968 : index
    %get3A_130 = tpu.vector_load %arg9[%get3A_129] {strides = array<i32>} : memref<20000xi32, #tpu.memory_space<vmem>>, vector<16xi32>,
    %swap3A_131 = arith.constant 48 : index
    %swap3A_132 = tpu.vector_load %arg11[%swap3A_131] {strides = array<i32>} : memref<80xi32, #tpu.memory_space<vmem>>, vector<16xi32>,
    tpu.vector_store %arg11[%swap3A_131], %get3A_130 {strides = array<i32>} : memref<80xi32, #tpu.memory_space<vmem>>, vector<16xi32>,
    %get3A_133 = arith.constant 19968 : index
    %get3A_134 = tpu.vector_load %arg8[%get3A_133] {strides = array<i32>} : memref<20000xi32, #tpu.memory_space<vmem>>, vector<16xi32>,
    %add3A_135 = vector.broadcast %mul3A_0 : i32 to vector<16xi32>
    %add3A_136 = arith.addi %get3A_134, %add3A_135 : vector<16xi32>
    %swap3A_137 = arith.constant 48 : index
    %swap3A_138 = tpu.vector_load %arg13[%swap3A_137] {strides = array<i32>} : memref<80xi32, #tpu.memory_space<vmem>>, vector<16xi32>,
    tpu.vector_store %arg13[%swap3A_137], %add3A_136 {strides = array<i32>} : memref<80xi32, #tpu.memory_space<vmem>>, vector<16xi32>,
    %add3A_139 = vector.broadcast %mul3A_0 : i32 to vector<16xi32>
    %add3A_140 = arith.addi %get3A_130, %add3A_139 : vector<16xi32>
    %swap3A_141 = arith.constant 48 : index
    %swap3A_142 = tpu.vector_load %arg15[%swap3A_141] {strides = array<i32>} : memref<80xi32, #tpu.memory_space<vmem>>, vector<16xi32>,
    tpu.vector_store %arg15[%swap3A_141], %add3A_140 {strides = array<i32>} : memref<80xi32, #tpu.memory_space<vmem>>, vector<16xi32>,
    %get3A_143 = arith.constant 19984 : index
    %get3A_144 = tpu.vector_load %arg9[%get3A_143] {strides = array<i32>} : memref<20000xi32, #tpu.memory_space<vmem>>, vector<16xi32>,
    %swap3A_145 = arith.constant 64 : index
    %swap3A_146 = tpu.vector_load %arg11[%swap3A_145] {strides = array<i32>} : memref<80xi32, #tpu.memory_space<vmem>>, vector<16xi32>,
    tpu.vector_store %arg11[%swap3A_145], %get3A_144 {strides = array<i32>} : memref<80xi32, #tpu.memory_space<vmem>>, vector<16xi32>,
    %get3A_147 = arith.constant 19984 : index
    %get3A_148 = tpu.vector_load %arg8[%get3A_147] {strides = array<i32>} : memref<20000xi32, #tpu.memory_space<vmem>>, vector<16xi32>,
    %add3A_149 = vector.broadcast %mul3A_0 : i32 to vector<16xi32>
    %add3A_150 = arith.addi %get3A_148, %add3A_149 : vector<16xi32>
    %swap3A_151 = arith.constant 64 : index
    %swap3A_152 = tpu.vector_load %arg13[%swap3A_151] {strides = array<i32>} : memref<80xi32, #tpu.memory_space<vmem>>, vector<16xi32>,
    tpu.vector_store %arg13[%swap3A_151], %add3A_150 {strides = array<i32>} : memref<80xi32, #tpu.memory_space<vmem>>, vector<16xi32>,
    %add3A_153 = vector.broadcast %mul3A_0 : i32 to vector<16xi32>
    %add3A_154 = arith.addi %get3A_144, %add3A_153 : vector<16xi32>
    %swap3A_155 = arith.constant 64 : index
    %swap3A_156 = tpu.vector_load %arg15[%swap3A_155] {strides = array<i32>} : memref<80xi32, #tpu.memory_space<vmem>>, vector<16xi32>,
    tpu.vector_store %arg15[%swap3A_155], %add3A_154 {strides = array<i32>} : memref<80xi32, #tpu.memory_space<vmem>>, vector<16xi32>,
    %dma_start3A_157 = arith.constant 0 : i32
    %dma_start3A_158 = arith.constant 0 : i32
    %dma_start3A_159 = tpu.memref_slice %arg2[%dma_start3A_157, %dma_start3A_158] : memref<20000x128xf32, #tpu.memory_space<hbm>> -> memref<20000x128xf32, #tpu.memory_space<hbm>>
    tpu.enqueue_indirect_dma source(%dma_start3A_159 : memref<20000x128xf32, #tpu.memory_space<hbm>>) target(%arg17 : memref<80x128xf32, #tpu.memory_space<vmem>>) offsets(%arg13 : memref<80xi32, #tpu.memory_space<vmem>>) semaphore(%arg23 : memref<!tpu.dma_semaphore, #tpu.memory_space<semaphore_mem>>)
    %dma_start3A_160 = arith.constant 0 : i32
    %dma_start3A_161 = arith.constant 0 : i32
    %dma_start3A_162 = tpu.memref_slice %arg3[%dma_start3A_160, %dma_start3A_161] : memref<20000x64xf32, #tpu.memory_space<hbm>> -> memref<20000x64xf32, #tpu.memory_space<hbm>>
    tpu.enqueue_indirect_dma source(%dma_start3A_162 : memref<20000x64xf32, #tpu.memory_space<hbm>>) target(%arg19 : memref<80x64xf32, #tpu.memory_space<vmem>>) offsets(%arg15 : memref<80xi32, #tpu.memory_space<vmem>>) semaphore(%arg23 : memref<!tpu.dma_semaphore, #tpu.memory_space<semaphore_mem>>)
    %dma_wait3A = arith.constant 0 : i32
    %dma_wait3A_163 = arith.constant 0 : i32
    %dma_wait3A_164 = tpu.memref_slice %arg2[%dma_wait3A, %dma_wait3A_163] : memref<20000x128xf32, #tpu.memory_space<hbm>> -> memref<20000x128xf32, #tpu.memory_space<hbm>>
    tpu.wait_indirect_dma semaphore(%arg22 : memref<!tpu.dma_semaphore, #tpu.memory_space<semaphore_mem>>) src(%dma_wait3A_164 : memref<20000x128xf32, #tpu.memory_space<hbm>>) dst(%arg16 : memref<80x128xf32, #tpu.memory_space<vmem>>)
    %dma_wait3A_165 = arith.constant 0 : i32
    %dma_wait3A_166 = arith.constant 0 : i32
    %dma_wait3A_167 = tpu.memref_slice %arg3[%dma_wait3A_165, %dma_wait3A_166] : memref<20000x64xf32, #tpu.memory_space<hbm>> -> memref<20000x64xf32, #tpu.memory_space<hbm>>
    tpu.wait_indirect_dma semaphore(%arg22 : memref<!tpu.dma_semaphore, #tpu.memory_space<semaphore_mem>>) src(%dma_wait3A_167 : memref<20000x64xf32, #tpu.memory_space<hbm>>) dst(%arg18 : memref<80x64xf32, #tpu.memory_space<vmem>>)
    %parallel_loop3A = arith.constant 0 : i32
    %parallel_loop3A_168 = arith.constant 80 : i32
    %parallel_loop3A_169 = arith.constant 1 : i32
    scf.for %parallel_loop3A_183 = %parallel_loop3A to %parallel_loop3A_168 step %parallel_loop3A_169  : i32 {
      %parallel_loop3A_184 = arith.constant 0.000000e+00 : f32
      %parallel_loop3A_185 = vector.broadcast %parallel_loop3A_184 : f32 to vector<16xf32>
      %parallel_loop3A_186 = arith.index_cast %parallel_loop3A_183 : i32 to index
      %parallel_loop3A_187 = arith.constant 0 : index
      %parallel_loop3A_188 = tpu.vector_load %arg16[%parallel_loop3A_186, %parallel_loop3A_187] {strides = array<i32>} : memref<80x128xf32, #tpu.memory_space<vmem>>, vector<16xf32>,
      %parallel_loop3A_189 = arith.index_cast %parallel_loop3A_183 : i32 to index
      %parallel_loop3A_190 = arith.constant 0 : index
      %parallel_loop3A_191 = tpu.vector_load %arg18[%parallel_loop3A_189, %parallel_loop3A_190] {strides = array<i32>} : memref<80x64xf32, #tpu.memory_space<vmem>>, vector<16xf32>,
      %parallel_loop3A_192 = arith.mulf %parallel_loop3A_188, %parallel_loop3A_191 : vector<16xf32>
      %parallel_loop3A_193 = arith.constant true
      %parallel_loop3A_194 = vector.broadcast %parallel_loop3A_193 : i1 to vector<16xi1>
      %parallel_loop3A_195 = tpu.scan <sum>, %parallel_loop3A_192 masked %parallel_loop3A_194 : vector<16xf32>, vector<16xi1> -> vector<16xf32>
      %parallel_loop3A_196 = vector.extract %parallel_loop3A_195[15] : f32 from vector<16xf32>
      %parallel_loop3A_197 = arith.constant 2.500000e-01 : f32
      %parallel_loop3A_198 = arith.mulf %parallel_loop3A_196, %parallel_loop3A_197 : f32
      %parallel_loop3A_199 = vector.broadcast %parallel_loop3A_198 : f32 to vector<16xf32>
      %parallel_loop3A_200 = arith.constant -5.000000e+00 : f32
      %parallel_loop3A_201 = arith.constant 5.000000e+00 : f32
      %parallel_loop3A_202 = vector.broadcast %parallel_loop3A_200 : f32 to vector<16xf32>
      %parallel_loop3A_203 = arith.maximumf %parallel_loop3A_202, %parallel_loop3A_199 : vector<16xf32>
      %parallel_loop3A_204 = vector.broadcast %parallel_loop3A_201 : f32 to vector<16xf32>
      %parallel_loop3A_205 = arith.minimumf %parallel_loop3A_204, %parallel_loop3A_203 : vector<16xf32>
      %parallel_loop3A_206 = math.exp %parallel_loop3A_205 : vector<16xf32>
      %parallel_loop3A_207 = arith.index_cast %parallel_loop3A_183 : i32 to index
      %parallel_loop3A_208 = arith.constant 64 : index
      %parallel_loop3A_209 = tpu.vector_load %arg16[%parallel_loop3A_207, %parallel_loop3A_208] {strides = array<i32>} : memref<80x128xf32, #tpu.memory_space<vmem>>, vector<16xf32>,
      %parallel_loop3A_210 = arith.mulf %parallel_loop3A_209, %parallel_loop3A_206 : vector<16xf32>
      %parallel_loop3A_211 = arith.index_cast %parallel_loop3A_183 : i32 to index
      %parallel_loop3A_212 = arith.constant 0 : index
      %parallel_loop3A_213 = tpu.vector_load %arg20[%parallel_loop3A_211, %parallel_loop3A_212] {strides = array<i32>} : memref<80x80xf32, #tpu.memory_space<vmem>>, vector<16xf32>,
      tpu.vector_store %arg20[%parallel_loop3A_211, %parallel_loop3A_212], %parallel_loop3A_210 {strides = array<i32>} : memref<80x80xf32, #tpu.memory_space<vmem>>, vector<16xf32>,
      %parallel_loop3A_214 = arith.constant 0 : i32
      %parallel_loop3A_215 = vector.broadcast %parallel_loop3A_214 : i32 to vector<16xi32>
      %parallel_loop3A_216 = arith.cmpi eq, %iota3A, %parallel_loop3A_215 : vector<16xi32>
      %parallel_loop3A_217 = arith.constant 0.000000e+00 : f32
      %parallel_loop3A_218 = vector.broadcast %parallel_loop3A_217 : f32 to vector<16xf32>
      %parallel_loop3A_219 = arith.select %parallel_loop3A_216, %parallel_loop3A_206, %parallel_loop3A_218 : vector<16xi1>, vector<16xf32>
      %parallel_loop3A_220 = arith.addf %parallel_loop3A_185, %parallel_loop3A_219 : vector<16xf32>
      %parallel_loop3A_221 = arith.index_cast %parallel_loop3A_183 : i32 to index
      %parallel_loop3A_222 = arith.constant 16 : index
      %parallel_loop3A_223 = tpu.vector_load %arg16[%parallel_loop3A_221, %parallel_loop3A_222] {strides = array<i32>} : memref<80x128xf32, #tpu.memory_space<vmem>>, vector<16xf32>,
      %parallel_loop3A_224 = arith.index_cast %parallel_loop3A_183 : i32 to index
      %parallel_loop3A_225 = arith.constant 16 : index
      %parallel_loop3A_226 = tpu.vector_load %arg18[%parallel_loop3A_224, %parallel_loop3A_225] {strides = array<i32>} : memref<80x64xf32, #tpu.memory_space<vmem>>, vector<16xf32>,
      %parallel_loop3A_227 = arith.mulf %parallel_loop3A_223, %parallel_loop3A_226 : vector<16xf32>
      %parallel_loop3A_228 = arith.constant true
      %parallel_loop3A_229 = vector.broadcast %parallel_loop3A_228 : i1 to vector<16xi1>
      %parallel_loop3A_230 = tpu.scan <sum>, %parallel_loop3A_227 masked %parallel_loop3A_229 : vector<16xf32>, vector<16xi1> -> vector<16xf32>
      %parallel_loop3A_231 = vector.extract %parallel_loop3A_230[15] : f32 from vector<16xf32>
      %parallel_loop3A_232 = arith.constant 2.500000e-01 : f32
      %parallel_loop3A_233 = arith.mulf %parallel_loop3A_231, %parallel_loop3A_232 : f32
      %parallel_loop3A_234 = vector.broadcast %parallel_loop3A_233 : f32 to vector<16xf32>
      %parallel_loop3A_235 = arith.constant -5.000000e+00 : f32
      %parallel_loop3A_236 = arith.constant 5.000000e+00 : f32
      %parallel_loop3A_237 = vector.broadcast %parallel_loop3A_235 : f32 to vector<16xf32>
      %parallel_loop3A_238 = arith.maximumf %parallel_loop3A_237, %parallel_loop3A_234 : vector<16xf32>
      %parallel_loop3A_239 = vector.broadcast %parallel_loop3A_236 : f32 to vector<16xf32>
      %parallel_loop3A_240 = arith.minimumf %parallel_loop3A_239, %parallel_loop3A_238 : vector<16xf32>
      %parallel_loop3A_241 = math.exp %parallel_loop3A_240 : vector<16xf32>
      %parallel_loop3A_242 = arith.index_cast %parallel_loop3A_183 : i32 to index
      %parallel_loop3A_243 = arith.constant 80 : index
      %parallel_loop3A_244 = tpu.vector_load %arg16[%parallel_loop3A_242, %parallel_loop3A_243] {strides = array<i32>} : memref<80x128xf32, #tpu.memory_space<vmem>>, vector<16xf32>,
      %parallel_loop3A_245 = arith.mulf %parallel_loop3A_244, %parallel_loop3A_241 : vector<16xf32>
      %parallel_loop3A_246 = arith.index_cast %parallel_loop3A_183 : i32 to index
      %parallel_loop3A_247 = arith.constant 16 : index
      %parallel_loop3A_248 = tpu.vector_load %arg20[%parallel_loop3A_246, %parallel_loop3A_247] {strides = array<i32>} : memref<80x80xf32, #tpu.memory_space<vmem>>, vector<16xf32>,
      tpu.vector_store %arg20[%parallel_loop3A_246, %parallel_loop3A_247], %parallel_loop3A_245 {strides = array<i32>} : memref<80x80xf32, #tpu.memory_space<vmem>>, vector<16xf32>,
      %parallel_loop3A_249 = arith.constant 1 : i32
      %parallel_loop3A_250 = vector.broadcast %parallel_loop3A_249 : i32 to vector<16xi32>
      %parallel_loop3A_251 = arith.cmpi eq, %iota3A, %parallel_loop3A_250 : vector<16xi32>
      %parallel_loop3A_252 = arith.constant 0.000000e+00 : f32
      %parallel_loop3A_253 = vector.broadcast %parallel_loop3A_252 : f32 to vector<16xf32>
      %parallel_loop3A_254 = arith.select %parallel_loop3A_251, %parallel_loop3A_241, %parallel_loop3A_253 : vector<16xi1>, vector<16xf32>
      %parallel_loop3A_255 = arith.addf %parallel_loop3A_220, %parallel_loop3A_254 : vector<16xf32>
      %parallel_loop3A_256 = arith.index_cast %parallel_loop3A_183 : i32 to index
      %parallel_loop3A_257 = arith.constant 32 : index
      %parallel_loop3A_258 = tpu.vector_load %arg16[%parallel_loop3A_256, %parallel_loop3A_257] {strides = array<i32>} : memref<80x128xf32, #tpu.memory_space<vmem>>, vector<16xf32>,
      %parallel_loop3A_259 = arith.index_cast %parallel_loop3A_183 : i32 to index
      %parallel_loop3A_260 = arith.constant 32 : index
      %parallel_loop3A_261 = tpu.vector_load %arg18[%parallel_loop3A_259, %parallel_loop3A_260] {strides = array<i32>} : memref<80x64xf32, #tpu.memory_space<vmem>>, vector<16xf32>,
      %parallel_loop3A_262 = arith.mulf %parallel_loop3A_258, %parallel_loop3A_261 : vector<16xf32>
      %parallel_loop3A_263 = arith.constant true
      %parallel_loop3A_264 = vector.broadcast %parallel_loop3A_263 : i1 to vector<16xi1>
      %parallel_loop3A_265 = tpu.scan <sum>, %parallel_loop3A_262 masked %parallel_loop3A_264 : vector<16xf32>, vector<16xi1> -> vector<16xf32>
      %parallel_loop3A_266 = vector.extract %parallel_loop3A_265[15] : f32 from vector<16xf32>
      %parallel_loop3A_267 = arith.constant 2.500000e-01 : f32
      %parallel_loop3A_268 = arith.mulf %parallel_loop3A_266, %parallel_loop3A_267 : f32
      %parallel_loop3A_269 = vector.broadcast %parallel_loop3A_268 : f32 to vector<16xf32>
      %parallel_loop3A_270 = arith.constant -5.000000e+00 : f32
      %parallel_loop3A_271 = arith.constant 5.000000e+00 : f32
      %parallel_loop3A_272 = vector.broadcast %parallel_loop3A_270 : f32 to vector<16xf32>
      %parallel_loop3A_273 = arith.maximumf %parallel_loop3A_272, %parallel_loop3A_269 : vector<16xf32>
      %parallel_loop3A_274 = vector.broadcast %parallel_loop3A_271 : f32 to vector<16xf32>
      %parallel_loop3A_275 = arith.minimumf %parallel_loop3A_274, %parallel_loop3A_273 : vector<16xf32>
      %parallel_loop3A_276 = math.exp %parallel_loop3A_275 : vector<16xf32>
      %parallel_loop3A_277 = arith.index_cast %parallel_loop3A_183 : i32 to index
      %parallel_loop3A_278 = arith.constant 96 : index
      %parallel_loop3A_279 = tpu.vector_load %arg16[%parallel_loop3A_277, %parallel_loop3A_278] {strides = array<i32>} : memref<80x128xf32, #tpu.memory_space<vmem>>, vector<16xf32>,
      %parallel_loop3A_280 = arith.mulf %parallel_loop3A_279, %parallel_loop3A_276 : vector<16xf32>
      %parallel_loop3A_281 = arith.index_cast %parallel_loop3A_183 : i32 to index
      %parallel_loop3A_282 = arith.constant 32 : index
      %parallel_loop3A_283 = tpu.vector_load %arg20[%parallel_loop3A_281, %parallel_loop3A_282] {strides = array<i32>} : memref<80x80xf32, #tpu.memory_space<vmem>>, vector<16xf32>,
      tpu.vector_store %arg20[%parallel_loop3A_281, %parallel_loop3A_282], %parallel_loop3A_280 {strides = array<i32>} : memref<80x80xf32, #tpu.memory_space<vmem>>, vector<16xf32>,
      %parallel_loop3A_284 = arith.constant 2 : i32
      %parallel_loop3A_285 = vector.broadcast %parallel_loop3A_284 : i32 to vector<16xi32>
      %parallel_loop3A_286 = arith.cmpi eq, %iota3A, %parallel_loop3A_285 : vector<16xi32>
      %parallel_loop3A_287 = arith.constant 0.000000e+00 : f32
      %parallel_loop3A_288 = vector.broadcast %parallel_loop3A_287 : f32 to vector<16xf32>
      %parallel_loop3A_289 = arith.select %parallel_loop3A_286, %parallel_loop3A_276, %parallel_loop3A_288 : vector<16xi1>, vector<16xf32>
      %parallel_loop3A_290 = arith.addf %parallel_loop3A_255, %parallel_loop3A_289 : vector<16xf32>
      %parallel_loop3A_291 = arith.index_cast %parallel_loop3A_183 : i32 to index
      %parallel_loop3A_292 = arith.constant 48 : index
      %parallel_loop3A_293 = tpu.vector_load %arg16[%parallel_loop3A_291, %parallel_loop3A_292] {strides = array<i32>} : memref<80x128xf32, #tpu.memory_space<vmem>>, vector<16xf32>,
      %parallel_loop3A_294 = arith.index_cast %parallel_loop3A_183 : i32 to index
      %parallel_loop3A_295 = arith.constant 48 : index
      %parallel_loop3A_296 = tpu.vector_load %arg18[%parallel_loop3A_294, %parallel_loop3A_295] {strides = array<i32>} : memref<80x64xf32, #tpu.memory_space<vmem>>, vector<16xf32>,
      %parallel_loop3A_297 = arith.mulf %parallel_loop3A_293, %parallel_loop3A_296 : vector<16xf32>
      %parallel_loop3A_298 = arith.constant true
      %parallel_loop3A_299 = vector.broadcast %parallel_loop3A_298 : i1 to vector<16xi1>
      %parallel_loop3A_300 = tpu.scan <sum>, %parallel_loop3A_297 masked %parallel_loop3A_299 : vector<16xf32>, vector<16xi1> -> vector<16xf32>
      %parallel_loop3A_301 = vector.extract %parallel_loop3A_300[15] : f32 from vector<16xf32>
      %parallel_loop3A_302 = arith.constant 2.500000e-01 : f32
      %parallel_loop3A_303 = arith.mulf %parallel_loop3A_301, %parallel_loop3A_302 : f32
      %parallel_loop3A_304 = vector.broadcast %parallel_loop3A_303 : f32 to vector<16xf32>
      %parallel_loop3A_305 = arith.constant -5.000000e+00 : f32
      %parallel_loop3A_306 = arith.constant 5.000000e+00 : f32
      %parallel_loop3A_307 = vector.broadcast %parallel_loop3A_305 : f32 to vector<16xf32>
      %parallel_loop3A_308 = arith.maximumf %parallel_loop3A_307, %parallel_loop3A_304 : vector<16xf32>
      %parallel_loop3A_309 = vector.broadcast %parallel_loop3A_306 : f32 to vector<16xf32>
      %parallel_loop3A_310 = arith.minimumf %parallel_loop3A_309, %parallel_loop3A_308 : vector<16xf32>
      %parallel_loop3A_311 = math.exp %parallel_loop3A_310 : vector<16xf32>
      %parallel_loop3A_312 = arith.index_cast %parallel_loop3A_183 : i32 to index
      %parallel_loop3A_313 = arith.constant 112 : index
      %parallel_loop3A_314 = tpu.vector_load %arg16[%parallel_loop3A_312, %parallel_loop3A_313] {strides = array<i32>} : memref<80x128xf32, #tpu.memory_space<vmem>>, vector<16xf32>,
      %parallel_loop3A_315 = arith.mulf %parallel_loop3A_314, %parallel_loop3A_311 : vector<16xf32>
      %parallel_loop3A_316 = arith.index_cast %parallel_loop3A_183 : i32 to index
      %parallel_loop3A_317 = arith.constant 48 : index
      %parallel_loop3A_318 = tpu.vector_load %arg20[%parallel_loop3A_316, %parallel_loop3A_317] {strides = array<i32>} : memref<80x80xf32, #tpu.memory_space<vmem>>, vector<16xf32>,
      tpu.vector_store %arg20[%parallel_loop3A_316, %parallel_loop3A_317], %parallel_loop3A_315 {strides = array<i32>} : memref<80x80xf32, #tpu.memory_space<vmem>>, vector<16xf32>,
      %parallel_loop3A_319 = arith.constant 3 : i32
      %parallel_loop3A_320 = vector.broadcast %parallel_loop3A_319 : i32 to vector<16xi32>
      %parallel_loop3A_321 = arith.cmpi eq, %iota3A, %parallel_loop3A_320 : vector<16xi32>
      %parallel_loop3A_322 = arith.constant 0.000000e+00 : f32
      %parallel_loop3A_323 = vector.broadcast %parallel_loop3A_322 : f32 to vector<16xf32>
      %parallel_loop3A_324 = arith.select %parallel_loop3A_321, %parallel_loop3A_311, %parallel_loop3A_323 : vector<16xi1>, vector<16xf32>
      %parallel_loop3A_325 = arith.addf %parallel_loop3A_290, %parallel_loop3A_324 : vector<16xf32>
      %parallel_loop3A_326 = arith.index_cast %parallel_loop3A_183 : i32 to index
      %parallel_loop3A_327 = arith.constant 64 : index
      %parallel_loop3A_328 = tpu.vector_load %arg20[%parallel_loop3A_326, %parallel_loop3A_327] {strides = array<i32>} : memref<80x80xf32, #tpu.memory_space<vmem>>, vector<16xf32>,
      tpu.vector_store %arg20[%parallel_loop3A_326, %parallel_loop3A_327], %parallel_loop3A_325 {strides = array<i32>} : memref<80x80xf32, #tpu.memory_space<vmem>>, vector<16xf32>,
    } {sc.loop_unroll_factor = 4 : i64, sc.parallel_access}
    "tpu.region"() ({
      %run_scoped3A = tpu.sem_alloc : memref<!tpu.dma_semaphore, #tpu.memory_space<semaphore_mem>>
      %dma_start3A_183 = arith.constant 0 : i32
      %dma_start3A_184 = arith.constant 0 : i32
      %dma_start3A_185 = tpu.memref_slice %arg21[%dma_start3A_183, %dma_start3A_184] : memref<10240x80xf32, #tpu.memory_space<vmem_shared>> -> memref<10240x80xf32, #tpu.memory_space<vmem_shared>>
      tpu.enqueue_indirect_dma source(%arg20 : memref<80x80xf32, #tpu.memory_space<vmem>>) target(%dma_start3A_185 : memref<10240x80xf32, #tpu.memory_space<vmem_shared>>) offsets(%arg10 : memref<80xi32, #tpu.memory_space<vmem>>) semaphore(%run_scoped3A : memref<!tpu.dma_semaphore, #tpu.memory_space<semaphore_mem>>) {add = true}
      %dma_wait3A_186 = arith.constant 0 : i32
      %dma_wait3A_187 = arith.constant 0 : i32
      %dma_wait3A_188 = tpu.memref_slice %arg21[%dma_wait3A_186, %dma_wait3A_187] : memref<10240x80xf32, #tpu.memory_space<vmem_shared>> -> memref<10240x80xf32, #tpu.memory_space<vmem_shared>>
      tpu.wait_indirect_dma semaphore(%run_scoped3A : memref<!tpu.dma_semaphore, #tpu.memory_space<semaphore_mem>>) src(%arg20 : memref<80x80xf32, #tpu.memory_space<vmem>>) dst(%dma_wait3A_188 : memref<10240x80xf32, #tpu.memory_space<vmem_shared>>)
      tpu.yield
    }) : () -> ()
    %dma_wait3A_170 = arith.constant 0 : i32
    %dma_wait3A_171 = arith.constant 0 : i32
    %dma_wait3A_172 = tpu.memref_slice %arg2[%dma_wait3A_170, %dma_wait3A_171] : memref<20000x128xf32, #tpu.memory_space<hbm>> -> memref<20000x128xf32, #tpu.memory_space<hbm>>
    tpu.wait_indirect_dma semaphore(%arg23 : memref<!tpu.dma_semaphore, #tpu.memory_space<semaphore_mem>>) src(%dma_wait3A_172 : memref<20000x128xf32, #tpu.memory_space<hbm>>) dst(%arg17 : memref<80x128xf32, #tpu.memory_space<vmem>>)
    %dma_wait3A_173 = arith.constant 0 : i32
    %dma_wait3A_174 = arith.constant 0 : i32
    %dma_wait3A_175 = tpu.memref_slice %arg3[%dma_wait3A_173, %dma_wait3A_174] : memref<20000x64xf32, #tpu.memory_space<hbm>> -> memref<20000x64xf32, #tpu.memory_space<hbm>>
    tpu.wait_indirect_dma semaphore(%arg23 : memref<!tpu.dma_semaphore, #tpu.memory_space<semaphore_mem>>) src(%dma_wait3A_175 : memref<20000x64xf32, #tpu.memory_space<hbm>>) dst(%arg19 : memref<80x64xf32, #tpu.memory_space<vmem>>)
    %parallel_loop3A_176 = arith.constant 0 : i32
    %parallel_loop3A_177 = arith.constant 80 : i32
    %parallel_loop3A_178 = arith.constant 1 : i32
    scf.for %parallel_loop3A_183 = %parallel_loop3A_176 to %parallel_loop3A_177 step %parallel_loop3A_178  : i32 {
      %parallel_loop3A_184 = arith.constant 0.000000e+00 : f32
      %parallel_loop3A_185 = vector.broadcast %parallel_loop3A_184 : f32 to vector<16xf32>
      %parallel_loop3A_186 = arith.index_cast %parallel_loop3A_183 : i32 to index
      %parallel_loop3A_187 = arith.constant 0 : index
      %parallel_loop3A_188 = tpu.vector_load %arg17[%parallel_loop3A_186, %parallel_loop3A_187] {strides = array<i32>} : memref<80x128xf32, #tpu.memory_space<vmem>>, vector<16xf32>,
      %parallel_loop3A_189 = arith.index_cast %parallel_loop3A_183 : i32 to index
      %parallel_loop3A_190 = arith.constant 0 : index
      %parallel_loop3A_191 = tpu.vector_load %arg19[%parallel_loop3A_189, %parallel_loop3A_190] {strides = array<i32>} : memref<80x64xf32, #tpu.memory_space<vmem>>, vector<16xf32>,
      %parallel_loop3A_192 = arith.mulf %parallel_loop3A_188, %parallel_loop3A_191 : vector<16xf32>
      %parallel_loop3A_193 = arith.constant true
      %parallel_loop3A_194 = vector.broadcast %parallel_loop3A_193 : i1 to vector<16xi1>
      %parallel_loop3A_195 = tpu.scan <sum>, %parallel_loop3A_192 masked %parallel_loop3A_194 : vector<16xf32>, vector<16xi1> -> vector<16xf32>
      %parallel_loop3A_196 = vector.extract %parallel_loop3A_195[15] : f32 from vector<16xf32>
      %parallel_loop3A_197 = arith.constant 2.500000e-01 : f32
      %parallel_loop3A_198 = arith.mulf %parallel_loop3A_196, %parallel_loop3A_197 : f32
      %parallel_loop3A_199 = vector.broadcast %parallel_loop3A_198 : f32 to vector<16xf32>
      %parallel_loop3A_200 = arith.constant -5.000000e+00 : f32
      %parallel_loop3A_201 = arith.constant 5.000000e+00 : f32
      %parallel_loop3A_202 = vector.broadcast %parallel_loop3A_200 : f32 to vector<16xf32>
      %parallel_loop3A_203 = arith.maximumf %parallel_loop3A_202, %parallel_loop3A_199 : vector<16xf32>
      %parallel_loop3A_204 = vector.broadcast %parallel_loop3A_201 : f32 to vector<16xf32>
      %parallel_loop3A_205 = arith.minimumf %parallel_loop3A_204, %parallel_loop3A_203 : vector<16xf32>
      %parallel_loop3A_206 = math.exp %parallel_loop3A_205 : vector<16xf32>
      %parallel_loop3A_207 = arith.index_cast %parallel_loop3A_183 : i32 to index
      %parallel_loop3A_208 = arith.constant 64 : index
      %parallel_loop3A_209 = tpu.vector_load %arg17[%parallel_loop3A_207, %parallel_loop3A_208] {strides = array<i32>} : memref<80x128xf32, #tpu.memory_space<vmem>>, vector<16xf32>,
      %parallel_loop3A_210 = arith.mulf %parallel_loop3A_209, %parallel_loop3A_206 : vector<16xf32>
      %parallel_loop3A_211 = arith.index_cast %parallel_loop3A_183 : i32 to index
      %parallel_loop3A_212 = arith.constant 0 : index
      %parallel_loop3A_213 = tpu.vector_load %arg20[%parallel_loop3A_211, %parallel_loop3A_212] {strides = array<i32>} : memref<80x80xf32, #tpu.memory_space<vmem>>, vector<16xf32>,
      tpu.vector_store %arg20[%parallel_loop3A_211, %parallel_loop3A_212], %parallel_loop3A_210 {strides = array<i32>} : memref<80x80xf32, #tpu.memory_space<vmem>>, vector<16xf32>,
      %parallel_loop3A_214 = arith.constant 0 : i32
      %parallel_loop3A_215 = vector.broadcast %parallel_loop3A_214 : i32 to vector<16xi32>
      %parallel_loop3A_216 = arith.cmpi eq, %iota3A, %parallel_loop3A_215 : vector<16xi32>
      %parallel_loop3A_217 = arith.constant 0.000000e+00 : f32
      %parallel_loop3A_218 = vector.broadcast %parallel_loop3A_217 : f32 to vector<16xf32>
      %parallel_loop3A_219 = arith.select %parallel_loop3A_216, %parallel_loop3A_206, %parallel_loop3A_218 : vector<16xi1>, vector<16xf32>
      %parallel_loop3A_220 = arith.addf %parallel_loop3A_185, %parallel_loop3A_219 : vector<16xf32>
      %parallel_loop3A_221 = arith.index_cast %parallel_loop3A_183 : i32 to index
      %parallel_loop3A_222 = arith.constant 16 : index
      %parallel_loop3A_223 = tpu.vector_load %arg17[%parallel_loop3A_221, %parallel_loop3A_222] {strides = array<i32>} : memref<80x128xf32, #tpu.memory_space<vmem>>, vector<16xf32>,
      %parallel_loop3A_224 = arith.index_cast %parallel_loop3A_183 : i32 to index
      %parallel_loop3A_225 = arith.constant 16 : index
      %parallel_loop3A_226 = tpu.vector_load %arg19[%parallel_loop3A_224, %parallel_loop3A_225] {strides = array<i32>} : memref<80x64xf32, #tpu.memory_space<vmem>>, vector<16xf32>,
      %parallel_loop3A_227 = arith.mulf %parallel_loop3A_223, %parallel_loop3A_226 : vector<16xf32>
      %parallel_loop3A_228 = arith.constant true
      %parallel_loop3A_229 = vector.broadcast %parallel_loop3A_228 : i1 to vector<16xi1>
      %parallel_loop3A_230 = tpu.scan <sum>, %parallel_loop3A_227 masked %parallel_loop3A_229 : vector<16xf32>, vector<16xi1> -> vector<16xf32>
      %parallel_loop3A_231 = vector.extract %parallel_loop3A_230[15] : f32 from vector<16xf32>
      %parallel_loop3A_232 = arith.constant 2.500000e-01 : f32
      %parallel_loop3A_233 = arith.mulf %parallel_loop3A_231, %parallel_loop3A_232 : f32
      %parallel_loop3A_234 = vector.broadcast %parallel_loop3A_233 : f32 to vector<16xf32>
      %parallel_loop3A_235 = arith.constant -5.000000e+00 : f32
      %parallel_loop3A_236 = arith.constant 5.000000e+00 : f32
      %parallel_loop3A_237 = vector.broadcast %parallel_loop3A_235 : f32 to vector<16xf32>
      %parallel_loop3A_238 = arith.maximumf %parallel_loop3A_237, %parallel_loop3A_234 : vector<16xf32>
      %parallel_loop3A_239 = vector.broadcast %parallel_loop3A_236 : f32 to vector<16xf32>
      %parallel_loop3A_240 = arith.minimumf %parallel_loop3A_239, %parallel_loop3A_238 : vector<16xf32>
      %parallel_loop3A_241 = math.exp %parallel_loop3A_240 : vector<16xf32>
      %parallel_loop3A_242 = arith.index_cast %parallel_loop3A_183 : i32 to index
      %parallel_loop3A_243 = arith.constant 80 : index
      %parallel_loop3A_244 = tpu.vector_load %arg17[%parallel_loop3A_242, %parallel_loop3A_243] {strides = array<i32>} : memref<80x128xf32, #tpu.memory_space<vmem>>, vector<16xf32>,
      %parallel_loop3A_245 = arith.mulf %parallel_loop3A_244, %parallel_loop3A_241 : vector<16xf32>
      %parallel_loop3A_246 = arith.index_cast %parallel_loop3A_183 : i32 to index
      %parallel_loop3A_247 = arith.constant 16 : index
      %parallel_loop3A_248 = tpu.vector_load %arg20[%parallel_loop3A_246, %parallel_loop3A_247] {strides = array<i32>} : memref<80x80xf32, #tpu.memory_space<vmem>>, vector<16xf32>,
      tpu.vector_store %arg20[%parallel_loop3A_246, %parallel_loop3A_247], %parallel_loop3A_245 {strides = array<i32>} : memref<80x80xf32, #tpu.memory_space<vmem>>, vector<16xf32>,
      %parallel_loop3A_249 = arith.constant 1 : i32
      %parallel_loop3A_250 = vector.broadcast %parallel_loop3A_249 : i32 to vector<16xi32>
      %parallel_loop3A_251 = arith.cmpi eq, %iota3A, %parallel_loop3A_250 : vector<16xi32>
      %parallel_loop3A_252 = arith.constant 0.000000e+00 : f32
      %parallel_loop3A_253 = vector.broadcast %parallel_loop3A_252 : f32 to vector<16xf32>
      %parallel_loop3A_254 = arith.select %parallel_loop3A_251, %parallel_loop3A_241, %parallel_loop3A_253 : vector<16xi1>, vector<16xf32>
      %parallel_loop3A_255 = arith.addf %parallel_loop3A_220, %parallel_loop3A_254 : vector<16xf32>
      %parallel_loop3A_256 = arith.index_cast %parallel_loop3A_183 : i32 to index
      %parallel_loop3A_257 = arith.constant 32 : index
      %parallel_loop3A_258 = tpu.vector_load %arg17[%parallel_loop3A_256, %parallel_loop3A_257] {strides = array<i32>} : memref<80x128xf32, #tpu.memory_space<vmem>>, vector<16xf32>,
      %parallel_loop3A_259 = arith.index_cast %parallel_loop3A_183 : i32 to index
      %parallel_loop3A_260 = arith.constant 32 : index
      %parallel_loop3A_261 = tpu.vector_load %arg19[%parallel_loop3A_259, %parallel_loop3A_260] {strides = array<i32>} : memref<80x64xf32, #tpu.memory_space<vmem>>, vector<16xf32>,
      %parallel_loop3A_262 = arith.mulf %parallel_loop3A_258, %parallel_loop3A_261 : vector<16xf32>
      %parallel_loop3A_263 = arith.constant true
      %parallel_loop3A_264 = vector.broadcast %parallel_loop3A_263 : i1 to vector<16xi1>
      %parallel_loop3A_265 = tpu.scan <sum>, %parallel_loop3A_262 masked %parallel_loop3A_264 : vector<16xf32>, vector<16xi1> -> vector<16xf32>
      %parallel_loop3A_266 = vector.extract %parallel_loop3A_265[15] : f32 from vector<16xf32>
      %parallel_loop3A_267 = arith.constant 2.500000e-01 : f32
      %parallel_loop3A_268 = arith.mulf %parallel_loop3A_266, %parallel_loop3A_267 : f32
      %parallel_loop3A_269 = vector.broadcast %parallel_loop3A_268 : f32 to vector<16xf32>
      %parallel_loop3A_270 = arith.constant -5.000000e+00 : f32
      %parallel_loop3A_271 = arith.constant 5.000000e+00 : f32
      %parallel_loop3A_272 = vector.broadcast %parallel_loop3A_270 : f32 to vector<16xf32>
      %parallel_loop3A_273 = arith.maximumf %parallel_loop3A_272, %parallel_loop3A_269 : vector<16xf32>
      %parallel_loop3A_274 = vector.broadcast %parallel_loop3A_271 : f32 to vector<16xf32>
      %parallel_loop3A_275 = arith.minimumf %parallel_loop3A_274, %parallel_loop3A_273 : vector<16xf32>
      %parallel_loop3A_276 = math.exp %parallel_loop3A_275 : vector<16xf32>
      %parallel_loop3A_277 = arith.index_cast %parallel_loop3A_183 : i32 to index
      %parallel_loop3A_278 = arith.constant 96 : index
      %parallel_loop3A_279 = tpu.vector_load %arg17[%parallel_loop3A_277, %parallel_loop3A_278] {strides = array<i32>} : memref<80x128xf32, #tpu.memory_space<vmem>>, vector<16xf32>,
      %parallel_loop3A_280 = arith.mulf %parallel_loop3A_279, %parallel_loop3A_276 : vector<16xf32>
      %parallel_loop3A_281 = arith.index_cast %parallel_loop3A_183 : i32 to index
      %parallel_loop3A_282 = arith.constant 32 : index
      %parallel_loop3A_283 = tpu.vector_load %arg20[%parallel_loop3A_281, %parallel_loop3A_282] {strides = array<i32>} : memref<80x80xf32, #tpu.memory_space<vmem>>, vector<16xf32>,
      tpu.vector_store %arg20[%parallel_loop3A_281, %parallel_loop3A_282], %parallel_loop3A_280 {strides = array<i32>} : memref<80x80xf32, #tpu.memory_space<vmem>>, vector<16xf32>,
      %parallel_loop3A_284 = arith.constant 2 : i32
      %parallel_loop3A_285 = vector.broadcast %parallel_loop3A_284 : i32 to vector<16xi32>
      %parallel_loop3A_286 = arith.cmpi eq, %iota3A, %parallel_loop3A_285 : vector<16xi32>
      %parallel_loop3A_287 = arith.constant 0.000000e+00 : f32
      %parallel_loop3A_288 = vector.broadcast %parallel_loop3A_287 : f32 to vector<16xf32>
      %parallel_loop3A_289 = arith.select %parallel_loop3A_286, %parallel_loop3A_276, %parallel_loop3A_288 : vector<16xi1>, vector<16xf32>
      %parallel_loop3A_290 = arith.addf %parallel_loop3A_255, %parallel_loop3A_289 : vector<16xf32>
      %parallel_loop3A_291 = arith.index_cast %parallel_loop3A_183 : i32 to index
      %parallel_loop3A_292 = arith.constant 48 : index
      %parallel_loop3A_293 = tpu.vector_load %arg17[%parallel_loop3A_291, %parallel_loop3A_292] {strides = array<i32>} : memref<80x128xf32, #tpu.memory_space<vmem>>, vector<16xf32>,
      %parallel_loop3A_294 = arith.index_cast %parallel_loop3A_183 : i32 to index
      %parallel_loop3A_295 = arith.constant 48 : index
      %parallel_loop3A_296 = tpu.vector_load %arg19[%parallel_loop3A_294, %parallel_loop3A_295] {strides = array<i32>} : memref<80x64xf32, #tpu.memory_space<vmem>>, vector<16xf32>,
      %parallel_loop3A_297 = arith.mulf %parallel_loop3A_293, %parallel_loop3A_296 : vector<16xf32>
      %parallel_loop3A_298 = arith.constant true
      %parallel_loop3A_299 = vector.broadcast %parallel_loop3A_298 : i1 to vector<16xi1>
      %parallel_loop3A_300 = tpu.scan <sum>, %parallel_loop3A_297 masked %parallel_loop3A_299 : vector<16xf32>, vector<16xi1> -> vector<16xf32>
      %parallel_loop3A_301 = vector.extract %parallel_loop3A_300[15] : f32 from vector<16xf32>
      %parallel_loop3A_302 = arith.constant 2.500000e-01 : f32
      %parallel_loop3A_303 = arith.mulf %parallel_loop3A_301, %parallel_loop3A_302 : f32
      %parallel_loop3A_304 = vector.broadcast %parallel_loop3A_303 : f32 to vector<16xf32>
      %parallel_loop3A_305 = arith.constant -5.000000e+00 : f32
      %parallel_loop3A_306 = arith.constant 5.000000e+00 : f32
      %parallel_loop3A_307 = vector.broadcast %parallel_loop3A_305 : f32 to vector<16xf32>
      %parallel_loop3A_308 = arith.maximumf %parallel_loop3A_307, %parallel_loop3A_304 : vector<16xf32>
      %parallel_loop3A_309 = vector.broadcast %parallel_loop3A_306 : f32 to vector<16xf32>
      %parallel_loop3A_310 = arith.minimumf %parallel_loop3A_309, %parallel_loop3A_308 : vector<16xf32>
      %parallel_loop3A_311 = math.exp %parallel_loop3A_310 : vector<16xf32>
      %parallel_loop3A_312 = arith.index_cast %parallel_loop3A_183 : i32 to index
      %parallel_loop3A_313 = arith.constant 112 : index
      %parallel_loop3A_314 = tpu.vector_load %arg17[%parallel_loop3A_312, %parallel_loop3A_313] {strides = array<i32>} : memref<80x128xf32, #tpu.memory_space<vmem>>, vector<16xf32>,
      %parallel_loop3A_315 = arith.mulf %parallel_loop3A_314, %parallel_loop3A_311 : vector<16xf32>
      %parallel_loop3A_316 = arith.index_cast %parallel_loop3A_183 : i32 to index
      %parallel_loop3A_317 = arith.constant 48 : index
      %parallel_loop3A_318 = tpu.vector_load %arg20[%parallel_loop3A_316, %parallel_loop3A_317] {strides = array<i32>} : memref<80x80xf32, #tpu.memory_space<vmem>>, vector<16xf32>,
      tpu.vector_store %arg20[%parallel_loop3A_316, %parallel_loop3A_317], %parallel_loop3A_315 {strides = array<i32>} : memref<80x80xf32, #tpu.memory_space<vmem>>, vector<16xf32>,
      %parallel_loop3A_319 = arith.constant 3 : i32
      %parallel_loop3A_320 = vector.broadcast %parallel_loop3A_319 : i32 to vector<16xi32>
      %parallel_loop3A_321 = arith.cmpi eq, %iota3A, %parallel_loop3A_320 : vector<16xi32>
      %parallel_loop3A_322 = arith.constant 0.000000e+00 : f32
      %parallel_loop3A_323 = vector.broadcast %parallel_loop3A_322 : f32 to vector<16xf32>
      %parallel_loop3A_324 = arith.select %parallel_loop3A_321, %parallel_loop3A_311, %parallel_loop3A_323 : vector<16xi1>, vector<16xf32>
      %parallel_loop3A_325 = arith.addf %parallel_loop3A_290, %parallel_loop3A_324 : vector<16xf32>
      %parallel_loop3A_326 = arith.index_cast %parallel_loop3A_183 : i32 to index
      %parallel_loop3A_327 = arith.constant 64 : index
      %parallel_loop3A_328 = tpu.vector_load %arg20[%parallel_loop3A_326, %parallel_loop3A_327] {strides = array<i32>} : memref<80x80xf32, #tpu.memory_space<vmem>>, vector<16xf32>,
      tpu.vector_store %arg20[%parallel_loop3A_326, %parallel_loop3A_327], %parallel_loop3A_325 {strides = array<i32>} : memref<80x80xf32, #tpu.memory_space<vmem>>, vector<16xf32>,
    } {sc.loop_unroll_factor = 4 : i64, sc.parallel_access}
    "tpu.region"() ({
      %run_scoped3A = tpu.sem_alloc : memref<!tpu.dma_semaphore, #tpu.memory_space<semaphore_mem>>
      %dma_start3A_183 = arith.constant 0 : i32
      %dma_start3A_184 = arith.constant 0 : i32
      %dma_start3A_185 = tpu.memref_slice %arg21[%dma_start3A_183, %dma_start3A_184] : memref<10240x80xf32, #tpu.memory_space<vmem_shared>> -> memref<10240x80xf32, #tpu.memory_space<vmem_shared>>
      tpu.enqueue_indirect_dma source(%arg20 : memref<80x80xf32, #tpu.memory_space<vmem>>) target(%dma_start3A_185 : memref<10240x80xf32, #tpu.memory_space<vmem_shared>>) offsets(%arg11 : memref<80xi32, #tpu.memory_space<vmem>>) semaphore(%run_scoped3A : memref<!tpu.dma_semaphore, #tpu.memory_space<semaphore_mem>>) {add = true}
      %dma_wait3A_186 = arith.constant 0 : i32
      %dma_wait3A_187 = arith.constant 0 : i32
      %dma_wait3A_188 = tpu.memref_slice %arg21[%dma_wait3A_186, %dma_wait3A_187] : memref<10240x80xf32, #tpu.memory_space<vmem_shared>> -> memref<10240x80xf32, #tpu.memory_space<vmem_shared>>
      tpu.wait_indirect_dma semaphore(%run_scoped3A : memref<!tpu.dma_semaphore, #tpu.memory_space<semaphore_mem>>) src(%arg20 : memref<80x80xf32, #tpu.memory_space<vmem>>) dst(%dma_wait3A_188 : memref<10240x80xf32, #tpu.memory_space<vmem_shared>>)
      tpu.yield
    }) : () -> ()
    %barrier3A_179 = arith.constant 0 : index
    tpu.barrier barrier_id(%barrier3A_179)
    %mul3A_180 = arith.constant 640 : i32
    %mul3A_181 = arith.muli %arg1, %mul3A_180 : i32
    %multiple_of3A_182 = tpu.assume_multiple %mul3A_181, 8 : i32
    "tpu.region"() ({
      %run_scoped3A = tpu.sem_alloc : memref<!tpu.dma_semaphore, #tpu.memory_space<semaphore_mem>>
      %dma_start3A_183 = arith.constant 0 : i32
      %dma_start3A_184 = tpu.memref_slice %arg7[%arg0, %multiple_of3A_182, %dma_start3A_183] : memref<2x10240x80xf32, #tpu.memory_space<hbm>> -> memref<1x640x80xf32, #tpu.memory_space<hbm>>
      %dma_start3A_185 = tpu.memref_squeeze %dma_start3A_184 : memref<1x640x80xf32, #tpu.memory_space<hbm>> -> memref<640x80xf32, #tpu.memory_space<hbm>>
      %dma_start3A_186 = arith.constant 0 : i32
      %dma_start3A_187 = tpu.memref_slice %arg21[%multiple_of3A_182, %dma_start3A_186] : memref<10240x80xf32, #tpu.memory_space<vmem_shared>> -> memref<640x80xf32, #tpu.memory_space<vmem_shared>>
      tpu.enqueue_dma source(%dma_start3A_187 : memref<640x80xf32, #tpu.memory_space<vmem_shared>>) target(%dma_start3A_185 : memref<640x80xf32, #tpu.memory_space<hbm>>) target_semaphore(%run_scoped3A : memref<!tpu.dma_semaphore, #tpu.memory_space<semaphore_mem>>)
      %dma_wait3A_188 = arith.constant 0 : i32
      %dma_wait3A_189 = tpu.memref_slice %arg7[%arg0, %multiple_of3A_182, %dma_wait3A_188] : memref<2x10240x80xf32, #tpu.memory_space<hbm>> -> memref<1x640x80xf32, #tpu.memory_space<hbm>>
      %dma_wait3A_190 = tpu.memref_squeeze %dma_wait3A_189 : memref<1x640x80xf32, #tpu.memory_space<hbm>> -> memref<640x80xf32, #tpu.memory_space<hbm>>
      %dma_wait3A_191 = arith.constant 0 : i32
      %dma_wait3A_192 = tpu.memref_slice %arg21[%multiple_of3A_182, %dma_wait3A_191] : memref<10240x80xf32, #tpu.memory_space<vmem_shared>> -> memref<640x80xf32, #tpu.memory_space<vmem_shared>>
      tpu.wait_dma2 semaphore(%run_scoped3A : memref<!tpu.dma_semaphore, #tpu.memory_space<semaphore_mem>>) src(%dma_wait3A_192 : memref<640x80xf32, #tpu.memory_space<vmem_shared>>) dst(%dma_wait3A_190 : memref<640x80xf32, #tpu.memory_space<hbm>>)
      tpu.yield
    }) : () -> ()
    return
  }
}

module attributes {stable_mosaic.version = 14 : i64} {
  func.func @_proj_body(%arg0: i32, %arg1: memref<400x128xf32, #tpu.memory_space<vmem>>, %arg2: memref<128x128xf32, #tpu.memory_space<vmem>>, %arg3: memref<128x256xf32, #tpu.memory_space<vmem>>, %arg4: memref<1x128xf32, #tpu.memory_space<vmem>>, %arg5: memref<1x256xf32, #tpu.memory_space<vmem>>, %arg6: memref<400x128xf32, #tpu.memory_space<vmem>>, %arg7: memref<400x256xf32, #tpu.memory_space<vmem>>) attributes {dimension_semantics = [#tpu.dimension_semantics<arbitrary>], iteration_bounds = array<i64: 25>, scalar_prefetch = 0 : i64, scratch_operands = 0 : i64, tpu.core_type = #tpu.core_type<tc>, window_params = [{transform_indices = @transform_0, window_bounds = array<i64: 400, 128>}, {pipeline_mode = #tpu.pipeline_mode<synchronous>, transform_indices = @transform_1, window_bounds = array<i64: 128, 128>}, {pipeline_mode = #tpu.pipeline_mode<synchronous>, transform_indices = @transform_2, window_bounds = array<i64: 128, 256>}, {pipeline_mode = #tpu.pipeline_mode<synchronous>, transform_indices = @transform_3, window_bounds = array<i64: 1, 128>}, {pipeline_mode = #tpu.pipeline_mode<synchronous>, transform_indices = @transform_4, window_bounds = array<i64: 1, 256>}, {transform_indices = @transform_5, window_bounds = array<i64: 400, 128>}, {transform_indices = @transform_6, window_bounds = array<i64: 400, 256>}]} {
    %get3A = arith.constant 0 : index
    %get3A_0 = arith.constant 0 : index
    %get3A_1 = vector.load %arg1[%get3A, %get3A_0] : memref<400x128xf32, #tpu.memory_space<vmem>>, vector<400x128xf32>
    %get3A_2 = arith.constant 0 : index
    %get3A_3 = arith.constant 0 : index
    %get3A_4 = vector.load %arg2[%get3A_2, %get3A_3] : memref<128x128xf32, #tpu.memory_space<vmem>>, vector<128x128xf32>
    %dot_general3A = arith.constant dense<0.000000e+00> : vector<400x128xf32>
    %dot_general3A_5 = tpu.matmul %get3A_1, %get3A_4, %dot_general3A {dimension_numbers = #tpu.dot_dimension_numbers<[1], [0], [0], [1], [0, 0, 1, 1], [], []>, transpose_lhs_hint = false} : vector<400x128xf32>, vector<128x128xf32>, vector<400x128xf32> -> vector<400x128xf32>
    %get3A_6 = arith.constant 0 : index
    %get3A_7 = arith.constant 0 : index
    %get3A_8 = vector.load %arg4[%get3A_6, %get3A_7] : memref<1x128xf32, #tpu.memory_space<vmem>>, vector<1x128xf32>
    %add3A = vector.broadcast %get3A_8 : vector<1x128xf32> to vector<400x128xf32>
    %add3A_9 = arith.addf %dot_general3A_5, %add3A : vector<400x128xf32>
    %swap3A = arith.constant 0 : index
    %swap3A_10 = arith.constant 0 : index
    %swap3A_11 = vector.load %arg6[%swap3A, %swap3A_10] : memref<400x128xf32, #tpu.memory_space<vmem>>, vector<400x128xf32>
    tpu.vector_store %arg6[%swap3A, %swap3A_10], %add3A_9 {strides = array<i32>} : memref<400x128xf32, #tpu.memory_space<vmem>>, vector<400x128xf32>,
    %get3A_12 = arith.constant 0 : index
    %get3A_13 = arith.constant 0 : index
    %get3A_14 = vector.load %arg3[%get3A_12, %get3A_13] : memref<128x256xf32, #tpu.memory_space<vmem>>, vector<128x256xf32>
    %dot_general3A_15 = arith.constant dense<0.000000e+00> : vector<400x256xf32>
    %dot_general3A_16 = tpu.matmul %get3A_1, %get3A_14, %dot_general3A_15 {dimension_numbers = #tpu.dot_dimension_numbers<[1], [0], [0], [1], [0, 0, 1, 1], [], []>, transpose_lhs_hint = false} : vector<400x128xf32>, vector<128x256xf32>, vector<400x256xf32> -> vector<400x256xf32>
    %get3A_17 = arith.constant 0 : index
    %get3A_18 = arith.constant 0 : index
    %get3A_19 = vector.load %arg5[%get3A_17, %get3A_18] : memref<1x256xf32, #tpu.memory_space<vmem>>, vector<1x256xf32>
    %add3A_20 = vector.broadcast %get3A_19 : vector<1x256xf32> to vector<400x256xf32>
    %add3A_21 = arith.addf %dot_general3A_16, %add3A_20 : vector<400x256xf32>
    %swap3A_22 = arith.constant 0 : index
    %swap3A_23 = arith.constant 0 : index
    %swap3A_24 = vector.load %arg7[%swap3A_22, %swap3A_23] : memref<400x256xf32, #tpu.memory_space<vmem>>, vector<400x256xf32>
    tpu.vector_store %arg7[%swap3A_22, %swap3A_23], %add3A_21 {strides = array<i32>} : memref<400x256xf32, #tpu.memory_space<vmem>>, vector<400x256xf32>,
    return
  }
  func.func @transform_0(%arg0: i32) -> (i32, i32) {
    %c0_i32 = arith.constant 0 : i32
    %c0_i32_0 = arith.constant 0 : i32
    return %arg0, %c0_i32 : i32, i32
  }
  func.func @transform_1(%arg0: i32) -> (i32, i32) {
    %c0_i32 = arith.constant 0 : i32
    %c0_i32_0 = arith.constant 0 : i32
    %c0_i32_1 = arith.constant 0 : i32
    return %c0_i32, %c0_i32_0 : i32, i32
  }
  func.func @transform_2(%arg0: i32) -> (i32, i32) {
    %c0_i32 = arith.constant 0 : i32
    %c0_i32_0 = arith.constant 0 : i32
    %c0_i32_1 = arith.constant 0 : i32
    return %c0_i32, %c0_i32_0 : i32, i32
  }
  func.func @transform_3(%arg0: i32) -> (i32, i32) {
    %c0_i32 = arith.constant 0 : i32
    %c0_i32_0 = arith.constant 0 : i32
    %c0_i32_1 = arith.constant 0 : i32
    return %c0_i32, %c0_i32_0 : i32, i32
  }
  func.func @transform_4(%arg0: i32) -> (i32, i32) {
    %c0_i32 = arith.constant 0 : i32
    %c0_i32_0 = arith.constant 0 : i32
    %c0_i32_1 = arith.constant 0 : i32
    return %c0_i32, %c0_i32_0 : i32, i32
  }
  func.func @transform_5(%arg0: i32) -> (i32, i32) {
    %c0_i32 = arith.constant 0 : i32
    %c0_i32_0 = arith.constant 0 : i32
    return %arg0, %c0_i32 : i32, i32
  }
  func.func @transform_6(%arg0: i32) -> (i32, i32) {
    %c0_i32 = arith.constant 0 : i32
    %c0_i32_0 = arith.constant 0 : i32
    return %arg0, %c0_i32 : i32, i32
  }
}

module attributes {stable_mosaic.version = 14 : i64} {
  func.func @_combine_body(%arg0: i32, %arg1: memref<1x400x80xf32, #tpu.memory_space<vmem>>, %arg2: memref<1x400x80xf32, #tpu.memory_space<vmem>>, %arg3: memref<80x128xf32, #tpu.memory_space<vmem>>, %arg4: memref<80x128xf32, #tpu.memory_space<vmem>>, %arg5: memref<80x128xf32, #tpu.memory_space<vmem>>, %arg6: memref<80x128xf32, #tpu.memory_space<vmem>>, %arg7: memref<400x128xf32, #tpu.memory_space<vmem>>) attributes {dimension_semantics = [#tpu.dimension_semantics<arbitrary>], iteration_bounds = array<i64: 25>, scalar_prefetch = 0 : i64, scratch_operands = 0 : i64, tpu.core_type = #tpu.core_type<tc>, window_params = [{transform_indices = @transform_0, window_bounds = array<i64: 1, 400, 80>}, {transform_indices = @transform_1, window_bounds = array<i64: 1, 400, 80>}, {pipeline_mode = #tpu.pipeline_mode<synchronous>, transform_indices = @transform_2, window_bounds = array<i64: 80, 128>}, {pipeline_mode = #tpu.pipeline_mode<synchronous>, transform_indices = @transform_3, window_bounds = array<i64: 80, 128>}, {pipeline_mode = #tpu.pipeline_mode<synchronous>, transform_indices = @transform_4, window_bounds = array<i64: 80, 128>}, {pipeline_mode = #tpu.pipeline_mode<synchronous>, transform_indices = @transform_5, window_bounds = array<i64: 80, 128>}, {transform_indices = @transform_6, window_bounds = array<i64: 400, 128>}]} {
    %get3A = arith.constant 0 : index
    %get3A_0 = arith.constant 0 : index
    %get3A_1 = arith.constant 0 : index
    %get3A_2 = vector.load %arg1[%get3A, %get3A_0, %get3A_1] : memref<1x400x80xf32, #tpu.memory_space<vmem>>, vector<1x400x80xf32>
    %get3A_3 = vector.shape_cast %get3A_2 : vector<1x400x80xf32> to vector<400x80xf32>
    %get3A_4 = arith.constant 0 : index
    %get3A_5 = arith.constant 0 : index
    %get3A_6 = arith.constant 0 : index
    %get3A_7 = vector.load %arg2[%get3A_4, %get3A_5, %get3A_6] : memref<1x400x80xf32, #tpu.memory_space<vmem>>, vector<1x400x80xf32>
    %get3A_8 = vector.shape_cast %get3A_7 : vector<1x400x80xf32> to vector<400x80xf32>
    %get3A_9 = arith.constant 0 : index
    %get3A_10 = arith.constant 0 : index
    %get3A_11 = vector.load %arg3[%get3A_9, %get3A_10] : memref<80x128xf32, #tpu.memory_space<vmem>>, vector<80x128xf32>
    %dot_general3A = arith.constant dense<0.000000e+00> : vector<400x128xf32>
    %dot_general3A_12 = tpu.matmul %get3A_3, %get3A_11, %dot_general3A {dimension_numbers = #tpu.dot_dimension_numbers<[1], [0], [0], [1], [0, 0, 1, 1], [], []>, transpose_lhs_hint = false} : vector<400x80xf32>, vector<80x128xf32>, vector<400x128xf32> -> vector<400x128xf32>
    %get3A_13 = arith.constant 0 : index
    %get3A_14 = arith.constant 0 : index
    %get3A_15 = vector.load %arg4[%get3A_13, %get3A_14] : memref<80x128xf32, #tpu.memory_space<vmem>>, vector<80x128xf32>
    %dot_general3A_16 = arith.constant dense<0.000000e+00> : vector<400x128xf32>
    %dot_general3A_17 = tpu.matmul %get3A_8, %get3A_15, %dot_general3A_16 {dimension_numbers = #tpu.dot_dimension_numbers<[1], [0], [0], [1], [0, 0, 1, 1], [], []>, transpose_lhs_hint = false} : vector<400x80xf32>, vector<80x128xf32>, vector<400x128xf32> -> vector<400x128xf32>
    %add3A = arith.addf %dot_general3A_12, %dot_general3A_17 : vector<400x128xf32>
    %get3A_18 = arith.constant 0 : index
    %get3A_19 = arith.constant 0 : index
    %get3A_20 = vector.load %arg5[%get3A_18, %get3A_19] : memref<80x128xf32, #tpu.memory_space<vmem>>, vector<80x128xf32>
    %dot_general3A_21 = arith.constant dense<0.000000e+00> : vector<400x128xf32>
    %dot_general3A_22 = tpu.matmul %get3A_3, %get3A_20, %dot_general3A_21 {dimension_numbers = #tpu.dot_dimension_numbers<[1], [0], [0], [1], [0, 0, 1, 1], [], []>, transpose_lhs_hint = false} : vector<400x80xf32>, vector<80x128xf32>, vector<400x128xf32> -> vector<400x128xf32>
    %get3A_23 = arith.constant 0 : index
    %get3A_24 = arith.constant 0 : index
    %get3A_25 = vector.load %arg6[%get3A_23, %get3A_24] : memref<80x128xf32, #tpu.memory_space<vmem>>, vector<80x128xf32>
    %dot_general3A_26 = arith.constant dense<0.000000e+00> : vector<400x128xf32>
    %dot_general3A_27 = tpu.matmul %get3A_8, %get3A_25, %dot_general3A_26 {dimension_numbers = #tpu.dot_dimension_numbers<[1], [0], [0], [1], [0, 0, 1, 1], [], []>, transpose_lhs_hint = false} : vector<400x80xf32>, vector<80x128xf32>, vector<400x128xf32> -> vector<400x128xf32>
    %add3A_28 = arith.addf %dot_general3A_22, %dot_general3A_27 : vector<400x128xf32>
    %add3A_29 = arith.constant 9.99999997E-7 : f32
    %add3A_30 = vector.broadcast %add3A_29 : f32 to vector<400x128xf32>
    %add3A_31 = arith.addf %add3A_28, %add3A_30 : vector<400x128xf32>
    %div3A = arith.divf %add3A, %add3A_31 : vector<400x128xf32>
    %swap3A = arith.constant 0 : index
    %swap3A_32 = arith.constant 0 : index
    %swap3A_33 = vector.load %arg7[%swap3A, %swap3A_32] : memref<400x128xf32, #tpu.memory_space<vmem>>, vector<400x128xf32>
    tpu.vector_store %arg7[%swap3A, %swap3A_32], %div3A {strides = array<i32>} : memref<400x128xf32, #tpu.memory_space<vmem>>, vector<400x128xf32>,
    return
  }
  func.func @transform_0(%arg0: i32) -> (i32, i32, i32) {
    %c0_i32 = arith.constant 0 : i32
    %c0_i32_0 = arith.constant 0 : i32
    %c0_i32_1 = arith.constant 0 : i32
    return %c0_i32, %arg0, %c0_i32_0 : i32, i32, i32
  }
  func.func @transform_1(%arg0: i32) -> (i32, i32, i32) {
    %c1_i32 = arith.constant 1 : i32
    %c0_i32 = arith.constant 0 : i32
    %c0_i32_0 = arith.constant 0 : i32
    return %c1_i32, %arg0, %c0_i32 : i32, i32, i32
  }
  func.func @transform_2(%arg0: i32) -> (i32, i32) {
    %c0_i32 = arith.constant 0 : i32
    %c0_i32_0 = arith.constant 0 : i32
    %c0_i32_1 = arith.constant 0 : i32
    return %c0_i32, %c0_i32_0 : i32, i32
  }
  func.func @transform_3(%arg0: i32) -> (i32, i32) {
    %c0_i32 = arith.constant 0 : i32
    %c0_i32_0 = arith.constant 0 : i32
    %c0_i32_1 = arith.constant 0 : i32
    return %c0_i32, %c0_i32_0 : i32, i32
  }
  func.func @transform_4(%arg0: i32) -> (i32, i32) {
    %c0_i32 = arith.constant 0 : i32
    %c0_i32_0 = arith.constant 0 : i32
    %c0_i32_1 = arith.constant 0 : i32
    return %c0_i32, %c0_i32_0 : i32, i32
  }
  func.func @transform_5(%arg0: i32) -> (i32, i32) {
    %c0_i32 = arith.constant 0 : i32
    %c0_i32_0 = arith.constant 0 : i32
    %c0_i32_1 = arith.constant 0 : i32
    return %c0_i32, %c0_i32_0 : i32, i32
  }
  func.func @transform_6(%arg0: i32) -> (i32, i32) {
    %c0_i32 = arith.constant 0 : i32
    %c0_i32_0 = arith.constant 0 : i32
    return %arg0, %c0_i32 : i32, i32
  }
}

</mosaic_0001>

<sc_bundles>
// kernel: kernel.5.cloned.1.call-start
scs
__scs_entry_jumppad:
0x0: {  	(pc) =	sbr.rel $0x88, $3  }
0x1: {  	(tag) =	ssettag $0x0;
	lr =	simm.s32 $0x1  }
0x2: {  	[smem:$0x3F99] =	sst lr;
	_ =	strace $0xD0000000  }
0x3: {  	_ = 	snop  }
0x4: {  	_ = 	snop  }
0x5: {  	_ = 	snop  }
0x6: {  	_ = 	snop  }
0x7: {  	_ = 	snop  }
__scs_overlays_trampoline_lowered:
0x8: {  	[smem:$0x3FA8] =	sst s0  }
0x9: {  	[smem:$0x3FA9] =	sst s1  }
0xa: {  	[smem:$0x3FAA] =	sst s2  }
0xb: {  	[smem:$0x3FAB] =	sst s3  }
0xc: {  	[smem:$0x3FAC] =	sst s4  }
0xd: {  	[smem:$0x3FAD] =	sst s5  }
0xe: {  	[smem:$0x3FAE] =	sst s6  }
0xf: {  	[smem:$0x3FAF] =	sst s7  }
0x10: {  	[smem:$0x3FB0] =	sst s8  }
0x11: {  	[smem:$0x3FB1] =	sst s9;
	s0 =	simm.s32 @!p0 $0x0  }
0x12: {  	s1 =	sld [smem:$0x3F97];
	s0 =	simm.s32 @p0 $0x1  }
0x13: {  	[smem:$0x3FB2] =	sst s0;
	s0 =	simm.s32 @!p1 $0x0  }
0x14: {  	s2 =	sld [smem:$0x3F96];
	s0 =	simm.s32 @p1 $0x1  }
0x15: {  	[smem:$0x3FB3] =	sst s0;
	s0 =	simm.s32 @!p2 $0x0  }
0x16: {  	s3 =	sld [smem:$0x3FDB];
	s0 =	simm.s32 @p2 $0x1  }
0x17: {  	s4 =	simm.s32 $0x1BF5;
	[smem:$0x3FB5] =	sst s0  }
0x18: {  	s0 =	sld [smem:$0x3F98];
	_ =	swait.ge [sflag:s4], $0x0  }
0x19: {  	s7 =	sld [smem:$0x3F99]  }
0x1a: {  	s8 =	sadd.s32 $0xFFFFE003, lr  }
0x1b: {  	s9 =	sadd.s32 $0xFFFFFEF7, lr;
	s5 =	simm.s32 $0xFFFFFFFF;
	p2 =	slt.u32 s8, $0xFFFFF086  }
0x1c: {  	p1 =	slt.u32 s9, $0xF7A;
	s5 =	simm.s32 @!p2 $0x0  }
0x1d: {  	s5 =	simm.s32 @p1 $0x1;
	p0 =	seq.s32 s7, s2  }
0x1e: {  	s7 =	smul.u32 @!p0 $0xF7A, s2;
	p2 =	seq.s32 @!p0 s5, $0x0  }
0x1f: {  	s9 =	smul.u32 $0xF7A, s1;
	s8 =	simm.s32 @!p0 $0x1BF5;
	p2 =	por !p2, p0  }
0x20: {  	[sflag:s8] =	ssyncset.s32 @!p0 $0xFFFFF086;
	s6 =	sadd.s32 @!p0 s3, s7;
	s7 =	simm.s32 @!p0 $0x108  }
0x21: {  	s3 =	sadd.s32 s3, s9;
	s6 =	sadd.s32 @!p0 $0x88, s6;
	s7 =	simm.s32 @p2 $0x1082  }
0x22: {  	[simem:s7], [sflag:s8] =	dma.local @!p0 [hbm:s6], $0xF7A  }
0x23: {  	s9 =	sor.u32 $0xD0000000, s2;
	s6 =	simm.s32 $0x108;
	_ =	swait.ge @!p0 [sflag:s8], $0x0  }
0x24: {  	s3 =	sadd.s32 $0x88, s3;
	s6 =	simm.s32 @!p1 $0x1082;
	[sflag:s4] =	ssyncset.s32 $0xFFFFF086  }
0x25: {  	[simem:s6], [sflag:s4] =	dma.local [hbm:s3], $0xF7A  }
0x26: {  	[smem:$0x3F99] =	sst s1;
	(tag) =	ssettag s2;
	_ =	strace s9  }
0x27: {  	s1 =	sld [smem:$0x3FA9]  }
0x28: {  	s2 =	sld [smem:$0x3FAA]  }
0x29: {  	s4 =	sld [smem:$0x3FAC]  }
0x2a: {  	p0 =	seq.s32 s5, $0x0;
	s5 =	sld [smem:$0x3FAD]  }
0x2b: {  	s6 =	sld [smem:$0x3FAE]  }
0x2c: {  	s7 =	sld [smem:$0x3FAF]  }
0x2d: {  	s3 =	simm.s32 $0x108;
	s8 =	sld [smem:$0x3FB0]  }
0x2e: {  	s3 =	simm.s32 @!p0 $0x1082;
	s9 =	sld [smem:$0x3FB1]  }
0x2f: {  	lr =	sadd.s32 s0, s3;
	s0 =	sld [smem:$0x3FA8]  }
0x30: {  	s3 =	sld [smem:$0x3FAB]  }
0x31: {  	[smem:$0x3FB4] =	sst s10  }
0x32: {  	s10 =	sld [smem:$0x3FB2];
	_ =	sdelay $0x3  }
0x33: {  	p0 =	seq.s32 s10, $0x1;
	s10 =	sld [smem:$0x3FB4];
	_ =	sdelay $0x3  }
0x34: {  	[smem:$0x3FB4] =	sst s10  }
0x35: {  	s10 =	sld [smem:$0x3FB3];
	_ =	sdelay $0x3  }
0x36: {  	p1 =	seq.s32 s10, $0x1;
	s10 =	sld [smem:$0x3FB4];
	_ =	sdelay $0x3  }
0x37: {  	[smem:$0x3FB4] =	sst s10  }
0x38: {  	s10 =	sld [smem:$0x3FB5]  }
0x39: {  	_ = 	snop;
	(pc) =	sbr.ind lr, $3  }
0x3a: {  	_ = 	snop  }
0x3b: {  	_ = 	snop  }
0x3c: {  	p2 =	seq.s32 s10, $0x1;
	s10 =	sld [smem:$0x3FB4]  }
0x3d: {  	_ =	shalt  }
0x3e: {  	_ =	shalt  }
0x3f: {  	_ =	shalt  }
0x40: {  	_ =	shalt  }
0x41: {  	_ =	shalt  }
0x42: {  	_ =	shalt  }
0x43: {  	_ =	shalt  }
0x44: {  	_ =	shalt  }
0x45: {  	_ =	shalt  }
0x46: {  	_ =	shalt  }
0x47: {  	_ =	shalt  }
0x48: {  	_ =	shalt  }
0x49: {  	_ =	shalt  }
0x4a: {  	_ =	shalt  }
0x4b: {  	_ =	shalt  }
0x4c: {  	_ =	shalt  }
0x4d: {  	_ =	shalt  }
0x4e: {  	_ =	shalt  }
0x4f: {  	_ =	shalt  }
0x50: {  	_ =	shalt  }
0x51: {  	_ =	shalt  }
0x52: {  	_ =	shalt  }
0x53: {  	_ =	shalt  }
0x54: {  	_ =	shalt  }
0x55: {  	_ =	shalt  }
0x56: {  	_ =	shalt  }
0x57: {  	_ =	shalt  }
0x58: {  	_ =	shalt  }
0x59: {  	_ =	shalt  }
0x5a: {  	_ =	shalt  }
0x5b: {  	_ =	shalt  }
0x5c: {  	_ =	shalt  }
0x5d: {  	_ =	shalt  }
0x5e: {  	_ =	shalt  }
0x5f: {  	_ =	shalt  }
0x60: {  	_ =	shalt  }
0x61: {  	_ =	shalt  }
0x62: {  	_ =	shalt  }
0x63: {  	_ =	shalt  }
0x64: {  	_ =	shalt  }
0x65: {  	_ =	shalt  }
0x66: {  	_ =	shalt  }
0x67: {  	_ =	shalt  }
0x68: {  	_ =	shalt  }
0x69: {  	_ =	shalt  }
0x6a: {  	_ =	shalt  }
0x6b: {  	_ =	shalt  }
0x6c: {  	_ =	shalt  }
0x6d: {  	_ =	shalt  }
0x6e: {  	_ =	shalt  }
0x6f: {  	_ =	shalt  }
0x70: {  	_ =	shalt  }
0x71: {  	_ =	shalt  }
0x72: {  	_ =	shalt  }
0x73: {  	_ =	shalt  }
0x74: {  	_ =	shalt  }
0x75: {  	_ =	shalt  }
0x76: {  	_ =	shalt  }
0x77: {  	_ =	shalt  }
0x78: {  	_ =	shalt  }
0x79: {  	_ =	shalt  }
0x7a: {  	_ =	shalt  }
0x7b: {  	_ =	shalt  }
0x7c: {  	_ =	shalt  }
0x7d: {  	_ =	shalt  }
0x7e: {  	_ =	shalt  }
0x7f: {  	_ =	shalt  }
0x80: {  	_ =	shalt  }
0x81: {  	_ =	shalt  }
0x82: {  	_ =	shalt  }
0x83: {  	_ =	shalt  }
0x84: {  	_ =	shalt  }
0x85: {  	_ =	shalt  }
0x86: {  	_ =	shalt  }
0x87: {  	_ =	shalt  }
.Lfunc_end0:
.L_simem_size_0:
called_computation_lowered:
.L_overlay_start_0:
0x88: {  	s2 =	sld [smem:$0x3FD9]  }
0x89: {  	s3 =	sld [smem:$0x3FFE];
	_ =	sdelay $0x1  }
0x8a: {  	s1 =	srdreg.scid  }
0x8b: {  	s0 =	sand.u32 $0x1, s1  }
0x8c: {  	s17 =	sshll.u32 s0, $0xA;
	s2 =	sadd.s32 s3, s2  }
0x8d: {  	s2 =	sadd.s32 s2, s17  }
0x8e: {  	[smem:$0x3FC0] =	sst s2  }
0x8f: {  	_ = 	snop  }
0x90: {  	s2 =	sld [smem:$0x3FD0];
	(tm) =	ssettm $0x1  }
0x91: {  	s18 =	sld [smem:$0x3FFB];
	_ =	sdelay $0x3  }
0x92: {  	_ =	strace s18  }
0x93: {  	s3 =	sld [smem:$0x3FFC];
	_ =	sdelay $0x3  }
0x94: {  	_ =	strace s3  }
0x95: {  	s3 =	sld [smem:$0x3FFD];
	_ =	sdelay $0x3  }
0x96: {  	_ =	strace s3  }
0x97: {  	_ =	strace $0x8FFFFFFF  }
0x98: {  	s19 =	sld [smem:$0x3FDB];
	_ =	sdelay $0x1  }
0x99: {  	s4 =	simm.s32 $_scs_section_size  }
0x9a: {  	s5 =	simm.s32 $_size__tile_overlayer_lowered;
	s6 =	simm.s32 $_tile_overlayer_lowered  }
0x9b: {  	s22 =	simm.s32 $0x1BFF;
	s21 =	sshll.u32 s6, $0x1;
	s3 =	sadd.s32 s4, s19  }
0x9c: {  	s7 =	simm.s32 $0x0;
	s20 =	sshll.u32 s5, $0x1;
	s5 =	sadd.s32 s21, s3  }
0x9d: {  	[timem:s7], [sflag:s22] =	dma.local [hbm:s5], s20  }
0x9e: {  	_ =	swait.ge [sflag:s22], s20  }
0x9f: {  	s4 =	ssub.s32 $0x0, s20;
	[sflag:s22] =	ssyncset.done $0x0  }
0xa0: {  	[sflag:s22] =	ssyncadd.s32 s4;
	_ =	sdelay $0x1  }
0xa1: {  	s23 =	simm.s32 $0x1B8B  }
0xa2: {  	_ =	swait.ge [sflag:s23], $0x1  }
0xa3: {  	[sflag:s23] =	ssyncset.done $0x0  }
0xa4: {  	s25 =	simm.s32 $0x1B8E;
	s24 =	sld [smem:$0x3FFE];
	[sflag:s23] =	ssyncadd.s32 $0xFFFFFFFF  }
0xa5: {  	s26 =	simm.s32 $execute0_lowered;
	[smem:$0x3FD2] =	sst s25  }
0xa6: {  	s5 =	sshll.u32 s26, $0x1;
	_ =	strace $0x80000046;
	[dreg:$0x1] =	wrdreg $0xFFFFFFFF  }
0xa7: {  	s28 =	simm.s32 $_size_execute0_lowered;
	s3 =	sadd.s32 s3, s5;
	[dreg:$0x0] =	wrdreg $0x0  }
0xa8: {  	s5 =	sshll.u32 s28, $0x1;
	[dreg:$0x2] =	wrdreg s3  }
0xa9: {  	[dreg:$0x3] =	wrdreg s5  }
0xaa: {  	[dreg:$0x4] =	wrdreg $0xC0  }
0xab: {  	_ =	task [dreg:s7], $0x5FFFF  }
0xac: {  	[dreg:$0x1] =	wrdreg $0xFFFFFFFF  }
0xad: {  	[dreg:$0x0] =	wrdreg $0x60  }
0xae: {  	[dreg:$0x2] =	wrdreg s24  }
0xaf: {  	[dreg:$0x3] =	wrdreg s2  }
0xb0: {  	[dreg:$0x4] =	wrdreg $0x12F200  }
0xb1: {  	[dreg:$0x5] =	wrdreg $0x9  }
0xb2: {  	_ =	task.clear_ibuf [dreg:s7], $0x6FFFF;
	_ =	strace $0x90000046  }
0xb3: {  	s29 =	simm.s32 $0x9;
	_ =	strace $0x80000048  }
0xb4: {  	_ =	swait.ge [sflag:s29], $0x1  }
0xb5: {  	[sflag:s29] =	ssyncadd.s32 $0xFFFFFFFF  }
0xb6: {  	_ =	strace $0x90000048  }
0xb7: {  	_ =	sfence  }
0xb8: {  	s30 =	sld [smem:$0x0];
	_ =	sdelay $0x2  }
0xb9: {  	s31 =	sshll.u32 s1, $0xD;
	s1 =	sshrl.u32 s1, $0x2  }
0xba: {  	s3 =	sand.u32 $0x4000, s31;
	s1 =	sadd.s32 s1, s30  }
0xbb: {  	s0 =	sor.u32 s3, s0;
	s1 =	sshll.u32 s1, $0x11  }
0xbc: {  	s0 =	sor.u32 s1, s0  }
0xbd: {  	s0 =	sadd.s32 $0x8F2B, s0  }
0xbe: {  	[sflag:s0] =	ssyncadd.remote.s32 $0x1  }
0xbf: {  	_ =	sfence.sel $0xFFFF  }
0xc0: {  	[dreg:$0x0] =	wrdreg $0xFFFFFFFF;
	(pc) =	sbr.abs _section_cstart, $3  }
0xc1: {  	[dreg:$0x1] =	wrdreg $0xFFFFFFFF  }
0xc2: {  	_ =	task.clear_ibuf [dreg:s7], $0x2FFFF;
	_ =	strace $0x9FFFFFFF  }
0xc3: {  	(tm) =	ssettm $0x7FFFFFFF  }
tec
execute0_lowered:
.L_overlay_start_1:
0x0: {  	(tag) =	ssettag $0x1  }
0x1: {  	s0 =	rddreg [dreg:$0x0]  }
0x2: {  	s2 =	rddreg [dreg:$0x1]  }
0x3: {  	s3 =	rddreg [dreg:$0x2]  }
0x4: {  	s11 =	stileid.u32;
	s4 =	srdreg.scid;
	s5 =	simm.s32 $0x0  }
0x5: {  	s13 =	simm.s32 $0x3;
	s15 =	simm.s32 $0x50;
	s20 =	simm.s32 $0x9D30  }
0x6: {  	s21 =	simm.s32 $0xC620;
	s22 =	simm.s32 $0x9DD0;
	s23 =	simm.s32 $0x10220  }
0x7: {  	s24 =	simm.s32 $0x1;
	s28 =	simm.s32 $0x2;
	s1 =	smul.u32 $0x9C4, s11  }
0x8: {  	s29 =	simm.s32 $0x9C90;
	s6 =	smul.u32 $0xC800, s11;
	s4 =	sand.u32 $0x1, s4  }
0x9: {  	[smem:$0x7FF] =	sst s5;
	s5 =	sadd.s32 $0x15200, s0;
	s26 =	sshll.u32 s11, $0x6  }
0xa: {  	s7 =	smul.u32 $0xC8000, s4;
	_ =	strace $0x80000047;
	s8 =	ssub.s32 $0x2, s4  }
0xb: {  	s4 =	smul.u32 $0x2710, s4;
	s1 =	sadd.s32 s1, s0;
	s9 =	sshrl.u32 s6, $0x3  }
0xc: {  	s10 =	sshrl.u32 s8, $0x1;
	s7 =	sadd.s32 s6, s7;
	s30 =	sadd.s32 $0xB400, s1  }
0xd: {  	s9 =	sadd.s32 s9, s0;
	s1 =	sadd.s32 $0x1600, s1;
	[dreg:$0x6] =	wrdreg s30  }
0xe: {  	s25 =	ssub.s32 s8, s10;
	s8 =	sor.u32 $0x1C03, s26;
	[dreg:$0x7] =	wrdreg s1  }
0xf: {  	s6 =	sadd.s32 s6, s3;
	s9 =	sadd.s32 $0x63400, s9;
	[dreg:$0x5] =	wrdreg s8  }
0x10: {  	s7 =	sshrl.u32 s7, $0x3;
	s31 =	smax.u32 s25, $0x1;
	[dreg:$0x4] =	wrdreg s9  }
0x11: {  	s1 =	sshrl.u32 s6, $0x3;
	s0 =	sadd.s32 s7, s0;
	[dreg:$0x9] =	wrdreg s31  }
0x12: {  	vm0 =	vmmov $0x1;
	vm1 =	vcmask $0x308;
	s26 =	simm.s32 $0x11620;
	[dreg:$0xa] =	wrdreg s1;
	s0 =	sadd.s32 $0x7C400, s0  }
0x13: {  	vm2 =	vcmask $0x70C;
	vm3 =	vcmask $0xB10;
	v0 =	vmov s4;
	s4 =	simm.s32 $0x0;
	s25 =	simm.s32 $0x9C40;
	[dreg:$0x8] =	wrdreg s0  }
.LBB2_1:
0x14: {  	[dreg:$0xb] =	wrdreg s4  }
0x15: {  	s0 =	rddreg [dreg:$0x4]  }
0x16: {  	[spmem:s1], [sflag:s8] =	dma.local [hbm:s0], $0x1900  }
0x17: {  	_ =	swait.ge [sflag:s13], $0x1900  }
0x18: {  	[sflag:s13] =	ssyncset.done $0x0  }
0x19: {  	s11 =	simm.s32 $0x0;
	s12 =	rddreg [dreg:$0x6];
	[sflag:s13] =	ssyncadd.s32 $0xFFFFE700  }
0x1a: {  	[tilespmem:s11], [sflag:$0x3] =	stream.linear.gather [hbm4b:s12+s11], $0x4E20, $0x38;
	[tilespmem:$0x1F720] =	vst v63  }
0x1b: {  	_ =	swait.ge [sflag:s13], $0x4E20  }
0x1c: {  	[sflag:s13] =	ssyncset.done $0x0  }
0x1d: {  	s16 =	simm.s32 $0x4E20;
	s14 =	rddreg [dreg:$0x7];
	[sflag:s13] =	ssyncadd.s32 $0xFFFFB1E0  }
0x1e: {  	[tilespmem:s16], [sflag:$0x3] =	stream.linear.gather [hbm4b:s14+s11], $0x4E20, $0x38;
	[tilespmem:$0x1F720] =	vst v63  }
0x1f: {  	_ =	swait.ge [sflag:s13], $0x4E20  }
0x20: {  	[sflag:s13] =	ssyncset.done $0x0  }
0x21: {  	[sflag:s13] =	ssyncadd.s32 $0xFFFFB1E0  }
0x22: {  	[bflag:$0x0] =	sbarrier.arrive $0xFFFF  }
0x23: {  	v1 =	vld [tilespmem:$0x4E20]  }
0x24: {  	v2 =	vld [tilespmem:$0x0]  }
0x25: {  	v3 =	vld [tilespmem:$0x4E30];
	_ =	sdelay $0x1  }
0x26: {  	v4 =	vld [tilespmem:$0x10];
	_ =	sdelay $0x1  }
0x27: {  	[tilespmem:$0x9C40] =	vst v1  }
0x28: {  	v5 =	vld [tilespmem:$0x4E40];
	v2 =	vadd.s32 v0, v2;
	[tilespmem:$0x9C50] =	vst v3  }
0x29: {  	v1 =	vadd.s32 v0, v1;
	[tilespmem:$0x9CE0] =	vst v2;
	v2 =	vld [tilespmem:$0x20]  }
0x2a: {  	[tilespmem:$0x9D80] =	vst v1;
	v1 =	vadd.s32 v0, v4  }
0x2b: {  	[tilespmem:$0x9CF0] =	vst v1;
	v1 =	vadd.s32 v0, v3;
	v3 =	vld [tilespmem:$0x4E60]  }
0x2c: {  	v62 =	vld [tilespmem:$0x30]  }
0x2d: {  	[tilespmem:$0x9D90] =	vst v1;
	v1 =	vld [tilespmem:$0x4E50]  }
0x2e: {  	[tilespmem:$0x9C60] =	vst v5;
	v2 =	vadd.s32 v0, v2  }
0x2f: {  	v63 =	vld [tilespmem:$0x40];
	[tilespmem:$0x9D00] =	vst v2  }
0x30: {  	v2 =	vadd.s32 v0, v5;
	[tilespmem:$0x9C80] =	vst v3  }
0x31: {  	[tilespmem:$0x9DA0] =	vst v2  }
0x32: {  	v2 =	vadd.s32 v0, v62;
	[tilespmem:$0x9C70] =	vst v1  }
0x33: {  	v1 =	vadd.s32 v0, v1;
	[tilespmem:$0x9D10] =	vst v2  }
0x34: {  	[tilespmem:$0x9DB0] =	vst v1;
	v1 =	vadd.s32 v0, v63  }
0x35: {  	[tilespmem:$0x9D20] =	vst v1;
	v1 =	vadd.s32 v0, v3  }
0x36: {  	s17 =	simm.s32 $0x9CE0;
	s18 =	simm.s32 $0x9E20;
	[tilespmem:$0x9DC0] =	vst v1  }
0x37: {  	[tilespmem:s18], [sflag:$0x1] =	stream.indirect.gather [hbm4b:s5+s15], $0x80, s17, s15, $0xb8;
	[tilespmem:$0x1F720] =	vst v63  }
0x38: {  	s19 =	simm.s32 $0x9D80;
	s30 =	simm.s32 $0xEE20;
	s31 =	simm.s32 $0x0  }
0x39: {  	[tilespmem:s30], [sflag:$0x1] =	stream.indirect.gather [hbm4b:s2+s15], $0x40, s19, s15, $0xb8;
	[tilespmem:$0x1F720] =	vst v63  }
.LBB2_2:
0x3a: {  	s0 =	smul.u32 $0xA0, s31;
	_ =	sdelay $0x1  }
0x3b: {  	v1 =	vld [tilespmem:s0+$0x4E70];
	_ =	sdelay $0x4  }
0x3c: {  	[tilespmem:$0x9C90] =	vst v1  }
0x3d: {  	v2 =	vld [tilespmem:s0+$0x50];
	_ =	sdelay $0x3  }
0x3e: {  	v1 =	vadd.s32 v0, v1  }
0x3f: {  	[tilespmem:$0x9DD0] =	vst v1;
	v2 =	vadd.s32 v0, v2  }
0x40: {  	[tilespmem:$0x9D30] =	vst v2  }
0x41: {  	v1 =	vld [tilespmem:s0+$0x4E80];
	_ =	sdelay $0x4  }
0x42: {  	[tilespmem:$0x9CA0] =	vst v1  }
0x43: {  	v2 =	vld [tilespmem:s0+$0x60];
	_ =	sdelay $0x3  }
0x44: {  	v1 =	vadd.s32 v0, v1  }
0x45: {  	[tilespmem:$0x9DE0] =	vst v1;
	v2 =	vadd.s32 v0, v2  }
0x46: {  	[tilespmem:$0x9D40] =	vst v2  }
0x47: {  	v1 =	vld [tilespmem:s0+$0x4E90];
	_ =	sdelay $0x4  }
0x48: {  	[tilespmem:$0x9CB0] =	vst v1  }
0x49: {  	v2 =	vld [tilespmem:s0+$0x70];
	_ =	sdelay $0x3  }
0x4a: {  	v1 =	vadd.s32 v0, v1  }
0x4b: {  	[tilespmem:$0x9DF0] =	vst v1;
	v2 =	vadd.s32 v0, v2  }
0x4c: {  	[tilespmem:$0x9D50] =	vst v2  }
0x4d: {  	v1 =	vld [tilespmem:s0+$0x4EA0];
	_ =	sdelay $0x4  }
0x4e: {  	[tilespmem:$0x9CC0] =	vst v1  }
0x4f: {  	v2 =	vld [tilespmem:s0+$0x80];
	_ =	sdelay $0x3  }
0x50: {  	v1 =	vadd.s32 v0, v1  }
0x51: {  	[tilespmem:$0x9E00] =	vst v1;
	v2 =	vadd.s32 v0, v2  }
0x52: {  	[tilespmem:$0x9D60] =	vst v2  }
0x53: {  	v1 =	vld [tilespmem:s0+$0x4EB0];
	_ =	sdelay $0x4  }
0x54: {  	[tilespmem:$0x9CD0] =	vst v1  }
0x55: {  	v2 =	vld [tilespmem:s0+$0x90];
	_ =	sdelay $0x3  }
0x56: {  	v1 =	vadd.s32 v0, v1  }
0x57: {  	[tilespmem:$0x9E10] =	vst v1;
	v2 =	vadd.s32 v0, v2  }
0x58: {  	[tilespmem:$0x9D70] =	vst v2  }
0x59: {  	[tilespmem:s21], [sflag:$0x2] =	stream.indirect.gather [hbm4b:s5+s15], $0x80, s20, s15, $0xb8;
	[tilespmem:$0x1F720] =	vst v63  }
0x5a: {  	_ = 	snop  }
0x5b: {  	[tilespmem:s23], [sflag:$0x2] =	stream.indirect.gather [hbm4b:s2+s15], $0x40, s22, s15, $0xb8;
	[tilespmem:$0x1F720] =	vst v63  }
0x5c: {  	_ =	swait.ge [sflag:s24], $0x2800  }
0x5d: {  	[sflag:s24] =	ssyncset.done $0x0  }
0x5e: {  	[sflag:s24] =	ssyncadd.s32 $0xFFFFD800  }
0x5f: {  	_ =	swait.ge [sflag:s24], $0x1400  }
0x60: {  	[sflag:s24] =	ssyncset.done $0x0  }
0x61: {  	s12 =	simm.s32 $0x9F20;
	[sflag:s24] =	ssyncadd.s32 $0xFFFFEC00  }
0x62: {  	s7 =	simm.s32 $0xEEA0;
	v1 =	vld [tilespmem:s12+$0x80]  }
0x63: {  	v2 =	vld [tilespmem:s7+$0x40];
	_ =	sdelay $0x4  }
0x64: {  	v1 =	vmul.f32 v2, v1;
	_ =	sdelay $0x1  }
0x65: {  	(xrf2) =	vadd.scan.msk.f32 $0xffff, v1;
	_ =	sdelay $0x9  }
0x66: {  	v1, _, _ =	vpop (xrf2)  }
0x67: {  	(v2sf) =	vpush v1, $0xF;
	_ =	sdelay $0x8  }
0x68: {  	v3 =	vld [tilespmem:s7+$0xFFFFFFC0]  }
0x69: {  	v4 =	vld [tilespmem:s12+$0xFFFFFF00]  }
0x6a: {  	v2 =	vld [tilespmem:s12+$0xFFFFFF80]  }
0x6b: {  	v1 =	vld [tilespmem:s7+$0xFFFFFF80];
	_ =	sdelay $0x2  }
0x6c: {  	s1 =	spop (v2sf)  }
0x6d: {  	v2 =	vmul.f32 v3, v2;
	s1 =	smul.f32 $2.500000000e-01, s1  }
0x6e: {  	v1 =	vmul.f32 v1, v4  }
0x6f: {  	(xrf2) =	vadd.scan.msk.f32 $0xffff, v2;
	v4 =	vmov s1  }
0x70: {  	v5 =	vld [tilespmem:s7+$0x0];
	(xrf2) =	vadd.scan.msk.f32 $0xffff, v1;
	v2 =	vmax.f32 v4, $-5.000000000e+00  }
0x71: {  	v3 =	vld [tilespmem:s12+$0x0];
	v1 =	vmin.f32 v2, $5.000000000e+00  }
0x72: {  	v1 =	vmul.f32 $1.442695020e+00, v1;
	_ =	sdelay $0x1  }
0x73: {  	v1 =	vbroadcast v1, $0x0;
	_ =	sdelay $0x1  }
0x74: {  	v2 =	vmul.f32 v5, v3;
	(erf) = vpow2.f32 v1;
	_ =	sdelay $0x1  }
0x75: {  	(xrf2) =	vadd.scan.msk.f32 $0xffff, v2  }
0x76: {  	v1, _, _ =	vpop (xrf2)  }
0x77: {  	(v2sf) =	vpush v1, $0xF;
	v1, _, _ =	vpop (xrf2)  }
0x78: {  	v2 =	vld [tilespmem:s12+$0xC0];
	(v2sf) =	vpush v1, $0xF;
	_ =	sdelay $0x3  }
0x79: {  	v10 =	vpop (erf)  }
0x7a: {  	v1 =	vmul.f32 v10, v2  }
0x7b: {  	s14 =	simm.s32 $0x116C0  }
0x7c: {  	v2, _, _ =	vpop (xrf2);
	[tilespmem:s14+$0x50] =	vst v1  }
0x7d: {  	(v2sf) =	vpush v2, $0xF;
	v1 =	vld [tilespmem:s12+$0x90]  }
0x7e: {  	s11 =	simm.s32 $0xEFA0;
	v2 =	vld [tilespmem:s7+$0x50]  }
0x7f: {  	s8 =	simm.s32 $0xA120;
	v4 =	vld [tilespmem:s11+$0x40]  }
0x80: {  	v3 =	vld [tilespmem:s8+$0x80];
	_ =	sdelay $0x2  }
0x81: {  	v1 =	vmul.f32 v2, v1;
	s18 =	spop (v2sf)  }
0x82: {  	s1 =	smul.f32 $2.500000000e-01, s18;
	s4 =	spop (v2sf)  }
0x83: {  	(xrf2) =	vadd.scan.msk.f32 $0xffff, v1;
	v1 =	vmul.f32 v4, v3;
	s4 =	smul.f32 $2.500000000e-01, s4  }
0x84: {  	v2 =	vmov s1  }
0x85: {  	(xrf2) =	vadd.scan.msk.f32 $0xffff, v1;
	v1 =	vmax.f32 v2, $-5.000000000e+00;
	v2 =	vmov s4  }
0x86: {  	v2 =	vmax.f32 v2, $-5.000000000e+00  }
0x87: {  	v2 =	vmin.f32 v2, $5.000000000e+00  }
0x88: {  	v1 =	vmin.f32 v1, $5.000000000e+00;
	v2 =	vmul.f32 $1.442695020e+00, v2  }
0x89: {  	v1 =	vmul.f32 $1.442695020e+00, v1  }
0x8a: {  	s19 =	spop (v2sf);
	v2 =	vbroadcast v2, $0x0  }
0x8b: {  	v1 =	vbroadcast v1, $0x0;
	s1 =	smul.f32 $2.500000000e-01, s19;
	_ =	sdelay $0x1  }
0x8c: {  	(erf) = vpow2.f32 v1;
	v3 =	vmov s1  }
0x8d: {  	(erf) = vpow2.f32 v2;
	v1 =	vmax.f32 v3, $-5.000000000e+00;
	v2, _, _ =	vpop (xrf2)  }
0x8e: {  	v1 =	vmin.f32 v1, $5.000000000e+00;
	(v2sf) =	vpush v2, $0xF  }
0x8f: {  	v6 =	vld [tilespmem:s8+$0xFFFFFF80];
	v1 =	vmul.f32 $1.442695020e+00, v1;
	v3, _, _ =	vpop (xrf2)  }
0x90: {  	v7 =	vld [tilespmem:s11+$0xFFFFFFC0];
	(v2sf) =	vpush v3, $0xF  }
0x91: {  	v8 =	vld [tilespmem:s8+$0xFFFFFF00];
	v1 =	vbroadcast v1, $0x0  }
0x92: {  	v4 =	vld [tilespmem:s12+$0xFFFFFF40]  }
0x93: {  	v2 =	vld [tilespmem:s11+$0xFFFFFF80];
	(erf) = vpow2.f32 v1  }
0x94: {  	v1 =	vld [tilespmem:s12+$0xFFFFFFC0]  }
0x95: {  	v3 =	vpop (erf)  }
0x96: {  	v6 =	vmul.f32 v7, v6;
	v5 =	vpop (erf)  }
0x97: {  	v7 =	vld [tilespmem:s12+$0x40];
	v4 =	vmul.f32 v5, v4  }
0x98: {  	(xrf2) =	vadd.scan.msk.f32 $0xffff, v6;
	v6 =	vld [tilespmem:s11+$0x0];
	v2 =	vmul.f32 v2, v8  }
0x99: {  	v8 =	vld [tilespmem:s8+$0x0];
	v1 =	vmul.f32 v3, v1;
	[tilespmem:s14+$0xFFFFFF60] =	vst v4  }
0x9a: {  	(xrf2) =	vadd.scan.msk.f32 $0xffff, v2;
	v2 =	vld [tilespmem:s12+$0xFFFFFF10]  }
0x9b: {  	[tilespmem:s14+$0xFFFFFFB0] =	vst v1;
	v1 =	vld [tilespmem:s7+$0xFFFFFF90]  }
0x9c: {  	v9 =	vld [tilespmem:s12+$0xFFFFFF90];
	v4 =	vpop (erf)  }
0x9d: {  	v11 =	vld [tilespmem:s7+$0xFFFFFFD0];
	v7 =	vmul.f32 v4, v7;
	s4 =	spop (v2sf)  }
0x9e: {  	s1 =	smul.f32 $2.500000000e-01, s4  }
0x9f: {  	v6 =	vmul.f32 v6, v8;
	[tilespmem:s14+$0x0] =	vst v7;
	s6 =	spop (v2sf)  }
0xa0: {  	v7 =	vld [tilespmem:s12+$0x10];
	s9 =	smul.f32 $2.500000000e-01, s6;
	v8 =	vmov s1  }
0xa1: {  	(xrf2) =	vadd.scan.msk.f32 $0xffff, v6;
	v1 =	vmul.f32 v1, v2;
	v12 =	vld [tilespmem:s7+$0x10];
	v2 =	vmax.f32 v8, $-5.000000000e+00  }
0xa2: {  	v6 =	vmul.f32 v11, v9;
	v9 =	vmov s9;
	v2 =	vmin.f32 v2, $5.000000000e+00  }
0xa3: {  	v9 =	vmax.f32 v9, $-5.000000000e+00;
	v8, _, _ =	vpop (xrf2);
	v2 =	vmul.f32 $1.442695020e+00, v2  }
0xa4: {  	(xrf2) =	vadd.scan.msk.f32 $0xffff, v1;
	v1 =	vmin.f32 v9, $5.000000000e+00;
	(v2sf) =	vpush v8, $0xF;
	v8, _, _ =	vpop (xrf2)  }
0xa5: {  	(xrf2) =	vadd.scan.msk.f32 $0xffff, v6;
	v1 =	vmul.f32 $1.442695020e+00, v1;
	(v2sf) =	vpush v8, $0xF;
	v2 =	vbroadcast v2, $0x0  }
0xa6: {  	v6 =	vmul.f32 v12, v7  }
0xa7: {  	v1 =	vbroadcast v1, $0x0;
	(erf) = vpow2.f32 v2  }
0xa8: {  	(xrf2) =	vadd.scan.msk.f32 $0xffff, v6;
	_ =	sdelay $0x1  }
0xa9: {  	(erf) = vpow2.f32 v1  }
0xaa: {  	v1, _, _ =	vpop (xrf2)  }
0xab: {  	(v2sf) =	vpush v1, $0xF;
	v1 =	vld [tilespmem:s12+$0xD0];
	_ =	sdelay $0x1  }
0xac: {  	v2, _, _ =	vpop (xrf2)  }
0xad: {  	v6 =	vld [tilespmem:s8+$0xC0];
	(v2sf) =	vpush v2, $0xF;
	v2, _, _ =	vpop (xrf2)  }
0xae: {  	v11 =	vpop (erf)  }
0xaf: {  	(v2sf) =	vpush v2, $0xF;
	v1 =	vmul.f32 v11, v1  }
0xb0: {  	v7, _, _ =	vpop (xrf2)  }
0xb1: {  	v2 =	vpop (erf);
	s10 =	spop (v2sf);
	[tilespmem:s14+$0x60] =	vst v1;
	(v2sf) =	vpush v7, $0xF  }
0xb2: {  	v1 =	vmul.f32 v2, v6;
	s16 =	smul.f32 $2.500000000e-01, s10;
	s17 =	spop (v2sf);
	v6 =	vld [tilespmem:s12+$0xA0]  }
0xb3: {  	s1 =	simm.s32 $0x11800;
	v8 =	vld [tilespmem:s7+$0x60];
	s6 =	smul.f32 $2.500000000e-01, s17  }
0xb4: {  	[tilespmem:s1+$0x50] =	vst v1;
	v7 =	vmov s16  }
0xb5: {  	v9 =	vld [tilespmem:s8+$0x90];
	v1 =	vmax.f32 v7, $-5.000000000e+00;
	v7 =	vmov s6  }
0xb6: {  	v12 =	vld [tilespmem:s11+$0x50];
	v1 =	vmin.f32 v1, $5.000000000e+00;
	v7 =	vmax.f32 v7, $-5.000000000e+00  }
0xb7: {  	v1 =	vmul.f32 $1.442695020e+00, v1;
	v7 =	vmin.f32 v7, $5.000000000e+00  }
0xb8: {  	s4 =	simm.s32 $0xA320;
	v6 =	vmul.f32 v8, v6;
	v7 =	vmul.f32 $1.442695020e+00, v7  }
0xb9: {  	v13 =	vld [tilespmem:s4+$0x80];
	s10 =	simm.s32 $0xF0A0;
	s18 =	spop (v2sf);
	v1 =	vbroadcast v1, $0x0  }
0xba: {  	v8 =	vld [tilespmem:s10+$0x40];
	s6 =	smul.f32 $2.500000000e-01, s18;
	(xrf2) =	vadd.scan.msk.f32 $0xffff, v6;
	v7 =	vbroadcast v7, $0x0  }
0xbb: {  	(erf) = vpow2.f32 v1;
	v1 =	vmul.f32 v12, v9  }
0xbc: {  	s19 =	spop (v2sf);
	v6 =	vmov s6  }
0xbd: {  	s6 =	smul.f32 $2.500000000e-01, s19;
	(erf) = vpow2.f32 v7;
	(xrf2) =	vadd.scan.msk.f32 $0xffff, v1;
	v1 =	vmax.f32 v6, $-5.000000000e+00  }
0xbe: {  	s9 =	spop (v2sf);
	v1 =	vmin.f32 v1, $5.000000000e+00  }
0xbf: {  	v6 =	vmul.f32 v8, v13;
	v7 =	vmov s6;
	s9 =	smul.f32 $2.500000000e-01, s9;
	v1 =	vmul.f32 $1.442695020e+00, v1  }
0xc0: {  	v18 =	vld [tilespmem:s4+$0xFFFFFF00];
	v7 =	vmax.f32 v7, $-5.000000000e+00;
	s16 =	spop (v2sf)  }
0xc1: {  	v15 =	vld [tilespmem:s10+$0xFFFFFFC0];
	(xrf2) =	vadd.scan.msk.f32 $0xffff, v6;
	v7 =	vmin.f32 v7, $5.000000000e+00;
	v9 =	vmov s9;
	v1 =	vbroadcast v1, $0x0;
	s6 =	smul.f32 $2.500000000e-01, s16  }
0xc2: {  	v12 =	vld [tilespmem:s10+$0xFFFFFF80];
	v7 =	vmul.f32 $1.442695020e+00, v7;
	v9 =	vmax.f32 v9, $-5.000000000e+00  }
0xc3: {  	v6 =	vld [tilespmem:s8+$0xFFFFFF40];
	(erf) = vpow2.f32 v1;
	v1 =	vmin.f32 v9, $5.000000000e+00;
	v14 =	vmov s6  }
0xc4: {  	v7 =	vbroadcast v7, $0x0;
	v9 =	vld [tilespmem:s4+$0xFFFFFF80];
	v16, _, _ =	vpop (xrf2);
	v1 =	vmul.f32 $1.442695020e+00, v1;
	v17 =	vmax.f32 v14, $-5.000000000e+00  }
0xc5: {  	v13 =	vpop (erf);
	(v2sf) =	vpush v16, $0xF  }
0xc6: {  	v8 =	vld [tilespmem:s8+$0xFFFFFFC0];
	(erf) = vpow2.f32 v7;
	v7 =	vmin.f32 v17, $5.000000000e+00;
	v14 =	vpop (erf);
	v1 =	vbroadcast v1, $0x0  }
0xc7: {  	v19 =	vld [tilespmem:s12+$0xFFFFFF50];
	v12 =	vmul.f32 v12, v18;
	v7 =	vmul.f32 $1.442695020e+00, v7;
	v17, _, _ =	vpop (xrf2)  }
0xc8: {  	v16 =	vld [tilespmem:s8+$0x40];
	v6 =	vmul.f32 v14, v6;
	(v2sf) =	vpush v17, $0xF;
	(erf) = vpow2.f32 v1  }
0xc9: {  	v1 =	vld [tilespmem:s4+$0x0];
	v7 =	vbroadcast v7, $0x0;
	v9 =	vmul.f32 v15, v9  }
0xca: {  	[tilespmem:s1+$0xFFFFFF60] =	vst v6;
	v6 =	vld [tilespmem:s10+$0x0]  }
0xcb: {  	v15, _, _ =	vpop (xrf2);
	v17 =	vld [tilespmem:s8+$0xFFFFFF10];
	(erf) = vpow2.f32 v7;
	(xrf2) =	vadd.scan.msk.f32 $0xffff, v9;
	v7 =	vmul.f32 v13, v8  }
0xcc: {  	(v2sf) =	vpush v15, $0xF;
	v9 =	vld [tilespmem:s11+$0xFFFFFF90];
	(xrf2) =	vadd.scan.msk.f32 $0xffff, v12;
	v12 =	vpop (erf)  }
0xcd: {  	v15 =	vld [tilespmem:s12+$0xFFFFFFD0];
	v8 =	vmul.f32 v12, v16  }
0xce: {  	v18 =	vld [tilespmem:s12+$0x50];
	[tilespmem:s1+$0xFFFFFFB0] =	vst v7  }
0xcf: {  	v1 =	vmul.f32 v6, v1;
	v7 =	vpop (erf);
	v6 =	vld [tilespmem:s8+$0xFFFFFF90]  }
0xd0: {  	[tilespmem:s1+$0x0] =	vst v8;
	v16 =	vmul.f32 v7, v19;
	v19 =	vld [tilespmem:s11+$0xFFFFFFD0]  }
0xd1: {  	(xrf2) =	vadd.scan.msk.f32 $0xffff, v1;
	v1 =	vmul.f32 v9, v17;
	v17 =	vld [tilespmem:s8+$0x10];
	v8 =	vpop (erf)  }
0xd2: {  	[tilespmem:s14+$0xFFFFFF70] =	vst v16;
	v9 =	vmul.f32 v8, v15;
	v15 =	vld [tilespmem:s11+$0x10]  }
0xd3: {  	(xrf2) =	vadd.scan.msk.f32 $0xffff, v1;
	v1 =	vld [tilespmem:s12+$0xFFFFFF20]  }
0xd4: {  	v16 =	vld [tilespmem:s7+$0xFFFFFFA0]  }
0xd5: {  	s17 =	spop (v2sf);
	v6 =	vmul.f32 v19, v6;
	v19, _, _ =	vpop (xrf2)  }
0xd6: {  	s6 =	smul.f32 $2.500000000e-01, s17;
	(v2sf) =	vpush v19, $0xF  }
0xd7: {  	[tilespmem:s14+$0xFFFFFFC0] =	vst v9;
	v9 =	vpop (erf);
	s18 =	spop (v2sf)  }
0xd8: {  	v20 =	vld [tilespmem:s12+$0xFFFFFFA0];
	v21, _, _ =	vpop (xrf2);
	(xrf2) =	vadd.scan.msk.f32 $0xffff, v6;
	v6 =	vmov s6;
	v18 =	vmul.f32 v9, v18;
	v15 =	vmul.f32 v15, v17;
	s19 =	smul.f32 $2.500000000e-01, s18  }
0xd9: {  	v19 =	vld [tilespmem:s7+$0xFFFFFFE0];
	(v2sf) =	vpush v21, $0xF;
	v6 =	vmax.f32 v6, $-5.000000000e+00;
	v1 =	vmul.f32 v16, v1  }
0xda: {  	v6 =	vmin.f32 v6, $5.000000000e+00;
	[tilespmem:s14+$0x10] =	vst v18;
	(xrf2) =	vadd.scan.msk.f32 $0xffff, v15;
	v15 =	vmov s19  }
0xdb: {  	s9 =	spop (v2sf);
	v6 =	vmul.f32 $1.442695020e+00, v6;
	v17 =	vld [tilespmem:s12+$0x20];
	v15 =	vmax.f32 v15, $-5.000000000e+00  }
0xdc: {  	v16 =	vld [tilespmem:s7+$0x20];
	s6 =	smul.f32 $2.500000000e-01, s9;
	v18, _, _ =	vpop (xrf2);
	(xrf2) =	vadd.scan.msk.f32 $0xffff, v1;
	v1 =	vmin.f32 v15, $5.000000000e+00  }
0xdd: {  	v6 =	vbroadcast v6, $0x0;
	v1 =	vmul.f32 $1.442695020e+00, v1  }
0xde: {  	(v2sf) =	vpush v18, $0xF;
	v18 =	vmul.f32 v19, v20;
	v19 =	vmov s6;
	v15, _, _ =	vpop (xrf2)  }
0xdf: {  	(v2sf) =	vpush v15, $0xF;
	v15 =	vmax.f32 v19, $-5.000000000e+00;
	v1 =	vbroadcast v1, $0x0  }
0xe0: {  	(erf) = vpow2.f32 v6;
	v6 =	vmin.f32 v15, $5.000000000e+00  }
0xe1: {  	(xrf2) =	vadd.scan.msk.f32 $0xffff, v18;
	v15 =	vmul.f32 v16, v17;
	v6 =	vmul.f32 $1.442695020e+00, v6;
	_ =	sdelay $0x1  }
0xe2: {  	(erf) = vpow2.f32 v1;
	v1, _, _ =	vpop (xrf2);
	(xrf2) =	vadd.scan.msk.f32 $0xffff, v15;
	v6 =	vbroadcast v6, $0x0;
	_ =	sdelay $0x1  }
0xe3: {  	(v2sf) =	vpush v1, $0xF;
	s16 =	spop (v2sf);
	(erf) = vpow2.f32 v6  }
0xe4: {  	v16 =	vld [tilespmem:s12+$0xE0];
	v1, _, _ =	vpop (xrf2);
	s6 =	smul.f32 $2.500000000e-01, s16  }
0xe5: {  	(v2sf) =	vpush v1, $0xF;
	v1, _, _ =	vpop (xrf2)  }
0xe6: {  	v17 =	vld [tilespmem:s8+$0xD0];
	(v2sf) =	vpush v1, $0xF;
	v1 =	vmov s6  }
0xe7: {  	s17 =	spop (v2sf);
	v1 =	vmax.f32 v1, $-5.000000000e+00  }
0xe8: {  	v19 =	vld [tilespmem:s4+$0xC0];
	s9 =	smul.f32 $2.500000000e-01, s17;
	v15 =	vpop (erf);
	v1 =	vmin.f32 v1, $5.000000000e+00  }
0xe9: {  	v16 =	vmul.f32 v15, v16;
	v18, _, _ =	vpop (xrf2)  }
0xea: {  	v20 =	vmov s9;
	v6 =	vpop (erf)  }
0xeb: {  	(v2sf) =	vpush v18, $0xF;
	[tilespmem:s14+$0x70] =	vst v16;
	v18 =	vmul.f32 $1.442695020e+00, v1;
	v16 =	vmul.f32 v6, v17;
	s18 =	spop (v2sf);
	v1, _, _ =	vpop (xrf2)  }
0xec: {  	v21 =	vld [tilespmem:s7+$0x70];
	v17 =	vmax.f32 v20, $-5.000000000e+00;
	s6 =	smul.f32 $2.500000000e-01, s18;
	(v2sf) =	vpush v1, $0xF;
	v1 =	vpop (erf)  }
0xed: {  	v20 =	vld [tilespmem:s12+$0xB0];
	v17 =	vmin.f32 v17, $5.000000000e+00;
	[tilespmem:s1+$0x60] =	vst v16;
	v19 =	vmul.f32 v1, v19  }
0xee: {  	v16 =	vmul.f32 $1.442695020e+00, v17;
	s19 =	spop (v2sf);
	v17 =	vld [tilespmem:s8+$0xA0];
	v22 =	vmov s6;
	s6 =	simm.s32 $0x11940  }
0xef: {  	v18 =	vbroadcast v18, $0x0;
	v23 =	vld [tilespmem:s11+$0x60];
	s9 =	smul.f32 $2.500000000e-01, s19;
	v22 =	vmax.f32 v22, $-5.000000000e+00;
	[tilespmem:s6+$0x50] =	vst v19  }
0xf0: {  	v16 =	vbroadcast v16, $0x0;
	v19 =	vmin.f32 v22, $5.000000000e+00;
	v22 =	vld [tilespmem:s4+$0x90]  }
0xf1: {  	(erf) = vpow2.f32 v18;
	v18 =	vmov s9;
	v24 =	vld [tilespmem:s10+$0x50]  }
0xf2: {  	v10 =	vnsel vm0, $0x0, v10;
	(erf) = vpow2.f32 v16;
	v18 =	vmax.f32 v18, $-5.000000000e+00;
	s16 =	spop (v2sf)  }
0xf3: {  	v10 =	vadd.f32 $0.0e+00, v10;
	v16 =	vmin.f32 v18, $5.000000000e+00;
	v18 =	vmul.f32 v21, v20;
	s16 =	smul.f32 $2.500000000e-01, s16  }
0xf4: {  	v5 =	vnsel vm0, $0x0, v5;
	s9 =	simm.s32 $0xA520;
	v19 =	vmul.f32 $1.442695020e+00, v19;
	v17 =	vmul.f32 v23, v17;
	s17 =	spop (v2sf)  }
0xf5: {  	s30 =	simm.s32 $0xF1A0;
	v5 =	vadd.f32 $0.0e+00, v5;
	v16 =	vmul.f32 $1.442695020e+00, v16;
	s17 =	smul.f32 $2.500000000e-01, s17;
	(xrf2) =	vadd.scan.msk.f32 $0xffff, v18;
	v18 =	vld [tilespmem:s9+$0x80];
	v21 =	vmov s16  }
0xf6: {  	v19 =	vbroadcast v19, $0x0;
	(xrf2) =	vadd.scan.msk.f32 $0xffff, v17;
	v17 =	vld [tilespmem:s30+$0x40];
	v21 =	vmax.f32 v21, $-5.000000000e+00;
	v22 =	vmul.f32 v24, v22  }
0xf7: {  	v23 =	vld [tilespmem:s4+$0xFFFFFF40];
	s18 =	spop (v2sf);
	v16 =	vbroadcast v16, $0x0;
	v25 =	vmov s17;
	v21 =	vmin.f32 v21, $5.000000000e+00  }
0xf8: {  	v26 =	vld [tilespmem:s30+$0xFFFFFFC0];
	s19 =	smul.f32 $2.500000000e-01, s18;
	(erf) = vpow2.f32 v19;
	v19 =	vmul.f32 $1.442695020e+00, v21;
	v21 =	vmax.f32 v25, $-5.000000000e+00  }
0xf9: {  	v3 =	vnsel vm0, $0x0, v3;
	(erf) = vpow2.f32 v16;
	v25 =	vld [tilespmem:s9+$0xFFFFFF80];
	v16 =	vmin.f32 v21, $5.000000000e+00  }
0xfa: {  	v3 =	vadd.f32 $0.0e+00, v3;
	s17 =	spop (v2sf);
	(xrf2) =	vadd.scan.msk.f32 $0xffff, v22;
	v21 =	vmov s19;
	v22 =	vpop (erf);
	v16 =	vmul.f32 $1.442695020e+00, v16  }
0xfb: {  	v27 =	vld [tilespmem:s30+$0xFFFFFF80];
	s16 =	smul.f32 $2.500000000e-01, s17;
	v19 =	vbroadcast v19, $0x0;
	v21 =	vmax.f32 v21, $-5.000000000e+00;
	v17 =	vmul.f32 v17, v18;
	v18 =	vpop (erf)  }
0xfc: {  	v28 =	vld [tilespmem:s9+$0xFFFFFF00];
	v21 =	vmin.f32 v21, $5.000000000e+00;
	v16 =	vbroadcast v16, $0x0;
	s18 =	spop (v2sf);
	v23 =	vmul.f32 v18, v23  }
0xfd: {  	v20 =	vld [tilespmem:s4+$0xFFFFFFC0];
	v21 =	vmul.f32 $1.442695020e+00, v21;
	(erf) = vpow2.f32 v19;
	v19 =	vmov s16;
	s19 =	smul.f32 $2.500000000e-01, s18  }
0xfe: {  	v30 =	vld [tilespmem:s30+$0x0];
	(xrf2) =	vadd.scan.msk.f32 $0xffff, v17;
	v17 =	vmax.f32 v19, $-5.000000000e+00;
	v25 =	vmul.f32 v26, v25;
	(erf) = vpow2.f32 v16  }
0xff: {  	v29 =	vld [tilespmem:s8+$0xFFFFFF50];
	v16 =	vbroadcast v21, $0x0;
	v17 =	vmin.f32 v17, $5.000000000e+00;
	v31, _, _ =	vpop (xrf2);
	v21 =	vmov s19  }
0x100: {  	v24 =	vld [tilespmem:s4+$0x40];
	[tilespmem:s6+$0xFFFFFF60] =	vst v23;
	v17 =	vmul.f32 $1.442695020e+00, v17;
	(v2sf) =	vpush v31, $0xF;
	v21 =	vmax.f32 v21, $-5.000000000e+00;
	v23, _, _ =	vpop (xrf2)  }
0x101: {  	v19 =	vld [tilespmem:s9+$0x0];
	v21 =	vmin.f32 v21, $5.000000000e+00;
	(v2sf) =	vpush v23, $0xF;
	v23 =	vmul.f32 v27, v28  }
0x102: {  	v4 =	vnsel vm0, $0x0, v4;
	v20 =	vmul.f32 v22, v20;
	v26 =	vld [tilespmem:s8+$0xFFFFFFD0];
	(xrf2) =	vadd.scan.msk.f32 $0xffff, v25;
	v21 =	vmul.f32 $1.442695020e+00, v21  }
0x103: {  	v11 =	vsel vm1, $0x0, v11;
	v25 =	vld [tilespmem:s4+$0xFFFFFF10];
	(erf) = vpow2.f32 v16;
	v16 =	vbroadcast v17, $0x0  }
0x104: {  	v4 =	vadd.f32 $0.0e+00, v4;
	v10 =	vadd.f32 v11, v10;
	[tilespmem:s6+$0xFFFFFFB0] =	vst v20;
	v32 =	vpop (erf);
	v17 =	vld [tilespmem:s10+$0xFFFFFF90];
	v20 =	vbroadcast v21, $0x0  }
0x105: {  	v14 =	vnsel vm0, $0x0, v14;
	v24 =	vmul.f32 v32, v24;
	(xrf2) =	vadd.scan.msk.f32 $0xffff, v23;
	(erf) = vpow2.f32 v16;
	v16 =	vld [tilespmem:s4+$0xFFFFFF90];
	v23, _, _ =	vpop (xrf2)  }
0x106: {  	v14 =	vadd.f32 $0.0e+00, v14;
	v19 =	vmul.f32 v30, v19;
	v21 =	vpop (erf);
	(erf) = vpow2.f32 v20;
	v20 =	vld [tilespmem:s10+$0xFFFFFFD0]  }
0x107: {  	v13 =	vnsel vm0, $0x0, v13;
	v12 =	vnsel vm0, $0x0, v12;
	v31 =	vld [tilespmem:s8+$0x50];
	(v2sf) =	vpush v23, $0xF  }
0x108: {  	v13 =	vadd.f32 $0.0e+00, v13;
	v12 =	vadd.f32 $0.0e+00, v12;
	v27 =	vld [tilespmem:s12+$0xFFFFFF60];
	[tilespmem:s6+$0x0] =	vst v24;
	(xrf2) =	vadd.scan.msk.f32 $0xffff, v19  }
0x109: {  	v7 =	vsel vm1, $0x0, v7;
	v8 =	vsel vm1, $0x0, v8;
	v24 =	vld [tilespmem:s10+$0x10];
	v17 =	vmul.f32 v17, v25  }
0x10a: {  	v9 =	vsel vm1, $0x0, v9;
	v19 =	vadd.f32 v7, v5;
	v7 =	vld [tilespmem:s4+$0x10];
	v5, _, _ =	vpop (xrf2);
	v23 =	vmul.f32 v21, v29  }
0x10b: {  	v30 =	vld [tilespmem:s12+$0x60];
	(v2sf) =	vpush v5, $0xF;
	v25 =	vpop (erf);
	(xrf2) =	vadd.scan.msk.f32 $0xffff, v17;
	v17 =	vnsel vm0, $0x0, v22;
	v16 =	vmul.f32 v20, v16  }
0x10c: {  	v28 =	vadd.f32 v8, v3;
	v3 =	vnsel vm0, $0x0, v18;
	v29 =	vadd.f32 v9, v4;
	v9 =	vld [tilespmem:s12+$0xFFFFFFE0];
	[tilespmem:s1+$0xFFFFFF70] =	vst v23;
	v20, _, _ =	vpop (xrf2)  }
0x10d: {  	v4 =	vadd.f32 $0.0e+00, v3;
	v5 =	vmul.f32 v25, v26;
	v8 =	vpop (erf);
	v18 =	vld [tilespmem:s8+$0xFFFFFF20];
	(v2sf) =	vpush v20, $0xF  }
0x10e: {  	v21 =	vsel vm1, $0x0, v21;
	v22 =	vnsel vm0, $0x0, v32;
	v3 =	vadd.f32 $0.0e+00, v17;
	v23 =	vld [tilespmem:s11+$0xFFFFFFA0];
	v17 =	vpop (erf)  }
0x10f: {  	[tilespmem:s1+$0xFFFFFFC0] =	vst v5;
	v5 =	vadd.f32 $0.0e+00, v22;
	v7 =	vmul.f32 v24, v7;
	(xrf2) =	vadd.scan.msk.f32 $0xffff, v16;
	v16, _, _ =	vpop (xrf2)  }
0x110: {  	v26 =	vld [tilespmem:s8+$0xFFFFFFA0];
	v20 =	vmul.f32 v8, v31;
	v22 =	vmul.f32 v17, v27;
	v24 =	vpop (erf);
	(v2sf) =	vpush v16, $0xF  }
0x111: {  	s17 =	spop (v2sf);
	v16 =	vsel vm1, $0x0, v25;
	v25 =	vsel vm1, $0x0, v8;
	v8 =	vadd.f32 v21, v14;
	v14 =	vpop (erf);
	v21 =	vld [tilespmem:s11+$0xFFFFFFE0]  }
0x112: {  	v27 =	vmul.f32 v24, v9;
	(xrf2) =	vadd.scan.msk.f32 $0xffff, v7;
	s16 =	smul.f32 $2.500000000e-01, s17;
	s18 =	spop (v2sf);
	v9, _, _ =	vpop (xrf2);
	v7 =	vadd.f32 v16, v13;
	v16 =	vmul.f32 v14, v30  }
0x113: {  	v13 =	vsel vm2, $0x0, v17;
	v17 =	vmul.f32 v23, v18;
	s17 =	smul.f32 $2.500000000e-01, s18;
	(v2sf) =	vpush v9, $0xF  }
0x114: {  	[tilespmem:s1+$0x10] =	vst v20;
	v9 =	vadd.f32 v25, v12;
	v12 =	vmov s16;
	v18 =	vsel vm2, $0x0, v24  }
0x115: {  	[tilespmem:s14+$0xFFFFFF80] =	vst v22;
	v22 =	vld [tilespmem:s11+$0x20];
	v13 =	vadd.f32 v13, v19;
	v12 =	vmax.f32 v12, $-5.000000000e+00;
	v19 =	vmov s17  }
0x116: {  	(xrf2) =	vadd.scan.msk.f32 $0xffff, v17;
	v17 =	vld [tilespmem:s8+$0x20];
	v12 =	vmin.f32 v12, $5.000000000e+00;
	v19 =	vmax.f32 v19, $-5.000000000e+00;
	s19 =	spop (v2sf);
	v20 =	vmul.f32 v21, v26;
	v21, _, _ =	vpop (xrf2)  }
0x117: {  	v23 =	vld [tilespmem:s12+$0xFFFFFF30];
	v12 =	vmul.f32 $1.442695020e+00, v12;
	v19 =	vmin.f32 v19, $5.000000000e+00;
	s16 =	smul.f32 $2.500000000e-01, s19;
	(v2sf) =	vpush v21, $0xF  }
0x118: {  	v21 =	vsel vm2, $0x0, v14;
	v19 =	vmul.f32 $1.442695020e+00, v19;
	v14 =	vadd.f32 v18, v28;
	v18 =	vld [tilespmem:s7+$0xFFFFFFB0]  }
0x119: {  	v15 =	vsel vm2, $0x0, v15;
	v25 =	vbroadcast v12, $0x0;
	v24 =	vmov s16  }
0x11a: {  	[tilespmem:s14+$0xFFFFFFD0] =	vst v27;
	s17 =	spop (v2sf);
	(xrf2) =	vadd.scan.msk.f32 $0xffff, v20;
	v19 =	vbroadcast v19, $0x0;
	v20 =	vmax.f32 v24, $-5.000000000e+00  }
0x11b: {  	[tilespmem:s14+$0x20] =	vst v16;
	v12, _, _ =	vpop (xrf2);
	s16 =	smul.f32 $2.500000000e-01, s17;
	(erf) = vpow2.f32 v25;
	v25 =	vld [tilespmem:s7+$0xFFFFFFF0];
	v16 =	vmul.f32 v22, v17;
	v20 =	vmin.f32 v20, $5.000000000e+00  }
0x11c: {  	(v2sf) =	vpush v12, $0xF;
	v12 =	vadd.f32 v21, v29;
	v21 =	vld [tilespmem:s12+$0xFFFFFFB0];
	v20 =	vmul.f32 $1.442695020e+00, v20;
	s18 =	spop (v2sf)  }
0x11d: {  	(erf) = vpow2.f32 v19;
	v19 =	vmov s16;
	v24, _, _ =	vpop (xrf2);
	v18 =	vmul.f32 v18, v23;
	s16 =	smul.f32 $2.500000000e-01, s18  }
0x11e: {  	v17 =	vmax.f32 v19, $-5.000000000e+00;
	(xrf2) =	vadd.scan.msk.f32 $0xffff, v16;
	(v2sf) =	vpush v24, $0xF;
	v19 =	vbroadcast v20, $0x0  }
0x11f: {  	v10 =	vadd.f32 v15, v10;
	v15 =	vld [tilespmem:s12+$0xF0];
	v17 =	vmin.f32 v17, $5.000000000e+00;
	(xrf2) =	vadd.scan.msk.f32 $0xffff, v18;
	v18 =	vmov s16  }
0x120: {  	v23 =	vld [tilespmem:s7+$0x30];
	v16, _, _ =	vpop (xrf2);
	v17 =	vmul.f32 $1.442695020e+00, v17;
	s19 =	spop (v2sf);
	(erf) = vpow2.f32 v19;
	v18 =	vmax.f32 v18, $-5.000000000e+00  }
0x121: {  	v24 =	vld [tilespmem:s12+$0x30];
	(v2sf) =	vpush v16, $0xF;
	v16 =	vmul.f32 v25, v21;
	s7 =	smul.f32 $2.500000000e-01, s19;
	v18 =	vmin.f32 v18, $5.000000000e+00  }
0x122: {  	v21 =	vld [tilespmem:s8+$0xE0];
	v17 =	vbroadcast v17, $0x0;
	v18 =	vmul.f32 $1.442695020e+00, v18  }
0x123: {  	v27 =	vld [tilespmem:s9+$0xFFFFFFC0];
	s16 =	spop (v2sf);
	v11 =	vmov s7  }
0x124: {  	v30 =	vld [tilespmem:s9+$0xC0];
	v19, _, _ =	vpop (xrf2);
	(xrf2) =	vadd.scan.msk.f32 $0xffff, v16;
	s7 =	smul.f32 $2.500000000e-01, s16;
	v11 =	vmax.f32 v11, $-5.000000000e+00;
	v18 =	vbroadcast v18, $0x0  }
0x125: {  	v26 =	vld [tilespmem:s4+$0xFFFFFF50];
	(erf) = vpow2.f32 v17;
	v25 =	vpop (erf);
	v11 =	vmin.f32 v11, $5.000000000e+00  }
0x126: {  	v28 =	vld [tilespmem:s9+$0xFFFFFF40];
	v23 =	vmul.f32 v23, v24;
	v17 =	vpop (erf);
	v16 =	vmov s7;
	v11 =	vmul.f32 $1.442695020e+00, v11  }
0x127: {  	v29 =	vld [tilespmem:s4+$0xD0];
	(v2sf) =	vpush v19, $0xF;
	v21 =	vmul.f32 v17, v21;
	s17 =	spop (v2sf);
	v16 =	vmax.f32 v16, $-5.000000000e+00  }
0x128: {  	v22 =	vld [tilespmem:s4+$0xFFFFFFD0];
	(xrf2) =	vadd.scan.msk.f32 $0xffff, v23;
	(erf) = vpow2.f32 v18;
	s7 =	smul.f32 $2.500000000e-01, s17;
	v23 =	vbroadcast v11, $0x0;
	v11 =	vmin.f32 v16, $5.000000000e+00;
	v18, _, _ =	vpop (xrf2)  }
0x129: {  	v20 =	vld [tilespmem:s9+$0x40];
	(v2sf) =	vpush v18, $0xF  }
0x12a: {  	v24 =	vld [tilespmem:s8+$0xFFFFFF60];
	[tilespmem:s1+$0x70] =	vst v21;
	v16 =	vsel vm3, $0x0, v25;
	v21 =	vmul.f32 $1.442695020e+00, v11;
	v31 =	vmov s7  }
0x12b: {  	v59 =	vld [tilespmem:s8+$0xB0];
	s18 =	spop (v2sf);
	v34 =	vadd.f32 v16, v10;
	v18 =	vmax.f32 v31, $-5.000000000e+00;
	v11 =	vpop (erf);
	(erf) = vpow2.f32 v23  }
0x12c: {  	v33, _, _ =	vpop (xrf2);
	s7 =	smul.f32 $2.500000000e-01, s18;
	v31 =	vld [tilespmem:s11+$0x70];
	v21 =	vbroadcast v21, $0x0;
	v10 =	vmin.f32 v18, $5.000000000e+00;
	v29 =	vmul.f32 v11, v29  }
0x12d: {  	v19 =	vld [tilespmem:s4+$0x50];
	(v2sf) =	vpush v33, $0xF;
	s19 =	spop (v2sf)  }
0x12e: {  	v23 =	vld [tilespmem:s8+$0xFFFFFFE0];
	v16 =	vmul.f32 $1.442695020e+00, v10;
	v18 =	vmov s7;
	v36, _, _ =	vpop (xrf2);
	(erf) = vpow2.f32 v21;
	s17 =	smul.f32 $2.500000000e-01, s19;
	[tilespmem:s6+$0x60] =	vst v29  }
0x12f: {  	v18 =	vmax.f32 v18, $-5.000000000e+00;
	(v2sf) =	vpush v36, $0xF;
	v10 =	vpop (erf);
	v29 =	vmul.f32 v25, v15;
	v60 =	vld [tilespmem:s4+$0xA0]  }
0x130: {  	v15 =	vbroadcast v16, $0x0;
	v25 =	vmul.f32 v10, v30;
	v35 =	vld [tilespmem:s10+$0x60];
	v30 =	vmov s17  }
0x131: {  	s7 =	simm.s32 $0x11A80;
	v21 =	vld [tilespmem:s8+$0x60];
	v16 =	vmin.f32 v18, $5.000000000e+00;
	v32 =	vmul.f32 v31, v59;
	v30 =	vmax.f32 v30, $-5.000000000e+00  }
0x132: {  	v18 =	vld [tilespmem:s12+$0xFFFFFF70];
	v37 =	vmul.f32 $1.442695020e+00, v16;
	s18 =	spop (v2sf);
	(erf) = vpow2.f32 v15;
	v30 =	vmin.f32 v30, $5.000000000e+00;
	[tilespmem:s7+$0x50] =	vst v25  }
0x133: {  	v61, _, _ =	vpop (xrf2);
	s19 =	smul.f32 $2.500000000e-01, s18;
	(xrf2) =	vadd.scan.msk.f32 $0xffff, v32;
	v62 =	vmul.f32 $1.442695020e+00, v30;
	v30 =	vld [tilespmem:s9+$0x90]  }
0x134: {  	[tilespmem:s14+$0x90] =	vst v34;
	(v2sf) =	vpush v61, $0xF;
	v31 =	vbroadcast v37, $0x0;
	v33 =	vld [tilespmem:s30+$0x50];
	v25 =	vpop (erf)  }
0x135: {  	s16 =	simm.s32 $0xC;
	v16 =	vld [tilespmem:s12+$0xFFFFFFF0];
	[tilespmem:s14+$0x80] =	vst v29;
	v63 =	vmov s19;
	v29 =	vmul.f32 v25, v27;
	v27 =	vpop (erf);
	v34 =	vmul.f32 v35, v60  }
0x136: {  	s17 =	simm.s32 $0xA720;
	v15 =	vld [tilespmem:s12+$0x70];
	s12 =	simm.s32 $0xF1A0;
	s18 =	spop (v2sf);
	v35 =	vmax.f32 v63, $-5.000000000e+00;
	v32 =	vmul.f32 v27, v28;
	v28 =	vbroadcast v62, $0x0  }
.LBB2_3:
0x137: {  	v36 =	vld [tilespmem:s17+$0x80];
	[tilespmem:s7+$0xFFFFFFB0] =	vst v29;
	s30 =	sadd.s32 $0x100, s30;
	(erf) = vpow2.f32 v31;
	(xrf2) =	vadd.scan.msk.f32 $0xffff, v34;
	v29 =	vmin.f32 v35, $5.000000000e+00;
	s18 =	smul.f32 $2.500000000e-01, s18  }
0x138: {  	v27 =	vnsel vm0, $0x0, v27;
	v25 =	vnsel vm0, $0x0, v25;
	v31 =	vld [tilespmem:s30+$0x40];
	[tilespmem:s7+$0xFFFFFF60] =	vst v32;
	v32 =	vpop (erf);
	v29 =	vmul.f32 $1.442695020e+00, v29;
	s19 =	spop (v2sf)  }
0x139: {  	v34 =	vld [tilespmem:s30+$0xFFFFFF80];
	v20 =	vmul.f32 v32, v20;
	v37 =	vmul.f32 v33, v30;
	v33 =	vmov s18;
	s18 =	smul.f32 $2.500000000e-01, s19  }
0x13a: {  	v35 =	vld [tilespmem:s17+$0xFFFFFF80];
	(erf) = vpow2.f32 v28;
	v39 =	vbroadcast v29, $0x0;
	v29 =	vmax.f32 v33, $-5.000000000e+00  }
0x13b: {  	s16 =	sadd.s32 $0x4, s16;
	v33 =	vld [tilespmem:s30+$0xFFFFFFC0];
	[tilespmem:s7+$0x0] =	vst v20;
	(xrf2) =	vadd.scan.msk.f32 $0xffff, v37;
	v30 =	vpop (erf);
	v20 =	vmin.f32 v29, $5.000000000e+00;
	v29 =	vmov s18  }
0x13c: {  	p0 =	slt.u32 s16, $0x4C;
	v37 =	vld [tilespmem:s17+$0x0];
	v26 =	vmul.f32 v30, v26;
	v20 =	vmul.f32 $1.442695020e+00, v20;
	v29 =	vmax.f32 v29, $-5.000000000e+00;
	s18 =	spop (v2sf)  }
0x13d: {  	v38 =	vld [tilespmem:s30+$0x0];
	v31 =	vmul.f32 v31, v36;
	v29 =	vmin.f32 v29, $5.000000000e+00;
	(erf) = vpow2.f32 v39;
	v28, _, _ =	vpop (xrf2);
	s18 =	smul.f32 $2.500000000e-01, s18  }
0x13e: {  	v36 =	vld [tilespmem:s17+$0xFFFFFF00];
	[tilespmem:s6+$0xFFFFFF70] =	vst v26;
	v26 =	vbroadcast v20, $0x0;
	v20 =	vmul.f32 $1.442695020e+00, v29;
	(v2sf) =	vpush v28, $0xF  }
0x13f: {  	v29 =	vadd.f32 $0.0e+00, v27;
	v28 =	vld [tilespmem:s17+$0xFFFFFF40];
	(xrf2) =	vadd.scan.msk.f32 $0xffff, v31;
	v31 =	vnsel vm0, $0x0, v32;
	v32 =	vmov s18  }
0x140: {  	v33 =	vmul.f32 v33, v35;
	v27 =	vld [tilespmem:s17+$0xFFFFFFC0];
	v35 =	vpop (erf);
	v39 =	vbroadcast v20, $0x0;
	v32 =	vmax.f32 v32, $-5.000000000e+00  }
0x141: {  	v20 =	vld [tilespmem:s17+$0x40];
	v22 =	vmul.f32 v35, v22;
	v40, _, _ =	vpop (xrf2);
	(erf) = vpow2.f32 v26;
	v26 =	vmin.f32 v32, $5.000000000e+00;
	s18 =	spop (v2sf)  }
0x142: {  	v32 =	vmul.f32 v38, v37;
	(xrf2) =	vadd.scan.msk.f32 $0xffff, v33;
	v33 =	vld [tilespmem:s9+$0xFFFFFF10];
	(v2sf) =	vpush v40, $0xF;
	(erf) = vpow2.f32 v39;
	s18 =	smul.f32 $2.500000000e-01, s18  }
0x143: {  	v25 =	vadd.f32 $0.0e+00, v25;
	v34 =	vmul.f32 v34, v36;
	v36 =	vld [tilespmem:s12+$0xFFFFFF90];
	[tilespmem:s6+$0xFFFFFFC0] =	vst v22;
	v37 =	vpop (erf);
	v22 =	vmul.f32 $1.442695020e+00, v26;
	s19 =	spop (v2sf)  }
0x144: {  	v31 =	vadd.f32 $0.0e+00, v31;
	v38 =	vld [tilespmem:s9+$0xFFFFFF90];
	v19 =	vmul.f32 v37, v19;
	v26 =	vmov s18;
	s18 =	smul.f32 $2.500000000e-01, s19  }
0x145: {  	v30 =	vsel vm1, $0x0, v30;
	(xrf2) =	vadd.scan.msk.f32 $0xffff, v34;
	v34 =	vld [tilespmem:s12+$0xFFFFFFD0];
	v39, _, _ =	vpop (xrf2);
	v22 =	vbroadcast v22, $0x0;
	v26 =	vmax.f32 v26, $-5.000000000e+00  }
0x146: {  	v40 =	vld [tilespmem:s9+$0x10];
	(v2sf) =	vpush v39, $0xF;
	[tilespmem:s6+$0x10] =	vst v19;
	v39 =	vpop (erf);
	v19 =	vmin.f32 v26, $5.000000000e+00;
	v26 =	vmov s18  }
0x147: {  	v41 =	vld [tilespmem:s12+$0x10];
	v24 =	vmul.f32 v39, v24;
	v19 =	vmul.f32 $1.442695020e+00, v19;
	v42 =	vmax.f32 v26, $-5.000000000e+00  }
0x148: {  	(xrf2) =	vadd.scan.msk.f32 $0xffff, v32;
	v32 =	vmul.f32 v36, v33;
	v26 =	vld [tilespmem:s9+$0xFFFFFF50];
	v33 =	vmin.f32 v42, $5.000000000e+00;
	(erf) = vpow2.f32 v22  }
0x149: {  	v35 =	vsel vm1, $0x0, v35;
	v36, _, _ =	vpop (xrf2);
	v22 =	vld [tilespmem:s9+$0xFFFFFFD0];
	[tilespmem:s1+$0xFFFFFF80] =	vst v24;
	v24 =	vbroadcast v19, $0x0;
	v33 =	vmul.f32 $1.442695020e+00, v33  }
0x14a: {  	(v2sf) =	vpush v36, $0xF;
	v34 =	vmul.f32 v34, v38;
	v19 =	vld [tilespmem:s9+$0x50];
	v36 =	vsel vm1, $0x0, v37;
	v37 =	vpop (erf)  }
0x14b: {  	v30 =	vadd.f32 v30, v4;
	(xrf2) =	vadd.scan.msk.f32 $0xffff, v32;
	v32 =	vld [tilespmem:s4+$0xFFFFFF20];
	v42 =	vmul.f32 v37, v23;
	v23 =	vpop (erf);
	v33 =	vbroadcast v33, $0x0  }
0x14c: {  	v35 =	vadd.f32 v35, v3;
	v38, _, _ =	vpop (xrf2);
	v40 =	vmul.f32 v41, v40;
	v41 =	vld [tilespmem:s10+$0xFFFFFFA0];
	v43 =	vmul.f32 v23, v21  }
0x14d: {  	v4 =	vmovc v29;
	v3 =	vmovc v25;
	v36 =	vadd.f32 v36, v5;
	(v2sf) =	vpush v38, $0xF;
	v38 =	vld [tilespmem:s4+$0xFFFFFFA0];
	[tilespmem:s1+$0xFFFFFFD0] =	vst v42;
	s18 =	spop (v2sf);
	(erf) = vpow2.f32 v24  }
0x14e: {  	v5 =	vmovc v31;
	v24 =	vsel vm2, $0x0, v39;
	(xrf2) =	vadd.scan.msk.f32 $0xffff, v34;
	v25 =	vld [tilespmem:s10+$0xFFFFFFE0];
	[tilespmem:s1+$0x20] =	vst v43;
	s18 =	smul.f32 $2.500000000e-01, s18;
	(erf) = vpow2.f32 v33  }
0x14f: {  	v23 =	vsel vm2, $0x0, v23;
	v31 =	vadd.f32 v24, v8;
	v24 =	vsel vm2, $0x0, v37;
	v21, _, _ =	vpop (xrf2);
	v29 =	vld [tilespmem:s4+$0x20]  }
0x150: {  	v8 =	vmovc v30;
	v34 =	vadd.f32 v24, v7;
	v7 =	vmovc v35;
	(v2sf) =	vpush v21, $0xF;
	v33 =	vld [tilespmem:s10+$0x20];
	v37 =	vmov s18  }
0x151: {  	(xrf2) =	vadd.scan.msk.f32 $0xffff, v40;
	v30 =	vmul.f32 v41, v32;
	v24 =	vld [tilespmem:s4+$0xFFFFFF60];
	s18 =	spop (v2sf);
	v32 =	vadd.f32 v23, v9;
	v40 =	vmax.f32 v37, $-5.000000000e+00;
	v21 =	vpop (erf)  }
0x152: {  	v35, _, _ =	vpop (xrf2);
	v23 =	vld [tilespmem:s4+$0xFFFFFFE0];
	s18 =	smul.f32 $2.500000000e-01, s18;
	v39 =	vmin.f32 v40, $5.000000000e+00;
	v18 =	vmul.f32 v21, v18;
	v37 =	vsel vm3, $0x0, v21  }
0x153: {  	v9 =	vmovc v36;
	(v2sf) =	vpush v35, $0xF;
	v25 =	vmul.f32 v25, v38;
	v21 =	vld [tilespmem:s4+$0x60];
	v35 =	vmul.f32 $1.442695020e+00, v39  }
0x154: {  	v36 =	vmov s18;
	(xrf2) =	vadd.scan.msk.f32 $0xffff, v30;
	v30 =	vld [tilespmem:s8+$0xFFFFFF30];
	[tilespmem:s14+$0xFFFFFF90] =	vst v18;
	v18 =	vadd.f32 v37, v13;
	v13 =	vmovc v31  }
0x155: {  	v31, _, _ =	vpop (xrf2);
	s18 =	spop (v2sf);
	v29 =	vmul.f32 v33, v29;
	v33 =	vmax.f32 v36, $-5.000000000e+00;
	v36 =	vld [tilespmem:s11+$0xFFFFFFB0];
	v35 =	vbroadcast v35, $0x0  }
0x156: {  	s18 =	smul.f32 $2.500000000e-01, s18;
	(v2sf) =	vpush v31, $0xF;
	v31 =	vmin.f32 v33, $5.000000000e+00;
	v33 =	vld [tilespmem:s8+$0xFFFFFFB0];
	[tilespmem:s14+$0xFFFFFFA0] =	vst v18;
	v37 =	vpop (erf)  }
0x157: {  	v18 =	vmul.f32 $1.442695020e+00, v31;
	(xrf2) =	vadd.scan.msk.f32 $0xffff, v25;
	v31 =	vld [tilespmem:s11+$0xFFFFFFF0];
	(erf) = vpow2.f32 v35;
	v35 =	vsel vm3, $0x0, v37;
	v25 =	vpop (erf)  }
0x158: {  	v38 =	vmov s18;
	v39, _, _ =	vpop (xrf2);
	v40 =	vld [tilespmem:s8+$0x30];
	v35 =	vadd.f32 v35, v14;
	v41 =	vsel vm3, $0x0, v25  }
0x159: {  	v14 =	vmovc v34;
	s18 =	spop (v2sf);
	v38 =	vmax.f32 v38, $-5.000000000e+00;
	(v2sf) =	vpush v39, $0xF;
	v39 =	vbroadcast v18, $0x0;
	v42 =	vld [tilespmem:s11+$0x30];
	s11 =	smov.u32 s10;
	s10 =	smov.u32 s12  }
0x15a: {  	s12 =	smov.u32 s30;
	s18 =	smul.f32 $2.500000000e-01, s18;
	v38 =	vmin.f32 v38, $5.000000000e+00;
	v30 =	vmul.f32 v36, v30;
	v18 =	vld [tilespmem:s8+$0xFFFFFF70];
	[tilespmem:s14+$0xFFFFFFF0] =	vst v35;
	v35 =	vadd.f32 v41, v12;
	v12 =	vmovc v32  }
0x15b: {  	v32 =	vmul.f32 $1.442695020e+00, v38;
	v34, _, _ =	vpop (xrf2);
	(xrf2) =	vadd.scan.msk.f32 $0xffff, v29;
	(erf) = vpow2.f32 v39;
	v29 =	vld [tilespmem:s8+$0xFFFFFFF0];
	v39 =	vnsel vm0, $0x0, v2  }
0x15c: {  	v2 =	vmovc v1;
	v1 =	vmovc v10;
	v36 =	vmov s18;
	s18 =	spop (v2sf);
	(v2sf) =	vpush v34, $0xF;
	v34 =	vld [tilespmem:s8+$0x70];
	v38 =	vadd.f32 $0.0e+00, v39;
	[tilespmem:s14+$0x40] =	vst v35  }
0x15d: {  	v35 =	vsel vm1, $0x0, v6;
	v6 =	vmovc v11;
	s18 =	smul.f32 $2.500000000e-01, s18;
	v10 =	vmax.f32 v36, $-5.000000000e+00;
	v32 =	vbroadcast v32, $0x0  }
0x15e: {  	v31 =	vmul.f32 v31, v33;
	v10 =	vmin.f32 v10, $5.000000000e+00;
	v11, _, _ =	vpop (xrf2);
	v35 =	vadd.f32 v35, v38  }
0x15f: {  	v17 =	vsel vm2, $0x0, v17;
	v10 =	vmul.f32 $1.442695020e+00, v10;
	s19 =	spop (v2sf);
	(erf) = vpow2.f32 v32;
	(xrf2) =	vadd.scan.msk.f32 $0xffff, v30  }
0x160: {  	v36 =	vmov s18;
	s19 =	smul.f32 $2.500000000e-01, s19;
	v32 =	vld [tilespmem:s4+$0xE0];
	(v2sf) =	vpush v11, $0xF;
	v11 =	vadd.f32 v17, v35;
	v33 =	vpop (erf)  }
0x161: {  	v17 =	vmax.f32 v36, $-5.000000000e+00;
	v10 =	vbroadcast v10, $0x0;
	v30, _, _ =	vpop (xrf2);
	v35 =	vsel vm3, $0x0, v33  }
0x162: {  	v38 =	vmin.f32 v17, $5.000000000e+00;
	v36 =	vmov s19;
	s18 =	spop (v2sf);
	v11 =	vadd.f32 v35, v11  }
0x163: {  	v35 =	vmax.f32 v36, $-5.000000000e+00;
	v36 =	vmul.f32 $1.442695020e+00, v38;
	s18 =	smul.f32 $2.500000000e-01, s18;
	(erf) = vpow2.f32 v10;
	v10 =	vld [tilespmem:s9+$0xD0];
	(xrf2) =	vadd.scan.msk.f32 $0xffff, v31  }
0x164: {  	v31 =	vmin.f32 v35, $5.000000000e+00;
	(v2sf) =	vpush v30, $0xF;
	v17 =	vpop (erf);
	v30 =	vmul.f32 v42, v40;
	v35 =	vld [tilespmem:s8+$0xF0];
	[tilespmem:s1+$0x90] =	vst v11;
	s8 =	smov.u32 s4;
	s4 =	smov.u32 s9;
	s9 =	smov.u32 s17  }
0x165: {  	v39 =	vmul.f32 $1.442695020e+00, v31;
	v31 =	vmov s18;
	s18 =	spop (v2sf);
	v32 =	vmul.f32 v17, v32;
	v38, _, _ =	vpop (xrf2)  }
0x166: {  	v36 =	vbroadcast v36, $0x0;
	v31 =	vmax.f32 v31, $-5.000000000e+00;
	s18 =	smul.f32 $2.500000000e-01, s18;
	(v2sf) =	vpush v38, $0xF;
	(xrf2) =	vadd.scan.msk.f32 $0xffff, v30  }
0x167: {  	v30 =	vbroadcast v39, $0x0;
	v40 =	vmin.f32 v31, $5.000000000e+00;
	v31 =	vld [tilespmem:s17+$0xC0];
	[tilespmem:s6+$0x70] =	vst v32;
	v32 =	vmul.f32 v37, v16;
	v16 =	vmovc v29  }
0x168: {  	v29 =	vmul.f32 $1.442695020e+00, v40;
	(erf) = vpow2.f32 v36;
	v36 =	vmov s18;
	s18 =	spop (v2sf);
	v11 =	vpop (erf);
	v37 =	vld [tilespmem:s8+$0xB0]  }
0x169: {  	(erf) = vpow2.f32 v30;
	v30 =	vmax.f32 v36, $-5.000000000e+00;
	s18 =	smul.f32 $2.500000000e-01, s18;
	v39 =	vmul.f32 v11, v10;
	v36 =	vld [tilespmem:s11+$0x70];
	v38, _, _ =	vpop (xrf2);
	[tilespmem:s14+$0xFFFFFFE0] =	vst v32  }
0x16a: {  	v29 =	vbroadcast v29, $0x0;
	v30 =	vmin.f32 v30, $5.000000000e+00;
	(v2sf) =	vpush v38, $0xF  }
0x16b: {  	v25 =	vmul.f32 v25, v15;
	v15 =	vmovc v34;
	v30 =	vmul.f32 $1.442695020e+00, v30;
	v32 =	vmov s18;
	[tilespmem:s7+$0x60] =	vst v39;
	s18 =	spop (v2sf)  }
0x16c: {  	v33 =	vmul.f32 v33, v35;
	(erf) = vpow2.f32 v29;
	v10 =	vpop (erf);
	v29 =	vmax.f32 v32, $-5.000000000e+00;
	s18 =	smul.f32 $2.500000000e-01, s18;
	v32 =	vld [tilespmem:s4+$0xA0]  }
0x16d: {  	v31 =	vmul.f32 v10, v31;
	v30 =	vbroadcast v30, $0x0;
	v29 =	vmin.f32 v29, $5.000000000e+00;
	v34 =	vld [tilespmem:s10+$0x60];
	v35, _, _ =	vpop (xrf2);
	[tilespmem:s14+$0x30] =	vst v25;
	s14 =	smov.u32 s1;
	s1 =	smov.u32 s6;
	s6 =	smov.u32 s7  }
0x16e: {  	s7 =	sadd.s32 $0x140, s7;
	v38 =	vmul.f32 $1.442695020e+00, v29;
	v29 =	vmov s18;
	v36 =	vmul.f32 v36, v37;
	[tilespmem:s14+$0x80] =	vst v33  }
.Ltmp0:
0x16f: {  	[tilespmem:s7+$0x50] =	vst v31;
	v29 =	vmax.f32 v29, $-5.000000000e+00;
	(erf) = vpow2.f32 v30;
	s18 =	spop (v2sf);
	(v2sf) =	vpush v35, $0xF;
	(pc) =	sbr.rel @p0 .LBB2_3-.Ltmp0, $4  }
0x170: {  	v30 =	vld [tilespmem:s17+$0x90];
	v31 =	vbroadcast v38, $0x0;
	v29 =	vmin.f32 v29, $5.000000000e+00;
	s18 =	smul.f32 $2.500000000e-01, s18;
	(xrf2) =	vadd.scan.msk.f32 $0xffff, v36;
	v35, _, _ =	vpop (xrf2)  }
0x171: {  	v33 =	vld [tilespmem:s30+$0x50];
	v25 =	vpop (erf);
	v36 =	vmul.f32 $1.442695020e+00, v29;
	(v2sf) =	vpush v35, $0xF  }
0x172: {  	v29 =	vmul.f32 v25, v27;
	v27 =	vpop (erf);
	v34 =	vmul.f32 v34, v32;
	v35 =	vmov s18  }
0x173: {  	s17 =	sadd.s32 $0x200, s17;
	v32 =	vmul.f32 v27, v28;
	v28 =	vbroadcast v36, $0x0;
	v35 =	vmax.f32 v35, $-5.000000000e+00;
	s18 =	spop (v2sf)  }
0x174: {  	_ =	sdelay $0x1  }
0x175: {  	(xrf2) =	vadd.scan.msk.f32 $0xffff, v34;
	v30 =	vmul.f32 v33, v30;
	_ =	sdelay $0x1  }
0x176: {  	(xrf2) =	vadd.scan.msk.f32 $0xffff, v30;
	_ =	sdelay $0x2  }
0x177: {  	s16 =	smul.f32 $2.500000000e-01, s18  }
0x178: {  	v30 =	vmin.f32 v35, $5.000000000e+00  }
0x179: {  	v61 =	vmov s16;
	v30 =	vmul.f32 $1.442695020e+00, v30  }
0x17a: {  	(erf) = vpow2.f32 v31;
	s17 =	spop (v2sf);
	v33 =	vmax.f32 v61, $-5.000000000e+00  }
0x17b: {  	(erf) = vpow2.f32 v28;
	s16 =	smul.f32 $2.500000000e-01, s17;
	v31, _, _ =	vpop (xrf2);
	v28 =	vbroadcast v30, $0x0;
	v30 =	vmin.f32 v33, $5.000000000e+00  }
0x17c: {  	(v2sf) =	vpush v31, $0xF;
	v30 =	vmul.f32 $1.442695020e+00, v30;
	v31, _, _ =	vpop (xrf2)  }
0x17d: {  	(erf) = vpow2.f32 v28;
	v28 =	vmov s16;
	(v2sf) =	vpush v31, $0xF  }
0x17e: {  	[tilespmem:s7+$0xFFFFFFB0] =	vst v29;
	v30 =	vbroadcast v30, $0x0;
	v62 =	vmax.f32 v28, $-5.000000000e+00;
	v31, _, _ =	vpop (xrf2)  }
0x17f: {  	[tilespmem:s7+$0xFFFFFF60] =	vst v32;
	v32 =	vmin.f32 v62, $5.000000000e+00;
	(v2sf) =	vpush v31, $0xF  }
0x180: {  	v42 =	vld [tilespmem:s9+$0xFFFFFF90];
	s18 =	spop (v2sf);
	v28 =	vpop (erf);
	(erf) = vpow2.f32 v30;
	v30 =	vmul.f32 $1.442695020e+00, v32  }
0x181: {  	v37 =	vld [tilespmem:s12+$0xFFFFFFD0];
	s16 =	smul.f32 $2.500000000e-01, s18;
	v41 =	vmul.f32 v28, v20  }
0x182: {  	v63 =	vld [tilespmem:s12+$0xFFFFFF90];
	s19 =	spop (v2sf);
	v29 =	vpop (erf);
	v30 =	vbroadcast v30, $0x0  }
0x183: {  	v40 =	vmov s16;
	s16 =	smul.f32 $2.500000000e-01, s19;
	v26 =	vmul.f32 v29, v26;
	v20 =	vpop (erf);
	v31 =	vld [tilespmem:s9+$0xFFFFFF10];
	[tilespmem:s7+$0x0] =	vst v41  }
0x184: {  	v36 =	vmul.f32 v20, v22;
	v22 =	vpop (erf);
	(erf) = vpow2.f32 v30;
	v30 =	vld [tilespmem:s9+$0x10]  }
0x185: {  	v32 =	vmax.f32 v40, $-5.000000000e+00;
	s17 =	spop (v2sf);
	[tilespmem:s6+$0xFFFFFF70] =	vst v26;
	v26 =	vmov s16;
	v38 =	vld [tilespmem:s12+$0x10]  }
0x186: {  	v32 =	vmin.f32 v32, $5.000000000e+00;
	s17 =	smul.f32 $2.500000000e-01, s17;
	v46 =	vld [tilespmem:s4+$0xFFFFFF20]  }
0x187: {  	v32 =	vmul.f32 $1.442695020e+00, v32;
	v19 =	vmul.f32 v22, v19;
	v47 =	vld [tilespmem:s10+$0xFFFFFFA0];
	[tilespmem:s6+$0xFFFFFFC0] =	vst v36  }
0x188: {  	v44 =	vmov s17;
	v43 =	vmax.f32 v26, $-5.000000000e+00;
	v49 =	vld [tilespmem:s4+$0xFFFFFFA0];
	v26 =	vpop (erf);
	v31 =	vmul.f32 v63, v31  }
0x189: {  	v32 =	vbroadcast v32, $0x0;
	[tilespmem:s6+$0x10] =	vst v19;
	v19 =	vld [tilespmem:s10+$0xFFFFFFE0];
	v45 =	vmul.f32 v26, v24;
	v24 =	vmax.f32 v44, $-5.000000000e+00  }
0x18a: {  	v35 =	vmul.f32 v37, v42;
	v24 =	vmin.f32 v24, $5.000000000e+00;
	(xrf2) =	vadd.scan.msk.f32 $0xffff, v31;
	v31 =	vmin.f32 v43, $5.000000000e+00  }
0x18b: {  	(erf) = vpow2.f32 v32;
	s17 =	spop (v2sf);
	v31 =	vmul.f32 $1.442695020e+00, v31  }
0x18c: {  	v30 =	vmul.f32 v38, v30;
	v48 =	vmul.f32 $1.442695020e+00, v24;
	s16 =	smul.f32 $2.500000000e-01, s17;
	s18 =	spop (v2sf)  }
0x18d: {  	v34 =	vmul.f32 v47, v46;
	v24 =	vpop (erf);
	v31 =	vbroadcast v31, $0x0;
	s17 =	smul.f32 $2.500000000e-01, s18  }
0x18e: {  	v19 =	vmul.f32 v19, v49;
	v39 =	vmul.f32 v24, v23;
	v23 =	vmov s16;
	s19 =	spop (v2sf)  }
0x18f: {  	(xrf2) =	vadd.scan.msk.f32 $0xffff, v35;
	v23 =	vmax.f32 v23, $-5.000000000e+00;
	(erf) = vpow2.f32 v31;
	v31 =	vmov s17;
	s16 =	smul.f32 $2.500000000e-01, s19  }
0x190: {  	v32 =	vbroadcast v48, $0x0;
	(xrf2) =	vadd.scan.msk.f32 $0xffff, v30;
	v50 =	vmin.f32 v23, $5.000000000e+00;
	v31 =	vmax.f32 v31, $-5.000000000e+00  }
0x191: {  	(xrf2) =	vadd.scan.msk.f32 $0xffff, v34;
	v30 =	vmul.f32 $1.442695020e+00, v50;
	v31 =	vmin.f32 v31, $5.000000000e+00;
	v52 =	vmov s16  }
0x192: {  	v51 =	vld [tilespmem:s4+$0x20];
	(erf) = vpow2.f32 v32;
	v23 =	vpop (erf);
	v31 =	vmul.f32 $1.442695020e+00, v31;
	v36 =	vmax.f32 v52, $-5.000000000e+00  }
0x193: {  	v53 =	vld [tilespmem:s10+$0x20];
	[tilespmem:s1+$0xFFFFFF80] =	vst v45;
	v21 =	vmul.f32 v23, v21;
	v30 =	vbroadcast v30, $0x0;
	v55 =	vmin.f32 v36, $5.000000000e+00  }
0x194: {  	v56 =	vld [tilespmem:s8+$0xFFFFFF30];
	v31 =	vbroadcast v31, $0x0;
	v57 =	vmul.f32 $1.442695020e+00, v55  }
0x195: {  	v58 =	vld [tilespmem:s11+$0xFFFFFFB0];
	[tilespmem:s1+$0xFFFFFFD0] =	vst v39;
	(erf) = vpow2.f32 v30  }
0x196: {  	(xrf2) =	vadd.scan.msk.f32 $0xffff, v19;
	v59 =	vld [tilespmem:s11+$0xFFFFFFF0];
	[tilespmem:s1+$0x20] =	vst v21;
	(erf) = vpow2.f32 v31;
	v31 =	vbroadcast v57, $0x0  }
0x197: {  	v54, _, _ =	vpop (xrf2);
	v19 =	vld [tilespmem:s8+$0x30]  }
0x198: {  	v61 =	vpop (erf);
	(v2sf) =	vpush v54, $0xF;
	v62 =	vld [tilespmem:s11+$0x30];
	(erf) = vpow2.f32 v31  }
0x199: {  	v30 =	vld [tilespmem:s8+$0xFFFFFFB0];
	v21 =	vmul.f32 v53, v51;
	v60, _, _ =	vpop (xrf2)  }
0x19a: {  	(v2sf) =	vpush v60, $0xF;
	v63, _, _ =	vpop (xrf2)  }
0x19b: {  	v40 =	vld [tilespmem:s4+$0xE0];
	(xrf2) =	vadd.scan.msk.f32 $0xffff, v21;
	v21 =	vmul.f32 v58, v56;
	v41, _, _ =	vpop (xrf2)  }
0x19c: {  	v32 =	vpop (erf)  }
0x19d: {  	v42 =	vld [tilespmem:s9+$0xD0];
	(v2sf) =	vpush v63, $0xF;
	v19 =	vmul.f32 v62, v19;
	v31 =	vpop (erf)  }
0x19e: {  	(xrf2) =	vadd.scan.msk.f32 $0xffff, v21;
	v33 =	vmul.f32 v59, v30;
	v30 =	vpop (erf)  }
0x19f: {  	(v2sf) =	vpush v41, $0xF;
	v21 =	vpop (erf)  }
0x1a0: {  	v44, _, _ =	vpop (xrf2);
	(xrf2) =	vadd.scan.msk.f32 $0xffff, v33;
	v43 =	vmul.f32 v21, v40  }
0x1a1: {  	(xrf2) =	vadd.scan.msk.f32 $0xffff, v19;
	v19 =	vpop (erf)  }
0x1a2: {  	(v2sf) =	vpush v44, $0xF;
	[tilespmem:s6+$0x70] =	vst v43;
	v45 =	vmul.f32 v19, v42  }
0x1a3: {  	v47 =	vld [tilespmem:s4+$0xB0]  }
0x1a4: {  	v48 =	vld [tilespmem:s10+$0x70];
	[tilespmem:s7+$0x60] =	vst v45  }
0x1a5: {  	v46, _, _ =	vpop (xrf2);
	v33 =	vld [tilespmem:s9+$0xA0]  }
0x1a6: {  	(v2sf) =	vpush v46, $0xF;
	v50 =	vld [tilespmem:s12+$0x60]  }
0x1a7: {  	s18 =	spop (v2sf)  }
0x1a8: {  	v51, _, _ =	vpop (xrf2);
	s11 =	smul.f32 $2.500000000e-01, s18  }
0x1a9: {  	(v2sf) =	vpush v51, $0xF;
	s19 =	spop (v2sf)  }
0x1aa: {  	v52, _, _ =	vpop (xrf2);
	v49 =	vmov s11;
	s11 =	smul.f32 $2.500000000e-01, s19;
	v34 =	vmul.f32 v48, v47  }
0x1ab: {  	(v2sf) =	vpush v52, $0xF;
	v37 =	vmax.f32 v49, $-5.000000000e+00;
	v33 =	vmul.f32 v50, v33  }
0x1ac: {  	v2 =	vnsel vm0, $0x0, v2;
	v53, _, _ =	vpop (xrf2);
	s16 =	spop (v2sf);
	v37 =	vmin.f32 v37, $5.000000000e+00;
	v40 =	vmov s11;
	(xrf2) =	vadd.scan.msk.f32 $0xffff, v34  }
0x1ad: {  	(v2sf) =	vpush v53, $0xF;
	s11 =	smul.f32 $2.500000000e-01, s16;
	v37 =	vmul.f32 $1.442695020e+00, v37;
	v54 =	vmax.f32 v40, $-5.000000000e+00;
	(xrf2) =	vadd.scan.msk.f32 $0xffff, v33  }
0x1ae: {  	v6 =	vsel vm1, $0x0, v6;
	v2 =	vadd.f32 $0.0e+00, v2;
	s17 =	spop (v2sf);
	v55 =	vmin.f32 v54, $5.000000000e+00  }
0x1af: {  	v58 =	vmov s11;
	s11 =	smul.f32 $2.500000000e-01, s17;
	v56 =	vbroadcast v37, $0x0;
	v36 =	vmul.f32 $1.442695020e+00, v55  }
0x1b0: {  	v35 =	vmul.f32 v61, v18;
	v57 =	vsel vm3, $0x0, v61;
	v37 =	vmax.f32 v58, $-5.000000000e+00  }
0x1b1: {  	s18 =	spop (v2sf);
	v18 =	vmov s11;
	(erf) = vpow2.f32 v56;
	v59 =	vbroadcast v36, $0x0  }
0x1b2: {  	s11 =	smul.f32 $2.500000000e-01, s18;
	v18 =	vmax.f32 v18, $-5.000000000e+00;
	v33 =	vadd.f32 v57, v13;
	v13 =	vmin.f32 v37, $5.000000000e+00  }
0x1b3: {  	v18 =	vmin.f32 v18, $5.000000000e+00;
	(erf) = vpow2.f32 v59;
	v13 =	vmul.f32 $1.442695020e+00, v13  }
0x1b4: {  	v62 =	vadd.f32 v6, v2;
	v2 =	vmov s11  }
0x1b5: {  	v60 =	vsel vm3, $0x0, v32;
	s19 =	spop (v2sf);
	v2 =	vmax.f32 v2, $-5.000000000e+00;
	v13 =	vbroadcast v13, $0x0  }
0x1b6: {  	v34 =	vadd.f32 v60, v14;
	v14 =	vmul.f32 $1.442695020e+00, v18;
	s16 =	smul.f32 $2.500000000e-01, s19;
	v2 =	vmin.f32 v2, $5.000000000e+00;
	v18, _, _ =	vpop (xrf2)  }
0x1b7: {  	v61 =	vld [tilespmem:s9+$0xFFFFFF50];
	v2 =	vmul.f32 $1.442695020e+00, v2;
	(erf) = vpow2.f32 v13;
	(v2sf) =	vpush v18, $0xF;
	v47, _, _ =	vpop (xrf2)  }
0x1b8: {  	v6 =	vld [tilespmem:s9+$0xFFFFFFD0];
	v13 =	vbroadcast v14, $0x0;
	v14 =	vmov s16;
	s16 =	spop (v2sf);
	(v2sf) =	vpush v47, $0xF  }
0x1b9: {  	v14 =	vmax.f32 v14, $-5.000000000e+00;
	s11 =	smul.f32 $2.500000000e-01, s16  }
0x1ba: {  	v17 =	vsel vm2, $0x0, v17;
	v39 =	vld [tilespmem:s4+$0xFFFFFFE0];
	s17 =	spop (v2sf);
	v14 =	vmin.f32 v14, $5.000000000e+00  }
0x1bb: {  	v63 =	vld [tilespmem:s9+$0x50];
	v18 =	vpop (erf);
	(erf) = vpow2.f32 v13;
	v13 =	vbroadcast v2, $0x0;
	s18 =	smul.f32 $2.500000000e-01, s17;
	v42 =	vmov s11  }
0x1bc: {  	v41 =	vld [tilespmem:s4+$0x60];
	s19 =	spop (v2sf);
	v36 =	vmul.f32 v18, v61;
	v14 =	vmul.f32 $1.442695020e+00, v14;
	v2 =	vpop (erf);
	v42 =	vmax.f32 v42, $-5.000000000e+00  }
0x1bd: {  	v43 =	vld [tilespmem:s8+$0xFFFFFF70];
	s16 =	smul.f32 $2.500000000e-01, s19;
	v48 =	vmov s18;
	v45 =	vmul.f32 v2, v6;
	v6 =	vmin.f32 v42, $5.000000000e+00  }
0x1be: {  	v40 =	vld [tilespmem:s4+$0xFFFFFF60];
	v44 =	vbroadcast v14, $0x0;
	v46 =	vmul.f32 $1.442695020e+00, v6;
	v6 =	vmax.f32 v48, $-5.000000000e+00  }
0x1bf: {  	v17 =	vadd.f32 v17, v62;
	v50 =	vld [tilespmem:s8+$0xF0];
	(erf) = vpow2.f32 v13;
	v49 =	vmov s16  }
0x1c0: {  	v13 =	vld [tilespmem:s8+$0x70];
	[tilespmem:s7+$0xFFFFFF70] =	vst v36;
	v42 =	vmax.f32 v49, $-5.000000000e+00;
	(erf) = vpow2.f32 v44;
	v51 =	vmin.f32 v6, $5.000000000e+00  }
0x1c1: {  	v53 =	vld [tilespmem:s9+$0xFFFFFF20];
	v42 =	vmin.f32 v42, $5.000000000e+00;
	v52 =	vbroadcast v46, $0x0;
	v44 =	vmul.f32 $1.442695020e+00, v51;
	v6 =	vpop (erf)  }
0x1c2: {  	v57 =	vsel vm3, $0x0, v31;
	v56 =	vld [tilespmem:s12+$0xFFFFFFA0];
	[tilespmem:s7+$0xFFFFFFC0] =	vst v45;
	v55 =	vmul.f32 $1.442695020e+00, v42;
	v54 =	vmul.f32 v6, v63  }
0x1c3: {  	v12 =	vadd.f32 v57, v12;
	v59 =	vld [tilespmem:s9+$0xFFFFFFA0];
	v58 =	vbroadcast v44, $0x0  }
0x1c4: {  	v62 =	vld [tilespmem:s12+$0xFFFFFFE0];
	(erf) = vpow2.f32 v52;
	v61 =	vbroadcast v55, $0x0;
	[tilespmem:s7+$0x10] =	vst v54  }
0x1c5: {  	v60 =	vsel vm3, $0x0, v30;
	[tilespmem:s14+$0x40] =	vst v12;
	v12 =	vmul.f32 v32, v16;
	(erf) = vpow2.f32 v58;
	v63 =	vld [tilespmem:s9+$0x20]  }
0x1c6: {  	[tilespmem:s14+$0xFFFFFFA0] =	vst v33;
	v33 =	vadd.f32 v60, v17;
	v17 =	vpop (erf);
	(erf) = vpow2.f32 v61;
	v16 =	vld [tilespmem:s12+$0x20];
	s11 =	spop (v2sf)  }
0x1c7: {  	v26 =	vsel vm2, $0x0, v26;
	[tilespmem:s14+$0xFFFFFFE0] =	vst v12;
	v12 =	vmul.f32 v31, v15;
	v14 =	vld [tilespmem:s8+$0xFFFFFFF0];
	s8 =	smul.f32 $2.500000000e-01, s11;
	s16 =	spop (v2sf)  }
0x1c8: {  	v8 =	vadd.f32 v26, v8;
	[tilespmem:s14+$0xFFFFFF90] =	vst v35;
	v15 =	vsel vm2, $0x0, v23;
	s11 =	smul.f32 $2.500000000e-01, s16  }
0x1c9: {  	v15 =	vadd.f32 v15, v9;
	[tilespmem:s14+$0x30] =	vst v12;
	v12 =	vmul.f32 v30, v50;
	v45 =	vmul.f32 v56, v53  }
0x1ca: {  	[tilespmem:s14+$0xFFFFFFF0] =	vst v34;
	v46 =	vld [tilespmem:s9+$0xFFFFFF60];
	v40 =	vmul.f32 v17, v40;
	v26 =	vpop (erf);
	v9 =	vmul.f32 v62, v59;
	v50 =	vmov s11  }
0x1cb: {  	v47 =	vld [tilespmem:s9+$0xFFFFFFE0];
	(xrf2) =	vadd.scan.msk.f32 $0xffff, v45;
	v23 =	vmul.f32 v26, v39;
	v31 =	vpop (erf);
	v34 =	vmul.f32 v16, v63;
	v16 =	vmax.f32 v50, $-5.000000000e+00  }
0x1cc: {  	v24 =	vsel vm2, $0x0, v24;
	v48 =	vld [tilespmem:s9+$0x60];
	[tilespmem:s6+$0xFFFFFF80] =	vst v40;
	v30 =	vmul.f32 v31, v41  }
0x1cd: {  	v7 =	vadd.f32 v24, v7;
	v24 =	vld [tilespmem:s4+$0xFFFFFF30];
	(xrf2) =	vadd.scan.msk.f32 $0xffff, v9;
	[tilespmem:s6+$0xFFFFFFD0] =	vst v23;
	v49 =	vpop (erf);
	v23 =	vmov s8  }
0x1ce: {  	v32 =	vld [tilespmem:s10+$0xFFFFFFB0];
	[tilespmem:s6+$0x20] =	vst v30;
	v30 =	vsel vm3, $0x0, v49;
	v23 =	vmax.f32 v23, $-5.000000000e+00;
	v53 =	vmin.f32 v16, $5.000000000e+00;
	v16 =	vpop (erf)  }
0x1cf: {  	[tilespmem:s1+$0x80] =	vst v12;
	v51 =	vld [tilespmem:s4+$0xFFFFFFB0];
	v8 =	vadd.f32 v30, v8;
	v9 =	vmin.f32 v23, $5.000000000e+00;
	v12 =	vpop (erf)  }
0x1d0: {  	v52 =	vld [tilespmem:s10+$0xFFFFFFF0];
	(xrf2) =	vadd.scan.msk.f32 $0xffff, v34;
	v23 =	vmul.f32 v49, v43;
	v9 =	vmul.f32 $1.442695020e+00, v9;
	v57 =	vsel vm3, $0x0, v12  }
0x1d1: {  	[tilespmem:s1+$0x90] =	vst v33;
	v54 =	vld [tilespmem:s4+$0x30];
	v30 =	vmul.f32 $1.442695020e+00, v53;
	v55 =	vsel vm3, $0x0, v16;
	v15 =	vadd.f32 v57, v15  }
0x1d2: {  	v56 =	vld [tilespmem:s10+$0x30];
	[tilespmem:s1+$0xFFFFFF90] =	vst v23;
	v23 =	vbroadcast v9, $0x0;
	v7 =	vadd.f32 v55, v7  }
0x1d3: {  	v24 =	vmul.f32 v32, v24;
	[tilespmem:s1+$0xFFFFFFA0] =	vst v8;
	v8 =	vld [tilespmem:s4+$0xFFFFFFF0];
	v30 =	vbroadcast v30, $0x0  }
0x1d4: {  	v9 =	vld [tilespmem:s4+$0xFFFFFF70];
	(erf) = vpow2.f32 v23;
	[tilespmem:s1+$0xFFFFFFF0] =	vst v7  }
0x1d5: {  	(xrf2) =	vadd.scan.msk.f32 $0xffff, v24;
	v23 =	vld [tilespmem:s9+$0xE0];
	(erf) = vpow2.f32 v30;
	[tilespmem:s1+$0x40] =	vst v15;
	v15, _, _ =	vpop (xrf2)  }
0x1d6: {  	v7 =	vld [tilespmem:s4+$0x70];
	(v2sf) =	vpush v15, $0xF;
	_ =	sdelay $0x1  }
0x1d7: {  	v15, _, _ =	vpop (xrf2)  }
0x1d8: {  	(v2sf) =	vpush v15, $0xF  }
0x1d9: {  	v15, _, _ =	vpop (xrf2)  }
0x1da: {  	(v2sf) =	vpush v15, $0xF;
	_ =	sdelay $0x9  }
0x1db: {  	s17 =	spop (v2sf)  }
0x1dc: {  	s8 =	smul.f32 $2.500000000e-01, s17;
	_ =	sdelay $0x1  }
0x1dd: {  	s18 =	spop (v2sf);
	v15 =	vmov s8  }
0x1de: {  	s8 =	smul.f32 $2.500000000e-01, s18;
	v15 =	vmax.f32 v15, $-5.000000000e+00  }
0x1df: {  	s19 =	spop (v2sf);
	v15 =	vmin.f32 v15, $5.000000000e+00  }
0x1e0: {  	s11 =	smul.f32 $2.500000000e-01, s19;
	v24 =	vmov s8;
	v15 =	vmul.f32 $1.442695020e+00, v15  }
0x1e1: {  	v24 =	vmax.f32 v24, $-5.000000000e+00  }
0x1e2: {  	v30 =	vmov s11;
	v24 =	vmin.f32 v24, $5.000000000e+00;
	v15 =	vbroadcast v15, $0x0  }
0x1e3: {  	v30 =	vmax.f32 v30, $-5.000000000e+00;
	v24 =	vmul.f32 $1.442695020e+00, v24  }
0x1e4: {  	v30 =	vmin.f32 v30, $5.000000000e+00;
	(erf) = vpow2.f32 v15  }
0x1e5: {  	v15 =	vbroadcast v24, $0x0;
	v24 =	vmul.f32 $1.442695020e+00, v30;
	_ =	sdelay $0x1  }
0x1e6: {  	v24 =	vbroadcast v24, $0x0;
	(erf) = vpow2.f32 v15;
	_ =	sdelay $0x1  }
0x1e7: {  	v58 =	vpop (erf);
	(erf) = vpow2.f32 v24  }
0x1e8: {  	v30 =	vpop (erf)  }
0x1e9: {  	v15 =	vmul.f32 v30, v23;
	_ =	sdelay $0x1  }
0x1ea: {  	[tilespmem:s7+$0x70] =	vst v15;
	v24 =	vpop (erf)  }
0x1eb: {  	v59 =	vld [tilespmem:s9+$0xB0];
	v23 =	vmul.f32 v24, v46  }
0x1ec: {  	v60 =	vld [tilespmem:s12+$0x70]  }
0x1ed: {  	v15 =	vpop (erf)  }
0x1ee: {  	[tilespmem:s7+$0xFFFFFF80] =	vst v23;
	v61 =	vmul.f32 v15, v47  }
0x1ef: {  	v36 =	vmul.f32 v52, v51;
	v62 =	vld [tilespmem:s9+$0xFFFFFF30];
	v23 =	vpop (erf)  }
0x1f0: {  	v34 =	vmul.f32 v56, v54;
	v40 =	vld [tilespmem:s12+$0xFFFFFFB0];
	[tilespmem:s7+$0xFFFFFFD0] =	vst v61;
	v63 =	vmul.f32 v23, v48  }
0x1f1: {  	(xrf2) =	vadd.scan.msk.f32 $0xffff, v36;
	v33 =	vmul.f32 v60, v59;
	v42 =	vld [tilespmem:s9+$0xFFFFFFB0]  }
0x1f2: {  	(xrf2) =	vadd.scan.msk.f32 $0xffff, v34;
	v43 =	vld [tilespmem:s12+$0xFFFFFFF0];
	[tilespmem:s7+$0x20] =	vst v63  }
0x1f3: {  	(xrf2) =	vadd.scan.msk.f32 $0xffff, v33;
	v44 =	vld [tilespmem:s9+$0x30]  }
0x1f4: {  	v38 =	vld [tilespmem:s12+$0x30];
	_ =	sdelay $0x2  }
0x1f5: {  	v35 =	vmul.f32 v40, v62  }
0x1f6: {  	v34 =	vmul.f32 v43, v42  }
0x1f7: {  	v45, _, _ =	vpop (xrf2);
	(xrf2) =	vadd.scan.msk.f32 $0xffff, v35;
	v33 =	vmul.f32 v38, v44  }
0x1f8: {  	(v2sf) =	vpush v45, $0xF;
	(xrf2) =	vadd.scan.msk.f32 $0xffff, v34  }
0x1f9: {  	v46, _, _ =	vpop (xrf2);
	(xrf2) =	vadd.scan.msk.f32 $0xffff, v33  }
0x1fa: {  	(v2sf) =	vpush v46, $0xF;
	v47, _, _ =	vpop (xrf2)  }
0x1fb: {  	(v2sf) =	vpush v47, $0xF;
	v48, _, _ =	vpop (xrf2)  }
0x1fc: {  	(v2sf) =	vpush v48, $0xF;
	_ =	sdelay $0x4  }
0x1fd: {  	v49, _, _ =	vpop (xrf2)  }
0x1fe: {  	(v2sf) =	vpush v49, $0xF;
	v50, _, _ =	vpop (xrf2)  }
0x1ff: {  	(v2sf) =	vpush v50, $0xF;
	v51, _, _ =	vpop (xrf2)  }
0x200: {  	v27 =	vnsel vm0, $0x0, v27;
	(v2sf) =	vpush v51, $0xF  }
0x201: {  	v25 =	vnsel vm0, $0x0, v25;
	v1 =	vnsel vm0, $0x0, v1;
	v11 =	vsel vm1, $0x0, v11  }
0x202: {  	v10 =	vnsel vm0, $0x0, v10;
	v27 =	vadd.f32 $0.0e+00, v27;
	v29 =	vsel vm1, $0x0, v29  }
0x203: {  	v1 =	vadd.f32 $0.0e+00, v1;
	v20 =	vsel vm1, $0x0, v20;
	v4 =	vadd.f32 v29, v4;
	s12 =	spop (v2sf)  }
0x204: {  	v22 =	vsel vm1, $0x0, v22;
	v3 =	vadd.f32 v20, v3;
	v17 =	vsel vm2, $0x0, v17;
	s8 =	smul.f32 $2.500000000e-01, s12  }
0x205: {  	v5 =	vadd.f32 v22, v5;
	v4 =	vadd.f32 v17, v4;
	v17 =	vsel vm2, $0x0, v26;
	s14 =	spop (v2sf)  }
0x206: {  	v3 =	vadd.f32 v17, v3;
	v20 =	vsel vm2, $0x0, v31;
	v17 =	vmov s8;
	s16 =	smul.f32 $2.500000000e-01, s14;
	s17 =	spop (v2sf)  }
0x207: {  	v1 =	vadd.f32 v11, v1;
	v5 =	vadd.f32 v20, v5;
	v17 =	vmax.f32 v17, $-5.000000000e+00;
	s10 =	smul.f32 $2.500000000e-01, s17;
	s18 =	spop (v2sf)  }
0x208: {  	v14 =	vmul.f32 v16, v14;
	v11 =	vmin.f32 v17, $5.000000000e+00;
	v17 =	vmov s16;
	s19 =	smul.f32 $2.500000000e-01, s18  }
0x209: {  	v11 =	vmul.f32 $1.442695020e+00, v11;
	v17 =	vmax.f32 v17, $-5.000000000e+00;
	v20 =	vmov s10  }
0x20a: {  	v17 =	vmin.f32 v17, $5.000000000e+00;
	v20 =	vmax.f32 v20, $-5.000000000e+00;
	v22 =	vmov s19  }
0x20b: {  	v17 =	vmul.f32 $1.442695020e+00, v17;
	v20 =	vmin.f32 v20, $5.000000000e+00;
	v22 =	vmax.f32 v22, $-5.000000000e+00  }
0x20c: {  	v11 =	vbroadcast v11, $0x0;
	v20 =	vmul.f32 $1.442695020e+00, v20;
	v22 =	vmin.f32 v22, $5.000000000e+00  }
0x20d: {  	v25 =	vadd.f32 $0.0e+00, v25;
	v17 =	vbroadcast v17, $0x0;
	v22 =	vmul.f32 $1.442695020e+00, v22;
	s10 =	spop (v2sf)  }
0x20e: {  	v21 =	vsel vm2, $0x0, v21;
	(erf) = vpow2.f32 v11;
	v11 =	vbroadcast v20, $0x0;
	s8 =	smul.f32 $2.500000000e-01, s10;
	s11 =	spop (v2sf)  }
0x20f: {  	v1 =	vadd.f32 v21, v1;
	(erf) = vpow2.f32 v17;
	v17 =	vbroadcast v22, $0x0;
	s10 =	smul.f32 $2.500000000e-01, s11;
	s12 =	spop (v2sf)  }
0x210: {  	v12 =	vmul.f32 v12, v13;
	(erf) = vpow2.f32 v11;
	v11 =	vmov s8;
	s14 =	smul.f32 $2.500000000e-01, s12  }
0x211: {  	(erf) = vpow2.f32 v17;
	v11 =	vmax.f32 v11, $-5.000000000e+00;
	v17 =	vmov s10  }
0x212: {  	v11 =	vmin.f32 v11, $5.000000000e+00;
	v17 =	vmax.f32 v17, $-5.000000000e+00;
	v21 =	vmov s14  }
0x213: {  	v11 =	vmul.f32 $1.442695020e+00, v11;
	v17 =	vmin.f32 v17, $5.000000000e+00;
	v21 =	vmax.f32 v21, $-5.000000000e+00  }
0x214: {  	v16 =	vld [tilespmem:s4+$0xF0];
	v20 =	vsel vm3, $0x0, v58;
	v13 =	vmul.f32 $1.442695020e+00, v17;
	v17 =	vmin.f32 v21, $5.000000000e+00  }
0x215: {  	v1 =	vadd.f32 v20, v1;
	v11 =	vbroadcast v11, $0x0;
	v17 =	vmul.f32 $1.442695020e+00, v17  }
0x216: {  	v10 =	vadd.f32 $0.0e+00, v10;
	v28 =	vnsel vm0, $0x0, v28;
	v13 =	vbroadcast v13, $0x0  }
0x217: {  	[tilespmem:s1+$0xFFFFFFE0] =	vst v14;
	v14 =	vsel vm1, $0x0, v19;
	(erf) = vpow2.f32 v11;
	v11 =	vbroadcast v17, $0x0  }
0x218: {  	v28 =	vadd.f32 $0.0e+00, v28;
	v10 =	vadd.f32 v14, v10  }
0x219: {  	v18 =	vsel vm1, $0x0, v18;
	v16 =	vmul.f32 v58, v16;
	[tilespmem:s6+$0x90] =	vst v1;
	v1 =	vpop (erf);
	(erf) = vpow2.f32 v13  }
0x21a: {  	[tilespmem:s1+$0x30] =	vst v12;
	v9 =	vmul.f32 v1, v9;
	v1 =	vsel vm3, $0x0, v1;
	v12 =	vpop (erf);
	(erf) = vpow2.f32 v11  }
0x21b: {  	[tilespmem:s6+$0x80] =	vst v16;
	v1 =	vadd.f32 v1, v4;
	v4 =	vsel vm3, $0x0, v12;
	v13 =	vsel vm2, $0x0, v30;
	v11 =	vpop (erf)  }
0x21c: {  	[tilespmem:s6+$0xFFFFFF90] =	vst v9;
	v3 =	vadd.f32 v4, v3;
	v9 =	vadd.f32 v13, v10;
	v13 =	vld [tilespmem:s9+$0xF0];
	v4 =	vsel vm3, $0x0, v11;
	v10 =	vpop (erf)  }
0x21d: {  	v14 =	vadd.f32 v18, v27;
	[tilespmem:s6+$0xFFFFFFA0] =	vst v1;
	v1 =	vld [tilespmem:s9+$0xFFFFFF70];
	v4 =	vadd.f32 v4, v5;
	v5 =	vsel vm3, $0x0, v10  }
0x21e: {  	v2 =	vsel vm1, $0x0, v2;
	[tilespmem:s6+$0xFFFFFFF0] =	vst v3;
	v3 =	vadd.f32 v5, v9;
	v5 =	vsel vm2, $0x0, v24  }
0x21f: {  	v6 =	vsel vm1, $0x0, v6;
	[tilespmem:s6+$0x40] =	vst v4;
	v4 =	vmul.f32 v12, v8;
	v5 =	vadd.f32 v5, v14  }
0x220: {  	v2 =	vadd.f32 v2, v25;
	v6 =	vadd.f32 v6, v28;
	[tilespmem:s7+$0x90] =	vst v3;
	v3 =	vmul.f32 v11, v7  }
0x221: {  	v9 =	vld [tilespmem:s9+$0xFFFFFFF0];
	v8 =	vsel vm2, $0x0, v23;
	v7 =	vsel vm2, $0x0, v15;
	[tilespmem:s6+$0xFFFFFFE0] =	vst v4;
	v4 =	vmul.f32 v10, v13;
	v10 =	vpop (erf)  }
0x222: {  	v2 =	vadd.f32 v7, v2;
	v7 =	vld [tilespmem:s9+$0x70];
	[tilespmem:s6+$0x30] =	vst v3;
	v1 =	vmul.f32 v10, v1;
	v3 =	vsel vm3, $0x0, v10;
	v10 =	vpop (erf)  }
0x223: {  	v6 =	vadd.f32 v8, v6;
	[tilespmem:s7+$0x80] =	vst v4;
	v3 =	vadd.f32 v3, v5;
	v4 =	vsel vm3, $0x0, v10;
	v5 =	vpop (erf)  }
0x224: {  	[tilespmem:s7+$0xFFFFFF90] =	vst v1;
	v1 =	vadd.f32 v4, v2;
	v2 =	vsel vm3, $0x0, v5  }
0x225: {  	[tilespmem:s7+$0xFFFFFFA0] =	vst v3;
	v2 =	vadd.f32 v2, v6  }
0x226: {  	[tilespmem:s7+$0xFFFFFFF0] =	vst v1;
	v1 =	vmul.f32 v10, v9  }
0x227: {  	[tilespmem:s7+$0x40] =	vst v2;
	v2 =	vmul.f32 v5, v7  }
0x228: {  	[tilespmem:s7+$0xFFFFFFE0] =	vst v1  }
0x229: {  	[tilespmem:s7+$0x30] =	vst v2  }
0x22a: {  	[spmem:s3] =	stream.indirect.scatter.add.f32 [tilespmem:s26], [sflag:$0x3], $0x50, s25, s15, $0xb8;
	[tilespmem:$0x1F720] =	vst v63  }
0x22b: {  	_ =	swait.ge [sflag:s13], $0x1900  }
0x22c: {  	[sflag:s13] =	ssyncset.done $0x0  }
0x22d: {  	[sflag:s13] =	ssyncadd.s32 $0xFFFFE700  }
0x22e: {  	v1 =	vld [tilespmem:s0+$0x4EC0];
	_ =	sdelay $0x4  }
0x22f: {  	[tilespmem:$0x9C40] =	vst v1  }
0x230: {  	v2 =	vld [tilespmem:s0+$0xA0];
	_ =	sdelay $0x3  }
0x231: {  	v1 =	vadd.s32 v0, v1  }
0x232: {  	[tilespmem:$0x9D80] =	vst v1;
	v2 =	vadd.s32 v0, v2  }
0x233: {  	[tilespmem:$0x9CE0] =	vst v2  }
0x234: {  	v1 =	vld [tilespmem:s0+$0x4ED0];
	_ =	sdelay $0x4  }
0x235: {  	[tilespmem:$0x9C50] =	vst v1  }
0x236: {  	v2 =	vld [tilespmem:s0+$0xB0];
	_ =	sdelay $0x3  }
0x237: {  	v1 =	vadd.s32 v0, v1  }
0x238: {  	[tilespmem:$0x9D90] =	vst v1;
	v2 =	vadd.s32 v0, v2  }
0x239: {  	[tilespmem:$0x9CF0] =	vst v2  }
0x23a: {  	v1 =	vld [tilespmem:s0+$0x4EE0];
	_ =	sdelay $0x4  }
0x23b: {  	[tilespmem:$0x9C60] =	vst v1  }
0x23c: {  	v2 =	vld [tilespmem:s0+$0xC0];
	_ =	sdelay $0x3  }
0x23d: {  	v1 =	vadd.s32 v0, v1  }
0x23e: {  	[tilespmem:$0x9DA0] =	vst v1;
	v2 =	vadd.s32 v0, v2  }
0x23f: {  	[tilespmem:$0x9D00] =	vst v2  }
0x240: {  	v1 =	vld [tilespmem:s0+$0x4EF0];
	_ =	sdelay $0x4  }
0x241: {  	[tilespmem:$0x9C70] =	vst v1  }
0x242: {  	v2 =	vld [tilespmem:s0+$0xD0];
	_ =	sdelay $0x3  }
0x243: {  	v1 =	vadd.s32 v0, v1  }
0x244: {  	[tilespmem:$0x9DB0] =	vst v1;
	v2 =	vadd.s32 v0, v2  }
0x245: {  	[tilespmem:$0x9D10] =	vst v2  }
0x246: {  	v1 =	vld [tilespmem:s0+$0x4F00];
	_ =	sdelay $0x4  }
0x247: {  	[tilespmem:$0x9C80] =	vst v1  }
0x248: {  	v2 =	vld [tilespmem:s0+$0xE0];
	_ =	sdelay $0x3  }
0x249: {  	v1 =	vadd.s32 v0, v1  }
0x24a: {  	[tilespmem:$0x9DC0] =	vst v1;
	v2 =	vadd.s32 v0, v2  }
0x24b: {  	s16 =	simm.s32 $0x9CE0;
	s17 =	simm.s32 $0x9E20;
	[tilespmem:$0x9D20] =	vst v2  }
0x24c: {  	[tilespmem:s17], [sflag:$0x1] =	stream.indirect.gather [hbm4b:s5+s15], $0x80, s16, s15, $0xb8;
	[tilespmem:$0x1F720] =	vst v63  }
0x24d: {  	s18 =	simm.s32 $0x9D80;
	s19 =	simm.s32 $0xEE20  }
0x24e: {  	[tilespmem:s19], [sflag:$0x1] =	stream.indirect.gather [hbm4b:s2+s15], $0x40, s18, s15, $0xb8;
	[tilespmem:$0x1F720] =	vst v63  }
0x24f: {  	_ =	swait.ge [sflag:s28], $0x2800  }
0x250: {  	[sflag:s28] =	ssyncset.done $0x0  }
0x251: {  	[sflag:s28] =	ssyncadd.s32 $0xFFFFD800  }
0x252: {  	_ =	swait.ge [sflag:s28], $0x1400  }
0x253: {  	[sflag:s28] =	ssyncset.done $0x0  }
0x254: {  	s11 =	simm.s32 $0xC720;
	[sflag:s28] =	ssyncadd.s32 $0xFFFFEC00  }
0x255: {  	s7 =	simm.s32 $0x102A0;
	v1 =	vld [tilespmem:s11+$0x80]  }
0x256: {  	v2 =	vld [tilespmem:s7+$0x40];
	_ =	sdelay $0x4  }
0x257: {  	v1 =	vmul.f32 v2, v1;
	_ =	sdelay $0x1  }
0x258: {  	(xrf2) =	vadd.scan.msk.f32 $0xffff, v1;
	_ =	sdelay $0x9  }
0x259: {  	v1, _, _ =	vpop (xrf2)  }
0x25a: {  	(v2sf) =	vpush v1, $0xF;
	_ =	sdelay $0x8  }
0x25b: {  	v3 =	vld [tilespmem:s7+$0xFFFFFFC0]  }
0x25c: {  	v4 =	vld [tilespmem:s11+$0xFFFFFF00]  }
0x25d: {  	v2 =	vld [tilespmem:s11+$0xFFFFFF80]  }
0x25e: {  	v1 =	vld [tilespmem:s7+$0xFFFFFF80];
	_ =	sdelay $0x2  }
0x25f: {  	s4 =	spop (v2sf)  }
0x260: {  	v2 =	vmul.f32 v3, v2;
	s0 =	smul.f32 $2.500000000e-01, s4  }
0x261: {  	v1 =	vmul.f32 v1, v4  }
0x262: {  	(xrf2) =	vadd.scan.msk.f32 $0xffff, v2;
	v4 =	vmov s0  }
0x263: {  	v5 =	vld [tilespmem:s7+$0x0];
	(xrf2) =	vadd.scan.msk.f32 $0xffff, v1;
	v2 =	vmax.f32 v4, $-5.000000000e+00  }
0x264: {  	v3 =	vld [tilespmem:s11+$0x0];
	v1 =	vmin.f32 v2, $5.000000000e+00  }
0x265: {  	v1 =	vmul.f32 $1.442695020e+00, v1;
	_ =	sdelay $0x1  }
0x266: {  	v1 =	vbroadcast v1, $0x0;
	_ =	sdelay $0x1  }
0x267: {  	v2 =	vmul.f32 v5, v3;
	(erf) = vpow2.f32 v1;
	_ =	sdelay $0x1  }
0x268: {  	(xrf2) =	vadd.scan.msk.f32 $0xffff, v2  }
0x269: {  	v1, _, _ =	vpop (xrf2)  }
0x26a: {  	(v2sf) =	vpush v1, $0xF;
	v1, _, _ =	vpop (xrf2)  }
0x26b: {  	v2 =	vld [tilespmem:s11+$0xC0];
	(v2sf) =	vpush v1, $0xF;
	_ =	sdelay $0x3  }
0x26c: {  	v13 =	vpop (erf)  }
0x26d: {  	v1 =	vmul.f32 v13, v2  }
0x26e: {  	s0 =	simm.s32 $0x116C0  }
0x26f: {  	v2, _, _ =	vpop (xrf2);
	[tilespmem:s0+$0x50] =	vst v1  }
0x270: {  	(v2sf) =	vpush v2, $0xF;
	v1 =	vld [tilespmem:s11+$0x90]  }
0x271: {  	s10 =	simm.s32 $0x103A0;
	v2 =	vld [tilespmem:s7+$0x50]  }
0x272: {  	s1 =	simm.s32 $0xC920;
	v4 =	vld [tilespmem:s10+$0x40]  }
0x273: {  	v3 =	vld [tilespmem:s1+$0x80];
	_ =	sdelay $0x2  }
0x274: {  	v1 =	vmul.f32 v2, v1;
	s6 =	spop (v2sf)  }
0x275: {  	s4 =	smul.f32 $2.500000000e-01, s6;
	s8 =	spop (v2sf)  }
0x276: {  	(xrf2) =	vadd.scan.msk.f32 $0xffff, v1;
	v1 =	vmul.f32 v4, v3;
	s6 =	smul.f32 $2.500000000e-01, s8  }
0x277: {  	v2 =	vmov s4  }
0x278: {  	(xrf2) =	vadd.scan.msk.f32 $0xffff, v1;
	v1 =	vmax.f32 v2, $-5.000000000e+00;
	v2 =	vmov s6  }
0x279: {  	v2 =	vmax.f32 v2, $-5.000000000e+00  }
0x27a: {  	v2 =	vmin.f32 v2, $5.000000000e+00  }
0x27b: {  	v1 =	vmin.f32 v1, $5.000000000e+00;
	v2 =	vmul.f32 $1.442695020e+00, v2  }
0x27c: {  	v1 =	vmul.f32 $1.442695020e+00, v1  }
0x27d: {  	s9 =	spop (v2sf);
	v2 =	vbroadcast v2, $0x0  }
0x27e: {  	v1 =	vbroadcast v1, $0x0;
	s4 =	smul.f32 $2.500000000e-01, s9;
	_ =	sdelay $0x1  }
0x27f: {  	(erf) = vpow2.f32 v1;
	v3 =	vmov s4  }
0x280: {  	(erf) = vpow2.f32 v2;
	v1 =	vmax.f32 v3, $-5.000000000e+00;
	v2, _, _ =	vpop (xrf2)  }
0x281: {  	v1 =	vmin.f32 v1, $5.000000000e+00;
	(v2sf) =	vpush v2, $0xF  }
0x282: {  	v7 =	vld [tilespmem:s10+$0xFFFFFFC0];
	v1 =	vmul.f32 $1.442695020e+00, v1;
	v4, _, _ =	vpop (xrf2)  }
0x283: {  	v8 =	vld [tilespmem:s1+$0xFFFFFF00];
	(v2sf) =	vpush v4, $0xF  }
0x284: {  	v5 =	vld [tilespmem:s1+$0xFFFFFF80];
	v1 =	vbroadcast v1, $0x0  }
0x285: {  	v3 =	vld [tilespmem:s11+$0xFFFFFF40]  }
0x286: {  	v2 =	vld [tilespmem:s10+$0xFFFFFF80];
	(erf) = vpow2.f32 v1  }
0x287: {  	v1 =	vld [tilespmem:s11+$0xFFFFFFC0]  }
0x288: {  	v4 =	vpop (erf)  }
0x289: {  	v6 =	vpop (erf)  }
0x28a: {  	v5 =	vmul.f32 v7, v5;
	v7 =	vld [tilespmem:s11+$0x40];
	v3 =	vmul.f32 v6, v3  }
0x28b: {  	v2 =	vmul.f32 v2, v8;
	v8 =	vld [tilespmem:s1+$0x0]  }
0x28c: {  	(xrf2) =	vadd.scan.msk.f32 $0xffff, v5;
	v1 =	vmul.f32 v4, v1;
	[tilespmem:s0+$0xFFFFFF60] =	vst v3;
	v3 =	vld [tilespmem:s10+$0x0]  }
0x28d: {  	(xrf2) =	vadd.scan.msk.f32 $0xffff, v2;
	v2 =	vld [tilespmem:s11+$0xFFFFFF10]  }
0x28e: {  	[tilespmem:s0+$0xFFFFFFB0] =	vst v1;
	v1 =	vld [tilespmem:s7+$0xFFFFFF90]  }
0x28f: {  	v9 =	vld [tilespmem:s11+$0xFFFFFF90];
	v5 =	vpop (erf)  }
0x290: {  	v10 =	vld [tilespmem:s7+$0xFFFFFFD0];
	v7 =	vmul.f32 v5, v7;
	s12 =	spop (v2sf)  }
0x291: {  	s4 =	smul.f32 $2.500000000e-01, s12  }
0x292: {  	v3 =	vmul.f32 v3, v8;
	[tilespmem:s0+$0x0] =	vst v7;
	s14 =	spop (v2sf)  }
0x293: {  	v7 =	vld [tilespmem:s11+$0x10];
	s16 =	smul.f32 $2.500000000e-01, s14;
	v8 =	vmov s4  }
0x294: {  	(xrf2) =	vadd.scan.msk.f32 $0xffff, v3;
	v1 =	vmul.f32 v1, v2;
	v11 =	vld [tilespmem:s7+$0x10];
	v2 =	vmax.f32 v8, $-5.000000000e+00  }
0x295: {  	v3 =	vmul.f32 v10, v9;
	v9 =	vmov s16;
	v2 =	vmin.f32 v2, $5.000000000e+00  }
0x296: {  	v9 =	vmax.f32 v9, $-5.000000000e+00;
	v8, _, _ =	vpop (xrf2);
	v2 =	vmul.f32 $1.442695020e+00, v2  }
0x297: {  	(xrf2) =	vadd.scan.msk.f32 $0xffff, v1;
	v1 =	vmin.f32 v9, $5.000000000e+00;
	(v2sf) =	vpush v8, $0xF;
	v8, _, _ =	vpop (xrf2)  }
0x298: {  	(xrf2) =	vadd.scan.msk.f32 $0xffff, v3;
	v1 =	vmul.f32 $1.442695020e+00, v1;
	(v2sf) =	vpush v8, $0xF;
	v2 =	vbroadcast v2, $0x0  }
0x299: {  	v3 =	vmul.f32 v11, v7  }
0x29a: {  	v1 =	vbroadcast v1, $0x0;
	(erf) = vpow2.f32 v2  }
0x29b: {  	(xrf2) =	vadd.scan.msk.f32 $0xffff, v3;
	_ =	sdelay $0x1  }
0x29c: {  	(erf) = vpow2.f32 v1  }
0x29d: {  	v1, _, _ =	vpop (xrf2)  }
0x29e: {  	(v2sf) =	vpush v1, $0xF;
	v1 =	vld [tilespmem:s11+$0xD0];
	_ =	sdelay $0x1  }
0x29f: {  	v2, _, _ =	vpop (xrf2)  }
0x2a0: {  	v3 =	vld [tilespmem:s1+$0xC0];
	(v2sf) =	vpush v2, $0xF;
	v2, _, _ =	vpop (xrf2)  }
0x2a1: {  	v14 =	vpop (erf)  }
0x2a2: {  	(v2sf) =	vpush v2, $0xF;
	v2 =	vmul.f32 v14, v1  }
0x2a3: {  	v7, _, _ =	vpop (xrf2)  }
0x2a4: {  	v1 =	vpop (erf);
	s17 =	spop (v2sf);
	[tilespmem:s0+$0x60] =	vst v2;
	(v2sf) =	vpush v7, $0xF  }
0x2a5: {  	v2 =	vmul.f32 v1, v3;
	s4 =	smul.f32 $2.500000000e-01, s17;
	s18 =	spop (v2sf);
	v3 =	vld [tilespmem:s11+$0xA0]  }
0x2a6: {  	s14 =	simm.s32 $0x11800;
	v8 =	vld [tilespmem:s7+$0x60];
	s6 =	smul.f32 $2.500000000e-01, s18  }
0x2a7: {  	[tilespmem:s14+$0x50] =	vst v2;
	v7 =	vmov s4  }
0x2a8: {  	v9 =	vld [tilespmem:s1+$0x90];
	v2 =	vmax.f32 v7, $-5.000000000e+00;
	v7 =	vmov s6  }
0x2a9: {  	v10 =	vld [tilespmem:s10+$0x50];
	v2 =	vmin.f32 v2, $5.000000000e+00;
	v7 =	vmax.f32 v7, $-5.000000000e+00  }
0x2aa: {  	v2 =	vmul.f32 $1.442695020e+00, v2;
	v7 =	vmin.f32 v7, $5.000000000e+00  }
0x2ab: {  	v3 =	vmul.f32 v8, v3;
	v7 =	vmul.f32 $1.442695020e+00, v7  }
0x2ac: {  	s4 =	simm.s32 $0xCB20;
	s19 =	spop (v2sf);
	v2 =	vbroadcast v2, $0x0  }
0x2ad: {  	s9 =	simm.s32 $0x104A0;
	v11 =	vld [tilespmem:s4+$0x80];
	s6 =	smul.f32 $2.500000000e-01, s19;
	(xrf2) =	vadd.scan.msk.f32 $0xffff, v3;
	v7 =	vbroadcast v7, $0x0  }
0x2ae: {  	v8 =	vld [tilespmem:s9+$0x40];
	(erf) = vpow2.f32 v2;
	v2 =	vmul.f32 v10, v9  }
0x2af: {  	s8 =	spop (v2sf);
	v3 =	vmov s6  }
0x2b0: {  	s6 =	smul.f32 $2.500000000e-01, s8;
	(erf) = vpow2.f32 v7;
	(xrf2) =	vadd.scan.msk.f32 $0xffff, v2;
	v2 =	vmax.f32 v3, $-5.000000000e+00  }
0x2b1: {  	s12 =	spop (v2sf);
	v2 =	vmin.f32 v2, $5.000000000e+00  }
0x2b2: {  	s16 =	smul.f32 $2.500000000e-01, s12;
	v7 =	vmov s6;
	v2 =	vmul.f32 $1.442695020e+00, v2  }
0x2b3: {  	v15 =	vld [tilespmem:s9+$0xFFFFFFC0];
	v3 =	vmul.f32 v8, v11;
	v7 =	vmax.f32 v7, $-5.000000000e+00;
	s17 =	spop (v2sf)  }
0x2b4: {  	v18 =	vld [tilespmem:s4+$0xFFFFFF00];
	v9 =	vmov s16;
	v7 =	vmin.f32 v7, $5.000000000e+00;
	v2 =	vbroadcast v2, $0x0;
	s6 =	smul.f32 $2.500000000e-01, s17  }
0x2b5: {  	v10 =	vld [tilespmem:s9+$0xFFFFFF80];
	(xrf2) =	vadd.scan.msk.f32 $0xffff, v3;
	v9 =	vmax.f32 v9, $-5.000000000e+00;
	v7 =	vmul.f32 $1.442695020e+00, v7  }
0x2b6: {  	v3 =	vld [tilespmem:s1+$0xFFFFFF40];
	(erf) = vpow2.f32 v2;
	v2 =	vmin.f32 v9, $5.000000000e+00;
	v12 =	vmov s6  }
0x2b7: {  	v7 =	vbroadcast v7, $0x0;
	v9 =	vld [tilespmem:s4+$0xFFFFFF80];
	v16, _, _ =	vpop (xrf2);
	v2 =	vmul.f32 $1.442695020e+00, v2;
	v17 =	vmax.f32 v12, $-5.000000000e+00  }
0x2b8: {  	v11 =	vpop (erf);
	(v2sf) =	vpush v16, $0xF  }
0x2b9: {  	v8 =	vld [tilespmem:s1+$0xFFFFFFC0];
	(erf) = vpow2.f32 v7;
	v7 =	vmin.f32 v17, $5.000000000e+00;
	v12 =	vpop (erf);
	v2 =	vbroadcast v2, $0x0  }
0x2ba: {  	v10 =	vmul.f32 v10, v18;
	v7 =	vmul.f32 $1.442695020e+00, v7;
	v17, _, _ =	vpop (xrf2)  }
0x2bb: {  	v16 =	vld [tilespmem:s1+$0x40];
	v3 =	vmul.f32 v12, v3;
	(v2sf) =	vpush v17, $0xF;
	(erf) = vpow2.f32 v2  }
0x2bc: {  	v2 =	vld [tilespmem:s4+$0x0];
	v7 =	vbroadcast v7, $0x0;
	v9 =	vmul.f32 v15, v9  }
0x2bd: {  	[tilespmem:s14+$0xFFFFFF60] =	vst v3;
	v3 =	vld [tilespmem:s9+$0x0]  }
0x2be: {  	v19 =	vld [tilespmem:s11+$0xFFFFFF50];
	(erf) = vpow2.f32 v7;
	(xrf2) =	vadd.scan.msk.f32 $0xffff, v9;
	v7 =	vmul.f32 v11, v8  }
0x2bf: {  	v15, _, _ =	vpop (xrf2);
	v17 =	vld [tilespmem:s1+$0xFFFFFF10]  }
0x2c0: {  	(v2sf) =	vpush v15, $0xF;
	v9 =	vld [tilespmem:s10+$0xFFFFFF90];
	(xrf2) =	vadd.scan.msk.f32 $0xffff, v10;
	v10 =	vpop (erf)  }
0x2c1: {  	v15 =	vld [tilespmem:s11+$0xFFFFFFD0];
	[tilespmem:s14+$0xFFFFFFB0] =	vst v7;
	v8 =	vmul.f32 v10, v16  }
0x2c2: {  	v2 =	vmul.f32 v3, v2;
	v7 =	vpop (erf);
	v3 =	vld [tilespmem:s1+$0xFFFFFF90]  }
0x2c3: {  	v16 =	vmul.f32 v7, v19;
	v19 =	vld [tilespmem:s10+$0xFFFFFFD0]  }
0x2c4: {  	v18 =	vld [tilespmem:s11+$0x50];
	[tilespmem:s14+$0x0] =	vst v8  }
0x2c5: {  	(xrf2) =	vadd.scan.msk.f32 $0xffff, v2;
	v2 =	vmul.f32 v9, v17;
	v17 =	vld [tilespmem:s1+$0x10];
	v8 =	vpop (erf)  }
0x2c6: {  	[tilespmem:s0+$0xFFFFFF70] =	vst v16;
	v9 =	vmul.f32 v8, v15;
	v15 =	vld [tilespmem:s10+$0x10]  }
0x2c7: {  	(xrf2) =	vadd.scan.msk.f32 $0xffff, v2;
	v2 =	vld [tilespmem:s11+$0xFFFFFF20]  }
0x2c8: {  	v16 =	vld [tilespmem:s7+$0xFFFFFFA0];
	s18 =	spop (v2sf);
	v3 =	vmul.f32 v19, v3;
	v19, _, _ =	vpop (xrf2)  }
0x2c9: {  	s6 =	smul.f32 $2.500000000e-01, s18;
	(v2sf) =	vpush v19, $0xF  }
0x2ca: {  	[tilespmem:s0+$0xFFFFFFC0] =	vst v9;
	v9 =	vpop (erf);
	s19 =	spop (v2sf)  }
0x2cb: {  	v21, _, _ =	vpop (xrf2);
	(xrf2) =	vadd.scan.msk.f32 $0xffff, v3;
	v3 =	vmov s6;
	v18 =	vmul.f32 v9, v18;
	v15 =	vmul.f32 v15, v17;
	s8 =	smul.f32 $2.500000000e-01, s19  }
0x2cc: {  	v20 =	vld [tilespmem:s11+$0xFFFFFFA0];
	v3 =	vmax.f32 v3, $-5.000000000e+00  }
0x2cd: {  	v19 =	vld [tilespmem:s7+$0xFFFFFFE0];
	v2 =	vmul.f32 v16, v2;
	[tilespmem:s0+$0x10] =	vst v18;
	(xrf2) =	vadd.scan.msk.f32 $0xffff, v15;
	v15 =	vmov s8  }
0x2ce: {  	(v2sf) =	vpush v21, $0xF;
	v3 =	vmin.f32 v3, $5.000000000e+00;
	v17 =	vld [tilespmem:s11+$0x20];
	v15 =	vmax.f32 v15, $-5.000000000e+00  }
0x2cf: {  	s12 =	spop (v2sf);
	v3 =	vmul.f32 $1.442695020e+00, v3;
	v16 =	vld [tilespmem:s7+$0x20];
	v18, _, _ =	vpop (xrf2);
	(xrf2) =	vadd.scan.msk.f32 $0xffff, v2;
	v2 =	vmin.f32 v15, $5.000000000e+00  }
0x2d0: {  	s6 =	smul.f32 $2.500000000e-01, s12;
	v2 =	vmul.f32 $1.442695020e+00, v2  }
0x2d1: {  	v3 =	vbroadcast v3, $0x0;
	(v2sf) =	vpush v18, $0xF  }
0x2d2: {  	v18 =	vmul.f32 v19, v20;
	v19 =	vmov s6;
	v15, _, _ =	vpop (xrf2);
	v2 =	vbroadcast v2, $0x0  }
0x2d3: {  	(v2sf) =	vpush v15, $0xF;
	v15 =	vmax.f32 v19, $-5.000000000e+00  }
0x2d4: {  	(erf) = vpow2.f32 v3;
	(xrf2) =	vadd.scan.msk.f32 $0xffff, v18;
	v3 =	vmin.f32 v15, $5.000000000e+00;
	v15 =	vmul.f32 v16, v17  }
0x2d5: {  	v3 =	vmul.f32 $1.442695020e+00, v3  }
0x2d6: {  	(erf) = vpow2.f32 v2;
	v2, _, _ =	vpop (xrf2);
	(xrf2) =	vadd.scan.msk.f32 $0xffff, v15  }
0x2d7: {  	v3 =	vbroadcast v3, $0x0;
	(v2sf) =	vpush v2, $0xF  }
0x2d8: {  	v2, _, _ =	vpop (xrf2);
	s16 =	spop (v2sf)  }
0x2d9: {  	v16 =	vld [tilespmem:s11+$0xE0];
	(erf) = vpow2.f32 v3;
	(v2sf) =	vpush v2, $0xF;
	s6 =	smul.f32 $2.500000000e-01, s16  }
0x2da: {  	v2, _, _ =	vpop (xrf2)  }
0x2db: {  	v17 =	vld [tilespmem:s1+$0xD0];
	(v2sf) =	vpush v2, $0xF;
	v2 =	vmov s6  }
0x2dc: {  	v2 =	vmax.f32 v2, $-5.000000000e+00  }
0x2dd: {  	s17 =	spop (v2sf);
	v15 =	vpop (erf);
	v2 =	vmin.f32 v2, $5.000000000e+00  }
0x2de: {  	v19 =	vld [tilespmem:s4+$0xC0];
	s8 =	smul.f32 $2.500000000e-01, s17;
	v16 =	vmul.f32 v15, v16;
	v18, _, _ =	vpop (xrf2)  }
0x2df: {  	(v2sf) =	vpush v18, $0xF;
	v3 =	vpop (erf)  }
0x2e0: {  	v20 =	vmov s8;
	[tilespmem:s0+$0x70] =	vst v16;
	v18 =	vmul.f32 $1.442695020e+00, v2;
	v16 =	vmul.f32 v3, v17;
	v2, _, _ =	vpop (xrf2)  }
0x2e1: {  	v21 =	vld [tilespmem:s7+$0x70];
	s18 =	spop (v2sf);
	v17 =	vmax.f32 v20, $-5.000000000e+00;
	(v2sf) =	vpush v2, $0xF  }
0x2e2: {  	v20 =	vld [tilespmem:s11+$0xB0];
	s6 =	smul.f32 $2.500000000e-01, s18;
	v17 =	vmin.f32 v17, $5.000000000e+00;
	v18 =	vbroadcast v18, $0x0;
	[tilespmem:s14+$0x60] =	vst v16;
	v2 =	vpop (erf);
	s19 =	spop (v2sf)  }
0x2e3: {  	v16 =	vmul.f32 $1.442695020e+00, v17;
	v17 =	vld [tilespmem:s1+$0xA0];
	v19 =	vmul.f32 v2, v19;
	s8 =	smul.f32 $2.500000000e-01, s19  }
0x2e4: {  	v22 =	vmov s6;
	v23 =	vld [tilespmem:s10+$0x60];
	s6 =	simm.s32 $0x11940;
	(erf) = vpow2.f32 v18  }
0x2e5: {  	v22 =	vmax.f32 v22, $-5.000000000e+00;
	v16 =	vbroadcast v16, $0x0;
	[tilespmem:s6+$0x50] =	vst v19;
	v18 =	vmov s8  }
0x2e6: {  	v19 =	vmin.f32 v22, $5.000000000e+00;
	v22 =	vld [tilespmem:s4+$0x90];
	v18 =	vmax.f32 v18, $-5.000000000e+00;
	s12 =	spop (v2sf)  }
0x2e7: {  	(erf) = vpow2.f32 v16;
	v19 =	vmul.f32 $1.442695020e+00, v19;
	v24 =	vld [tilespmem:s9+$0x50];
	v16 =	vmin.f32 v18, $5.000000000e+00;
	s16 =	smul.f32 $2.500000000e-01, s12  }
0x2e8: {  	v18 =	vmul.f32 v21, v20;
	v16 =	vmul.f32 $1.442695020e+00, v16;
	s17 =	spop (v2sf)  }
0x2e9: {  	s8 =	simm.s32 $0xCD20;
	v17 =	vmul.f32 v23, v17;
	v19 =	vbroadcast v19, $0x0;
	v21 =	vmov s16;
	s16 =	smul.f32 $2.500000000e-01, s17  }
0x2ea: {  	s12 =	simm.s32 $0x105A0;
	(xrf2) =	vadd.scan.msk.f32 $0xffff, v18;
	v18 =	vld [tilespmem:s8+$0x80];
	v16 =	vbroadcast v16, $0x0;
	v21 =	vmax.f32 v21, $-5.000000000e+00  }
0x2eb: {  	s18 =	spop (v2sf);
	(xrf2) =	vadd.scan.msk.f32 $0xffff, v17;
	v17 =	vld [tilespmem:s12+$0x40];
	(erf) = vpow2.f32 v19;
	v21 =	vmin.f32 v21, $5.000000000e+00;
	v25 =	vmov s16  }
0x2ec: {  	s19 =	smul.f32 $2.500000000e-01, s18;
	v22 =	vmul.f32 v24, v22;
	v19 =	vmul.f32 $1.442695020e+00, v21;
	v21 =	vmax.f32 v25, $-5.000000000e+00  }
0x2ed: {  	v23 =	vld [tilespmem:s4+$0xFFFFFF40];
	(erf) = vpow2.f32 v16;
	v16 =	vmin.f32 v21, $5.000000000e+00  }
0x2ee: {  	v26 =	vld [tilespmem:s12+$0xFFFFFFC0];
	s17 =	spop (v2sf);
	v21 =	vmov s19;
	v16 =	vmul.f32 $1.442695020e+00, v16  }
0x2ef: {  	v25 =	vld [tilespmem:s8+$0xFFFFFF80];
	s16 =	smul.f32 $2.500000000e-01, s17;
	v19 =	vbroadcast v19, $0x0;
	v21 =	vmax.f32 v21, $-5.000000000e+00  }
0x2f0: {  	v20 =	vld [tilespmem:s4+$0xFFFFFFC0];
	(xrf2) =	vadd.scan.msk.f32 $0xffff, v22;
	v22 =	vpop (erf);
	v17 =	vmul.f32 v17, v18;
	v21 =	vmin.f32 v21, $5.000000000e+00;
	v16 =	vbroadcast v16, $0x0;
	s18 =	spop (v2sf)  }
0x2f1: {  	v28 =	vld [tilespmem:s8+$0xFFFFFF00];
	v18 =	vpop (erf);
	v21 =	vmul.f32 $1.442695020e+00, v21;
	(erf) = vpow2.f32 v19;
	v19 =	vmov s16;
	s19 =	smul.f32 $2.500000000e-01, s18  }
0x2f2: {  	v6 =	vnsel vm0, $0x0, v6;
	v27 =	vld [tilespmem:s12+$0xFFFFFF80];
	v23 =	vmul.f32 v18, v23;
	(xrf2) =	vadd.scan.msk.f32 $0xffff, v17;
	v17 =	vmax.f32 v19, $-5.000000000e+00  }
0x2f3: {  	v29 =	vld [tilespmem:s1+$0xFFFFFF50];
	(erf) = vpow2.f32 v16;
	v16 =	vbroadcast v21, $0x0;
	v21 =	vmov s19  }
0x2f4: {  	v30 =	vld [tilespmem:s12+$0x0];
	v25 =	vmul.f32 v26, v25;
	v17 =	vmin.f32 v17, $5.000000000e+00;
	v21 =	vmax.f32 v21, $-5.000000000e+00  }
0x2f5: {  	v24 =	vld [tilespmem:s4+$0x40];
	v20 =	vmul.f32 v22, v20;
	v31, _, _ =	vpop (xrf2);
	[tilespmem:s6+$0xFFFFFF60] =	vst v23;
	v17 =	vmul.f32 $1.442695020e+00, v17;
	v21 =	vmin.f32 v21, $5.000000000e+00  }
0x2f6: {  	v19 =	vld [tilespmem:s8+$0x0];
	(v2sf) =	vpush v31, $0xF;
	v23, _, _ =	vpop (xrf2);
	(xrf2) =	vadd.scan.msk.f32 $0xffff, v25;
	(erf) = vpow2.f32 v16;
	v21 =	vmul.f32 $1.442695020e+00, v21  }
0x2f7: {  	v25 =	vld [tilespmem:s4+$0xFFFFFF10];
	(v2sf) =	vpush v23, $0xF;
	v23 =	vmul.f32 v27, v28;
	v16 =	vbroadcast v17, $0x0  }
0x2f8: {  	v6 =	vadd.f32 $0.0e+00, v6;
	v4 =	vnsel vm0, $0x0, v4;
	[tilespmem:s6+$0xFFFFFFB0] =	vst v20;
	v17 =	vld [tilespmem:s9+$0xFFFFFF90];
	v20 =	vbroadcast v21, $0x0  }
0x2f9: {  	v4 =	vadd.f32 $0.0e+00, v4;
	v5 =	vnsel vm0, $0x0, v5;
	v52 =	vpop (erf);
	(xrf2) =	vadd.scan.msk.f32 $0xffff, v23;
	(erf) = vpow2.f32 v16;
	v16 =	vld [tilespmem:s4+$0xFFFFFF90]  }
0x2fa: {  	v5 =	vadd.f32 $0.0e+00, v5;
	v12 =	vnsel vm0, $0x0, v12;
	v21 =	vpop (erf);
	(erf) = vpow2.f32 v20;
	v20 =	vld [tilespmem:s9+$0xFFFFFFD0]  }
0x2fb: {  	v12 =	vadd.f32 $0.0e+00, v12;
	v24 =	vmul.f32 v52, v24;
	v19 =	vmul.f32 v30, v19;
	v23, _, _ =	vpop (xrf2)  }
0x2fc: {  	v11 =	vnsel vm0, $0x0, v11;
	v7 =	vsel vm1, $0x0, v7;
	v26 =	vld [tilespmem:s1+$0xFFFFFFD0];
	(v2sf) =	vpush v23, $0xF  }
0x2fd: {  	v7 =	vadd.f32 v7, v6;
	v31 =	vld [tilespmem:s1+$0x50];
	[tilespmem:s6+$0x0] =	vst v24;
	(xrf2) =	vadd.scan.msk.f32 $0xffff, v19;
	v6, _, _ =	vpop (xrf2);
	v17 =	vmul.f32 v17, v25  }
0x2fe: {  	v11 =	vadd.f32 $0.0e+00, v11;
	v8 =	vsel vm1, $0x0, v8;
	v24 =	vld [tilespmem:s9+$0x10];
	(v2sf) =	vpush v6, $0xF  }
0x2ff: {  	v9 =	vsel vm1, $0x0, v9;
	v19 =	vld [tilespmem:s4+$0x10];
	v23 =	vmul.f32 v21, v29;
	(xrf2) =	vadd.scan.msk.f32 $0xffff, v17;
	v16 =	vmul.f32 v20, v16  }
0x300: {  	v10 =	vnsel vm0, $0x0, v10;
	v27 =	vld [tilespmem:s11+$0xFFFFFF60];
	v28 =	vadd.f32 v8, v4;
	v4 =	vnsel vm0, $0x0, v18;
	v20, _, _ =	vpop (xrf2)  }
0x301: {  	v25 =	vpop (erf);
	v29 =	vadd.f32 v9, v5;
	v5 =	vld [tilespmem:s11+$0xFFFFFFE0];
	v17 =	vnsel vm0, $0x0, v22;
	[tilespmem:s14+$0xFFFFFF70] =	vst v23;
	(v2sf) =	vpush v20, $0xF  }
0x302: {  	v10 =	vadd.f32 $0.0e+00, v10;
	v8 =	vadd.f32 $0.0e+00, v4;
	v6 =	vmul.f32 v25, v26;
	v9 =	vpop (erf);
	v18 =	vld [tilespmem:s1+$0xFFFFFF20]  }
0x303: {  	v21 =	vsel vm1, $0x0, v21;
	v22 =	vnsel vm0, $0x0, v52;
	v4 =	vadd.f32 $0.0e+00, v17;
	v23 =	vld [tilespmem:s10+$0xFFFFFFA0];
	(xrf2) =	vadd.scan.msk.f32 $0xffff, v16;
	v16, _, _ =	vpop (xrf2)  }
0x304: {  	[tilespmem:s14+$0xFFFFFFC0] =	vst v6;
	v6 =	vadd.f32 $0.0e+00, v22;
	v19 =	vmul.f32 v24, v19;
	v17 =	vpop (erf);
	(v2sf) =	vpush v16, $0xF  }
0x305: {  	v26 =	vld [tilespmem:s1+$0xFFFFFFA0];
	v20 =	vmul.f32 v9, v31;
	v22 =	vmul.f32 v17, v27;
	v17 =	vsel vm2, $0x0, v17;
	s17 =	spop (v2sf)  }
0x306: {  	v24 =	vpop (erf);
	s16 =	smul.f32 $2.500000000e-01, s17;
	v16 =	vsel vm1, $0x0, v25;
	v25 =	vsel vm1, $0x0, v9;
	v9 =	vadd.f32 v21, v12;
	v21 =	vld [tilespmem:s10+$0xFFFFFFE0];
	s18 =	spop (v2sf)  }
0x307: {  	v7 =	vadd.f32 v17, v7;
	(xrf2) =	vadd.scan.msk.f32 $0xffff, v19;
	v19 =	vmul.f32 v24, v5;
	v5 =	vadd.f32 v16, v11;
	v11, _, _ =	vpop (xrf2);
	s17 =	smul.f32 $2.500000000e-01, s18  }
0x308: {  	v30 =	vld [tilespmem:s11+$0x60];
	[tilespmem:s14+$0x10] =	vst v20;
	v18 =	vmul.f32 v23, v18;
	(v2sf) =	vpush v11, $0xF;
	v11 =	vmov s16  }
0x309: {  	v17 =	vsel vm2, $0x0, v24;
	[tilespmem:s0+$0xFFFFFF80] =	vst v22;
	v22 =	vld [tilespmem:s10+$0x20];
	v23, _, _ =	vpop (xrf2);
	v11 =	vmax.f32 v11, $-5.000000000e+00;
	v20 =	vmov s17  }
0x30a: {  	(xrf2) =	vadd.scan.msk.f32 $0xffff, v18;
	v18 =	vld [tilespmem:s1+$0x20];
	(v2sf) =	vpush v23, $0xF;
	v11 =	vmin.f32 v11, $5.000000000e+00;
	v20 =	vmax.f32 v20, $-5.000000000e+00  }
0x30b: {  	s19 =	spop (v2sf);
	v21 =	vmul.f32 v21, v26;
	v24 =	vmul.f32 $1.442695020e+00, v11;
	v11 =	vmin.f32 v20, $5.000000000e+00;
	v20 =	vld [tilespmem:s11+$0xFFFFFF30]  }
0x30c: {  	v13 =	vnsel vm0, $0x0, v13;
	v12 =	vpop (erf);
	s16 =	smul.f32 $2.500000000e-01, s19;
	v23 =	vmul.f32 $1.442695020e+00, v11;
	v11 =	vadd.f32 v17, v28;
	v17 =	vld [tilespmem:s7+$0xFFFFFFB0]  }
0x30d: {  	v16 =	vmul.f32 v12, v30;
	v10 =	vadd.f32 v25, v10;
	s17 =	spop (v2sf);
	v24 =	vbroadcast v24, $0x0  }
0x30e: {  	[tilespmem:s0+$0xFFFFFFD0] =	vst v19;
	(xrf2) =	vadd.scan.msk.f32 $0xffff, v21;
	v25 =	vmov s16;
	v19 =	vbroadcast v23, $0x0;
	s16 =	smul.f32 $2.500000000e-01, s17  }
0x30f: {  	[tilespmem:s0+$0x20] =	vst v16;
	v16 =	vmul.f32 v22, v18;
	v21, _, _ =	vpop (xrf2);
	v25 =	vmax.f32 v25, $-5.000000000e+00;
	(erf) = vpow2.f32 v24  }
0x310: {  	(v2sf) =	vpush v21, $0xF;
	(erf) = vpow2.f32 v19;
	v19 =	vmov s16;
	s18 =	spop (v2sf)  }
0x311: {  	v27 =	vld [tilespmem:s8+$0xFFFFFFC0];
	v21 =	vmin.f32 v25, $5.000000000e+00;
	v18 =	vmax.f32 v19, $-5.000000000e+00;
	v17 =	vmul.f32 v17, v20;
	s16 =	smul.f32 $2.500000000e-01, s18  }
0x312: {  	v13 =	vadd.f32 $0.0e+00, v13;
	v26 =	vld [tilespmem:s7+$0xFFFFFFF0];
	v21 =	vmul.f32 $1.442695020e+00, v21;
	v24, _, _ =	vpop (xrf2);
	(xrf2) =	vadd.scan.msk.f32 $0xffff, v16;
	v18 =	vmin.f32 v18, $5.000000000e+00  }
0x313: {  	v23 =	vld [tilespmem:s11+$0xFFFFFFB0];
	(v2sf) =	vpush v24, $0xF;
	v18 =	vmul.f32 $1.442695020e+00, v18;
	(xrf2) =	vadd.scan.msk.f32 $0xffff, v17;
	v17 =	vmov s16;
	s19 =	spop (v2sf)  }
0x314: {  	v14 =	vsel vm1, $0x0, v14;
	v20 =	vld [tilespmem:s7+$0x30];
	v19 =	vbroadcast v21, $0x0;
	v17 =	vmax.f32 v17, $-5.000000000e+00;
	s7 =	smul.f32 $2.500000000e-01, s19  }
0x315: {  	v13 =	vadd.f32 v14, v13;
	v21 =	vld [tilespmem:s11+$0x30];
	v18 =	vbroadcast v18, $0x0;
	v17 =	vmin.f32 v17, $5.000000000e+00  }
0x316: {  	v22 =	vld [tilespmem:s1+$0xE0];
	v16, _, _ =	vpop (xrf2);
	(erf) = vpow2.f32 v19;
	v17 =	vmul.f32 $1.442695020e+00, v17;
	v14 =	vmov s7  }
0x317: {  	v15 =	vsel vm2, $0x0, v15;
	v31 =	vld [tilespmem:s8+$0xC0];
	(v2sf) =	vpush v16, $0xF;
	s16 =	spop (v2sf);
	v14 =	vmax.f32 v14, $-5.000000000e+00  }
0x318: {  	v12 =	vsel vm2, $0x0, v12;
	v30 =	vld [tilespmem:s11+$0xF0];
	v16 =	vmul.f32 v26, v23;
	v19, _, _ =	vpop (xrf2);
	s7 =	smul.f32 $2.500000000e-01, s16;
	v17 =	vbroadcast v17, $0x0  }
0x319: {  	v12 =	vadd.f32 v12, v29;
	v28 =	vld [tilespmem:s8+$0xFFFFFF40];
	(erf) = vpow2.f32 v18;
	v18 =	vpop (erf);
	v29 =	vmin.f32 v14, $5.000000000e+00  }
0x31a: {  	v25 =	vld [tilespmem:s8+$0x40];
	(xrf2) =	vadd.scan.msk.f32 $0xffff, v16;
	v20 =	vmul.f32 v20, v21;
	s17 =	spop (v2sf);
	v16 =	vmul.f32 $1.442695020e+00, v29;
	v29 =	vmov s7;
	v14 =	vpop (erf)  }
0x31b: {  	v26 =	vld [tilespmem:s4+$0xD0];
	(v2sf) =	vpush v19, $0xF;
	s7 =	smul.f32 $2.500000000e-01, s17;
	v29 =	vmax.f32 v29, $-5.000000000e+00;
	v22 =	vmul.f32 v14, v22  }
0x31c: {  	v13 =	vadd.f32 v15, v13;
	v24 =	vld [tilespmem:s4+$0xFFFFFF50];
	(xrf2) =	vadd.scan.msk.f32 $0xffff, v20;
	(erf) = vpow2.f32 v17;
	v15 =	vmin.f32 v29, $5.000000000e+00;
	v17, _, _ =	vpop (xrf2)  }
0x31d: {  	v23 =	vld [tilespmem:s4+$0xFFFFFFD0];
	(v2sf) =	vpush v17, $0xF;
	[tilespmem:s14+$0x70] =	vst v22;
	v22 =	vmov s7  }
0x31e: {  	v19 =	vld [tilespmem:s4+$0x50];
	v16 =	vbroadcast v16, $0x0;
	v29 =	vsel vm3, $0x0, v18  }
0x31f: {  	v20 =	vmul.f32 $1.442695020e+00, v15;
	v29 =	vadd.f32 v29, v13;
	v15 =	vpop (erf);
	v53 =	vld [tilespmem:s1+$0xB0];
	v17 =	vmax.f32 v22, $-5.000000000e+00  }
0x320: {  	s18 =	spop (v2sf);
	(erf) = vpow2.f32 v16;
	v16 =	vmul.f32 v15, v26;
	v26 =	vld [tilespmem:s10+$0x70];
	v13 =	vmin.f32 v17, $5.000000000e+00;
	v22, _, _ =	vpop (xrf2)  }
0x321: {  	v21 =	vld [tilespmem:s1+$0xFFFFFF60];
	s7 =	smul.f32 $2.500000000e-01, s18;
	v54 =	vbroadcast v20, $0x0;
	(v2sf) =	vpush v22, $0xF  }
0x322: {  	v30 =	vmul.f32 v18, v30;
	v18 =	vld [tilespmem:s11+$0xFFFFFF70];
	s19 =	spop (v2sf);
	[tilespmem:s6+$0x60] =	vst v16;
	v16 =	vmul.f32 $1.442695020e+00, v13  }
0x323: {  	v17 =	vmov s7;
	(erf) = vpow2.f32 v54;
	s17 =	smul.f32 $2.500000000e-01, s19;
	v13 =	vpop (erf);
	v55 =	vld [tilespmem:s4+$0xA0]  }
0x324: {  	v17 =	vmax.f32 v17, $-5.000000000e+00;
	v56 =	vld [tilespmem:s9+$0x60];
	v31 =	vmul.f32 v13, v31;
	v57 =	vbroadcast v16, $0x0  }
0x325: {  	v20 =	vld [tilespmem:s1+$0xFFFFFFE0];
	s7 =	simm.s32 $0x11A80;
	v58, _, _ =	vpop (xrf2);
	v16 =	vmin.f32 v17, $5.000000000e+00;
	v17 =	vmov s17;
	v32 =	vmul.f32 v26, v53  }
0x326: {  	v22 =	vld [tilespmem:s1+$0x60];
	s18 =	spop (v2sf);
	(v2sf) =	vpush v58, $0xF;
	v61, _, _ =	vpop (xrf2);
	v17 =	vmax.f32 v17, $-5.000000000e+00;
	(erf) = vpow2.f32 v57;
	[tilespmem:s7+$0x50] =	vst v31  }
0x327: {  	s19 =	smul.f32 $2.500000000e-01, s18;
	v59 =	vmul.f32 $1.442695020e+00, v16;
	v26 =	vpop (erf);
	v60 =	vmin.f32 v17, $5.000000000e+00;
	v31 =	vld [tilespmem:s8+$0x90];
	(xrf2) =	vadd.scan.msk.f32 $0xffff, v32  }
0x328: {  	(v2sf) =	vpush v61, $0xF;
	v35 =	vmul.f32 v26, v27;
	v62 =	vmul.f32 $1.442695020e+00, v60;
	v32 =	vld [tilespmem:s12+$0x50]  }
0x329: {  	s16 =	simm.s32 $0xC;
	[tilespmem:s0+$0x90] =	vst v29;
	v16 =	vld [tilespmem:s11+$0xFFFFFFF0];
	v63 =	vmov s19;
	v29 =	vbroadcast v59, $0x0;
	v27 =	vpop (erf);
	v34 =	vmul.f32 v56, v55  }
0x32a: {  	[tilespmem:s0+$0x80] =	vst v30;
	s17 =	simm.s32 $0xCF20;
	v17 =	vld [tilespmem:s11+$0x70];
	s30 =	spop (v2sf);
	s11 =	simm.s32 $0x105A0;
	v33 =	vmax.f32 v63, $-5.000000000e+00;
	v28 =	vmul.f32 v27, v28;
	v30 =	vbroadcast v62, $0x0  }
.LBB2_5:
0x32b: {  	v36 =	vld [tilespmem:s17+$0x80];
	[tilespmem:s7+$0xFFFFFFB0] =	vst v35;
	s12 =	sadd.s32 $0x100, s12;
	(erf) = vpow2.f32 v29;
	(xrf2) =	vadd.scan.msk.f32 $0xffff, v34;
	v29 =	vmin.f32 v33, $5.000000000e+00;
	s18 =	smul.f32 $2.500000000e-01, s30  }
0x32c: {  	v27 =	vnsel vm0, $0x0, v27;
	v26 =	vnsel vm0, $0x0, v26;
	v33 =	vld [tilespmem:s12+$0x40];
	[tilespmem:s7+$0xFFFFFF60] =	vst v28;
	v34 =	vpop (erf);
	v28 =	vmul.f32 $1.442695020e+00, v29;
	s19 =	spop (v2sf)  }
0x32d: {  	v29 =	vld [tilespmem:s12+$0xFFFFFF80];
	v25 =	vmul.f32 v34, v25;
	v37 =	vmul.f32 v32, v31;
	v32 =	vmov s18;
	s18 =	smul.f32 $2.500000000e-01, s19  }
0x32e: {  	v35 =	vld [tilespmem:s17+$0xFFFFFF80];
	(erf) = vpow2.f32 v30;
	v39 =	vbroadcast v28, $0x0;
	v30 =	vmax.f32 v32, $-5.000000000e+00  }
0x32f: {  	s16 =	sadd.s32 $0x4, s16;
	v32 =	vld [tilespmem:s12+$0xFFFFFFC0];
	[tilespmem:s7+$0x0] =	vst v25;
	(xrf2) =	vadd.scan.msk.f32 $0xffff, v37;
	v31 =	vpop (erf);
	v25 =	vmin.f32 v30, $5.000000000e+00;
	v30 =	vmov s18  }
0x330: {  	p0 =	slt.u32 s16, $0x4C;
	v37 =	vld [tilespmem:s17+$0x0];
	v24 =	vmul.f32 v31, v24;
	v25 =	vmul.f32 $1.442695020e+00, v25;
	v30 =	vmax.f32 v30, $-5.000000000e+00;
	s18 =	spop (v2sf)  }
0x331: {  	v38 =	vld [tilespmem:s12+$0x0];
	v33 =	vmul.f32 v33, v36;
	v30 =	vmin.f32 v30, $5.000000000e+00;
	(erf) = vpow2.f32 v39;
	v28, _, _ =	vpop (xrf2);
	s18 =	smul.f32 $2.500000000e-01, s18  }
0x332: {  	v36 =	vld [tilespmem:s17+$0xFFFFFF00];
	[tilespmem:s6+$0xFFFFFF70] =	vst v24;
	v24 =	vbroadcast v25, $0x0;
	v25 =	vmul.f32 $1.442695020e+00, v30;
	(v2sf) =	vpush v28, $0xF  }
0x333: {  	v30 =	vadd.f32 $0.0e+00, v27;
	v28 =	vld [tilespmem:s17+$0xFFFFFF40];
	(xrf2) =	vadd.scan.msk.f32 $0xffff, v33;
	v33 =	vnsel vm0, $0x0, v34;
	v34 =	vmov s18  }
0x334: {  	v32 =	vmul.f32 v32, v35;
	v27 =	vld [tilespmem:s17+$0xFFFFFFC0];
	v35 =	vpop (erf);
	v39 =	vbroadcast v25, $0x0;
	v34 =	vmax.f32 v34, $-5.000000000e+00  }
0x335: {  	v25 =	vld [tilespmem:s17+$0x40];
	v23 =	vmul.f32 v35, v23;
	v40, _, _ =	vpop (xrf2);
	(erf) = vpow2.f32 v24;
	v24 =	vmin.f32 v34, $5.000000000e+00;
	s18 =	spop (v2sf)  }
0x336: {  	v34 =	vmul.f32 v38, v37;
	(xrf2) =	vadd.scan.msk.f32 $0xffff, v32;
	v32 =	vld [tilespmem:s8+$0xFFFFFF10];
	(v2sf) =	vpush v40, $0xF;
	(erf) = vpow2.f32 v39;
	s18 =	smul.f32 $2.500000000e-01, s18  }
0x337: {  	v26 =	vadd.f32 $0.0e+00, v26;
	v29 =	vmul.f32 v29, v36;
	v36 =	vld [tilespmem:s11+$0xFFFFFF90];
	[tilespmem:s6+$0xFFFFFFC0] =	vst v23;
	v37 =	vpop (erf);
	v23 =	vmul.f32 $1.442695020e+00, v24;
	s19 =	spop (v2sf)  }
0x338: {  	v33 =	vadd.f32 $0.0e+00, v33;
	v38 =	vld [tilespmem:s8+$0xFFFFFF90];
	v19 =	vmul.f32 v37, v19;
	v24 =	vmov s18;
	s18 =	smul.f32 $2.500000000e-01, s19  }
0x339: {  	v31 =	vsel vm1, $0x0, v31;
	(xrf2) =	vadd.scan.msk.f32 $0xffff, v29;
	v29 =	vld [tilespmem:s11+$0xFFFFFFD0];
	v39, _, _ =	vpop (xrf2);
	v23 =	vbroadcast v23, $0x0;
	v24 =	vmax.f32 v24, $-5.000000000e+00  }
0x33a: {  	v40 =	vld [tilespmem:s8+$0x10];
	(v2sf) =	vpush v39, $0xF;
	[tilespmem:s6+$0x10] =	vst v19;
	v39 =	vpop (erf);
	v19 =	vmin.f32 v24, $5.000000000e+00;
	v24 =	vmov s18  }
0x33b: {  	v41 =	vld [tilespmem:s11+$0x10];
	v21 =	vmul.f32 v39, v21;
	v19 =	vmul.f32 $1.442695020e+00, v19;
	v42 =	vmax.f32 v24, $-5.000000000e+00  }
0x33c: {  	(xrf2) =	vadd.scan.msk.f32 $0xffff, v34;
	v32 =	vmul.f32 v36, v32;
	v24 =	vld [tilespmem:s8+$0xFFFFFF50];
	v34 =	vmin.f32 v42, $5.000000000e+00;
	(erf) = vpow2.f32 v23  }
0x33d: {  	v35 =	vsel vm1, $0x0, v35;
	v36, _, _ =	vpop (xrf2);
	v23 =	vld [tilespmem:s8+$0xFFFFFFD0];
	[tilespmem:s14+$0xFFFFFF80] =	vst v21;
	v21 =	vbroadcast v19, $0x0;
	v34 =	vmul.f32 $1.442695020e+00, v34  }
0x33e: {  	(v2sf) =	vpush v36, $0xF;
	v29 =	vmul.f32 v29, v38;
	v19 =	vld [tilespmem:s8+$0x50];
	v36 =	vsel vm1, $0x0, v37;
	v37 =	vpop (erf)  }
0x33f: {  	v31 =	vadd.f32 v31, v8;
	(xrf2) =	vadd.scan.msk.f32 $0xffff, v32;
	v32 =	vld [tilespmem:s4+$0xFFFFFF20];
	v42 =	vmul.f32 v37, v20;
	v20 =	vpop (erf);
	v34 =	vbroadcast v34, $0x0  }
0x340: {  	v35 =	vadd.f32 v35, v4;
	v38, _, _ =	vpop (xrf2);
	v40 =	vmul.f32 v41, v40;
	v41 =	vld [tilespmem:s9+$0xFFFFFFA0];
	v43 =	vmul.f32 v20, v22  }
0x341: {  	v8 =	vmovc v30;
	v4 =	vmovc v26;
	v36 =	vadd.f32 v36, v6;
	(v2sf) =	vpush v38, $0xF;
	v38 =	vld [tilespmem:s4+$0xFFFFFFA0];
	[tilespmem:s14+$0xFFFFFFD0] =	vst v42;
	s18 =	spop (v2sf);
	(erf) = vpow2.f32 v21  }
0x342: {  	v6 =	vmovc v33;
	v21 =	vsel vm2, $0x0, v39;
	(xrf2) =	vadd.scan.msk.f32 $0xffff, v29;
	v26 =	vld [tilespmem:s9+$0xFFFFFFE0];
	[tilespmem:s14+$0x20] =	vst v43;
	s18 =	smul.f32 $2.500000000e-01, s18;
	(erf) = vpow2.f32 v34  }
0x343: {  	v20 =	vsel vm2, $0x0, v20;
	v30 =	vadd.f32 v21, v9;
	v21 =	vsel vm2, $0x0, v37;
	v22, _, _ =	vpop (xrf2);
	v29 =	vld [tilespmem:s4+$0x20]  }
0x344: {  	v9 =	vmovc v31;
	v34 =	vadd.f32 v21, v5;
	v5 =	vmovc v35;
	(v2sf) =	vpush v22, $0xF;
	v33 =	vld [tilespmem:s9+$0x20];
	v37 =	vmov s18  }
0x345: {  	(xrf2) =	vadd.scan.msk.f32 $0xffff, v40;
	v31 =	vmul.f32 v41, v32;
	v21 =	vld [tilespmem:s4+$0xFFFFFF60];
	s18 =	spop (v2sf);
	v32 =	vadd.f32 v20, v10;
	v40 =	vmax.f32 v37, $-5.000000000e+00;
	v22 =	vpop (erf)  }
0x346: {  	v35, _, _ =	vpop (xrf2);
	v20 =	vld [tilespmem:s4+$0xFFFFFFE0];
	s18 =	smul.f32 $2.500000000e-01, s18;
	v39 =	vmin.f32 v40, $5.000000000e+00;
	v18 =	vmul.f32 v22, v18;
	v37 =	vsel vm3, $0x0, v22  }
0x347: {  	v10 =	vmovc v36;
	(v2sf) =	vpush v35, $0xF;
	v26 =	vmul.f32 v26, v38;
	v22 =	vld [tilespmem:s4+$0x60];
	v35 =	vmul.f32 $1.442695020e+00, v39  }
0x348: {  	v36 =	vmov s18;
	(xrf2) =	vadd.scan.msk.f32 $0xffff, v31;
	v31 =	vld [tilespmem:s1+$0xFFFFFF30];
	[tilespmem:s0+$0xFFFFFF90] =	vst v18;
	v18 =	vadd.f32 v37, v7;
	v7 =	vmovc v30  }
0x349: {  	v30, _, _ =	vpop (xrf2);
	s18 =	spop (v2sf);
	v29 =	vmul.f32 v33, v29;
	v33 =	vmax.f32 v36, $-5.000000000e+00;
	v36 =	vld [tilespmem:s10+$0xFFFFFFB0];
	v35 =	vbroadcast v35, $0x0  }
0x34a: {  	s18 =	smul.f32 $2.500000000e-01, s18;
	(v2sf) =	vpush v30, $0xF;
	v30 =	vmin.f32 v33, $5.000000000e+00;
	v33 =	vld [tilespmem:s1+$0xFFFFFFB0];
	[tilespmem:s0+$0xFFFFFFA0] =	vst v18;
	v37 =	vpop (erf)  }
0x34b: {  	v18 =	vmul.f32 $1.442695020e+00, v30;
	(xrf2) =	vadd.scan.msk.f32 $0xffff, v26;
	v30 =	vld [tilespmem:s10+$0xFFFFFFF0];
	(erf) = vpow2.f32 v35;
	v35 =	vsel vm3, $0x0, v37;
	v26 =	vpop (erf)  }
0x34c: {  	v38 =	vmov s18;
	v39, _, _ =	vpop (xrf2);
	v40 =	vld [tilespmem:s1+$0x30];
	v35 =	vadd.f32 v35, v11;
	v41 =	vsel vm3, $0x0, v26  }
0x34d: {  	v11 =	vmovc v34;
	s18 =	spop (v2sf);
	v38 =	vmax.f32 v38, $-5.000000000e+00;
	(v2sf) =	vpush v39, $0xF;
	v39 =	vbroadcast v18, $0x0;
	v42 =	vld [tilespmem:s10+$0x30];
	s10 =	smov.u32 s9;
	s9 =	smov.u32 s11  }
0x34e: {  	s11 =	smov.u32 s12;
	s18 =	smul.f32 $2.500000000e-01, s18;
	v38 =	vmin.f32 v38, $5.000000000e+00;
	v31 =	vmul.f32 v36, v31;
	v18 =	vld [tilespmem:s1+$0xFFFFFF70];
	[tilespmem:s0+$0xFFFFFFF0] =	vst v35;
	v35 =	vadd.f32 v41, v12;
	v12 =	vmovc v32  }
0x34f: {  	v32 =	vmul.f32 $1.442695020e+00, v38;
	v34, _, _ =	vpop (xrf2);
	(xrf2) =	vadd.scan.msk.f32 $0xffff, v29;
	(erf) = vpow2.f32 v39;
	v29 =	vld [tilespmem:s1+$0xFFFFFFF0];
	v39 =	vnsel vm0, $0x0, v1  }
0x350: {  	v1 =	vmovc v2;
	v2 =	vmovc v13;
	v36 =	vmov s18;
	s18 =	spop (v2sf);
	(v2sf) =	vpush v34, $0xF;
	v34 =	vld [tilespmem:s1+$0x70];
	v38 =	vadd.f32 $0.0e+00, v39;
	[tilespmem:s0+$0x40] =	vst v35  }
0x351: {  	v35 =	vsel vm1, $0x0, v3;
	v3 =	vmovc v15;
	s18 =	smul.f32 $2.500000000e-01, s18;
	v13 =	vmax.f32 v36, $-5.000000000e+00;
	v32 =	vbroadcast v32, $0x0  }
0x352: {  	v30 =	vmul.f32 v30, v33;
	v13 =	vmin.f32 v13, $5.000000000e+00;
	v15, _, _ =	vpop (xrf2);
	v35 =	vadd.f32 v35, v38  }
0x353: {  	v14 =	vsel vm2, $0x0, v14;
	v13 =	vmul.f32 $1.442695020e+00, v13;
	s19 =	spop (v2sf);
	(erf) = vpow2.f32 v32;
	(xrf2) =	vadd.scan.msk.f32 $0xffff, v31  }
0x354: {  	v36 =	vmov s18;
	s19 =	smul.f32 $2.500000000e-01, s19;
	v32 =	vld [tilespmem:s4+$0xE0];
	(v2sf) =	vpush v15, $0xF;
	v14 =	vadd.f32 v14, v35;
	v33 =	vpop (erf)  }
0x355: {  	v15 =	vmax.f32 v36, $-5.000000000e+00;
	v13 =	vbroadcast v13, $0x0;
	v31, _, _ =	vpop (xrf2);
	v35 =	vsel vm3, $0x0, v33  }
0x356: {  	v15 =	vmin.f32 v15, $5.000000000e+00;
	v36 =	vmov s19;
	s18 =	spop (v2sf);
	v35 =	vadd.f32 v35, v14  }
0x357: {  	v15 =	vmul.f32 $1.442695020e+00, v15;
	v36 =	vmax.f32 v36, $-5.000000000e+00;
	s18 =	smul.f32 $2.500000000e-01, s18;
	(erf) = vpow2.f32 v13;
	v13 =	vld [tilespmem:s8+$0xD0];
	(xrf2) =	vadd.scan.msk.f32 $0xffff, v30  }
0x358: {  	v30 =	vmin.f32 v36, $5.000000000e+00;
	(v2sf) =	vpush v31, $0xF;
	v14 =	vpop (erf);
	v31 =	vmul.f32 v42, v40;
	v36 =	vld [tilespmem:s1+$0xF0];
	[tilespmem:s14+$0x90] =	vst v35;
	s1 =	smov.u32 s4;
	s4 =	smov.u32 s8;
	s8 =	smov.u32 s17  }
0x359: {  	v30 =	vmul.f32 $1.442695020e+00, v30;
	v35 =	vmov s18;
	s18 =	spop (v2sf);
	v32 =	vmul.f32 v14, v32;
	v38, _, _ =	vpop (xrf2)  }
0x35a: {  	v39 =	vbroadcast v15, $0x0;
	v35 =	vmax.f32 v35, $-5.000000000e+00;
	s18 =	smul.f32 $2.500000000e-01, s18;
	(v2sf) =	vpush v38, $0xF;
	(xrf2) =	vadd.scan.msk.f32 $0xffff, v31  }
0x35b: {  	v30 =	vbroadcast v30, $0x0;
	v31 =	vmin.f32 v35, $5.000000000e+00;
	v35 =	vld [tilespmem:s17+$0xC0];
	[tilespmem:s6+$0x70] =	vst v32;
	v32 =	vmul.f32 v37, v16;
	v16 =	vmovc v29  }
0x35c: {  	v29 =	vmul.f32 $1.442695020e+00, v31;
	(erf) = vpow2.f32 v39;
	v31 =	vmov s18;
	s18 =	spop (v2sf);
	v15 =	vpop (erf);
	v37 =	vld [tilespmem:s1+$0xB0]  }
0x35d: {  	(erf) = vpow2.f32 v30;
	v30 =	vmax.f32 v31, $-5.000000000e+00;
	s18 =	smul.f32 $2.500000000e-01, s18;
	v39 =	vmul.f32 v15, v13;
	v31 =	vld [tilespmem:s10+$0x70];
	v38, _, _ =	vpop (xrf2);
	[tilespmem:s0+$0xFFFFFFE0] =	vst v32  }
0x35e: {  	v29 =	vbroadcast v29, $0x0;
	v30 =	vmin.f32 v30, $5.000000000e+00;
	(v2sf) =	vpush v38, $0xF  }
0x35f: {  	v26 =	vmul.f32 v26, v17;
	v17 =	vmovc v34;
	v30 =	vmul.f32 $1.442695020e+00, v30;
	v32 =	vmov s18;
	[tilespmem:s7+$0x60] =	vst v39;
	s18 =	spop (v2sf)  }
0x360: {  	(erf) = vpow2.f32 v29;
	v13 =	vpop (erf);
	v29 =	vmax.f32 v32, $-5.000000000e+00;
	s18 =	smul.f32 $2.500000000e-01, s18;
	v34 =	vld [tilespmem:s4+$0xA0];
	v32 =	vmul.f32 v33, v36  }
0x361: {  	v38 =	vmul.f32 v13, v35;
	v30 =	vbroadcast v30, $0x0;
	v29 =	vmin.f32 v29, $5.000000000e+00;
	v36 =	vld [tilespmem:s9+$0x60];
	v35, _, _ =	vpop (xrf2);
	[tilespmem:s0+$0x30] =	vst v26;
	s0 =	smov.u32 s14;
	s14 =	smov.u32 s6;
	s6 =	smov.u32 s7  }
0x362: {  	s7 =	sadd.s32 $0x140, s7;
	v39 =	vmul.f32 $1.442695020e+00, v29;
	v29 =	vmov s18;
	v37 =	vmul.f32 v31, v37;
	[tilespmem:s0+$0x80] =	vst v32  }
.Ltmp1:
0x363: {  	[tilespmem:s7+$0x50] =	vst v38;
	v32 =	vmax.f32 v29, $-5.000000000e+00;
	(erf) = vpow2.f32 v30;
	s18 =	spop (v2sf);
	(v2sf) =	vpush v35, $0xF;
	(pc) =	sbr.rel @p0 .LBB2_5-.Ltmp1, $4  }
0x364: {  	v31 =	vld [tilespmem:s17+$0x90];
	v29 =	vbroadcast v39, $0x0;
	v30 =	vmin.f32 v32, $5.000000000e+00;
	s18 =	smul.f32 $2.500000000e-01, s18;
	(xrf2) =	vadd.scan.msk.f32 $0xffff, v37;
	v33, _, _ =	vpop (xrf2)  }
0x365: {  	v32 =	vld [tilespmem:s12+$0x50];
	v26 =	vpop (erf);
	v30 =	vmul.f32 $1.442695020e+00, v30;
	(v2sf) =	vpush v33, $0xF  }
0x366: {  	v35 =	vmul.f32 v26, v27;
	v27 =	vpop (erf);
	v34 =	vmul.f32 v36, v34;
	v33 =	vmov s18  }
0x367: {  	s17 =	sadd.s32 $0x200, s17;
	v28 =	vmul.f32 v27, v28;
	v30 =	vbroadcast v30, $0x0;
	v33 =	vmax.f32 v33, $-5.000000000e+00;
	s30 =	spop (v2sf)  }
0x368: {  	_ = 	snop  }
0x369: {  	[tilespmem:s7+$0xFFFFFF60] =	vst v28  }
0x36a: {  	v36 =	vld [tilespmem:s8+$0xFFFFFF10]  }
0x36b: {  	v28 =	vpop (erf);
	v37 =	vld [tilespmem:s11+$0xFFFFFF90]  }
0x36c: {  	[tilespmem:s7+$0xFFFFFFB0] =	vst v35;
	v25 =	vmul.f32 v28, v25  }
0x36d: {  	(xrf2) =	vadd.scan.msk.f32 $0xffff, v34;
	v44 =	vld [tilespmem:s8+$0xFFFFFF90];
	v31 =	vmul.f32 v32, v31  }
0x36e: {  	v45 =	vld [tilespmem:s11+$0xFFFFFFD0];
	[tilespmem:s7+$0x0] =	vst v25  }
0x36f: {  	(xrf2) =	vadd.scan.msk.f32 $0xffff, v31;
	v46 =	vld [tilespmem:s8+$0x10]  }
0x370: {  	v47 =	vld [tilespmem:s11+$0x10];
	v48 =	vmul.f32 v37, v36;
	_ =	sdelay $0x1  }
0x371: {  	(xrf2) =	vadd.scan.msk.f32 $0xffff, v48  }
0x372: {  	v25 =	vmul.f32 v45, v44;
	_ =	sdelay $0x1  }
0x373: {  	v31 =	vmul.f32 v47, v46;
	(xrf2) =	vadd.scan.msk.f32 $0xffff, v25  }
0x374: {  	v49, _, _ =	vpop (xrf2)  }
0x375: {  	v50, _, _ =	vpop (xrf2);
	(xrf2) =	vadd.scan.msk.f32 $0xffff, v31  }
0x376: {  	(v2sf) =	vpush v49, $0xF  }
0x377: {  	(v2sf) =	vpush v50, $0xF;
	v51, _, _ =	vpop (xrf2)  }
0x378: {  	(v2sf) =	vpush v51, $0xF  }
0x379: {  	(erf) = vpow2.f32 v29;
	s12 =	smul.f32 $2.500000000e-01, s30;
	s16 =	spop (v2sf)  }
0x37a: {  	s16 =	smul.f32 $2.500000000e-01, s16;
	v52, _, _ =	vpop (xrf2)  }
0x37b: {  	v53 =	vmin.f32 v33, $5.000000000e+00;
	v55 =	vmov s12;
	(v2sf) =	vpush v52, $0xF  }
0x37c: {  	v54 =	vmul.f32 $1.442695020e+00, v53;
	v29 =	vmax.f32 v55, $-5.000000000e+00;
	v56 =	vmov s16  }
0x37d: {  	(erf) = vpow2.f32 v30;
	v29 =	vmin.f32 v29, $5.000000000e+00;
	s18 =	spop (v2sf);
	v30 =	vmax.f32 v56, $-5.000000000e+00;
	v57, _, _ =	vpop (xrf2)  }
0x37e: {  	v29 =	vmul.f32 $1.442695020e+00, v29;
	s12 =	smul.f32 $2.500000000e-01, s18;
	v30 =	vmin.f32 v30, $5.000000000e+00;
	(v2sf) =	vpush v57, $0xF  }
0x37f: {  	v58 =	vbroadcast v54, $0x0;
	v30 =	vmul.f32 $1.442695020e+00, v30;
	s19 =	spop (v2sf);
	v59, _, _ =	vpop (xrf2)  }
0x380: {  	v29 =	vbroadcast v29, $0x0;
	v60 =	vmov s12;
	s12 =	smul.f32 $2.500000000e-01, s19;
	s30 =	spop (v2sf);
	(v2sf) =	vpush v59, $0xF  }
0x381: {  	v62 =	vmax.f32 v60, $-5.000000000e+00;
	v30 =	vbroadcast v30, $0x0;
	v25 =	vpop (erf);
	(erf) = vpow2.f32 v58;
	s16 =	smul.f32 $2.500000000e-01, s30  }
0x382: {  	v61 =	vmul.f32 v25, v24;
	v24 =	vpop (erf);
	(erf) = vpow2.f32 v29;
	v39 =	vmov s12  }
0x383: {  	v31 =	vmin.f32 v62, $5.000000000e+00;
	v40 =	vmax.f32 v39, $-5.000000000e+00;
	v41 =	vmov s16  }
0x384: {  	v38 =	vmul.f32 $1.442695020e+00, v31;
	v29 =	vmin.f32 v40, $5.000000000e+00;
	v31 =	vmax.f32 v41, $-5.000000000e+00  }
0x385: {  	v63 =	vmul.f32 v24, v23;
	v29 =	vmul.f32 $1.442695020e+00, v29;
	v42 =	vmin.f32 v31, $5.000000000e+00;
	s17 =	spop (v2sf)  }
0x386: {  	v23 =	vbroadcast v38, $0x0;
	v43 =	vmul.f32 $1.442695020e+00, v42;
	s12 =	smul.f32 $2.500000000e-01, s17;
	s18 =	spop (v2sf)  }
0x387: {  	(erf) = vpow2.f32 v30;
	v29 =	vbroadcast v29, $0x0;
	s16 =	smul.f32 $2.500000000e-01, s18;
	s19 =	spop (v2sf)  }
0x388: {  	(erf) = vpow2.f32 v23;
	v23 =	vbroadcast v43, $0x0;
	v44 =	vmov s12;
	s12 =	smul.f32 $2.500000000e-01, s19  }
0x389: {  	(erf) = vpow2.f32 v29;
	v30 =	vmax.f32 v44, $-5.000000000e+00;
	v45 =	vmov s16  }
0x38a: {  	v30 =	vmin.f32 v30, $5.000000000e+00;
	v31 =	vmax.f32 v45, $-5.000000000e+00;
	v46 =	vmov s12;
	s30 =	spop (v2sf)  }
0x38b: {  	v30 =	vmul.f32 $1.442695020e+00, v30;
	v31 =	vmin.f32 v31, $5.000000000e+00;
	v48 =	vmax.f32 v46, $-5.000000000e+00;
	s12 =	smul.f32 $2.500000000e-01, s30  }
0x38c: {  	v37 =	vld [tilespmem:s8+$0xFFFFFF50];
	(erf) = vpow2.f32 v23;
	v47 =	vmul.f32 $1.442695020e+00, v31;
	v31 =	vmin.f32 v48, $5.000000000e+00  }
0x38d: {  	v60 =	vld [tilespmem:s4+$0xE0];
	v23 =	vpop (erf);
	v30 =	vbroadcast v30, $0x0;
	v31 =	vmul.f32 $1.442695020e+00, v31;
	s16 =	spop (v2sf);
	v49 =	vmov s12  }
0x38e: {  	[tilespmem:s6+$0xFFFFFF70] =	vst v61;
	v39 =	vld [tilespmem:s8+$0x50];
	v19 =	vmul.f32 v23, v19;
	v29 =	vbroadcast v47, $0x0;
	s12 =	smul.f32 $2.500000000e-01, s16;
	v51 =	vmax.f32 v49, $-5.000000000e+00  }
0x38f: {  	v50 =	vld [tilespmem:s4+$0xFFFFFF20];
	[tilespmem:s6+$0xFFFFFFC0] =	vst v63;
	(erf) = vpow2.f32 v30;
	v53 =	vbroadcast v31, $0x0;
	s17 =	spop (v2sf);
	v30 =	vmin.f32 v51, $5.000000000e+00  }
0x390: {  	v40 =	vld [tilespmem:s4+$0xFFFFFFA0];
	(erf) = vpow2.f32 v29;
	s18 =	smul.f32 $2.500000000e-01, s17;
	v54 =	vmov s12;
	v30 =	vmul.f32 $1.442695020e+00, v30  }
0x391: {  	v52 =	vld [tilespmem:s9+$0xFFFFFFA0];
	v31 =	vpop (erf);
	(erf) = vpow2.f32 v53;
	v57 =	vmax.f32 v54, $-5.000000000e+00  }
0x392: {  	v56 =	vld [tilespmem:s9+$0xFFFFFFE0];
	[tilespmem:s6+$0x10] =	vst v19;
	v58 =	vmov s18;
	v29 =	vmin.f32 v57, $5.000000000e+00;
	v30 =	vbroadcast v30, $0x0  }
0x393: {  	v41 =	vld [tilespmem:s4+$0x20];
	v55 =	vmul.f32 v31, v21;
	v35 =	vpop (erf);
	v33 =	vmax.f32 v58, $-5.000000000e+00;
	v43 =	vmul.f32 $1.442695020e+00, v29  }
0x394: {  	v42 =	vld [tilespmem:s9+$0x20];
	v34 =	vpop (erf);
	v33 =	vmin.f32 v33, $5.000000000e+00;
	(erf) = vpow2.f32 v30  }
0x395: {  	v47 =	vld [tilespmem:s8+$0xD0];
	[tilespmem:s14+$0xFFFFFF80] =	vst v55;
	v45 =	vmul.f32 $1.442695020e+00, v33;
	v29 =	vpop (erf);
	v43 =	vbroadcast v43, $0x0  }
0x396: {  	v36 =	vmul.f32 v52, v50;
	v59 =	vmul.f32 v35, v20;
	v44 =	vld [tilespmem:s1+$0xFFFFFF30];
	v30 =	vpop (erf)  }
0x397: {  	v61 =	vld [tilespmem:s10+$0xFFFFFFB0];
	v45 =	vbroadcast v45, $0x0;
	v32 =	vpop (erf);
	(erf) = vpow2.f32 v43  }
0x398: {  	v38 =	vld [tilespmem:s8+$0xFFFFFFD0];
	v46 =	vmul.f32 v34, v22;
	[tilespmem:s14+$0xFFFFFFD0] =	vst v59;
	v33 =	vpop (erf)  }
0x399: {  	v40 =	vmul.f32 v56, v40;
	(xrf2) =	vadd.scan.msk.f32 $0xffff, v36;
	v62 =	vld [tilespmem:s1+$0xFFFFFFB0];
	v22 =	vpop (erf);
	(erf) = vpow2.f32 v45  }
0x39a: {  	v48 =	vmul.f32 v42, v41;
	[tilespmem:s14+$0x20] =	vst v46;
	v63 =	vld [tilespmem:s10+$0xFFFFFFF0];
	v20 =	vmul.f32 v22, v60  }
0x39b: {  	(xrf2) =	vadd.scan.msk.f32 $0xffff, v40;
	v49 =	vld [tilespmem:s1+$0x30];
	v21 =	vpop (erf)  }
0x39c: {  	(xrf2) =	vadd.scan.msk.f32 $0xffff, v48;
	v50 =	vld [tilespmem:s10+$0x30];
	v19 =	vmul.f32 v61, v44;
	v51 =	vmul.f32 v21, v47;
	[tilespmem:s6+$0x70] =	vst v20  }
0x39d: {  	v52 =	vld [tilespmem:s4+$0xB0];
	v36 =	vpop (erf)  }
0x39e: {  	v53 =	vld [tilespmem:s9+$0x70];
	[tilespmem:s7+$0x60] =	vst v51;
	v55 =	vmul.f32 v36, v37  }
0x39f: {  	(xrf2) =	vadd.scan.msk.f32 $0xffff, v19;
	v54 =	vld [tilespmem:s8+$0xA0]  }
0x3a0: {  	v43 =	vmul.f32 v63, v62;
	v56 =	vld [tilespmem:s11+$0x60];
	[tilespmem:s7+$0xFFFFFF70] =	vst v55;
	v19 =	vpop (erf)  }
0x3a1: {  	v40 =	vmul.f32 v50, v49;
	v38 =	vmul.f32 v19, v38;
	v57 =	vld [tilespmem:s8+$0xFFFFFF20]  }
0x3a2: {  	(xrf2) =	vadd.scan.msk.f32 $0xffff, v43;
	v58 =	vld [tilespmem:s11+$0xFFFFFFA0];
	v20 =	vpop (erf)  }
0x3a3: {  	v59, _, _ =	vpop (xrf2);
	(xrf2) =	vadd.scan.msk.f32 $0xffff, v40;
	[tilespmem:s7+$0xFFFFFFC0] =	vst v38;
	v61 =	vmul.f32 v20, v39  }
0x3a4: {  	v60 =	vmul.f32 v53, v52;
	v62 =	vld [tilespmem:s8+$0xFFFFFFA0]  }
0x3a5: {  	(v2sf) =	vpush v59, $0xF;
	v63, _, _ =	vpop (xrf2);
	v45 =	vld [tilespmem:s11+$0xFFFFFFE0];
	[tilespmem:s7+$0x10] =	vst v61  }
0x3a6: {  	(v2sf) =	vpush v63, $0xF;
	v46, _, _ =	vpop (xrf2);
	v37 =	vmul.f32 v56, v54;
	(xrf2) =	vadd.scan.msk.f32 $0xffff, v60;
	v47 =	vld [tilespmem:s8+$0x20]  }
0x3a7: {  	(v2sf) =	vpush v46, $0xF;
	v48 =	vld [tilespmem:s11+$0x20];
	v41 =	vmul.f32 v58, v57  }
0x3a8: {  	(xrf2) =	vadd.scan.msk.f32 $0xffff, v37  }
0x3a9: {  	v49, _, _ =	vpop (xrf2);
	(xrf2) =	vadd.scan.msk.f32 $0xffff, v41  }
0x3aa: {  	(v2sf) =	vpush v49, $0xF;
	v38 =	vmul.f32 v45, v62;
	_ =	sdelay $0x1  }
0x3ab: {  	v50, _, _ =	vpop (xrf2);
	v37 =	vmul.f32 v48, v47;
	(xrf2) =	vadd.scan.msk.f32 $0xffff, v38  }
0x3ac: {  	(v2sf) =	vpush v50, $0xF;
	v51, _, _ =	vpop (xrf2)  }
0x3ad: {  	(v2sf) =	vpush v51, $0xF;
	(xrf2) =	vadd.scan.msk.f32 $0xffff, v37;
	_ =	sdelay $0x1  }
0x3ae: {  	v52, _, _ =	vpop (xrf2)  }
0x3af: {  	(v2sf) =	vpush v52, $0xF  }
0x3b0: {  	v53, _, _ =	vpop (xrf2)  }
0x3b1: {  	(v2sf) =	vpush v53, $0xF;
	v54, _, _ =	vpop (xrf2)  }
0x3b2: {  	s19 =	spop (v2sf);
	(v2sf) =	vpush v54, $0xF  }
0x3b3: {  	s10 =	smul.f32 $2.500000000e-01, s19;
	s30 =	spop (v2sf)  }
0x3b4: {  	s16 =	smul.f32 $2.500000000e-01, s30;
	s17 =	spop (v2sf);
	v56, _, _ =	vpop (xrf2)  }
0x3b5: {  	s12 =	smul.f32 $2.500000000e-01, s17;
	(v2sf) =	vpush v56, $0xF  }
0x3b6: {  	v55 =	vmov s10;
	v57 =	vmov s16;
	v58, _, _ =	vpop (xrf2)  }
0x3b7: {  	v37 =	vmax.f32 v55, $-5.000000000e+00;
	v59 =	vmov s12;
	s18 =	spop (v2sf);
	(v2sf) =	vpush v58, $0xF  }
0x3b8: {  	v38 =	vmax.f32 v57, $-5.000000000e+00;
	v37 =	vmin.f32 v37, $5.000000000e+00;
	v60 =	vmax.f32 v59, $-5.000000000e+00  }
0x3b9: {  	v38 =	vmin.f32 v38, $5.000000000e+00;
	v37 =	vmul.f32 $1.442695020e+00, v37;
	v39 =	vmin.f32 v60, $5.000000000e+00;
	s10 =	smul.f32 $2.500000000e-01, s18  }
0x3ba: {  	v38 =	vmul.f32 $1.442695020e+00, v38;
	v39 =	vmul.f32 $1.442695020e+00, v39;
	s19 =	spop (v2sf)  }
0x3bb: {  	v37 =	vbroadcast v37, $0x0;
	s30 =	spop (v2sf);
	v61 =	vmov s10;
	s10 =	smul.f32 $2.500000000e-01, s19  }
0x3bc: {  	v38 =	vbroadcast v38, $0x0;
	v62 =	vbroadcast v39, $0x0;
	s12 =	smul.f32 $2.500000000e-01, s30;
	v40 =	vmax.f32 v61, $-5.000000000e+00  }
0x3bd: {  	(erf) = vpow2.f32 v37;
	v63 =	vmin.f32 v40, $5.000000000e+00;
	v43 =	vmov s10  }
0x3be: {  	v45 =	vmov s12;
	v42 =	vmul.f32 $1.442695020e+00, v63;
	v44 =	vmax.f32 v43, $-5.000000000e+00;
	s16 =	spop (v2sf)  }
0x3bf: {  	(erf) = vpow2.f32 v38;
	v39 =	vmax.f32 v45, $-5.000000000e+00;
	v37 =	vmin.f32 v44, $5.000000000e+00;
	s10 =	smul.f32 $2.500000000e-01, s16  }
0x3c0: {  	v39 =	vmin.f32 v39, $5.000000000e+00;
	v38 =	vbroadcast v42, $0x0;
	v37 =	vmul.f32 $1.442695020e+00, v37;
	s17 =	spop (v2sf)  }
0x3c1: {  	(erf) = vpow2.f32 v62;
	v39 =	vmul.f32 $1.442695020e+00, v39;
	s12 =	smul.f32 $2.500000000e-01, s17;
	v46 =	vmov s10;
	s18 =	spop (v2sf)  }
0x3c2: {  	(erf) = vpow2.f32 v38;
	v37 =	vbroadcast v37, $0x0;
	v47 =	vmax.f32 v46, $-5.000000000e+00;
	s10 =	smul.f32 $2.500000000e-01, s18  }
0x3c3: {  	v39 =	vbroadcast v39, $0x0;
	v48 =	vmov s12;
	v38 =	vmin.f32 v47, $5.000000000e+00  }
0x3c4: {  	v40 =	vmax.f32 v48, $-5.000000000e+00;
	v38 =	vmul.f32 $1.442695020e+00, v38;
	v49 =	vmov s10;
	s19 =	spop (v2sf)  }
0x3c5: {  	(erf) = vpow2.f32 v37;
	v40 =	vmin.f32 v40, $5.000000000e+00;
	v51 =	vmax.f32 v49, $-5.000000000e+00;
	s10 =	smul.f32 $2.500000000e-01, s19  }
0x3c6: {  	v40 =	vmul.f32 $1.442695020e+00, v40;
	v50 =	vbroadcast v38, $0x0;
	v38 =	vmin.f32 v51, $5.000000000e+00;
	s30 =	spop (v2sf)  }
0x3c7: {  	(erf) = vpow2.f32 v39;
	v53 =	vmul.f32 $1.442695020e+00, v38;
	v54 =	vmov s10;
	s12 =	smul.f32 $2.500000000e-01, s30  }
0x3c8: {  	v57 =	vld [tilespmem:s4+$0xFFFFFFE0];
	v52 =	vbroadcast v40, $0x0;
	(erf) = vpow2.f32 v50;
	v38 =	vmax.f32 v54, $-5.000000000e+00  }
0x3c9: {  	v55 =	vld [tilespmem:s4+$0xFFFFFF60];
	v37 =	vbroadcast v53, $0x0;
	v38 =	vmin.f32 v38, $5.000000000e+00;
	v56 =	vmov s12  }
0x3ca: {  	v58 =	vld [tilespmem:s4+$0x60];
	(erf) = vpow2.f32 v52;
	v38 =	vmul.f32 $1.442695020e+00, v38;
	v39 =	vmax.f32 v56, $-5.000000000e+00  }
0x3cb: {  	v45 =	vpop (erf);
	v39 =	vmin.f32 v39, $5.000000000e+00;
	(erf) = vpow2.f32 v37  }
0x3cc: {  	v46 =	vpop (erf);
	v38 =	vbroadcast v38, $0x0;
	v39 =	vmul.f32 $1.442695020e+00, v39  }
0x3cd: {  	v48 =	vld [tilespmem:s8+$0xFFFFFFE0];
	v59 =	vmul.f32 v46, v57  }
0x3ce: {  	v47 =	vpop (erf);
	v51 =	vld [tilespmem:s8+$0x60];
	v39 =	vbroadcast v39, $0x0;
	(erf) = vpow2.f32 v38  }
0x3cf: {  	v60 =	vmul.f32 v47, v58;
	v40 =	vmul.f32 v45, v55;
	[tilespmem:s6+$0xFFFFFFD0] =	vst v59;
	v49 =	vpop (erf);
	v50 =	vld [tilespmem:s8+$0xE0]  }
0x3d0: {  	v43 =	vpop (erf);
	v54 =	vld [tilespmem:s9+$0xFFFFFFF0];
	(erf) = vpow2.f32 v39  }
0x3d1: {  	[tilespmem:s6+$0x20] =	vst v60;
	v42 =	vpop (erf);
	v37 =	vld [tilespmem:s8+$0xFFFFFF60]  }
0x3d2: {  	[tilespmem:s6+$0xFFFFFF80] =	vst v40;
	v63 =	vld [tilespmem:s4+$0x30];
	v41 =	vpop (erf)  }
0x3d3: {  	v52 =	vld [tilespmem:s4+$0xFFFFFF30];
	v40 =	vpop (erf)  }
0x3d4: {  	v61 =	vld [tilespmem:s9+$0xFFFFFFB0];
	v62 =	vmul.f32 v40, v50  }
0x3d5: {  	v53 =	vld [tilespmem:s4+$0xFFFFFFB0];
	v38 =	vpop (erf)  }
0x3d6: {  	v55 =	vld [tilespmem:s9+$0x30];
	[tilespmem:s7+$0x70] =	vst v62;
	v60 =	vmul.f32 v38, v37  }
0x3d7: {  	v56 =	vld [tilespmem:s8+$0xB0];
	v37 =	vpop (erf)  }
0x3d8: {  	v57 =	vld [tilespmem:s11+$0x70];
	[tilespmem:s7+$0xFFFFFF80] =	vst v60;
	v48 =	vmul.f32 v37, v48  }
0x3d9: {  	v44 =	vmul.f32 v61, v52;
	v52 =	vld [tilespmem:s8+$0xFFFFFF30];
	v39 =	vpop (erf)  }
0x3da: {  	v53 =	vmul.f32 v54, v53;
	v62 =	vld [tilespmem:s11+$0xFFFFFFB0];
	v61 =	vmul.f32 v39, v51;
	[tilespmem:s7+$0xFFFFFFD0] =	vst v48  }
0x3db: {  	(xrf2) =	vadd.scan.msk.f32 $0xffff, v44;
	v50 =	vmul.f32 v55, v63;
	v63 =	vld [tilespmem:s8+$0xFFFFFFB0]  }
0x3dc: {  	(xrf2) =	vadd.scan.msk.f32 $0xffff, v53;
	v59 =	vld [tilespmem:s11+$0xFFFFFFF0];
	[tilespmem:s7+$0x20] =	vst v61  }
0x3dd: {  	v58 =	vmul.f32 v57, v56;
	v60 =	vld [tilespmem:s8+$0x30]  }
0x3de: {  	(xrf2) =	vadd.scan.msk.f32 $0xffff, v50;
	v61 =	vld [tilespmem:s11+$0x30]  }
0x3df: {  	(xrf2) =	vadd.scan.msk.f32 $0xffff, v58  }
0x3e0: {  	v48 =	vmul.f32 v62, v52  }
0x3e1: {  	v1 =	vnsel vm0, $0x0, v1  }
0x3e2: {  	v2 =	vnsel vm0, $0x0, v2;
	v1 =	vadd.f32 $0.0e+00, v1;
	(xrf2) =	vadd.scan.msk.f32 $0xffff, v48;
	v44 =	vmul.f32 v59, v63  }
0x3e3: {  	v3 =	vsel vm1, $0x0, v3;
	v2 =	vadd.f32 $0.0e+00, v2;
	v62 =	vmul.f32 v61, v60  }
0x3e4: {  	v15 =	vsel vm1, $0x0, v15;
	v1 =	vadd.f32 v3, v1;
	v25 =	vsel vm1, $0x0, v25;
	(xrf2) =	vadd.scan.msk.f32 $0xffff, v44  }
0x3e5: {  	v2 =	vadd.f32 v15, v2;
	v8 =	vadd.f32 v25, v8;
	v24 =	vsel vm1, $0x0, v24;
	v63, _, _ =	vpop (xrf2);
	(xrf2) =	vadd.scan.msk.f32 $0xffff, v62  }
0x3e6: {  	v24 =	vadd.f32 v24, v4;
	(v2sf) =	vpush v63, $0xF;
	v44, _, _ =	vpop (xrf2)  }
0x3e7: {  	v23 =	vsel vm1, $0x0, v23;
	v3 =	vsel vm3, $0x0, v29;
	(v2sf) =	vpush v44, $0xF  }
0x3e8: {  	v6 =	vadd.f32 v23, v6;
	v7 =	vadd.f32 v3, v7;
	v3 =	vsel vm2, $0x0, v14;
	v50, _, _ =	vpop (xrf2)  }
0x3e9: {  	v1 =	vadd.f32 v3, v1;
	v55 =	vsel vm3, $0x0, v30;
	(v2sf) =	vpush v50, $0xF;
	v52, _, _ =	vpop (xrf2)  }
0x3ea: {  	v3 =	vsel vm3, $0x0, v32;
	v11 =	vadd.f32 v55, v11;
	v55 =	vld [tilespmem:s1+$0x70];
	(v2sf) =	vpush v52, $0xF  }
0x3eb: {  	v18 =	vmul.f32 v29, v18;
	v12 =	vadd.f32 v3, v12;
	v54 =	vld [tilespmem:s1+$0xF0];
	v53 =	vsel vm2, $0x0, v34  }
0x3ec: {  	v3 =	vsel vm3, $0x0, v33;
	v10 =	vadd.f32 v53, v10;
	v51 =	vsel vm2, $0x0, v35;
	v56, _, _ =	vpop (xrf2)  }
0x3ed: {  	v57 =	vadd.f32 v3, v1;
	v3 =	vnsel vm0, $0x0, v27;
	(v2sf) =	vpush v56, $0xF  }
0x3ee: {  	v5 =	vadd.f32 v51, v5;
	v4 =	vadd.f32 $0.0e+00, v3;
	v51 =	vsel vm2, $0x0, v22;
	v1, _, _ =	vpop (xrf2)  }
0x3ef: {  	v22 =	vmul.f32 v42, v55;
	v58 =	vmul.f32 v30, v16;
	(v2sf) =	vpush v1, $0xF;
	v1, _, _ =	vpop (xrf2)  }
0x3f0: {  	v16 =	vmul.f32 v32, v17;
	v17 =	vmul.f32 v33, v54;
	(v2sf) =	vpush v1, $0xF  }
0x3f1: {  	v32 =	vsel vm3, $0x0, v43;
	v33 =	vsel vm3, $0x0, v42;
	v2 =	vadd.f32 v51, v2  }
0x3f2: {  	v30 =	vnsel vm0, $0x0, v13;
	v5 =	vadd.f32 v32, v5;
	v10 =	vadd.f32 v33, v10;
	v59 =	vld [tilespmem:s1+$0xFFFFFF70]  }
0x3f3: {  	[tilespmem:s0+$0x40] =	vst v12;
	v12 =	vadd.f32 $0.0e+00, v30;
	v33 =	vsel vm1, $0x0, v21;
	v48 =	vsel vm2, $0x0, v31  }
0x3f4: {  	v31 =	vsel vm3, $0x0, v49;
	v9 =	vadd.f32 v48, v9;
	v63 =	vsel vm2, $0x0, v47  }
0x3f5: {  	v60 =	vnsel vm0, $0x0, v28;
	v61 =	vsel vm2, $0x0, v45;
	v28 =	vsel vm1, $0x0, v36;
	s16 =	spop (v2sf)  }
0x3f6: {  	v6 =	vadd.f32 v63, v6;
	v8 =	vadd.f32 v61, v8;
	v62 =	vsel vm2, $0x0, v46;
	s9 =	smul.f32 $2.500000000e-01, s16;
	s17 =	spop (v2sf)  }
0x3f7: {  	v24 =	vadd.f32 v62, v24;
	v25 =	vmul.f32 v49, v59;
	v56 =	vsel vm3, $0x0, v41;
	s18 =	smul.f32 $2.500000000e-01, s17  }
0x3f8: {  	v2 =	vadd.f32 v56, v2;
	v1 =	vnsel vm0, $0x0, v26;
	v34 =	vmov s9;
	s19 =	spop (v2sf)  }
0x3f9: {  	v3 =	vadd.f32 $0.0e+00, v1;
	v35 =	vmax.f32 v34, $-5.000000000e+00;
	s10 =	smul.f32 $2.500000000e-01, s19;
	s30 =	spop (v2sf);
	v44 =	vmov s18  }
0x3fa: {  	v1 =	vadd.f32 $0.0e+00, v60;
	v36 =	vmin.f32 v35, $5.000000000e+00;
	s12 =	smul.f32 $2.500000000e-01, s30;
	v26 =	vmax.f32 v44, $-5.000000000e+00  }
0x3fb: {  	v15 =	vmul.f32 $1.442695020e+00, v36;
	v45 =	vmov s10;
	v26 =	vmin.f32 v26, $5.000000000e+00  }
0x3fc: {  	[tilespmem:s0+$0xFFFFFF90] =	vst v18;
	v27 =	vmax.f32 v45, $-5.000000000e+00;
	v46 =	vmov s12;
	s16 =	spop (v2sf);
	v26 =	vmul.f32 $1.442695020e+00, v26  }
0x3fd: {  	[tilespmem:s0+$0xFFFFFFA0] =	vst v7;
	v48 =	vbroadcast v15, $0x0;
	v27 =	vmin.f32 v27, $5.000000000e+00;
	v29 =	vmax.f32 v46, $-5.000000000e+00;
	s9 =	smul.f32 $2.500000000e-01, s16  }
0x3fe: {  	[tilespmem:s0+$0xFFFFFFF0] =	vst v11;
	v49 =	vmul.f32 $1.442695020e+00, v27;
	v50 =	vmin.f32 v29, $5.000000000e+00;
	v52 =	vbroadcast v26, $0x0;
	s17 =	spop (v2sf)  }
0x3ff: {  	[tilespmem:s14+$0x90] =	vst v57;
	(erf) = vpow2.f32 v48;
	v53 =	vmul.f32 $1.442695020e+00, v50;
	v59 =	vmov s9;
	s18 =	smul.f32 $2.500000000e-01, s17;
	s19 =	spop (v2sf)  }
0x400: {  	[tilespmem:s14+$0x30] =	vst v22;
	v54 =	vbroadcast v49, $0x0;
	v7 =	vmax.f32 v59, $-5.000000000e+00;
	(erf) = vpow2.f32 v52;
	s30 =	smul.f32 $2.500000000e-01, s19  }
0x401: {  	[tilespmem:s0+$0xFFFFFFE0] =	vst v58;
	v47 =	vld [tilespmem:s1+$0xFFFFFFF0];
	v57 =	vbroadcast v53, $0x0;
	v7 =	vmin.f32 v7, $5.000000000e+00;
	v61 =	vmov s18  }
0x402: {  	[tilespmem:s0+$0x30] =	vst v16;
	(erf) = vpow2.f32 v54;
	v15 =	vmax.f32 v61, $-5.000000000e+00;
	v62 =	vmov s30  }
0x403: {  	[tilespmem:s14+$0x80] =	vst v17;
	v60 =	vld [tilespmem:s4+$0xF0];
	v7 =	vmul.f32 $1.442695020e+00, v7;
	v15 =	vmin.f32 v15, $5.000000000e+00;
	v17 =	vmax.f32 v62, $-5.000000000e+00  }
0x404: {  	v63 =	vld [tilespmem:s4+$0xFFFFFF70];
	[tilespmem:s14+$0xFFFFFF90] =	vst v25;
	(erf) = vpow2.f32 v57;
	v23 =	vmul.f32 $1.442695020e+00, v15;
	v25 =	vmin.f32 v17, $5.000000000e+00  }
0x405: {  	[tilespmem:s14+$0x40] =	vst v10;
	v9 =	vadd.f32 v31, v9;
	v26 =	vbroadcast v7, $0x0;
	v27 =	vmul.f32 $1.442695020e+00, v25  }
0x406: {  	v12 =	vadd.f32 v33, v12;
	[tilespmem:s14+$0xFFFFFFF0] =	vst v5;
	v58 =	vmul.f32 v43, v47;
	v34 =	vld [tilespmem:s4+$0xFFFFFFF0];
	v11 =	vbroadcast v23, $0x0  }
0x407: {  	v4 =	vadd.f32 v28, v4;
	[tilespmem:s14+$0xFFFFFFA0] =	vst v9;
	(erf) = vpow2.f32 v26;
	v31 =	vbroadcast v27, $0x0  }
0x408: {  	v43 =	vsel vm2, $0x0, v40;
	[tilespmem:s6+$0x90] =	vst v2;
	v29 =	vmul.f32 v41, v60;
	v41 =	vld [tilespmem:s4+$0x70];
	v2 =	vpop (erf);
	(erf) = vpow2.f32 v11  }
0x409: {  	[tilespmem:s14+$0xFFFFFFE0] =	vst v58;
	v32 =	vmul.f32 v2, v63;
	v2 =	vsel vm3, $0x0, v2;
	v35 =	vpop (erf);
	(erf) = vpow2.f32 v31  }
0x40a: {  	v47 =	vld [tilespmem:s8+$0xF0];
	v10 =	vadd.f32 v43, v12;
	[tilespmem:s6+$0x80] =	vst v29;
	v2 =	vadd.f32 v2, v8  }
0x40b: {  	v48 =	vsel vm1, $0x0, v19;
	[tilespmem:s6+$0xFFFFFF90] =	vst v32;
	v42 =	vsel vm3, $0x0, v35;
	v53 =	vmul.f32 v35, v34  }
0x40c: {  	v3 =	vadd.f32 v48, v3;
	[tilespmem:s6+$0xFFFFFFA0] =	vst v2;
	v2 =	vld [tilespmem:s8+$0xFFFFFF70];
	v36 =	vpop (erf);
	v44 =	vadd.f32 v42, v24  }
0x40d: {  	v50 =	vsel vm1, $0x0, v20;
	v45 =	vsel vm3, $0x0, v36;
	v5 =	vmul.f32 v36, v41;
	[tilespmem:s6+$0xFFFFFFE0] =	vst v53  }
0x40e: {  	v55 =	vsel vm2, $0x0, v39;
	v1 =	vadd.f32 v50, v1;
	v46 =	vpop (erf);
	v6 =	vadd.f32 v45, v6;
	[tilespmem:s6+$0xFFFFFFF0] =	vst v44  }
0x40f: {  	v52 =	vsel vm2, $0x0, v38;
	v49 =	vsel vm3, $0x0, v46;
	v57 =	vmul.f32 v46, v47;
	[tilespmem:s6+$0x30] =	vst v5  }
0x410: {  	v56 =	vld [tilespmem:s8+$0xFFFFFFF0];
	v4 =	vadd.f32 v52, v4;
	v54 =	vsel vm2, $0x0, v37;
	v51 =	vadd.f32 v49, v10;
	[tilespmem:s6+$0x40] =	vst v6;
	v58 =	vpop (erf)  }
0x411: {  	v59 =	vld [tilespmem:s8+$0x70];
	v3 =	vadd.f32 v54, v3;
	[tilespmem:s7+$0x80] =	vst v57;
	v2 =	vmul.f32 v58, v2;
	v60 =	vsel vm3, $0x0, v58;
	v61 =	vpop (erf)  }
0x412: {  	v1 =	vadd.f32 v55, v1;
	[tilespmem:s7+$0x90] =	vst v51;
	v4 =	vadd.f32 v60, v4;
	v62 =	vsel vm3, $0x0, v61;
	v63 =	vpop (erf)  }
0x413: {  	[tilespmem:s7+$0xFFFFFF90] =	vst v2;
	v2 =	vadd.f32 v62, v3;
	v3 =	vsel vm3, $0x0, v63  }
0x414: {  	[tilespmem:s7+$0xFFFFFFA0] =	vst v4;
	v1 =	vadd.f32 v3, v1  }
0x415: {  	[tilespmem:s7+$0xFFFFFFF0] =	vst v2;
	v2 =	vmul.f32 v61, v56  }
0x416: {  	s31 =	sadd.s32 $0x1, s31;
	[tilespmem:s7+$0x40] =	vst v1;
	v1 =	vmul.f32 v63, v59  }
0x417: {  	p0 =	sne.s32 s31, $0x7C;
	[tilespmem:s7+$0xFFFFFFE0] =	vst v2  }
.Ltmp2:
0x418: {  	[tilespmem:s7+$0x30] =	vst v1;
	(pc) =	sbr.rel @p0 .LBB2_2-.Ltmp2, $4  }
0x419: {  	[spmem:s3] =	stream.indirect.scatter.add.f32 [tilespmem:s26], [sflag:$0x3], $0x50, s29, s15, $0xb8;
	[tilespmem:$0x1F720] =	vst v63  }
0x41a: {  	_ =	swait.ge [sflag:s13], $0x1900  }
0x41b: {  	[sflag:s13] =	ssyncset.done $0x0  }
0x41c: {  	[sflag:s13] =	ssyncadd.s32 $0xFFFFE700  }
0x41d: {  	v1 =	vld [tilespmem:$0x9BF0]  }
0x41e: {  	v2 =	vld [tilespmem:$0x4DD0];
	_ =	sdelay $0x1  }
0x41f: {  	v3 =	vld [tilespmem:$0x9C00]  }
0x420: {  	v4 =	vld [tilespmem:$0x4DE0];
	_ =	sdelay $0x1  }
0x421: {  	v5 =	vld [tilespmem:$0x9C10];
	[tilespmem:$0x9C90] =	vst v1;
	v2 =	vadd.s32 v0, v2  }
0x422: {  	[tilespmem:$0x9D30] =	vst v2;
	v2 =	vld [tilespmem:$0x4DF0]  }
0x423: {  	v1 =	vadd.s32 v0, v1;
	[tilespmem:$0x9CA0] =	vst v3  }
0x424: {  	[tilespmem:$0x9DD0] =	vst v1;
	v1 =	vadd.s32 v0, v4;
	v4 =	vld [tilespmem:$0x9C20]  }
0x425: {  	[tilespmem:$0x9D40] =	vst v1;
	v1 =	vadd.s32 v0, v3;
	v3 =	vld [tilespmem:$0x4E00]  }
0x426: {  	[tilespmem:$0x9CB0] =	vst v5  }
0x427: {  	[tilespmem:$0x9DE0] =	vst v1;
	v1 =	vadd.s32 v0, v2;
	v2 =	vld [tilespmem:$0x9C30]  }
0x428: {  	[tilespmem:$0x9D50] =	vst v1;
	v1 =	vadd.s32 v0, v5;
	v5 =	vld [tilespmem:$0x4E10]  }
0x429: {  	[tilespmem:$0x9CC0] =	vst v4  }
0x42a: {  	[tilespmem:$0x9DF0] =	vst v1;
	v1 =	vadd.s32 v0, v3  }
0x42b: {  	[tilespmem:$0x9D60] =	vst v1;
	v1 =	vadd.s32 v0, v4  }
0x42c: {  	[tilespmem:$0x9E00] =	vst v1  }
0x42d: {  	[tilespmem:$0x9CD0] =	vst v2;
	v1 =	vadd.s32 v0, v5  }
0x42e: {  	[tilespmem:$0x9D70] =	vst v1;
	v1 =	vadd.s32 v0, v2  }
0x42f: {  	[tilespmem:$0x9E10] =	vst v1  }
0x430: {  	[tilespmem:s21], [sflag:$0x2] =	stream.indirect.gather [hbm4b:s5+s15], $0x80, s20, s15, $0xb8;
	[tilespmem:$0x1F720] =	vst v63  }
0x431: {  	_ = 	snop  }
0x432: {  	[tilespmem:s23], [sflag:$0x2] =	stream.indirect.gather [hbm4b:s2+s15], $0x40, s22, s15, $0xb8;
	[tilespmem:$0x1F720] =	vst v63  }
0x433: {  	_ =	swait.ge [sflag:s24], $0x2800  }
0x434: {  	[sflag:s24] =	ssyncset.done $0x0  }
0x435: {  	[sflag:s24] =	ssyncadd.s32 $0xFFFFD800  }
0x436: {  	_ =	swait.ge [sflag:s24], $0x1400  }
0x437: {  	[sflag:s24] =	ssyncset.done $0x0  }
0x438: {  	s11 =	simm.s32 $0x9F20;
	[sflag:s24] =	ssyncadd.s32 $0xFFFFEC00  }
0x439: {  	s7 =	simm.s32 $0xEEA0;
	v1 =	vld [tilespmem:s11+$0x80]  }
0x43a: {  	v2 =	vld [tilespmem:s7+$0x40];
	_ =	sdelay $0x4  }
0x43b: {  	v1 =	vmul.f32 v2, v1;
	_ =	sdelay $0x1  }
0x43c: {  	(xrf2) =	vadd.scan.msk.f32 $0xffff, v1;
	_ =	sdelay $0x9  }
0x43d: {  	v1, _, _ =	vpop (xrf2)  }
0x43e: {  	(v2sf) =	vpush v1, $0xF;
	_ =	sdelay $0x8  }
0x43f: {  	v3 =	vld [tilespmem:s7+$0xFFFFFFC0]  }
0x440: {  	v4 =	vld [tilespmem:s11+$0xFFFFFF00]  }
0x441: {  	v2 =	vld [tilespmem:s11+$0xFFFFFF80]  }
0x442: {  	v1 =	vld [tilespmem:s7+$0xFFFFFF80];
	_ =	sdelay $0x2  }
0x443: {  	s0 =	spop (v2sf)  }
0x444: {  	v2 =	vmul.f32 v3, v2;
	s0 =	smul.f32 $2.500000000e-01, s0  }
0x445: {  	v1 =	vmul.f32 v1, v4  }
0x446: {  	(xrf2) =	vadd.scan.msk.f32 $0xffff, v2;
	v4 =	vmov s0  }
0x447: {  	v5 =	vld [tilespmem:s7+$0x0];
	(xrf2) =	vadd.scan.msk.f32 $0xffff, v1;
	v2 =	vmax.f32 v4, $-5.000000000e+00  }
0x448: {  	v3 =	vld [tilespmem:s11+$0x0];
	v1 =	vmin.f32 v2, $5.000000000e+00  }
0x449: {  	v1 =	vmul.f32 $1.442695020e+00, v1;
	_ =	sdelay $0x1  }
0x44a: {  	v1 =	vbroadcast v1, $0x0;
	_ =	sdelay $0x1  }
0x44b: {  	v2 =	vmul.f32 v5, v3;
	(erf) = vpow2.f32 v1;
	_ =	sdelay $0x1  }
0x44c: {  	(xrf2) =	vadd.scan.msk.f32 $0xffff, v2  }
0x44d: {  	v1, _, _ =	vpop (xrf2)  }
0x44e: {  	(v2sf) =	vpush v1, $0xF;
	v1, _, _ =	vpop (xrf2)  }
0x44f: {  	v2 =	vld [tilespmem:s11+$0xC0];
	(v2sf) =	vpush v1, $0xF;
	_ =	sdelay $0x3  }
0x450: {  	v10 =	vpop (erf)  }
0x451: {  	v1 =	vmul.f32 v10, v2  }
0x452: {  	s4 =	simm.s32 $0x116C0  }
0x453: {  	v2, _, _ =	vpop (xrf2);
	[tilespmem:s4+$0x50] =	vst v1  }
0x454: {  	(v2sf) =	vpush v2, $0xF;
	v1 =	vld [tilespmem:s11+$0x90]  }
0x455: {  	s10 =	simm.s32 $0xEFA0;
	v2 =	vld [tilespmem:s7+$0x50]  }
0x456: {  	s14 =	simm.s32 $0xA120;
	v4 =	vld [tilespmem:s10+$0x40]  }
0x457: {  	v3 =	vld [tilespmem:s14+$0x80];
	_ =	sdelay $0x2  }
0x458: {  	v1 =	vmul.f32 v2, v1;
	s31 =	spop (v2sf)  }
0x459: {  	s0 =	smul.f32 $2.500000000e-01, s31;
	s1 =	spop (v2sf)  }
0x45a: {  	(xrf2) =	vadd.scan.msk.f32 $0xffff, v1;
	v1 =	vmul.f32 v4, v3;
	s1 =	smul.f32 $2.500000000e-01, s1  }
0x45b: {  	v2 =	vmov s0  }
0x45c: {  	(xrf2) =	vadd.scan.msk.f32 $0xffff, v1;
	v1 =	vmax.f32 v2, $-5.000000000e+00;
	v2 =	vmov s1  }
0x45d: {  	v2 =	vmax.f32 v2, $-5.000000000e+00  }
0x45e: {  	v2 =	vmin.f32 v2, $5.000000000e+00  }
0x45f: {  	v1 =	vmin.f32 v1, $5.000000000e+00;
	v2 =	vmul.f32 $1.442695020e+00, v2  }
0x460: {  	v1 =	vmul.f32 $1.442695020e+00, v1  }
0x461: {  	s1 =	spop (v2sf);
	v2 =	vbroadcast v2, $0x0  }
0x462: {  	v1 =	vbroadcast v1, $0x0;
	s0 =	smul.f32 $2.500000000e-01, s1;
	_ =	sdelay $0x1  }
0x463: {  	(erf) = vpow2.f32 v1;
	v3 =	vmov s0  }
0x464: {  	(erf) = vpow2.f32 v2;
	v1 =	vmax.f32 v3, $-5.000000000e+00;
	v2, _, _ =	vpop (xrf2)  }
0x465: {  	v1 =	vmin.f32 v1, $5.000000000e+00;
	(v2sf) =	vpush v2, $0xF  }
0x466: {  	v6 =	vld [tilespmem:s14+$0xFFFFFF80];
	v1 =	vmul.f32 $1.442695020e+00, v1;
	v3, _, _ =	vpop (xrf2)  }
0x467: {  	v7 =	vld [tilespmem:s10+$0xFFFFFFC0];
	(v2sf) =	vpush v3, $0xF  }
0x468: {  	v8 =	vld [tilespmem:s14+$0xFFFFFF00];
	v1 =	vbroadcast v1, $0x0  }
0x469: {  	v4 =	vld [tilespmem:s11+$0xFFFFFF40]  }
0x46a: {  	v2 =	vld [tilespmem:s10+$0xFFFFFF80];
	(erf) = vpow2.f32 v1  }
0x46b: {  	v1 =	vld [tilespmem:s11+$0xFFFFFFC0]  }
0x46c: {  	v3 =	vpop (erf)  }
0x46d: {  	v6 =	vmul.f32 v7, v6;
	v5 =	vpop (erf)  }
0x46e: {  	v7 =	vld [tilespmem:s11+$0x40];
	v4 =	vmul.f32 v5, v4  }
0x46f: {  	(xrf2) =	vadd.scan.msk.f32 $0xffff, v6;
	v6 =	vld [tilespmem:s10+$0x0];
	v2 =	vmul.f32 v2, v8  }
0x470: {  	v8 =	vld [tilespmem:s14+$0x0];
	v1 =	vmul.f32 v3, v1;
	[tilespmem:s4+$0xFFFFFF60] =	vst v4  }
0x471: {  	(xrf2) =	vadd.scan.msk.f32 $0xffff, v2;
	v2 =	vld [tilespmem:s11+$0xFFFFFF10]  }
0x472: {  	[tilespmem:s4+$0xFFFFFFB0] =	vst v1;
	v1 =	vld [tilespmem:s7+$0xFFFFFF90]  }
0x473: {  	v9 =	vld [tilespmem:s11+$0xFFFFFF90];
	v4 =	vpop (erf)  }
0x474: {  	v11 =	vld [tilespmem:s7+$0xFFFFFFD0];
	v7 =	vmul.f32 v4, v7;
	s6 =	spop (v2sf)  }
0x475: {  	s0 =	smul.f32 $2.500000000e-01, s6  }
0x476: {  	v6 =	vmul.f32 v6, v8;
	[tilespmem:s4+$0x0] =	vst v7;
	s8 =	spop (v2sf)  }
0x477: {  	v7 =	vld [tilespmem:s11+$0x10];
	s9 =	smul.f32 $2.500000000e-01, s8;
	v8 =	vmov s0  }
0x478: {  	(xrf2) =	vadd.scan.msk.f32 $0xffff, v6;
	v1 =	vmul.f32 v1, v2;
	v12 =	vld [tilespmem:s7+$0x10];
	v2 =	vmax.f32 v8, $-5.000000000e+00  }
0x479: {  	v6 =	vmul.f32 v11, v9;
	v9 =	vmov s9;
	v2 =	vmin.f32 v2, $5.000000000e+00  }
0x47a: {  	v9 =	vmax.f32 v9, $-5.000000000e+00;
	v8, _, _ =	vpop (xrf2);
	v2 =	vmul.f32 $1.442695020e+00, v2  }
0x47b: {  	(xrf2) =	vadd.scan.msk.f32 $0xffff, v1;
	v1 =	vmin.f32 v9, $5.000000000e+00;
	(v2sf) =	vpush v8, $0xF;
	v8, _, _ =	vpop (xrf2)  }
0x47c: {  	(xrf2) =	vadd.scan.msk.f32 $0xffff, v6;
	v1 =	vmul.f32 $1.442695020e+00, v1;
	(v2sf) =	vpush v8, $0xF;
	v2 =	vbroadcast v2, $0x0  }
0x47d: {  	v6 =	vmul.f32 v12, v7  }
0x47e: {  	v1 =	vbroadcast v1, $0x0;
	(erf) = vpow2.f32 v2  }
0x47f: {  	(xrf2) =	vadd.scan.msk.f32 $0xffff, v6;
	_ =	sdelay $0x1  }
0x480: {  	(erf) = vpow2.f32 v1  }
0x481: {  	v1, _, _ =	vpop (xrf2)  }
0x482: {  	(v2sf) =	vpush v1, $0xF;
	v1 =	vld [tilespmem:s11+$0xD0];
	_ =	sdelay $0x1  }
0x483: {  	v2, _, _ =	vpop (xrf2)  }
0x484: {  	v6 =	vld [tilespmem:s14+$0xC0];
	(v2sf) =	vpush v2, $0xF;
	v2, _, _ =	vpop (xrf2)  }
0x485: {  	v11 =	vpop (erf)  }
0x486: {  	(v2sf) =	vpush v2, $0xF;
	v1 =	vmul.f32 v11, v1  }
0x487: {  	v7, _, _ =	vpop (xrf2)  }
0x488: {  	v2 =	vpop (erf);
	s12 =	spop (v2sf);
	[tilespmem:s4+$0x60] =	vst v1;
	(v2sf) =	vpush v7, $0xF  }
0x489: {  	v1 =	vmul.f32 v2, v6;
	s16 =	smul.f32 $2.500000000e-01, s12;
	s17 =	spop (v2sf);
	v6 =	vld [tilespmem:s11+$0xA0]  }
0x48a: {  	s0 =	simm.s32 $0x11800;
	v8 =	vld [tilespmem:s7+$0x60];
	s6 =	smul.f32 $2.500000000e-01, s17  }
0x48b: {  	[tilespmem:s0+$0x50] =	vst v1;
	v7 =	vmov s16  }
0x48c: {  	v9 =	vld [tilespmem:s14+$0x90];
	v1 =	vmax.f32 v7, $-5.000000000e+00;
	v7 =	vmov s6  }
0x48d: {  	v12 =	vld [tilespmem:s10+$0x50];
	v1 =	vmin.f32 v1, $5.000000000e+00;
	v7 =	vmax.f32 v7, $-5.000000000e+00  }
0x48e: {  	v1 =	vmul.f32 $1.442695020e+00, v1;
	v7 =	vmin.f32 v7, $5.000000000e+00  }
0x48f: {  	s1 =	simm.s32 $0xA320;
	v6 =	vmul.f32 v8, v6;
	v7 =	vmul.f32 $1.442695020e+00, v7  }
0x490: {  	v13 =	vld [tilespmem:s1+$0x80];
	s8 =	simm.s32 $0xF0A0;
	s18 =	spop (v2sf);
	v1 =	vbroadcast v1, $0x0  }
0x491: {  	v8 =	vld [tilespmem:s8+$0x40];
	s6 =	smul.f32 $2.500000000e-01, s18;
	(xrf2) =	vadd.scan.msk.f32 $0xffff, v6;
	v7 =	vbroadcast v7, $0x0  }
0x492: {  	(erf) = vpow2.f32 v1;
	v1 =	vmul.f32 v12, v9  }
0x493: {  	s19 =	spop (v2sf);
	v6 =	vmov s6  }
0x494: {  	s6 =	smul.f32 $2.500000000e-01, s19;
	(erf) = vpow2.f32 v7;
	(xrf2) =	vadd.scan.msk.f32 $0xffff, v1;
	v1 =	vmax.f32 v6, $-5.000000000e+00  }
0x495: {  	s9 =	spop (v2sf);
	v1 =	vmin.f32 v1, $5.000000000e+00  }
0x496: {  	v6 =	vmul.f32 v8, v13;
	v7 =	vmov s6;
	s31 =	smul.f32 $2.500000000e-01, s9;
	v1 =	vmul.f32 $1.442695020e+00, v1  }
0x497: {  	v18 =	vld [tilespmem:s1+$0xFFFFFF00];
	v7 =	vmax.f32 v7, $-5.000000000e+00;
	s9 =	spop (v2sf)  }
0x498: {  	v15 =	vld [tilespmem:s8+$0xFFFFFFC0];
	(xrf2) =	vadd.scan.msk.f32 $0xffff, v6;
	v7 =	vmin.f32 v7, $5.000000000e+00;
	v9 =	vmov s31;
	v1 =	vbroadcast v1, $0x0;
	s6 =	smul.f32 $2.500000000e-01, s9  }
0x499: {  	v12 =	vld [tilespmem:s8+$0xFFFFFF80];
	v7 =	vmul.f32 $1.442695020e+00, v7;
	v9 =	vmax.f32 v9, $-5.000000000e+00  }
0x49a: {  	v6 =	vld [tilespmem:s14+$0xFFFFFF40];
	(erf) = vpow2.f32 v1;
	v1 =	vmin.f32 v9, $5.000000000e+00;
	v14 =	vmov s6  }
0x49b: {  	v7 =	vbroadcast v7, $0x0;
	v9 =	vld [tilespmem:s1+$0xFFFFFF80];
	v16, _, _ =	vpop (xrf2);
	v1 =	vmul.f32 $1.442695020e+00, v1;
	v17 =	vmax.f32 v14, $-5.000000000e+00  }
0x49c: {  	v13 =	vpop (erf);
	(v2sf) =	vpush v16, $0xF  }
0x49d: {  	v19 =	vld [tilespmem:s11+$0xFFFFFF50];
	(erf) = vpow2.f32 v7;
	v7 =	vmin.f32 v17, $5.000000000e+00;
	v14 =	vpop (erf);
	v1 =	vbroadcast v1, $0x0  }
0x49e: {  	v8 =	vld [tilespmem:s14+$0xFFFFFFC0];
	v7 =	vmul.f32 $1.442695020e+00, v7;
	v17, _, _ =	vpop (xrf2)  }
0x49f: {  	v16 =	vld [tilespmem:s14+$0x40];
	v6 =	vmul.f32 v14, v6;
	(v2sf) =	vpush v17, $0xF;
	(erf) = vpow2.f32 v1  }
0x4a0: {  	v12 =	vmul.f32 v12, v18;
	v1 =	vld [tilespmem:s1+$0x0];
	v9 =	vmul.f32 v15, v9  }
0x4a1: {  	v7 =	vbroadcast v7, $0x0;
	[tilespmem:s0+$0xFFFFFF60] =	vst v6;
	v6 =	vld [tilespmem:s8+$0x0]  }
0x4a2: {  	v15, _, _ =	vpop (xrf2);
	v17 =	vld [tilespmem:s14+$0xFFFFFF10];
	(xrf2) =	vadd.scan.msk.f32 $0xffff, v9  }
0x4a3: {  	v8 =	vmul.f32 v13, v8;
	(v2sf) =	vpush v15, $0xF;
	(erf) = vpow2.f32 v7;
	v7 =	vld [tilespmem:s10+$0xFFFFFF90]  }
0x4a4: {  	v9 =	vld [tilespmem:s11+$0xFFFFFFD0];
	(xrf2) =	vadd.scan.msk.f32 $0xffff, v12;
	v12 =	vpop (erf)  }
0x4a5: {  	[tilespmem:s0+$0xFFFFFFB0] =	vst v8;
	v8 =	vmul.f32 v12, v16  }
0x4a6: {  	v18 =	vld [tilespmem:s10+$0xFFFFFFD0];
	v1 =	vmul.f32 v6, v1;
	v6 =	vpop (erf)  }
0x4a7: {  	v16 =	vld [tilespmem:s14+$0xFFFFFF90];
	[tilespmem:s0+$0x0] =	vst v8;
	v8 =	vmul.f32 v6, v19  }
0x4a8: {  	v15 =	vld [tilespmem:s11+$0x50];
	(xrf2) =	vadd.scan.msk.f32 $0xffff, v1;
	v1 =	vmul.f32 v7, v17;
	v7 =	vpop (erf)  }
0x4a9: {  	v17 =	vld [tilespmem:s14+$0x10];
	[tilespmem:s4+$0xFFFFFF70] =	vst v8;
	v8 =	vmul.f32 v7, v9  }
0x4aa: {  	v9 =	vld [tilespmem:s10+$0x10]  }
0x4ab: {  	(xrf2) =	vadd.scan.msk.f32 $0xffff, v1;
	v1 =	vld [tilespmem:s11+$0xFFFFFF20]  }
0x4ac: {  	v19 =	vld [tilespmem:s7+$0xFFFFFFA0];
	v16 =	vmul.f32 v18, v16;
	s12 =	spop (v2sf);
	v18, _, _ =	vpop (xrf2)  }
0x4ad: {  	[tilespmem:s4+$0xFFFFFFC0] =	vst v8;
	s6 =	smul.f32 $2.500000000e-01, s12;
	(v2sf) =	vpush v18, $0xF;
	v8 =	vpop (erf)  }
0x4ae: {  	v20 =	vld [tilespmem:s11+$0xFFFFFFA0];
	v15 =	vmul.f32 v8, v15;
	s16 =	spop (v2sf)  }
0x4af: {  	v18 =	vld [tilespmem:s7+$0xFFFFFFE0];
	v21, _, _ =	vpop (xrf2);
	(xrf2) =	vadd.scan.msk.f32 $0xffff, v16;
	v16 =	vmov s6;
	v9 =	vmul.f32 v9, v17;
	s17 =	smul.f32 $2.500000000e-01, s16  }
0x4b0: {  	(v2sf) =	vpush v21, $0xF;
	[tilespmem:s4+$0x10] =	vst v15;
	v15 =	vmax.f32 v16, $-5.000000000e+00  }
0x4b1: {  	v1 =	vmul.f32 v19, v1;
	(xrf2) =	vadd.scan.msk.f32 $0xffff, v9;
	v9 =	vmin.f32 v15, $5.000000000e+00;
	v15 =	vmov s17  }
0x4b2: {  	s18 =	spop (v2sf);
	v16 =	vld [tilespmem:s11+$0x20];
	v15 =	vmax.f32 v15, $-5.000000000e+00  }
0x4b3: {  	v17 =	vld [tilespmem:s7+$0x20];
	v19, _, _ =	vpop (xrf2);
	s6 =	smul.f32 $2.500000000e-01, s18;
	(xrf2) =	vadd.scan.msk.f32 $0xffff, v1;
	v9 =	vmul.f32 $1.442695020e+00, v9;
	v1 =	vmin.f32 v15, $5.000000000e+00  }
0x4b4: {  	v18 =	vmul.f32 v18, v20;
	v1 =	vmul.f32 $1.442695020e+00, v1  }
0x4b5: {  	(v2sf) =	vpush v19, $0xF;
	v19 =	vmov s6;
	v9 =	vbroadcast v9, $0x0;
	v15, _, _ =	vpop (xrf2)  }
0x4b6: {  	(v2sf) =	vpush v15, $0xF;
	v15 =	vmax.f32 v19, $-5.000000000e+00;
	v1 =	vbroadcast v1, $0x0  }
0x4b7: {  	(erf) = vpow2.f32 v9;
	v9 =	vmin.f32 v15, $5.000000000e+00  }
0x4b8: {  	(xrf2) =	vadd.scan.msk.f32 $0xffff, v18;
	v15 =	vmul.f32 v17, v16;
	v9 =	vmul.f32 $1.442695020e+00, v9;
	_ =	sdelay $0x1  }
0x4b9: {  	(erf) = vpow2.f32 v1;
	v1, _, _ =	vpop (xrf2);
	(xrf2) =	vadd.scan.msk.f32 $0xffff, v15;
	v9 =	vbroadcast v9, $0x0;
	_ =	sdelay $0x1  }
0x4ba: {  	(v2sf) =	vpush v1, $0xF;
	s19 =	spop (v2sf);
	(erf) = vpow2.f32 v9  }
0x4bb: {  	v16 =	vld [tilespmem:s11+$0xE0];
	v1, _, _ =	vpop (xrf2);
	s6 =	smul.f32 $2.500000000e-01, s19  }
0x4bc: {  	(v2sf) =	vpush v1, $0xF;
	v1, _, _ =	vpop (xrf2)  }
0x4bd: {  	v17 =	vld [tilespmem:s14+$0xD0];
	(v2sf) =	vpush v1, $0xF;
	v1 =	vmov s6  }
0x4be: {  	s31 =	spop (v2sf);
	v1 =	vmax.f32 v1, $-5.000000000e+00  }
0x4bf: {  	v19 =	vld [tilespmem:s1+$0xC0];
	s9 =	smul.f32 $2.500000000e-01, s31;
	v15 =	vpop (erf);
	v1 =	vmin.f32 v1, $5.000000000e+00  }
0x4c0: {  	v18, _, _ =	vpop (xrf2);
	v16 =	vmul.f32 v15, v16  }
0x4c1: {  	v20 =	vmov s9;
	v9 =	vpop (erf)  }
0x4c2: {  	(v2sf) =	vpush v18, $0xF;
	s9 =	spop (v2sf);
	v18 =	vmul.f32 $1.442695020e+00, v1;
	[tilespmem:s4+$0x70] =	vst v16;
	v16 =	vmul.f32 v9, v17;
	v1, _, _ =	vpop (xrf2)  }
0x4c3: {  	v17 =	vmax.f32 v20, $-5.000000000e+00;
	s6 =	smul.f32 $2.500000000e-01, s9;
	v20 =	vld [tilespmem:s11+$0xB0];
	(v2sf) =	vpush v1, $0xF;
	v1 =	vpop (erf)  }
0x4c4: {  	v17 =	vmin.f32 v17, $5.000000000e+00;
	v21 =	vld [tilespmem:s7+$0x70];
	[tilespmem:s0+$0x60] =	vst v16;
	v19 =	vmul.f32 v1, v19  }
0x4c5: {  	v16 =	vmul.f32 $1.442695020e+00, v17;
	v22 =	vmov s6;
	s6 =	simm.s32 $0x11940;
	s12 =	spop (v2sf);
	v17 =	vld [tilespmem:s14+$0xA0]  }
0x4c6: {  	v18 =	vbroadcast v18, $0x0;
	v23 =	vld [tilespmem:s10+$0x60];
	v22 =	vmax.f32 v22, $-5.000000000e+00;
	s9 =	smul.f32 $2.500000000e-01, s12;
	[tilespmem:s6+$0x50] =	vst v19  }
0x4c7: {  	v16 =	vbroadcast v16, $0x0;
	v19 =	vmin.f32 v22, $5.000000000e+00;
	v22 =	vld [tilespmem:s1+$0x90]  }
0x4c8: {  	(erf) = vpow2.f32 v18;
	v18 =	vmov s9;
	v24 =	vld [tilespmem:s8+$0x50]  }
0x4c9: {  	(erf) = vpow2.f32 v16;
	v18 =	vmax.f32 v18, $-5.000000000e+00;
	s16 =	spop (v2sf)  }
0x4ca: {  	v16 =	vmin.f32 v18, $5.000000000e+00;
	v18 =	vmul.f32 v21, v20;
	s12 =	smul.f32 $2.500000000e-01, s16  }
0x4cb: {  	s9 =	simm.s32 $0xA520;
	v17 =	vmul.f32 v23, v17  }
0x4cc: {  	v19 =	vmul.f32 $1.442695020e+00, v19;
	s16 =	spop (v2sf);
	(xrf2) =	vadd.scan.msk.f32 $0xffff, v18;
	v18 =	vld [tilespmem:s9+$0x80];
	v21 =	vmov s12;
	s12 =	simm.s32 $0xF1A0  }
0x4cd: {  	v16 =	vmul.f32 $1.442695020e+00, v16;
	s16 =	smul.f32 $2.500000000e-01, s16;
	(xrf2) =	vadd.scan.msk.f32 $0xffff, v17;
	v17 =	vld [tilespmem:s12+$0x40];
	v22 =	vmul.f32 v24, v22  }
0x4ce: {  	v5 =	vnsel vm0, $0x0, v5;
	v23 =	vld [tilespmem:s1+$0xFFFFFF40];
	v19 =	vbroadcast v19, $0x0;
	s17 =	spop (v2sf);
	v21 =	vmax.f32 v21, $-5.000000000e+00  }
0x4cf: {  	v16 =	vbroadcast v16, $0x0;
	s17 =	smul.f32 $2.500000000e-01, s17;
	v25 =	vmov s16;
	v26 =	vld [tilespmem:s12+$0xFFFFFFC0];
	v21 =	vmin.f32 v21, $5.000000000e+00  }
0x4d0: {  	(erf) = vpow2.f32 v19;
	v19 =	vmul.f32 $1.442695020e+00, v21;
	v21 =	vmax.f32 v25, $-5.000000000e+00;
	v25 =	vld [tilespmem:s9+$0xFFFFFF80]  }
0x4d1: {  	(erf) = vpow2.f32 v16;
	(xrf2) =	vadd.scan.msk.f32 $0xffff, v22;
	v16 =	vmin.f32 v21, $5.000000000e+00;
	v21 =	vmov s17;
	v22 =	vpop (erf)  }
0x4d2: {  	v28 =	vld [tilespmem:s9+$0xFFFFFF00];
	s18 =	spop (v2sf);
	v16 =	vmul.f32 $1.442695020e+00, v16;
	v21 =	vmax.f32 v21, $-5.000000000e+00;
	v17 =	vmul.f32 v17, v18;
	v18 =	vpop (erf)  }
0x4d3: {  	v27 =	vld [tilespmem:s12+$0xFFFFFF80];
	s16 =	smul.f32 $2.500000000e-01, s18;
	v19 =	vbroadcast v19, $0x0;
	v21 =	vmin.f32 v21, $5.000000000e+00;
	v23 =	vmul.f32 v18, v23  }
0x4d4: {  	v5 =	vadd.f32 $0.0e+00, v5;
	v16 =	vbroadcast v16, $0x0;
	v21 =	vmul.f32 $1.442695020e+00, v21;
	s19 =	spop (v2sf)  }
0x4d5: {  	v20 =	vld [tilespmem:s1+$0xFFFFFFC0];
	(erf) = vpow2.f32 v19;
	v19 =	vmov s16;
	s31 =	smul.f32 $2.500000000e-01, s19;
	v25 =	vmul.f32 v26, v25  }
0x4d6: {  	(xrf2) =	vadd.scan.msk.f32 $0xffff, v17;
	v17 =	vmax.f32 v19, $-5.000000000e+00;
	(erf) = vpow2.f32 v16;
	v16 =	vbroadcast v21, $0x0;
	v31, _, _ =	vpop (xrf2)  }
0x4d7: {  	v30 =	vld [tilespmem:s12+$0x0];
	v17 =	vmin.f32 v17, $5.000000000e+00;
	[tilespmem:s6+$0xFFFFFF60] =	vst v23;
	v21 =	vmov s31;
	(v2sf) =	vpush v31, $0xF;
	v23, _, _ =	vpop (xrf2)  }
0x4d8: {  	v19 =	vld [tilespmem:s9+$0x0];
	v21 =	vmax.f32 v21, $-5.000000000e+00;
	(v2sf) =	vpush v23, $0xF;
	v23 =	vmul.f32 v27, v28  }
0x4d9: {  	v3 =	vnsel vm0, $0x0, v3;
	v24 =	vld [tilespmem:s1+$0x40];
	v17 =	vmul.f32 $1.442695020e+00, v17;
	(xrf2) =	vadd.scan.msk.f32 $0xffff, v25;
	v21 =	vmin.f32 v21, $5.000000000e+00  }
0x4da: {  	v3 =	vadd.f32 $0.0e+00, v3;
	v29 =	vld [tilespmem:s14+$0xFFFFFF50];
	v20 =	vmul.f32 v22, v20;
	v21 =	vmul.f32 $1.442695020e+00, v21  }
0x4db: {  	v4 =	vnsel vm0, $0x0, v4;
	v25 =	vld [tilespmem:s1+$0xFFFFFF10];
	(erf) = vpow2.f32 v16;
	v16 =	vbroadcast v17, $0x0  }
0x4dc: {  	v6 =	vsel vm1, $0x0, v6;
	[tilespmem:s6+$0xFFFFFFB0] =	vst v20;
	v17 =	vld [tilespmem:s8+$0xFFFFFF90];
	(xrf2) =	vadd.scan.msk.f32 $0xffff, v23;
	v20 =	vbroadcast v21, $0x0;
	v23, _, _ =	vpop (xrf2)  }
0x4dd: {  	v32 =	vpop (erf);
	v19 =	vmul.f32 v30, v19;
	(erf) = vpow2.f32 v16;
	v16 =	vld [tilespmem:s1+$0xFFFFFF90];
	(v2sf) =	vpush v23, $0xF  }
0x4de: {  	v13 =	vnsel vm0, $0x0, v13;
	v24 =	vmul.f32 v32, v24;
	v21 =	vpop (erf);
	(erf) = vpow2.f32 v20;
	v20 =	vld [tilespmem:s8+$0xFFFFFFD0]  }
0x4df: {  	v4 =	vadd.f32 $0.0e+00, v4;
	v13 =	vadd.f32 $0.0e+00, v13;
	v14 =	vnsel vm0, $0x0, v14;
	v26 =	vld [tilespmem:s14+$0xFFFFFFD0];
	(xrf2) =	vadd.scan.msk.f32 $0xffff, v19  }
0x4e0: {  	v14 =	vadd.f32 $0.0e+00, v14;
	v12 =	vnsel vm0, $0x0, v12;
	v31 =	vld [tilespmem:s14+$0x50];
	[tilespmem:s6+$0x0] =	vst v24;
	v19 =	vadd.f32 v6, v5;
	v6, _, _ =	vpop (xrf2)  }
0x4e1: {  	v7 =	vsel vm1, $0x0, v7;
	v24 =	vld [tilespmem:s8+$0x10];
	v17 =	vmul.f32 v17, v25;
	(v2sf) =	vpush v6, $0xF  }
0x4e2: {  	v8 =	vsel vm1, $0x0, v8;
	v28 =	vadd.f32 v7, v3;
	v5 =	vld [tilespmem:s1+$0x10];
	v23 =	vmul.f32 v21, v29;
	v25 =	vpop (erf)  }
0x4e3: {  	v27 =	vld [tilespmem:s11+$0xFFFFFF60];
	v3 =	vnsel vm0, $0x0, v18;
	(xrf2) =	vadd.scan.msk.f32 $0xffff, v17;
	v17 =	vnsel vm0, $0x0, v22;
	v16 =	vmul.f32 v20, v16;
	v20, _, _ =	vpop (xrf2)  }
0x4e4: {  	v29 =	vadd.f32 v8, v4;
	v8 =	vld [tilespmem:s11+$0xFFFFFFE0];
	v6 =	vmul.f32 v25, v26;
	[tilespmem:s0+$0xFFFFFF70] =	vst v23;
	(v2sf) =	vpush v20, $0xF  }
0x4e5: {  	v12 =	vadd.f32 $0.0e+00, v12;
	v4 =	vadd.f32 $0.0e+00, v3;
	v7 =	vpop (erf);
	v18 =	vld [tilespmem:s14+$0xFFFFFF20]  }
0x4e6: {  	v21 =	vsel vm1, $0x0, v21;
	v22 =	vnsel vm0, $0x0, v32;
	v3 =	vadd.f32 $0.0e+00, v17;
	[tilespmem:s0+$0xFFFFFFC0] =	vst v6;
	v23 =	vld [tilespmem:s10+$0xFFFFFFA0];
	v17 =	vpop (erf)  }
0x4e7: {  	v6 =	vadd.f32 $0.0e+00, v22;
	v5 =	vmul.f32 v24, v5;
	v20 =	vmul.f32 v7, v31;
	(xrf2) =	vadd.scan.msk.f32 $0xffff, v16;
	s17 =	spop (v2sf);
	v16, _, _ =	vpop (xrf2)  }
0x4e8: {  	v26 =	vld [tilespmem:s14+$0xFFFFFFA0];
	v22 =	vmul.f32 v17, v27;
	v24 =	vpop (erf);
	s16 =	smul.f32 $2.500000000e-01, s17;
	(v2sf) =	vpush v16, $0xF;
	v16 =	vsel vm1, $0x0, v25  }
0x4e9: {  	v27 =	vld [tilespmem:s10+$0xFFFFFFE0];
	v31 =	vmul.f32 v24, v8;
	(xrf2) =	vadd.scan.msk.f32 $0xffff, v5;
	v25 =	vsel vm1, $0x0, v7;
	s18 =	spop (v2sf);
	v8, _, _ =	vpop (xrf2);
	v5 =	vadd.f32 v16, v13  }
0x4ea: {  	s17 =	smul.f32 $2.500000000e-01, s18;
	(v2sf) =	vpush v8, $0xF;
	v8 =	vadd.f32 v25, v12;
	v12 =	vmov s16  }
0x4eb: {  	v30 =	vld [tilespmem:s11+$0x60];
	[tilespmem:s0+$0x10] =	vst v20;
	v13 =	vsel vm2, $0x0, v17;
	v17 =	vmul.f32 v23, v18;
	v12 =	vmax.f32 v12, $-5.000000000e+00  }
0x4ec: {  	[tilespmem:s4+$0xFFFFFF80] =	vst v22;
	v22 =	vld [tilespmem:s10+$0x20];
	v7 =	vadd.f32 v21, v14;
	v18 =	vmov s17;
	v12 =	vmin.f32 v12, $5.000000000e+00;
	s19 =	spop (v2sf)  }
0x4ed: {  	v14 =	vadd.f32 v13, v19;
	v20, _, _ =	vpop (xrf2);
	(xrf2) =	vadd.scan.msk.f32 $0xffff, v17;
	v17 =	vld [tilespmem:s14+$0x20];
	v18 =	vmax.f32 v18, $-5.000000000e+00;
	v12 =	vmul.f32 $1.442695020e+00, v12;
	s16 =	smul.f32 $2.500000000e-01, s19  }
0x4ee: {  	v19 =	vmul.f32 v27, v26;
	(v2sf) =	vpush v20, $0xF;
	v18 =	vmin.f32 v18, $5.000000000e+00  }
0x4ef: {  	v21 =	vpop (erf);
	v18 =	vmul.f32 $1.442695020e+00, v18;
	v25 =	vbroadcast v12, $0x0;
	v23 =	vmov s16  }
0x4f0: {  	v16 =	vmul.f32 v21, v30;
	v13 =	vsel vm2, $0x0, v24;
	(xrf2) =	vadd.scan.msk.f32 $0xffff, v19;
	s31 =	spop (v2sf);
	v19 =	vmax.f32 v23, $-5.000000000e+00  }
0x4f1: {  	[tilespmem:s4+$0xFFFFFFD0] =	vst v31;
	v24 =	vld [tilespmem:s7+$0xFFFFFFB0];
	v18 =	vbroadcast v18, $0x0;
	s16 =	smul.f32 $2.500000000e-01, s31;
	(erf) = vpow2.f32 v25;
	v19 =	vmin.f32 v19, $5.000000000e+00  }
0x4f2: {  	v20 =	vsel vm2, $0x0, v21;
	v21 =	vld [tilespmem:s11+$0xFFFFFF30];
	[tilespmem:s4+$0x20] =	vst v16;
	v12, _, _ =	vpop (xrf2);
	v16 =	vmul.f32 v22, v17;
	v19 =	vmul.f32 $1.442695020e+00, v19  }
0x4f3: {  	v25 =	vld [tilespmem:s7+$0xFFFFFFF0];
	(v2sf) =	vpush v12, $0xF;
	(erf) = vpow2.f32 v18;
	v18 =	vmov s16;
	s17 =	spop (v2sf)  }
0x4f4: {  	v12 =	vadd.f32 v20, v29;
	v20 =	vld [tilespmem:s11+$0xFFFFFFB0];
	v23, _, _ =	vpop (xrf2);
	v17 =	vmax.f32 v18, $-5.000000000e+00;
	s16 =	smul.f32 $2.500000000e-01, s17;
	v18 =	vbroadcast v19, $0x0  }
0x4f5: {  	v10 =	vnsel vm0, $0x0, v10;
	(xrf2) =	vadd.scan.msk.f32 $0xffff, v16;
	(v2sf) =	vpush v23, $0xF;
	v17 =	vmin.f32 v17, $5.000000000e+00  }
0x4f6: {  	v30 =	vld [tilespmem:s9+$0xC0];
	v17 =	vmul.f32 $1.442695020e+00, v17;
	(erf) = vpow2.f32 v18;
	v18 =	vmov s16  }
0x4f7: {  	v10 =	vadd.f32 $0.0e+00, v10;
	v22 =	vmul.f32 v24, v21;
	v23 =	vld [tilespmem:s7+$0x30];
	s18 =	spop (v2sf);
	v18 =	vmax.f32 v18, $-5.000000000e+00  }
0x4f8: {  	v11 =	vsel vm1, $0x0, v11;
	v19 =	vld [tilespmem:s11+$0x30];
	v16, _, _ =	vpop (xrf2);
	v17 =	vbroadcast v17, $0x0;
	s7 =	smul.f32 $2.500000000e-01, s18;
	v18 =	vmin.f32 v18, $5.000000000e+00  }
0x4f9: {  	(xrf2) =	vadd.scan.msk.f32 $0xffff, v22;
	(v2sf) =	vpush v16, $0xF;
	v16 =	vmul.f32 v25, v20;
	v20 =	vld [tilespmem:s14+$0xE0];
	v18 =	vmul.f32 $1.442695020e+00, v18  }
0x4fa: {  	v10 =	vadd.f32 v11, v10;
	v27 =	vld [tilespmem:s9+$0xFFFFFFC0];
	v13 =	vadd.f32 v13, v28;
	s19 =	spop (v2sf);
	v11 =	vmov s7  }
0x4fb: {  	v26 =	vld [tilespmem:s1+$0xD0];
	v29 =	vsel vm2, $0x0, v15;
	v24, _, _ =	vpop (xrf2);
	(xrf2) =	vadd.scan.msk.f32 $0xffff, v16;
	s7 =	smul.f32 $2.500000000e-01, s19;
	v11 =	vmax.f32 v11, $-5.000000000e+00;
	v18 =	vbroadcast v18, $0x0  }
0x4fc: {  	v28 =	vld [tilespmem:s9+$0xFFFFFF40];
	v10 =	vadd.f32 v29, v10;
	(erf) = vpow2.f32 v17;
	v17 =	vpop (erf);
	v11 =	vmin.f32 v11, $5.000000000e+00  }
0x4fd: {  	v21 =	vld [tilespmem:s9+$0x40];
	v23 =	vmul.f32 v23, v19;
	v15 =	vpop (erf);
	v16 =	vmov s7;
	v11 =	vmul.f32 $1.442695020e+00, v11  }
0x4fe: {  	v29 =	vld [tilespmem:s11+$0xF0];
	(v2sf) =	vpush v24, $0xF;
	s31 =	spop (v2sf);
	v20 =	vmul.f32 v15, v20;
	v16 =	vmax.f32 v16, $-5.000000000e+00  }
0x4ff: {  	v22 =	vld [tilespmem:s1+$0xFFFFFFD0];
	(xrf2) =	vadd.scan.msk.f32 $0xffff, v23;
	s7 =	smul.f32 $2.500000000e-01, s31;
	(erf) = vpow2.f32 v18;
	v23 =	vbroadcast v11, $0x0;
	v11 =	vmin.f32 v16, $5.000000000e+00;
	v18, _, _ =	vpop (xrf2)  }
0x500: {  	v25 =	vld [tilespmem:s1+$0xFFFFFF50];
	(v2sf) =	vpush v18, $0xF  }
0x501: {  	v24 =	vld [tilespmem:s14+$0xFFFFFF60];
	v31 =	vmov s7;
	v16 =	vsel vm3, $0x0, v17;
	[tilespmem:s0+$0x70] =	vst v20  }
0x502: {  	v20 =	vmul.f32 $1.442695020e+00, v11;
	s16 =	spop (v2sf);
	v59 =	vld [tilespmem:s14+$0xB0];
	v34 =	vadd.f32 v16, v10;
	v18 =	vmax.f32 v31, $-5.000000000e+00;
	v11 =	vpop (erf)  }
0x503: {  	s7 =	smul.f32 $2.500000000e-01, s16;
	v31 =	vld [tilespmem:s10+$0x70];
	v33, _, _ =	vpop (xrf2);
	(erf) = vpow2.f32 v23;
	v10 =	vmin.f32 v18, $5.000000000e+00;
	v26 =	vmul.f32 v11, v26  }
0x504: {  	v19 =	vld [tilespmem:s1+$0x50];
	v20 =	vbroadcast v20, $0x0;
	(v2sf) =	vpush v33, $0xF;
	s17 =	spop (v2sf)  }
0x505: {  	v29 =	vmul.f32 v17, v29;
	v23 =	vld [tilespmem:s14+$0xFFFFFFE0];
	v16 =	vmul.f32 $1.442695020e+00, v10;
	v18 =	vmov s7;
	v36, _, _ =	vpop (xrf2);
	s18 =	smul.f32 $2.500000000e-01, s17;
	[tilespmem:s6+$0x60] =	vst v26  }
0x506: {  	(erf) = vpow2.f32 v20;
	v18 =	vmax.f32 v18, $-5.000000000e+00;
	(v2sf) =	vpush v36, $0xF;
	v10 =	vpop (erf);
	v60 =	vld [tilespmem:s1+$0xA0]  }
0x507: {  	v17 =	vbroadcast v16, $0x0;
	v26 =	vmul.f32 v10, v30;
	v35 =	vld [tilespmem:s8+$0x60];
	v30 =	vmov s18  }
0x508: {  	s7 =	simm.s32 $0x11A80;
	v20 =	vld [tilespmem:s14+$0x60];
	v16 =	vmin.f32 v18, $5.000000000e+00;
	v32 =	vmul.f32 v31, v59;
	v30 =	vmax.f32 v30, $-5.000000000e+00  }
0x509: {  	v18 =	vld [tilespmem:s11+$0xFFFFFF70];
	v37 =	vmul.f32 $1.442695020e+00, v16;
	s19 =	spop (v2sf);
	(erf) = vpow2.f32 v17;
	v30 =	vmin.f32 v30, $5.000000000e+00;
	[tilespmem:s7+$0x50] =	vst v26  }
0x50a: {  	v61, _, _ =	vpop (xrf2);
	s31 =	smul.f32 $2.500000000e-01, s19;
	(xrf2) =	vadd.scan.msk.f32 $0xffff, v32;
	v62 =	vmul.f32 $1.442695020e+00, v30;
	v30 =	vld [tilespmem:s9+$0x90]  }
0x50b: {  	[tilespmem:s4+$0x80] =	vst v29;
	(v2sf) =	vpush v61, $0xF;
	v31 =	vbroadcast v37, $0x0;
	v33 =	vld [tilespmem:s12+$0x50];
	v26 =	vpop (erf)  }
0x50c: {  	s16 =	simm.s32 $0xC;
	[tilespmem:s4+$0x90] =	vst v34;
	v16 =	vld [tilespmem:s11+$0xFFFFFFF0];
	v63 =	vmov s31;
	v29 =	vmul.f32 v26, v27;
	v27 =	vpop (erf);
	v34 =	vmul.f32 v35, v60  }
0x50d: {  	s17 =	simm.s32 $0xA720;
	v17 =	vld [tilespmem:s11+$0x70];
	s30 =	spop (v2sf);
	s11 =	simm.s32 $0xF1A0;
	v32 =	vbroadcast v62, $0x0;
	v35 =	vmax.f32 v63, $-5.000000000e+00;
	v28 =	vmul.f32 v27, v28  }
.LBB2_8:
0x50e: {  	v36 =	vld [tilespmem:s17+$0x80];
	[tilespmem:s7+$0xFFFFFFB0] =	vst v29;
	s12 =	sadd.s32 $0x100, s12;
	(erf) = vpow2.f32 v31;
	(xrf2) =	vadd.scan.msk.f32 $0xffff, v34;
	v29 =	vmin.f32 v35, $5.000000000e+00;
	s18 =	smul.f32 $2.500000000e-01, s30  }
0x50f: {  	v27 =	vnsel vm0, $0x0, v27;
	v26 =	vnsel vm0, $0x0, v26;
	v31 =	vld [tilespmem:s12+$0x40];
	[tilespmem:s7+$0xFFFFFF60] =	vst v28;
	v34 =	vpop (erf);
	v28 =	vmul.f32 $1.442695020e+00, v29;
	s19 =	spop (v2sf)  }
0x510: {  	v29 =	vld [tilespmem:s12+$0xFFFFFF80];
	v21 =	vmul.f32 v34, v21;
	v37 =	vmul.f32 v33, v30;
	v33 =	vmov s18;
	s18 =	smul.f32 $2.500000000e-01, s19  }
0x511: {  	v35 =	vld [tilespmem:s17+$0xFFFFFF80];
	(erf) = vpow2.f32 v32;
	v39 =	vbroadcast v28, $0x0;
	v32 =	vmax.f32 v33, $-5.000000000e+00  }
0x512: {  	s16 =	sadd.s32 $0x4, s16;
	v33 =	vld [tilespmem:s12+$0xFFFFFFC0];
	[tilespmem:s7+$0x0] =	vst v21;
	(xrf2) =	vadd.scan.msk.f32 $0xffff, v37;
	v30 =	vpop (erf);
	v21 =	vmin.f32 v32, $5.000000000e+00;
	v32 =	vmov s18  }
0x513: {  	p0 =	slt.u32 s16, $0x4C;
	v37 =	vld [tilespmem:s17+$0x0];
	v25 =	vmul.f32 v30, v25;
	v21 =	vmul.f32 $1.442695020e+00, v21;
	v32 =	vmax.f32 v32, $-5.000000000e+00;
	s18 =	spop (v2sf)  }
0x514: {  	v38 =	vld [tilespmem:s12+$0x0];
	v31 =	vmul.f32 v31, v36;
	v32 =	vmin.f32 v32, $5.000000000e+00;
	(erf) = vpow2.f32 v39;
	v28, _, _ =	vpop (xrf2);
	s18 =	smul.f32 $2.500000000e-01, s18  }
0x515: {  	v36 =	vld [tilespmem:s17+$0xFFFFFF00];
	[tilespmem:s6+$0xFFFFFF70] =	vst v25;
	v25 =	vbroadcast v21, $0x0;
	v21 =	vmul.f32 $1.442695020e+00, v32;
	(v2sf) =	vpush v28, $0xF  }
0x516: {  	v32 =	vnsel vm0, $0x0, v34;
	v28 =	vld [tilespmem:s17+$0xFFFFFF40];
	(xrf2) =	vadd.scan.msk.f32 $0xffff, v31;
	v31 =	vadd.f32 $0.0e+00, v27;
	v34 =	vmov s18  }
0x517: {  	v33 =	vmul.f32 v33, v35;
	v27 =	vld [tilespmem:s17+$0xFFFFFFC0];
	v35 =	vpop (erf);
	v39 =	vbroadcast v21, $0x0;
	v34 =	vmax.f32 v34, $-5.000000000e+00  }
0x518: {  	v21 =	vld [tilespmem:s17+$0x40];
	v22 =	vmul.f32 v35, v22;
	v40, _, _ =	vpop (xrf2);
	(erf) = vpow2.f32 v25;
	v25 =	vmin.f32 v34, $5.000000000e+00;
	s18 =	spop (v2sf)  }
0x519: {  	v34 =	vmul.f32 v38, v37;
	(xrf2) =	vadd.scan.msk.f32 $0xffff, v33;
	v33 =	vld [tilespmem:s9+$0xFFFFFF10];
	(v2sf) =	vpush v40, $0xF;
	(erf) = vpow2.f32 v39;
	s18 =	smul.f32 $2.500000000e-01, s18  }
0x51a: {  	v26 =	vadd.f32 $0.0e+00, v26;
	v29 =	vmul.f32 v29, v36;
	v36 =	vld [tilespmem:s11+$0xFFFFFF90];
	[tilespmem:s6+$0xFFFFFFC0] =	vst v22;
	v37 =	vpop (erf);
	v22 =	vmul.f32 $1.442695020e+00, v25;
	s19 =	spop (v2sf)  }
0x51b: {  	v32 =	vadd.f32 $0.0e+00, v32;
	v38 =	vld [tilespmem:s9+$0xFFFFFF90];
	v19 =	vmul.f32 v37, v19;
	v25 =	vmov s18;
	s18 =	smul.f32 $2.500000000e-01, s19  }
0x51c: {  	v30 =	vsel vm1, $0x0, v30;
	(xrf2) =	vadd.scan.msk.f32 $0xffff, v29;
	v29 =	vld [tilespmem:s11+$0xFFFFFFD0];
	v39, _, _ =	vpop (xrf2);
	v22 =	vbroadcast v22, $0x0;
	v25 =	vmax.f32 v25, $-5.000000000e+00  }
0x51d: {  	v40 =	vld [tilespmem:s9+$0x10];
	(v2sf) =	vpush v39, $0xF;
	[tilespmem:s6+$0x10] =	vst v19;
	v39 =	vpop (erf);
	v19 =	vmin.f32 v25, $5.000000000e+00;
	v25 =	vmov s18  }
0x51e: {  	v41 =	vld [tilespmem:s11+$0x10];
	v24 =	vmul.f32 v39, v24;
	v19 =	vmul.f32 $1.442695020e+00, v19;
	v42 =	vmax.f32 v25, $-5.000000000e+00  }
0x51f: {  	(xrf2) =	vadd.scan.msk.f32 $0xffff, v34;
	v33 =	vmul.f32 v36, v33;
	v25 =	vld [tilespmem:s9+$0xFFFFFF50];
	v34 =	vmin.f32 v42, $5.000000000e+00;
	(erf) = vpow2.f32 v22  }
0x520: {  	v35 =	vsel vm1, $0x0, v35;
	v36, _, _ =	vpop (xrf2);
	v22 =	vld [tilespmem:s9+$0xFFFFFFD0];
	[tilespmem:s0+$0xFFFFFF80] =	vst v24;
	v24 =	vbroadcast v19, $0x0;
	v34 =	vmul.f32 $1.442695020e+00, v34  }
0x521: {  	(v2sf) =	vpush v36, $0xF;
	v29 =	vmul.f32 v29, v38;
	v19 =	vld [tilespmem:s9+$0x50];
	v36 =	vsel vm1, $0x0, v37;
	v37 =	vpop (erf)  }
0x522: {  	v30 =	vadd.f32 v30, v4;
	(xrf2) =	vadd.scan.msk.f32 $0xffff, v33;
	v33 =	vld [tilespmem:s1+$0xFFFFFF20];
	v42 =	vmul.f32 v37, v23;
	v23 =	vpop (erf);
	v34 =	vbroadcast v34, $0x0  }
0x523: {  	v35 =	vadd.f32 v35, v3;
	v38, _, _ =	vpop (xrf2);
	v40 =	vmul.f32 v41, v40;
	v41 =	vld [tilespmem:s8+$0xFFFFFFA0];
	v43 =	vmul.f32 v23, v20  }
0x524: {  	v4 =	vmovc v31;
	v3 =	vmovc v26;
	v36 =	vadd.f32 v36, v6;
	(v2sf) =	vpush v38, $0xF;
	v38 =	vld [tilespmem:s1+$0xFFFFFFA0];
	[tilespmem:s0+$0xFFFFFFD0] =	vst v42;
	s18 =	spop (v2sf);
	(erf) = vpow2.f32 v24  }
0x525: {  	v6 =	vmovc v32;
	v24 =	vsel vm2, $0x0, v39;
	(xrf2) =	vadd.scan.msk.f32 $0xffff, v29;
	v26 =	vld [tilespmem:s8+$0xFFFFFFE0];
	[tilespmem:s0+$0x20] =	vst v43;
	s18 =	smul.f32 $2.500000000e-01, s18;
	(erf) = vpow2.f32 v34  }
0x526: {  	v23 =	vsel vm2, $0x0, v23;
	v31 =	vadd.f32 v24, v7;
	v24 =	vsel vm2, $0x0, v37;
	v20, _, _ =	vpop (xrf2);
	v29 =	vld [tilespmem:s1+$0x20]  }
0x527: {  	v7 =	vmovc v30;
	v34 =	vadd.f32 v24, v5;
	v5 =	vmovc v35;
	(v2sf) =	vpush v20, $0xF;
	v32 =	vld [tilespmem:s8+$0x20];
	v37 =	vmov s18  }
0x528: {  	(xrf2) =	vadd.scan.msk.f32 $0xffff, v40;
	v30 =	vmul.f32 v41, v33;
	v24 =	vld [tilespmem:s1+$0xFFFFFF60];
	s18 =	spop (v2sf);
	v33 =	vadd.f32 v23, v8;
	v40 =	vmax.f32 v37, $-5.000000000e+00;
	v20 =	vpop (erf)  }
0x529: {  	v35, _, _ =	vpop (xrf2);
	v23 =	vld [tilespmem:s1+$0xFFFFFFE0];
	s18 =	smul.f32 $2.500000000e-01, s18;
	v39 =	vmin.f32 v40, $5.000000000e+00;
	v18 =	vmul.f32 v20, v18;
	v37 =	vsel vm3, $0x0, v20  }
0x52a: {  	v8 =	vmovc v36;
	(v2sf) =	vpush v35, $0xF;
	v26 =	vmul.f32 v26, v38;
	v20 =	vld [tilespmem:s1+$0x60];
	v35 =	vmul.f32 $1.442695020e+00, v39  }
0x52b: {  	v36 =	vmov s18;
	(xrf2) =	vadd.scan.msk.f32 $0xffff, v30;
	v30 =	vld [tilespmem:s14+$0xFFFFFF30];
	[tilespmem:s4+$0xFFFFFF90] =	vst v18;
	v18 =	vadd.f32 v37, v14;
	v14 =	vmovc v31  }
0x52c: {  	v31, _, _ =	vpop (xrf2);
	s18 =	spop (v2sf);
	v29 =	vmul.f32 v32, v29;
	v32 =	vmax.f32 v36, $-5.000000000e+00;
	v36 =	vld [tilespmem:s10+$0xFFFFFFB0];
	v35 =	vbroadcast v35, $0x0  }
0x52d: {  	s18 =	smul.f32 $2.500000000e-01, s18;
	(v2sf) =	vpush v31, $0xF;
	v31 =	vmin.f32 v32, $5.000000000e+00;
	v32 =	vld [tilespmem:s14+$0xFFFFFFB0];
	[tilespmem:s4+$0xFFFFFFA0] =	vst v18;
	v37 =	vpop (erf)  }
0x52e: {  	v18 =	vmul.f32 $1.442695020e+00, v31;
	(xrf2) =	vadd.scan.msk.f32 $0xffff, v26;
	v31 =	vld [tilespmem:s10+$0xFFFFFFF0];
	(erf) = vpow2.f32 v35;
	v35 =	vsel vm3, $0x0, v37;
	v26 =	vpop (erf)  }
0x52f: {  	v38 =	vmov s18;
	v39, _, _ =	vpop (xrf2);
	v40 =	vld [tilespmem:s14+$0x30];
	v35 =	vadd.f32 v35, v13;
	v41 =	vsel vm3, $0x0, v26  }
0x530: {  	v13 =	vmovc v34;
	s18 =	spop (v2sf);
	v38 =	vmax.f32 v38, $-5.000000000e+00;
	(v2sf) =	vpush v39, $0xF;
	v39 =	vbroadcast v18, $0x0;
	v42 =	vld [tilespmem:s10+$0x30];
	s10 =	smov.u32 s8;
	s8 =	smov.u32 s11  }
0x531: {  	s11 =	smov.u32 s12;
	s18 =	smul.f32 $2.500000000e-01, s18;
	v38 =	vmin.f32 v38, $5.000000000e+00;
	v30 =	vmul.f32 v36, v30;
	v18 =	vld [tilespmem:s14+$0xFFFFFF70];
	[tilespmem:s4+$0xFFFFFFF0] =	vst v35;
	v35 =	vadd.f32 v41, v12;
	v12 =	vmovc v33  }
0x532: {  	v33 =	vmul.f32 $1.442695020e+00, v38;
	v34, _, _ =	vpop (xrf2);
	(xrf2) =	vadd.scan.msk.f32 $0xffff, v29;
	(erf) = vpow2.f32 v39;
	v29 =	vld [tilespmem:s14+$0xFFFFFFF0];
	v39 =	vnsel vm0, $0x0, v2  }
0x533: {  	v2 =	vmovc v1;
	v1 =	vmovc v10;
	v36 =	vmov s18;
	s18 =	spop (v2sf);
	(v2sf) =	vpush v34, $0xF;
	v34 =	vld [tilespmem:s14+$0x70];
	v38 =	vadd.f32 $0.0e+00, v39;
	[tilespmem:s4+$0x40] =	vst v35  }
0x534: {  	v35 =	vsel vm1, $0x0, v9;
	v9 =	vmovc v11;
	s18 =	smul.f32 $2.500000000e-01, s18;
	v10 =	vmax.f32 v36, $-5.000000000e+00;
	v33 =	vbroadcast v33, $0x0  }
0x535: {  	v31 =	vmul.f32 v31, v32;
	v10 =	vmin.f32 v10, $5.000000000e+00;
	v11, _, _ =	vpop (xrf2);
	v35 =	vadd.f32 v35, v38  }
0x536: {  	v15 =	vsel vm2, $0x0, v15;
	v10 =	vmul.f32 $1.442695020e+00, v10;
	s19 =	spop (v2sf);
	(erf) = vpow2.f32 v33;
	(xrf2) =	vadd.scan.msk.f32 $0xffff, v30  }
0x537: {  	v36 =	vmov s18;
	s19 =	smul.f32 $2.500000000e-01, s19;
	v33 =	vld [tilespmem:s1+$0xE0];
	(v2sf) =	vpush v11, $0xF;
	v11 =	vadd.f32 v15, v35;
	v32 =	vpop (erf)  }
0x538: {  	v15 =	vmax.f32 v36, $-5.000000000e+00;
	v10 =	vbroadcast v10, $0x0;
	v30, _, _ =	vpop (xrf2);
	v35 =	vsel vm3, $0x0, v32  }
0x539: {  	v38 =	vmin.f32 v15, $5.000000000e+00;
	v36 =	vmov s19;
	s18 =	spop (v2sf);
	v11 =	vadd.f32 v35, v11  }
0x53a: {  	v35 =	vmax.f32 v36, $-5.000000000e+00;
	v36 =	vmul.f32 $1.442695020e+00, v38;
	s18 =	smul.f32 $2.500000000e-01, s18;
	(erf) = vpow2.f32 v10;
	v10 =	vld [tilespmem:s9+$0xD0];
	(xrf2) =	vadd.scan.msk.f32 $0xffff, v31  }
0x53b: {  	v31 =	vmin.f32 v35, $5.000000000e+00;
	(v2sf) =	vpush v30, $0xF;
	v15 =	vpop (erf);
	v30 =	vmul.f32 v42, v40;
	v35 =	vld [tilespmem:s14+$0xF0];
	[tilespmem:s0+$0x90] =	vst v11;
	s14 =	smov.u32 s1;
	s1 =	smov.u32 s9;
	s9 =	smov.u32 s17  }
0x53c: {  	v39 =	vmul.f32 $1.442695020e+00, v31;
	v31 =	vmov s18;
	s18 =	spop (v2sf);
	v33 =	vmul.f32 v15, v33;
	v38, _, _ =	vpop (xrf2)  }
0x53d: {  	v36 =	vbroadcast v36, $0x0;
	v31 =	vmax.f32 v31, $-5.000000000e+00;
	s18 =	smul.f32 $2.500000000e-01, s18;
	(v2sf) =	vpush v38, $0xF;
	(xrf2) =	vadd.scan.msk.f32 $0xffff, v30  }
0x53e: {  	v30 =	vbroadcast v39, $0x0;
	v40 =	vmin.f32 v31, $5.000000000e+00;
	v31 =	vld [tilespmem:s17+$0xC0];
	[tilespmem:s6+$0x70] =	vst v33;
	v33 =	vmul.f32 v37, v16;
	v16 =	vmovc v29  }
0x53f: {  	v29 =	vmul.f32 $1.442695020e+00, v40;
	(erf) = vpow2.f32 v36;
	v36 =	vmov s18;
	s18 =	spop (v2sf);
	v11 =	vpop (erf);
	v37 =	vld [tilespmem:s14+$0xB0]  }
0x540: {  	(erf) = vpow2.f32 v30;
	v30 =	vmax.f32 v36, $-5.000000000e+00;
	s18 =	smul.f32 $2.500000000e-01, s18;
	v39 =	vmul.f32 v11, v10;
	v36 =	vld [tilespmem:s10+$0x70];
	v38, _, _ =	vpop (xrf2);
	[tilespmem:s4+$0xFFFFFFE0] =	vst v33  }
0x541: {  	v29 =	vbroadcast v29, $0x0;
	v30 =	vmin.f32 v30, $5.000000000e+00;
	(v2sf) =	vpush v38, $0xF  }
0x542: {  	v26 =	vmul.f32 v26, v17;
	v17 =	vmovc v34;
	v30 =	vmul.f32 $1.442695020e+00, v30;
	v38 =	vmov s18;
	[tilespmem:s7+$0x60] =	vst v39;
	s18 =	spop (v2sf)  }
0x543: {  	v32 =	vmul.f32 v32, v35;
	(erf) = vpow2.f32 v29;
	v10 =	vpop (erf);
	v29 =	vmax.f32 v38, $-5.000000000e+00;
	s18 =	smul.f32 $2.500000000e-01, s18;
	v34 =	vld [tilespmem:s1+$0xA0]  }
0x544: {  	v31 =	vmul.f32 v10, v31;
	v30 =	vbroadcast v30, $0x0;
	v29 =	vmin.f32 v29, $5.000000000e+00;
	v35 =	vld [tilespmem:s8+$0x60];
	v33, _, _ =	vpop (xrf2);
	[tilespmem:s4+$0x30] =	vst v26;
	s4 =	smov.u32 s0;
	s0 =	smov.u32 s6;
	s6 =	smov.u32 s7  }
0x545: {  	s7 =	sadd.s32 $0x140, s7;
	v38 =	vmul.f32 $1.442695020e+00, v29;
	v29 =	vmov s18;
	v36 =	vmul.f32 v36, v37;
	[tilespmem:s4+$0x80] =	vst v32  }
.Ltmp3:
0x546: {  	[tilespmem:s7+$0x50] =	vst v31;
	v29 =	vmax.f32 v29, $-5.000000000e+00;
	(erf) = vpow2.f32 v30;
	s18 =	spop (v2sf);
	(v2sf) =	vpush v33, $0xF;
	(pc) =	sbr.rel @p0 .LBB2_8-.Ltmp3, $4  }
0x547: {  	v30 =	vld [tilespmem:s17+$0x90];
	v31 =	vbroadcast v38, $0x0;
	v29 =	vmin.f32 v29, $5.000000000e+00;
	s18 =	smul.f32 $2.500000000e-01, s18;
	(xrf2) =	vadd.scan.msk.f32 $0xffff, v36;
	v32, _, _ =	vpop (xrf2)  }
0x548: {  	v33 =	vld [tilespmem:s12+$0x50];
	v26 =	vpop (erf);
	v36 =	vmul.f32 $1.442695020e+00, v29;
	(v2sf) =	vpush v32, $0xF  }
0x549: {  	v29 =	vmul.f32 v26, v27;
	v27 =	vpop (erf);
	v34 =	vmul.f32 v35, v34;
	v35 =	vmov s18  }
0x54a: {  	s17 =	sadd.s32 $0x200, s17;
	v28 =	vmul.f32 v27, v28;
	v32 =	vbroadcast v36, $0x0;
	v35 =	vmax.f32 v35, $-5.000000000e+00;
	s30 =	spop (v2sf)  }
0x54b: {  	_ =	sdelay $0x1  }
0x54c: {  	(xrf2) =	vadd.scan.msk.f32 $0xffff, v34;
	v30 =	vmul.f32 v33, v30;
	_ =	sdelay $0x1  }
0x54d: {  	(xrf2) =	vadd.scan.msk.f32 $0xffff, v30;
	_ =	sdelay $0x3  }
0x54e: {  	v30, _, _ =	vpop (xrf2)  }
0x54f: {  	(v2sf) =	vpush v30, $0xF;
	v30 =	vmin.f32 v35, $5.000000000e+00  }
0x550: {  	s12 =	smul.f32 $2.500000000e-01, s30;
	v30 =	vmul.f32 $1.442695020e+00, v30  }
0x551: {  	(erf) = vpow2.f32 v31  }
0x552: {  	(erf) = vpow2.f32 v32;
	v31 =	vmov s12;
	v56, _, _ =	vpop (xrf2);
	v30 =	vbroadcast v30, $0x0  }
0x553: {  	s16 =	spop (v2sf);
	v31 =	vmax.f32 v31, $-5.000000000e+00;
	(v2sf) =	vpush v56, $0xF  }
0x554: {  	s17 =	smul.f32 $2.500000000e-01, s16;
	v31 =	vmin.f32 v31, $5.000000000e+00;
	s18 =	spop (v2sf);
	(erf) = vpow2.f32 v30;
	v57, _, _ =	vpop (xrf2)  }
0x555: {  	[tilespmem:s7+$0xFFFFFF60] =	vst v28;
	v28 =	vpop (erf);
	v31 =	vmul.f32 $1.442695020e+00, v31;
	s12 =	smul.f32 $2.500000000e-01, s18;
	(v2sf) =	vpush v57, $0xF  }
0x556: {  	[tilespmem:s7+$0xFFFFFFB0] =	vst v29;
	v29 =	vmul.f32 v28, v21;
	v58 =	vmov s17  }
0x557: {  	v21 =	vpop (erf);
	v31 =	vbroadcast v31, $0x0;
	v59 =	vmov s12;
	s19 =	spop (v2sf);
	v30 =	vmax.f32 v58, $-5.000000000e+00  }
0x558: {  	v61 =	vld [tilespmem:s9+$0xFFFFFF90];
	[tilespmem:s7+$0x0] =	vst v29;
	v29 =	vmul.f32 v21, v25;
	v32 =	vmax.f32 v59, $-5.000000000e+00;
	s12 =	smul.f32 $2.500000000e-01, s19;
	v30 =	vmin.f32 v30, $5.000000000e+00  }
0x559: {  	v60 =	vld [tilespmem:s9+$0xFFFFFF10];
	v32 =	vmin.f32 v32, $5.000000000e+00;
	(erf) = vpow2.f32 v31;
	v30 =	vmul.f32 $1.442695020e+00, v30  }
0x55a: {  	[tilespmem:s6+$0xFFFFFF70] =	vst v29;
	v25 =	vpop (erf);
	v32 =	vmul.f32 $1.442695020e+00, v32;
	s31 =	spop (v2sf);
	v31 =	vld [tilespmem:s11+$0xFFFFFF90];
	v29 =	vmov s12  }
0x55b: {  	v62 =	vld [tilespmem:s11+$0xFFFFFFD0];
	v36 =	vmul.f32 v25, v22;
	v22 =	vpop (erf);
	s16 =	smul.f32 $2.500000000e-01, s31;
	v30 =	vbroadcast v30, $0x0  }
0x55c: {  	v37 =	vld [tilespmem:s11+$0x10];
	v19 =	vmul.f32 v22, v19;
	v32 =	vbroadcast v32, $0x0  }
0x55d: {  	v38 =	vmax.f32 v29, $-5.000000000e+00;
	v39 =	vmov s16;
	(erf) = vpow2.f32 v30;
	v30 =	vld [tilespmem:s9+$0x10];
	v29 =	vpop (erf)  }
0x55e: {  	v63 =	vld [tilespmem:s1+$0xFFFFFF20];
	v43 =	vmin.f32 v38, $5.000000000e+00;
	v44 =	vmul.f32 v29, v24;
	v24 =	vmax.f32 v39, $-5.000000000e+00  }
0x55f: {  	v45 =	vld [tilespmem:s8+$0xFFFFFFA0];
	[tilespmem:s6+$0xFFFFFFC0] =	vst v36;
	v36 =	vmul.f32 $1.442695020e+00, v43;
	v31 =	vmul.f32 v31, v60;
	s16 =	spop (v2sf);
	v24 =	vmin.f32 v24, $5.000000000e+00  }
0x560: {  	v46 =	vmul.f32 v62, v61;
	[tilespmem:s6+$0x10] =	vst v19;
	v47 =	vld [tilespmem:s8+$0xFFFFFFE0];
	s12 =	smul.f32 $2.500000000e-01, s16;
	v19 =	vmul.f32 $1.442695020e+00, v24  }
0x561: {  	v36 =	vbroadcast v36, $0x0;
	(erf) = vpow2.f32 v32;
	(xrf2) =	vadd.scan.msk.f32 $0xffff, v31;
	v31 =	vld [tilespmem:s1+$0xFFFFFFA0]  }
0x562: {  	v30 =	vmul.f32 v37, v30;
	v48 =	vmov s12;
	s17 =	spop (v2sf);
	v24 =	vpop (erf);
	v19 =	vbroadcast v19, $0x0  }
0x563: {  	v49 =	vld [tilespmem:s1+$0x20];
	(erf) = vpow2.f32 v36;
	(xrf2) =	vadd.scan.msk.f32 $0xffff, v46;
	v35 =	vmax.f32 v48, $-5.000000000e+00;
	s12 =	smul.f32 $2.500000000e-01, s17;
	v40 =	vmul.f32 v24, v23  }
0x564: {  	(xrf2) =	vadd.scan.msk.f32 $0xffff, v30;
	v23 =	vld [tilespmem:s8+$0x20];
	v50 =	vmin.f32 v35, $5.000000000e+00;
	(erf) = vpow2.f32 v19;
	v19 =	vmul.f32 v45, v63;
	s18 =	spop (v2sf)  }
0x565: {  	v30 =	vmul.f32 $1.442695020e+00, v50;
	v51 =	vmov s12;
	s19 =	smul.f32 $2.500000000e-01, s18  }
0x566: {  	v31 =	vmul.f32 v47, v31;
	v32 =	vmax.f32 v51, $-5.000000000e+00;
	(xrf2) =	vadd.scan.msk.f32 $0xffff, v19  }
0x567: {  	[tilespmem:s0+$0xFFFFFF80] =	vst v44;
	v30 =	vbroadcast v30, $0x0;
	v32 =	vmin.f32 v32, $5.000000000e+00;
	v52 =	vmov s19  }
0x568: {  	v56 =	vld [tilespmem:s10+$0xFFFFFFB0];
	(xrf2) =	vadd.scan.msk.f32 $0xffff, v31;
	v19 =	vmul.f32 $1.442695020e+00, v32;
	v53 =	vmax.f32 v52, $-5.000000000e+00  }
0x569: {  	v31 =	vld [tilespmem:s14+$0xFFFFFF30];
	v54 =	vmul.f32 v23, v49;
	(erf) = vpow2.f32 v30;
	v30 =	vmin.f32 v53, $5.000000000e+00  }
0x56a: {  	v19 =	vbroadcast v19, $0x0;
	v30 =	vmul.f32 $1.442695020e+00, v30  }
0x56b: {  	v55, _, _ =	vpop (xrf2)  }
0x56c: {  	(v2sf) =	vpush v55, $0xF;
	v23 =	vpop (erf);
	(xrf2) =	vadd.scan.msk.f32 $0xffff, v54;
	(erf) = vpow2.f32 v19;
	v19 =	vbroadcast v30, $0x0  }
0x56d: {  	v61 =	vld [tilespmem:s1+$0xE0];
	[tilespmem:s0+$0xFFFFFFD0] =	vst v40;
	v58, _, _ =	vpop (xrf2);
	v20 =	vmul.f32 v23, v20  }
0x56e: {  	v57 =	vld [tilespmem:s14+$0xFFFFFFB0];
	v59, _, _ =	vpop (xrf2);
	v31 =	vmul.f32 v56, v31;
	(erf) = vpow2.f32 v19  }
0x56f: {  	(v2sf) =	vpush v58, $0xF;
	[tilespmem:s0+$0x20] =	vst v20;
	v20 =	vld [tilespmem:s10+$0xFFFFFFF0];
	v30 =	vpop (erf)  }
0x570: {  	v60 =	vld [tilespmem:s10+$0x30];
	(v2sf) =	vpush v59, $0xF;
	v62, _, _ =	vpop (xrf2)  }
0x571: {  	v19 =	vld [tilespmem:s14+$0x30];
	v35 =	vpop (erf)  }
0x572: {  	(xrf2) =	vadd.scan.msk.f32 $0xffff, v31;
	v31, _, _ =	vpop (xrf2)  }
0x573: {  	v42 =	vld [tilespmem:s9+$0xD0];
	v33 =	vpop (erf)  }
0x574: {  	v32 =	vmul.f32 v20, v57;
	(v2sf) =	vpush v62, $0xF;
	v63 =	vpop (erf)  }
0x575: {  	v20 =	vpop (erf)  }
0x576: {  	(v2sf) =	vpush v31, $0xF;
	(xrf2) =	vadd.scan.msk.f32 $0xffff, v32;
	v31 =	vmul.f32 v60, v19;
	v19, _, _ =	vpop (xrf2);
	v43 =	vmul.f32 v20, v61  }
0x577: {  	(v2sf) =	vpush v19, $0xF;
	v19 =	vpop (erf)  }
0x578: {  	(xrf2) =	vadd.scan.msk.f32 $0xffff, v31;
	[tilespmem:s6+$0x70] =	vst v43;
	v31 =	vmul.f32 v19, v42  }
0x579: {  	v44 =	vld [tilespmem:s1+$0xB0]  }
0x57a: {  	v34 =	vld [tilespmem:s8+$0x70];
	[tilespmem:s7+$0x60] =	vst v31  }
0x57b: {  	s31 =	spop (v2sf);
	v31 =	vld [tilespmem:s9+$0xA0]  }
0x57c: {  	s10 =	smul.f32 $2.500000000e-01, s31;
	v45 =	vld [tilespmem:s11+$0x60]  }
0x57d: {  	v2 =	vnsel vm0, $0x0, v2  }
0x57e: {  	v18 =	vmul.f32 v30, v18;
	v30 =	vsel vm3, $0x0, v30;
	s12 =	spop (v2sf);
	v47, _, _ =	vpop (xrf2);
	v46 =	vmov s10  }
0x57f: {  	v14 =	vadd.f32 v30, v14;
	s10 =	smul.f32 $2.500000000e-01, s12;
	(v2sf) =	vpush v47, $0xF;
	v30 =	vmax.f32 v46, $-5.000000000e+00;
	s16 =	spop (v2sf)  }
0x580: {  	v9 =	vsel vm1, $0x0, v9;
	v30 =	vmin.f32 v30, $5.000000000e+00;
	s12 =	smul.f32 $2.500000000e-01, s16;
	v50, _, _ =	vpop (xrf2);
	v32 =	vmul.f32 v34, v44  }
0x581: {  	v49 =	vmov s10;
	(v2sf) =	vpush v50, $0xF;
	v31 =	vmul.f32 v45, v31  }
0x582: {  	v30 =	vmul.f32 $1.442695020e+00, v30;
	v34 =	vmax.f32 v49, $-5.000000000e+00;
	v51 =	vmov s12;
	(xrf2) =	vadd.scan.msk.f32 $0xffff, v32;
	v52, _, _ =	vpop (xrf2)  }
0x583: {  	v34 =	vmin.f32 v34, $5.000000000e+00;
	v36 =	vmax.f32 v51, $-5.000000000e+00;
	s17 =	spop (v2sf);
	(v2sf) =	vpush v52, $0xF;
	(xrf2) =	vadd.scan.msk.f32 $0xffff, v31  }
0x584: {  	v2 =	vadd.f32 $0.0e+00, v2;
	v53 =	vmin.f32 v36, $5.000000000e+00;
	s10 =	smul.f32 $2.500000000e-01, s17;
	v31 =	vmul.f32 $1.442695020e+00, v34  }
0x585: {  	v15 =	vsel vm2, $0x0, v15;
	v30 =	vbroadcast v30, $0x0;
	v32 =	vmul.f32 $1.442695020e+00, v53;
	s18 =	spop (v2sf)  }
0x586: {  	v2 =	vadd.f32 v9, v2;
	s19 =	smul.f32 $2.500000000e-01, s18;
	v54 =	vmov s10;
	s31 =	spop (v2sf);
	v31 =	vbroadcast v31, $0x0  }
0x587: {  	(erf) = vpow2.f32 v30;
	v30 =	vbroadcast v32, $0x0;
	v55 =	vmax.f32 v54, $-5.000000000e+00;
	s12 =	smul.f32 $2.500000000e-01, s31  }
0x588: {  	v56 =	vmov s19;
	(erf) = vpow2.f32 v31;
	v31 =	vmin.f32 v55, $5.000000000e+00  }
0x589: {  	v32 =	vmax.f32 v56, $-5.000000000e+00;
	v57 =	vmov s12;
	v31 =	vmul.f32 $1.442695020e+00, v31  }
0x58a: {  	(erf) = vpow2.f32 v30;
	v30 =	vmin.f32 v32, $5.000000000e+00;
	v58 =	vmax.f32 v57, $-5.000000000e+00  }
0x58b: {  	v30 =	vmul.f32 $1.442695020e+00, v30;
	v32 =	vmin.f32 v58, $5.000000000e+00;
	v31 =	vbroadcast v31, $0x0  }
0x58c: {  	v2 =	vadd.f32 v15, v2;
	v59 =	vld [tilespmem:s9+$0xFFFFFF50];
	v48 =	vsel vm3, $0x0, v35;
	v9, _, _ =	vpop (xrf2);
	v32 =	vmul.f32 $1.442695020e+00, v32  }
0x58d: {  	(v2sf) =	vpush v9, $0xF;
	v30 =	vbroadcast v30, $0x0;
	(erf) = vpow2.f32 v31;
	v31 =	vld [tilespmem:s14+$0xF0];
	v9, _, _ =	vpop (xrf2)  }
0x58e: {  	s12 =	spop (v2sf);
	v32 =	vbroadcast v32, $0x0;
	(v2sf) =	vpush v9, $0xF;
	v9 =	vsel vm3, $0x0, v33  }
0x58f: {  	v15 =	vld [tilespmem:s14+$0xFFFFFF70];
	[tilespmem:s4+$0xFFFFFF90] =	vst v18;
	s10 =	smul.f32 $2.500000000e-01, s12;
	(erf) = vpow2.f32 v30;
	v9 =	vadd.f32 v9, v12;
	v12 =	vsel vm3, $0x0, v63  }
0x590: {  	v13 =	vadd.f32 v48, v13;
	[tilespmem:s4+$0xFFFFFFA0] =	vst v14;
	v60 =	vld [tilespmem:s9+$0xFFFFFFD0];
	s16 =	spop (v2sf);
	(erf) = vpow2.f32 v32;
	v2 =	vadd.f32 v12, v2  }
0x591: {  	v18 =	vld [tilespmem:s1+$0xFFFFFF60];
	v14 =	vpop (erf);
	v12 =	vmov s10;
	s10 =	smul.f32 $2.500000000e-01, s16;
	[tilespmem:s4+$0x40] =	vst v9;
	v9 =	vmul.f32 v35, v16;
	v16 =	vmul.f32 v33, v17  }
0x592: {  	[tilespmem:s4+$0xFFFFFFF0] =	vst v13;
	v61 =	vld [tilespmem:s9+$0x50];
	s17 =	spop (v2sf);
	v12 =	vmax.f32 v12, $-5.000000000e+00;
	v17 =	vmul.f32 v63, v31;
	v31 =	vmul.f32 v14, v59  }
0x593: {  	v62 =	vld [tilespmem:s1+$0x60];
	s12 =	smul.f32 $2.500000000e-01, s17;
	[tilespmem:s0+$0x90] =	vst v2;
	v12 =	vmin.f32 v12, $5.000000000e+00;
	v41 =	vmov s10  }
0x594: {  	v30 =	vld [tilespmem:s1+$0xFFFFFFE0];
	[tilespmem:s4+$0xFFFFFFE0] =	vst v9;
	v40 =	vmul.f32 $1.442695020e+00, v12;
	v35 =	vmax.f32 v41, $-5.000000000e+00;
	v2 =	vpop (erf)  }
0x595: {  	v13 =	vld [tilespmem:s14+$0xFFFFFFF0];
	[tilespmem:s7+$0xFFFFFF70] =	vst v31;
	v43 =	vmov s12;
	v44 =	vmin.f32 v35, $5.000000000e+00;
	v63 =	vmul.f32 v2, v60;
	v9 =	vpop (erf)  }
0x596: {  	[tilespmem:s4+$0x30] =	vst v16;
	v45 =	vmax.f32 v43, $-5.000000000e+00;
	v46 =	vld [tilespmem:s9+$0xFFFFFF20];
	v16 =	vbroadcast v40, $0x0;
	v34 =	vmul.f32 $1.442695020e+00, v44;
	v31 =	vpop (erf)  }
0x597: {  	[tilespmem:s0+$0x80] =	vst v17;
	v48 =	vld [tilespmem:s11+$0xFFFFFFA0];
	v47 =	vmin.f32 v45, $5.000000000e+00;
	v42 =	vmul.f32 v9, v61;
	v18 =	vmul.f32 v31, v18  }
0x598: {  	v12 =	vld [tilespmem:s14+$0x70];
	[tilespmem:s7+$0xFFFFFFC0] =	vst v63;
	(erf) = vpow2.f32 v16;
	v16 =	vmul.f32 $1.442695020e+00, v47;
	v33 =	vpop (erf)  }
0x599: {  	v34 =	vbroadcast v34, $0x0;
	v17 =	vld [tilespmem:s9+$0xFFFFFFA0];
	[tilespmem:s7+$0x10] =	vst v42;
	v30 =	vmul.f32 v33, v30;
	v35 =	vpop (erf)  }
0x59a: {  	v49 =	vld [tilespmem:s11+$0xFFFFFFE0];
	[tilespmem:s6+$0xFFFFFF80] =	vst v18;
	v16 =	vbroadcast v16, $0x0;
	v18 =	vmul.f32 v35, v62  }
0x59b: {  	v50 =	vld [tilespmem:s9+$0x20];
	(erf) = vpow2.f32 v34;
	[tilespmem:s6+$0xFFFFFFD0] =	vst v30  }
0x59c: {  	s18 =	spop (v2sf);
	v30 =	vld [tilespmem:s11+$0x20];
	[tilespmem:s6+$0x20] =	vst v18;
	(erf) = vpow2.f32 v16;
	v16 =	vmul.f32 v48, v46  }
0x59d: {  	v18 =	vld [tilespmem:s9+$0xFFFFFF60];
	s19 =	spop (v2sf)  }
0x59e: {  	(xrf2) =	vadd.scan.msk.f32 $0xffff, v16  }
0x59f: {  	v16 =	vmul.f32 v49, v17;
	_ =	sdelay $0x1  }
0x5a0: {  	v17 =	vmul.f32 v30, v50;
	(xrf2) =	vadd.scan.msk.f32 $0xffff, v16;
	_ =	sdelay $0x1  }
0x5a1: {  	(xrf2) =	vadd.scan.msk.f32 $0xffff, v17;
	_ =	sdelay $0x4  }
0x5a2: {  	v16, _, _ =	vpop (xrf2)  }
0x5a3: {  	(v2sf) =	vpush v16, $0xF;
	_ =	sdelay $0x1  }
0x5a4: {  	v16, _, _ =	vpop (xrf2)  }
0x5a5: {  	(v2sf) =	vpush v16, $0xF  }
0x5a6: {  	v16, _, _ =	vpop (xrf2)  }
0x5a7: {  	(v2sf) =	vpush v16, $0xF;
	_ =	sdelay $0x4  }
0x5a8: {  	s4 =	smul.f32 $2.500000000e-01, s18  }
0x5a9: {  	s10 =	smul.f32 $2.500000000e-01, s19  }
0x5aa: {  	v16 =	vmov s4  }
0x5ab: {  	v17 =	vmov s10;
	v16 =	vmax.f32 v16, $-5.000000000e+00  }
0x5ac: {  	v17 =	vmax.f32 v17, $-5.000000000e+00;
	v16 =	vmin.f32 v16, $5.000000000e+00  }
0x5ad: {  	v17 =	vmin.f32 v17, $5.000000000e+00;
	v16 =	vmul.f32 $1.442695020e+00, v16;
	s31 =	spop (v2sf)  }
0x5ae: {  	v17 =	vmul.f32 $1.442695020e+00, v17;
	s4 =	smul.f32 $2.500000000e-01, s31  }
0x5af: {  	v16 =	vbroadcast v16, $0x0  }
0x5b0: {  	v17 =	vbroadcast v17, $0x0;
	s10 =	spop (v2sf);
	v30 =	vmov s4  }
0x5b1: {  	(erf) = vpow2.f32 v16;
	s4 =	smul.f32 $2.500000000e-01, s10;
	v30 =	vmax.f32 v30, $-5.000000000e+00  }
0x5b2: {  	(erf) = vpow2.f32 v17;
	s12 =	spop (v2sf);
	v30 =	vmin.f32 v30, $5.000000000e+00  }
0x5b3: {  	s14 =	smul.f32 $2.500000000e-01, s12;
	v16 =	vmul.f32 $1.442695020e+00, v30;
	v30 =	vmov s4  }
0x5b4: {  	v17 =	vmax.f32 v30, $-5.000000000e+00  }
0x5b5: {  	v30 =	vmov s14;
	v16 =	vbroadcast v16, $0x0;
	v17 =	vmin.f32 v17, $5.000000000e+00  }
0x5b6: {  	v30 =	vmax.f32 v30, $-5.000000000e+00;
	v17 =	vmul.f32 $1.442695020e+00, v17  }
0x5b7: {  	v53 =	vld [tilespmem:s9+$0xE0];
	v52 =	vpop (erf);
	v30 =	vmin.f32 v30, $5.000000000e+00;
	(erf) = vpow2.f32 v16  }
0x5b8: {  	v55 =	vpop (erf);
	v16 =	vbroadcast v17, $0x0;
	v17 =	vmul.f32 $1.442695020e+00, v30  }
0x5b9: {  	v51 =	vld [tilespmem:s9+$0xFFFFFFE0];
	v56 =	vpop (erf)  }
0x5ba: {  	v41 =	vld [tilespmem:s8+$0xFFFFFFB0];
	v57 =	vpop (erf);
	v17 =	vbroadcast v17, $0x0;
	(erf) = vpow2.f32 v16  }
0x5bb: {  	v42 =	vld [tilespmem:s1+$0xFFFFFFB0];
	v30 =	vpop (erf)  }
0x5bc: {  	v43 =	vld [tilespmem:s8+$0xFFFFFFF0];
	(erf) = vpow2.f32 v17;
	v17 =	vmul.f32 v30, v53  }
0x5bd: {  	v16 =	vld [tilespmem:s1+$0xFFFFFF30]  }
0x5be: {  	v58 =	vld [tilespmem:s1+$0x30]  }
0x5bf: {  	v44 =	vld [tilespmem:s8+$0x30]  }
0x5c0: {  	v54 =	vld [tilespmem:s9+$0x60];
	[tilespmem:s7+$0x70] =	vst v17;
	v17 =	vpop (erf)  }
0x5c1: {  	v45 =	vld [tilespmem:s9+$0xB0];
	v18 =	vmul.f32 v17, v18  }
0x5c2: {  	v46 =	vld [tilespmem:s11+$0x70];
	v41 =	vmul.f32 v41, v16  }
0x5c3: {  	v42 =	vmul.f32 v43, v42;
	v16 =	vpop (erf)  }
0x5c4: {  	v39 =	vmul.f32 v44, v58;
	(xrf2) =	vadd.scan.msk.f32 $0xffff, v41;
	[tilespmem:s7+$0xFFFFFF80] =	vst v18;
	v36 =	vmul.f32 v16, v51  }
0x5c5: {  	(xrf2) =	vadd.scan.msk.f32 $0xffff, v42;
	v59 =	vld [tilespmem:s9+$0xFFFFFF30];
	v18 =	vpop (erf)  }
0x5c6: {  	(xrf2) =	vadd.scan.msk.f32 $0xffff, v39;
	v60 =	vld [tilespmem:s11+$0xFFFFFFB0];
	v40 =	vmul.f32 v18, v54;
	[tilespmem:s7+$0xFFFFFFD0] =	vst v36  }
0x5c7: {  	v61 =	vmul.f32 v46, v45;
	v62 =	vld [tilespmem:s9+$0xFFFFFFB0]  }
0x5c8: {  	v63 =	vld [tilespmem:s11+$0xFFFFFFF0];
	[tilespmem:s7+$0x20] =	vst v40  }
0x5c9: {  	(xrf2) =	vadd.scan.msk.f32 $0xffff, v61;
	v40 =	vld [tilespmem:s9+$0x30]  }
0x5ca: {  	v45 =	vld [tilespmem:s11+$0x30];
	_ =	sdelay $0x1  }
0x5cb: {  	v36 =	vmul.f32 v60, v59;
	_ =	sdelay $0x1  }
0x5cc: {  	(xrf2) =	vadd.scan.msk.f32 $0xffff, v36;
	v47, _, _ =	vpop (xrf2);
	v39 =	vmul.f32 v63, v62  }
0x5cd: {  	(v2sf) =	vpush v47, $0xF;
	v48, _, _ =	vpop (xrf2);
	v46 =	vmul.f32 v45, v40  }
0x5ce: {  	v49, _, _ =	vpop (xrf2);
	(v2sf) =	vpush v48, $0xF;
	(xrf2) =	vadd.scan.msk.f32 $0xffff, v39  }
0x5cf: {  	(v2sf) =	vpush v49, $0xF;
	(xrf2) =	vadd.scan.msk.f32 $0xffff, v46;
	_ =	sdelay $0x1  }
0x5d0: {  	v50, _, _ =	vpop (xrf2)  }
0x5d1: {  	(v2sf) =	vpush v50, $0xF  }
0x5d2: {  	v21 =	vsel vm1, $0x0, v21;
	_ =	sdelay $0x1  }
0x5d3: {  	v27 =	vnsel vm0, $0x0, v27;
	v26 =	vnsel vm0, $0x0, v26;
	v1 =	vnsel vm0, $0x0, v1  }
0x5d4: {  	v11 =	vsel vm1, $0x0, v11;
	v10 =	vnsel vm0, $0x0, v10;
	v4 =	vadd.f32 v21, v4;
	v21, _, _ =	vpop (xrf2)  }
0x5d5: {  	v1 =	vadd.f32 $0.0e+00, v1;
	v25 =	vsel vm1, $0x0, v25;
	(v2sf) =	vpush v21, $0xF  }
0x5d6: {  	v10 =	vadd.f32 $0.0e+00, v10;
	v22 =	vsel vm1, $0x0, v22;
	v3 =	vadd.f32 v25, v3;
	v21, _, _ =	vpop (xrf2)  }
0x5d7: {  	v6 =	vadd.f32 v22, v6;
	v22 =	vsel vm2, $0x0, v29;
	(v2sf) =	vpush v21, $0xF;
	v21, _, _ =	vpop (xrf2)  }
0x5d8: {  	v7 =	vadd.f32 v22, v7;
	v22 =	vsel vm2, $0x0, v24;
	(v2sf) =	vpush v21, $0xF  }
0x5d9: {  	v5 =	vadd.f32 v22, v5;
	v23 =	vsel vm2, $0x0, v23;
	v22 =	vsel vm2, $0x0, v35  }
0x5da: {  	v8 =	vadd.f32 v23, v8;
	v6 =	vadd.f32 v22, v6;
	v21 =	vsel vm2, $0x0, v31;
	s16 =	spop (v2sf)  }
0x5db: {  	v22 =	vsel vm3, $0x0, v55;
	v4 =	vadd.f32 v21, v4;
	v21 =	vsel vm2, $0x0, v33;
	s4 =	smul.f32 $2.500000000e-01, s16;
	s17 =	spop (v2sf)  }
0x5dc: {  	v5 =	vadd.f32 v22, v5;
	v3 =	vadd.f32 v21, v3;
	v21 =	vsel vm3, $0x0, v52;
	s18 =	smul.f32 $2.500000000e-01, s17;
	s19 =	spop (v2sf)  }
0x5dd: {  	v7 =	vadd.f32 v21, v7;
	v21 =	vsel vm3, $0x0, v56;
	v22 =	vmov s4;
	s8 =	smul.f32 $2.500000000e-01, s19  }
0x5de: {  	v1 =	vadd.f32 v11, v1;
	v8 =	vadd.f32 v21, v8;
	v21 =	vmax.f32 v22, $-5.000000000e+00  }
0x5df: {  	s31 =	spop (v2sf);
	v11 =	vmin.f32 v21, $5.000000000e+00;
	v21 =	vmov s18;
	v22 =	vmov s8  }
0x5e0: {  	s11 =	smul.f32 $2.500000000e-01, s31;
	v11 =	vmul.f32 $1.442695020e+00, v11;
	v21 =	vmax.f32 v21, $-5.000000000e+00;
	v22 =	vmax.f32 v22, $-5.000000000e+00  }
0x5e1: {  	v28 =	vnsel vm0, $0x0, v28;
	v21 =	vmin.f32 v21, $5.000000000e+00;
	v22 =	vmin.f32 v22, $5.000000000e+00  }
0x5e2: {  	v23 =	vmov s11;
	v21 =	vmul.f32 $1.442695020e+00, v21;
	v11 =	vbroadcast v11, $0x0  }
0x5e3: {  	v20 =	vsel vm2, $0x0, v20;
	v22 =	vmul.f32 $1.442695020e+00, v22;
	v23 =	vmax.f32 v23, $-5.000000000e+00  }
0x5e4: {  	v23 =	vmin.f32 v23, $5.000000000e+00;
	v21 =	vbroadcast v21, $0x0;
	s12 =	spop (v2sf);
	(erf) = vpow2.f32 v11  }
0x5e5: {  	v1 =	vadd.f32 v20, v1;
	v11 =	vbroadcast v22, $0x0;
	v23 =	vmul.f32 $1.442695020e+00, v23;
	s4 =	smul.f32 $2.500000000e-01, s12  }
0x5e6: {  	v15 =	vmul.f32 v52, v15;
	v20 =	vsel vm3, $0x0, v57;
	(erf) = vpow2.f32 v21;
	s14 =	spop (v2sf)  }
0x5e7: {  	v21 =	vbroadcast v23, $0x0;
	(erf) = vpow2.f32 v11;
	v11 =	vmov s4;
	s8 =	smul.f32 $2.500000000e-01, s14;
	s16 =	spop (v2sf)  }
0x5e8: {  	v13 =	vmul.f32 v55, v13;
	v1 =	vadd.f32 v20, v1;
	v22 =	vld [tilespmem:s1+$0xF0];
	v11 =	vmax.f32 v11, $-5.000000000e+00;
	s17 =	smul.f32 $2.500000000e-01, s16  }
0x5e9: {  	[tilespmem:s0+$0xFFFFFF90] =	vst v15;
	(erf) = vpow2.f32 v21;
	v11 =	vmin.f32 v11, $5.000000000e+00;
	v21 =	vmov s8  }
0x5ea: {  	v15 =	vld [tilespmem:s1+$0xFFFFFF70];
	[tilespmem:s0+$0xFFFFFFE0] =	vst v13;
	v11 =	vmul.f32 $1.442695020e+00, v11;
	v21 =	vmax.f32 v21, $-5.000000000e+00;
	v23 =	vmov s17  }
0x5eb: {  	[tilespmem:s0+$0xFFFFFFA0] =	vst v7;
	v7 =	vmul.f32 v56, v12;
	v21 =	vmin.f32 v21, $5.000000000e+00;
	v23 =	vmax.f32 v23, $-5.000000000e+00  }
0x5ec: {  	[tilespmem:s0+$0xFFFFFFF0] =	vst v5;
	v5 =	vbroadcast v11, $0x0;
	v12 =	vmul.f32 $1.442695020e+00, v21;
	v21 =	vmin.f32 v23, $5.000000000e+00  }
0x5ed: {  	v14 =	vsel vm1, $0x0, v14;
	[tilespmem:s0+$0x40] =	vst v8;
	v8 =	vmul.f32 v57, v22;
	v11 =	vmul.f32 $1.442695020e+00, v21  }
0x5ee: {  	v13 =	vsel vm1, $0x0, v19;
	[tilespmem:s6+$0x90] =	vst v1;
	v1 =	vpop (erf);
	(erf) = vpow2.f32 v5;
	v12 =	vbroadcast v12, $0x0  }
0x5ef: {  	v10 =	vadd.f32 v13, v10;
	v5 =	vbroadcast v11, $0x0;
	v11 =	vmul.f32 v1, v15  }
0x5f0: {  	v2 =	vsel vm1, $0x0, v2;
	v13 =	vsel vm2, $0x0, v30;
	(erf) = vpow2.f32 v12  }
0x5f1: {  	v10 =	vadd.f32 v13, v10;
	[tilespmem:s0+$0x30] =	vst v7;
	v7 =	vpop (erf);
	v12 =	vld [tilespmem:s1+$0xFFFFFFF0];
	v1 =	vsel vm3, $0x0, v1;
	(erf) = vpow2.f32 v5  }
0x5f2: {  	v51 =	vadd.f32 $0.0e+00, v27;
	[tilespmem:s6+$0x80] =	vst v8;
	v8 =	vpop (erf);
	v1 =	vadd.f32 v1, v4;
	v4 =	vsel vm3, $0x0, v7;
	v5 =	vld [tilespmem:s1+$0x70]  }
0x5f3: {  	v13 =	vld [tilespmem:s9+$0xF0];
	v27 =	vadd.f32 $0.0e+00, v26;
	[tilespmem:s6+$0xFFFFFF90] =	vst v11;
	v3 =	vadd.f32 v4, v3;
	v4 =	vsel vm3, $0x0, v8;
	v11 =	vpop (erf)  }
0x5f4: {  	v14 =	vadd.f32 v14, v51;
	[tilespmem:s6+$0xFFFFFFA0] =	vst v1;
	v1 =	vld [tilespmem:s9+$0xFFFFFF70];
	v4 =	vadd.f32 v4, v6;
	v6 =	vsel vm3, $0x0, v11  }
0x5f5: {  	v26 =	vadd.f32 $0.0e+00, v28;
	[tilespmem:s6+$0xFFFFFFF0] =	vst v3;
	v3 =	vadd.f32 v6, v10;
	v6 =	vsel vm2, $0x0, v17  }
0x5f6: {  	v9 =	vsel vm1, $0x0, v9;
	[tilespmem:s6+$0x40] =	vst v4;
	v4 =	vmul.f32 v7, v12;
	v6 =	vadd.f32 v6, v14  }
0x5f7: {  	v2 =	vadd.f32 v2, v27;
	v7 =	vadd.f32 v9, v26;
	[tilespmem:s7+$0x90] =	vst v3;
	v3 =	vmul.f32 v8, v5  }
0x5f8: {  	v9 =	vld [tilespmem:s9+$0xFFFFFFF0];
	v10 =	vpop (erf);
	[tilespmem:s6+$0xFFFFFFE0] =	vst v4;
	v4 =	vmul.f32 v11, v13;
	v5 =	vsel vm2, $0x0, v16;
	v8 =	vsel vm2, $0x0, v18  }
0x5f9: {  	v1 =	vmul.f32 v10, v1;
	v2 =	vadd.f32 v5, v2;
	v5 =	vld [tilespmem:s9+$0x70];
	[tilespmem:s6+$0x30] =	vst v3;
	v3 =	vsel vm3, $0x0, v10;
	v10 =	vpop (erf)  }
0x5fa: {  	v7 =	vadd.f32 v8, v7;
	[tilespmem:s7+$0x80] =	vst v4;
	v3 =	vadd.f32 v3, v6;
	v4 =	vsel vm3, $0x0, v10;
	v6 =	vpop (erf)  }
0x5fb: {  	[tilespmem:s7+$0xFFFFFF90] =	vst v1;
	v1 =	vadd.f32 v4, v2;
	v2 =	vsel vm3, $0x0, v6  }
0x5fc: {  	[tilespmem:s7+$0xFFFFFFA0] =	vst v3;
	v2 =	vadd.f32 v2, v7  }
0x5fd: {  	[tilespmem:s7+$0xFFFFFFF0] =	vst v1;
	v1 =	vmul.f32 v10, v9  }
0x5fe: {  	[tilespmem:s7+$0x40] =	vst v2;
	v2 =	vmul.f32 v6, v5  }
0x5ff: {  	[tilespmem:s7+$0xFFFFFFE0] =	vst v1  }
0x600: {  	[tilespmem:s7+$0x30] =	vst v2  }
0x601: {  	[spmem:s3] =	stream.indirect.scatter.add.f32 [tilespmem:s26], [sflag:$0x3], $0x50, s25, s15, $0xb8;
	[tilespmem:$0x1F720] =	vst v63  }
0x602: {  	_ =	swait.ge [sflag:s13], $0x1900  }
0x603: {  	[sflag:s13] =	ssyncset.done $0x0  }
0x604: {  	[sflag:s13] =	ssyncadd.s32 $0xFFFFE700  }
0x605: {  	_ =	swait.ge [sflag:s28], $0x2800  }
0x606: {  	[sflag:s28] =	ssyncset.done $0x0  }
0x607: {  	[sflag:s28] =	ssyncadd.s32 $0xFFFFD800  }
0x608: {  	_ =	swait.ge [sflag:s28], $0x1400  }
0x609: {  	[sflag:s28] =	ssyncset.done $0x0  }
0x60a: {  	s11 =	simm.s32 $0xC720;
	[sflag:s28] =	ssyncadd.s32 $0xFFFFEC00  }
0x60b: {  	s7 =	simm.s32 $0x102A0;
	v1 =	vld [tilespmem:s11+$0x80]  }
0x60c: {  	v2 =	vld [tilespmem:s7+$0x40];
	_ =	sdelay $0x4  }
0x60d: {  	v1 =	vmul.f32 v2, v1;
	_ =	sdelay $0x1  }
0x60e: {  	(xrf2) =	vadd.scan.msk.f32 $0xffff, v1;
	_ =	sdelay $0x9  }
0x60f: {  	v1, _, _ =	vpop (xrf2)  }
0x610: {  	(v2sf) =	vpush v1, $0xF;
	_ =	sdelay $0x8  }
0x611: {  	v3 =	vld [tilespmem:s7+$0xFFFFFFC0]  }
0x612: {  	v4 =	vld [tilespmem:s11+$0xFFFFFF00]  }
0x613: {  	v2 =	vld [tilespmem:s11+$0xFFFFFF80]  }
0x614: {  	v1 =	vld [tilespmem:s7+$0xFFFFFF80];
	_ =	sdelay $0x2  }
0x615: {  	s18 =	spop (v2sf)  }
0x616: {  	v2 =	vmul.f32 v3, v2;
	s0 =	smul.f32 $2.500000000e-01, s18  }
0x617: {  	v1 =	vmul.f32 v1, v4  }
0x618: {  	(xrf2) =	vadd.scan.msk.f32 $0xffff, v2;
	v4 =	vmov s0  }
0x619: {  	v5 =	vld [tilespmem:s7+$0x0];
	(xrf2) =	vadd.scan.msk.f32 $0xffff, v1;
	v2 =	vmax.f32 v4, $-5.000000000e+00  }
0x61a: {  	v3 =	vld [tilespmem:s11+$0x0];
	v1 =	vmin.f32 v2, $5.000000000e+00  }
0x61b: {  	v1 =	vmul.f32 $1.442695020e+00, v1;
	_ =	sdelay $0x1  }
0x61c: {  	v1 =	vbroadcast v1, $0x0;
	_ =	sdelay $0x1  }
0x61d: {  	v2 =	vmul.f32 v5, v3;
	(erf) = vpow2.f32 v1;
	_ =	sdelay $0x1  }
0x61e: {  	(xrf2) =	vadd.scan.msk.f32 $0xffff, v2  }
0x61f: {  	v1, _, _ =	vpop (xrf2)  }
0x620: {  	(v2sf) =	vpush v1, $0xF;
	v1, _, _ =	vpop (xrf2)  }
0x621: {  	v2 =	vld [tilespmem:s11+$0xC0];
	(v2sf) =	vpush v1, $0xF;
	_ =	sdelay $0x3  }
0x622: {  	v13 =	vpop (erf)  }
0x623: {  	v1 =	vmul.f32 v13, v2  }
0x624: {  	s0 =	simm.s32 $0x116C0  }
0x625: {  	v2, _, _ =	vpop (xrf2);
	[tilespmem:s0+$0x50] =	vst v1  }
0x626: {  	(v2sf) =	vpush v2, $0xF;
	v1 =	vld [tilespmem:s11+$0x90]  }
0x627: {  	s10 =	simm.s32 $0x103A0;
	v2 =	vld [tilespmem:s7+$0x50]  }
0x628: {  	s1 =	simm.s32 $0xC920;
	v4 =	vld [tilespmem:s10+$0x40]  }
0x629: {  	v3 =	vld [tilespmem:s1+$0x80];
	_ =	sdelay $0x2  }
0x62a: {  	v1 =	vmul.f32 v2, v1;
	s19 =	spop (v2sf)  }
0x62b: {  	s4 =	smul.f32 $2.500000000e-01, s19;
	s31 =	spop (v2sf)  }
0x62c: {  	(xrf2) =	vadd.scan.msk.f32 $0xffff, v1;
	v1 =	vmul.f32 v4, v3;
	s6 =	smul.f32 $2.500000000e-01, s31  }
0x62d: {  	v2 =	vmov s4  }
0x62e: {  	(xrf2) =	vadd.scan.msk.f32 $0xffff, v1;
	v1 =	vmax.f32 v2, $-5.000000000e+00;
	v2 =	vmov s6  }
0x62f: {  	v2 =	vmax.f32 v2, $-5.000000000e+00  }
0x630: {  	v2 =	vmin.f32 v2, $5.000000000e+00  }
0x631: {  	v1 =	vmin.f32 v1, $5.000000000e+00;
	v2 =	vmul.f32 $1.442695020e+00, v2  }
0x632: {  	v1 =	vmul.f32 $1.442695020e+00, v1  }
0x633: {  	s8 =	spop (v2sf);
	v2 =	vbroadcast v2, $0x0  }
0x634: {  	v1 =	vbroadcast v1, $0x0;
	s4 =	smul.f32 $2.500000000e-01, s8;
	_ =	sdelay $0x1  }
0x635: {  	(erf) = vpow2.f32 v1;
	v3 =	vmov s4  }
0x636: {  	(erf) = vpow2.f32 v2;
	v1 =	vmax.f32 v3, $-5.000000000e+00;
	v2, _, _ =	vpop (xrf2)  }
0x637: {  	v1 =	vmin.f32 v1, $5.000000000e+00;
	(v2sf) =	vpush v2, $0xF  }
0x638: {  	v7 =	vld [tilespmem:s10+$0xFFFFFFC0];
	v1 =	vmul.f32 $1.442695020e+00, v1;
	v4, _, _ =	vpop (xrf2)  }
0x639: {  	v8 =	vld [tilespmem:s1+$0xFFFFFF00];
	(v2sf) =	vpush v4, $0xF  }
0x63a: {  	v5 =	vld [tilespmem:s1+$0xFFFFFF80];
	v1 =	vbroadcast v1, $0x0  }
0x63b: {  	v3 =	vld [tilespmem:s11+$0xFFFFFF40]  }
0x63c: {  	v2 =	vld [tilespmem:s10+$0xFFFFFF80];
	(erf) = vpow2.f32 v1  }
0x63d: {  	v1 =	vld [tilespmem:s11+$0xFFFFFFC0]  }
0x63e: {  	v4 =	vpop (erf)  }
0x63f: {  	v6 =	vpop (erf)  }
0x640: {  	v5 =	vmul.f32 v7, v5;
	v7 =	vld [tilespmem:s11+$0x40];
	v3 =	vmul.f32 v6, v3  }
0x641: {  	v2 =	vmul.f32 v2, v8;
	v8 =	vld [tilespmem:s1+$0x0]  }
0x642: {  	(xrf2) =	vadd.scan.msk.f32 $0xffff, v5;
	v1 =	vmul.f32 v4, v1;
	[tilespmem:s0+$0xFFFFFF60] =	vst v3;
	v3 =	vld [tilespmem:s10+$0x0]  }
0x643: {  	(xrf2) =	vadd.scan.msk.f32 $0xffff, v2;
	v2 =	vld [tilespmem:s11+$0xFFFFFF10]  }
0x644: {  	[tilespmem:s0+$0xFFFFFFB0] =	vst v1;
	v1 =	vld [tilespmem:s7+$0xFFFFFF90]  }
0x645: {  	v9 =	vld [tilespmem:s11+$0xFFFFFF90];
	v5 =	vpop (erf)  }
0x646: {  	v10 =	vld [tilespmem:s7+$0xFFFFFFD0];
	v7 =	vmul.f32 v5, v7;
	s9 =	spop (v2sf)  }
0x647: {  	s4 =	smul.f32 $2.500000000e-01, s9  }
0x648: {  	v3 =	vmul.f32 v3, v8;
	[tilespmem:s0+$0x0] =	vst v7;
	s12 =	spop (v2sf)  }
0x649: {  	v7 =	vld [tilespmem:s11+$0x10];
	s14 =	smul.f32 $2.500000000e-01, s12;
	v8 =	vmov s4  }
0x64a: {  	(xrf2) =	vadd.scan.msk.f32 $0xffff, v3;
	v1 =	vmul.f32 v1, v2;
	v11 =	vld [tilespmem:s7+$0x10];
	v2 =	vmax.f32 v8, $-5.000000000e+00  }
0x64b: {  	v3 =	vmul.f32 v10, v9;
	v9 =	vmov s14;
	v2 =	vmin.f32 v2, $5.000000000e+00  }
0x64c: {  	v9 =	vmax.f32 v9, $-5.000000000e+00;
	v8, _, _ =	vpop (xrf2);
	v2 =	vmul.f32 $1.442695020e+00, v2  }
0x64d: {  	(xrf2) =	vadd.scan.msk.f32 $0xffff, v1;
	v1 =	vmin.f32 v9, $5.000000000e+00;
	(v2sf) =	vpush v8, $0xF;
	v8, _, _ =	vpop (xrf2)  }
0x64e: {  	(xrf2) =	vadd.scan.msk.f32 $0xffff, v3;
	v1 =	vmul.f32 $1.442695020e+00, v1;
	(v2sf) =	vpush v8, $0xF;
	v2 =	vbroadcast v2, $0x0  }
0x64f: {  	v3 =	vmul.f32 v11, v7  }
0x650: {  	v1 =	vbroadcast v1, $0x0;
	(erf) = vpow2.f32 v2  }
0x651: {  	(xrf2) =	vadd.scan.msk.f32 $0xffff, v3;
	_ =	sdelay $0x1  }
0x652: {  	(erf) = vpow2.f32 v1  }
0x653: {  	v1, _, _ =	vpop (xrf2)  }
0x654: {  	(v2sf) =	vpush v1, $0xF;
	v1 =	vld [tilespmem:s11+$0xD0];
	_ =	sdelay $0x1  }
0x655: {  	v2, _, _ =	vpop (xrf2)  }
0x656: {  	v3 =	vld [tilespmem:s1+$0xC0];
	(v2sf) =	vpush v2, $0xF;
	v2, _, _ =	vpop (xrf2)  }
0x657: {  	v14 =	vpop (erf)  }
0x658: {  	(v2sf) =	vpush v2, $0xF;
	v2 =	vmul.f32 v14, v1  }
0x659: {  	v7, _, _ =	vpop (xrf2)  }
0x65a: {  	v1 =	vpop (erf);
	s16 =	spop (v2sf);
	[tilespmem:s0+$0x60] =	vst v2;
	(v2sf) =	vpush v7, $0xF  }
0x65b: {  	v2 =	vmul.f32 v1, v3;
	s4 =	smul.f32 $2.500000000e-01, s16;
	s17 =	spop (v2sf);
	v3 =	vld [tilespmem:s11+$0xA0]  }
0x65c: {  	s14 =	simm.s32 $0x11800;
	v8 =	vld [tilespmem:s7+$0x60];
	s6 =	smul.f32 $2.500000000e-01, s17  }
0x65d: {  	[tilespmem:s14+$0x50] =	vst v2;
	v7 =	vmov s4  }
0x65e: {  	v9 =	vld [tilespmem:s1+$0x90];
	v2 =	vmax.f32 v7, $-5.000000000e+00;
	v7 =	vmov s6  }
0x65f: {  	v10 =	vld [tilespmem:s10+$0x50];
	v2 =	vmin.f32 v2, $5.000000000e+00;
	v7 =	vmax.f32 v7, $-5.000000000e+00  }
0x660: {  	v2 =	vmul.f32 $1.442695020e+00, v2;
	v7 =	vmin.f32 v7, $5.000000000e+00  }
0x661: {  	v3 =	vmul.f32 v8, v3;
	v7 =	vmul.f32 $1.442695020e+00, v7  }
0x662: {  	s4 =	simm.s32 $0xCB20;
	s18 =	spop (v2sf);
	v2 =	vbroadcast v2, $0x0  }
0x663: {  	s9 =	simm.s32 $0x104A0;
	v11 =	vld [tilespmem:s4+$0x80];
	s6 =	smul.f32 $2.500000000e-01, s18;
	(xrf2) =	vadd.scan.msk.f32 $0xffff, v3;
	v7 =	vbroadcast v7, $0x0  }
0x664: {  	v8 =	vld [tilespmem:s9+$0x40];
	(erf) = vpow2.f32 v2;
	v2 =	vmul.f32 v10, v9  }
0x665: {  	s19 =	spop (v2sf);
	v3 =	vmov s6  }
0x666: {  	s6 =	smul.f32 $2.500000000e-01, s19;
	(erf) = vpow2.f32 v7;
	(xrf2) =	vadd.scan.msk.f32 $0xffff, v2;
	v2 =	vmax.f32 v3, $-5.000000000e+00  }
0x667: {  	s31 =	spop (v2sf);
	v2 =	vmin.f32 v2, $5.000000000e+00  }
0x668: {  	s12 =	smul.f32 $2.500000000e-01, s31;
	v7 =	vmov s6;
	v2 =	vmul.f32 $1.442695020e+00, v2  }
0x669: {  	v15 =	vld [tilespmem:s9+$0xFFFFFFC0];
	v3 =	vmul.f32 v8, v11;
	v7 =	vmax.f32 v7, $-5.000000000e+00;
	s16 =	spop (v2sf)  }
0x66a: {  	v18 =	vld [tilespmem:s4+$0xFFFFFF00];
	v9 =	vmov s12;
	v7 =	vmin.f32 v7, $5.000000000e+00;
	v2 =	vbroadcast v2, $0x0;
	s6 =	smul.f32 $2.500000000e-01, s16  }
0x66b: {  	v10 =	vld [tilespmem:s9+$0xFFFFFF80];
	(xrf2) =	vadd.scan.msk.f32 $0xffff, v3;
	v9 =	vmax.f32 v9, $-5.000000000e+00;
	v7 =	vmul.f32 $1.442695020e+00, v7  }
0x66c: {  	v3 =	vld [tilespmem:s1+$0xFFFFFF40];
	(erf) = vpow2.f32 v2;
	v2 =	vmin.f32 v9, $5.000000000e+00;
	v12 =	vmov s6  }
0x66d: {  	v7 =	vbroadcast v7, $0x0;
	v9 =	vld [tilespmem:s4+$0xFFFFFF80];
	v16, _, _ =	vpop (xrf2);
	v2 =	vmul.f32 $1.442695020e+00, v2;
	v17 =	vmax.f32 v12, $-5.000000000e+00  }
0x66e: {  	v11 =	vpop (erf);
	(v2sf) =	vpush v16, $0xF  }
0x66f: {  	v8 =	vld [tilespmem:s1+$0xFFFFFFC0];
	(erf) = vpow2.f32 v7;
	v7 =	vmin.f32 v17, $5.000000000e+00;
	v12 =	vpop (erf);
	v2 =	vbroadcast v2, $0x0  }
0x670: {  	v10 =	vmul.f32 v10, v18;
	v7 =	vmul.f32 $1.442695020e+00, v7;
	v17, _, _ =	vpop (xrf2)  }
0x671: {  	v16 =	vld [tilespmem:s1+$0x40];
	v3 =	vmul.f32 v12, v3;
	(v2sf) =	vpush v17, $0xF;
	(erf) = vpow2.f32 v2  }
0x672: {  	v2 =	vld [tilespmem:s4+$0x0];
	v7 =	vbroadcast v7, $0x0;
	v9 =	vmul.f32 v15, v9  }
0x673: {  	[tilespmem:s14+$0xFFFFFF60] =	vst v3;
	v3 =	vld [tilespmem:s9+$0x0]  }
0x674: {  	v19 =	vld [tilespmem:s11+$0xFFFFFF50];
	(erf) = vpow2.f32 v7;
	(xrf2) =	vadd.scan.msk.f32 $0xffff, v9;
	v7 =	vmul.f32 v11, v8  }
0x675: {  	v15, _, _ =	vpop (xrf2);
	v17 =	vld [tilespmem:s1+$0xFFFFFF10]  }
0x676: {  	(v2sf) =	vpush v15, $0xF;
	v9 =	vld [tilespmem:s10+$0xFFFFFF90];
	(xrf2) =	vadd.scan.msk.f32 $0xffff, v10;
	v10 =	vpop (erf)  }
0x677: {  	v15 =	vld [tilespmem:s11+$0xFFFFFFD0];
	[tilespmem:s14+$0xFFFFFFB0] =	vst v7;
	v8 =	vmul.f32 v10, v16  }
0x678: {  	v2 =	vmul.f32 v3, v2;
	v7 =	vpop (erf);
	v3 =	vld [tilespmem:s1+$0xFFFFFF90]  }
0x679: {  	v16 =	vmul.f32 v7, v19;
	v19 =	vld [tilespmem:s10+$0xFFFFFFD0]  }
0x67a: {  	v18 =	vld [tilespmem:s11+$0x50];
	[tilespmem:s14+$0x0] =	vst v8  }
0x67b: {  	(xrf2) =	vadd.scan.msk.f32 $0xffff, v2;
	v2 =	vmul.f32 v9, v17;
	v17 =	vld [tilespmem:s1+$0x10];
	v8 =	vpop (erf)  }
0x67c: {  	[tilespmem:s0+$0xFFFFFF70] =	vst v16;
	v9 =	vmul.f32 v8, v15;
	v15 =	vld [tilespmem:s10+$0x10]  }
0x67d: {  	(xrf2) =	vadd.scan.msk.f32 $0xffff, v2;
	v2 =	vld [tilespmem:s11+$0xFFFFFF20]  }
0x67e: {  	v16 =	vld [tilespmem:s7+$0xFFFFFFA0];
	s17 =	spop (v2sf);
	v3 =	vmul.f32 v19, v3;
	v19, _, _ =	vpop (xrf2)  }
0x67f: {  	s6 =	smul.f32 $2.500000000e-01, s17;
	(v2sf) =	vpush v19, $0xF  }
0x680: {  	[tilespmem:s0+$0xFFFFFFC0] =	vst v9;
	v9 =	vpop (erf);
	s18 =	spop (v2sf)  }
0x681: {  	v21, _, _ =	vpop (xrf2);
	(xrf2) =	vadd.scan.msk.f32 $0xffff, v3;
	v3 =	vmov s6;
	v18 =	vmul.f32 v9, v18;
	v15 =	vmul.f32 v15, v17;
	s19 =	smul.f32 $2.500000000e-01, s18  }
0x682: {  	v20 =	vld [tilespmem:s11+$0xFFFFFFA0];
	v3 =	vmax.f32 v3, $-5.000000000e+00  }
0x683: {  	v19 =	vld [tilespmem:s7+$0xFFFFFFE0];
	v2 =	vmul.f32 v16, v2;
	[tilespmem:s0+$0x10] =	vst v18;
	(xrf2) =	vadd.scan.msk.f32 $0xffff, v15;
	v15 =	vmov s19  }
0x684: {  	(v2sf) =	vpush v21, $0xF;
	v3 =	vmin.f32 v3, $5.000000000e+00;
	v17 =	vld [tilespmem:s11+$0x20];
	v15 =	vmax.f32 v15, $-5.000000000e+00  }
0x685: {  	s31 =	spop (v2sf);
	v3 =	vmul.f32 $1.442695020e+00, v3;
	v16 =	vld [tilespmem:s7+$0x20];
	v18, _, _ =	vpop (xrf2);
	(xrf2) =	vadd.scan.msk.f32 $0xffff, v2;
	v2 =	vmin.f32 v15, $5.000000000e+00  }
0x686: {  	s6 =	smul.f32 $2.500000000e-01, s31;
	v2 =	vmul.f32 $1.442695020e+00, v2  }
0x687: {  	v3 =	vbroadcast v3, $0x0;
	(v2sf) =	vpush v18, $0xF  }
0x688: {  	v18 =	vmul.f32 v19, v20;
	v19 =	vmov s6;
	v15, _, _ =	vpop (xrf2);
	v2 =	vbroadcast v2, $0x0  }
0x689: {  	(v2sf) =	vpush v15, $0xF;
	v15 =	vmax.f32 v19, $-5.000000000e+00  }
0x68a: {  	(erf) = vpow2.f32 v3;
	(xrf2) =	vadd.scan.msk.f32 $0xffff, v18;
	v3 =	vmin.f32 v15, $5.000000000e+00;
	v15 =	vmul.f32 v16, v17  }
0x68b: {  	v3 =	vmul.f32 $1.442695020e+00, v3  }
0x68c: {  	(erf) = vpow2.f32 v2;
	v2, _, _ =	vpop (xrf2);
	(xrf2) =	vadd.scan.msk.f32 $0xffff, v15  }
0x68d: {  	v3 =	vbroadcast v3, $0x0;
	(v2sf) =	vpush v2, $0xF  }
0x68e: {  	v2, _, _ =	vpop (xrf2);
	s8 =	spop (v2sf)  }
0x68f: {  	v16 =	vld [tilespmem:s11+$0xE0];
	(erf) = vpow2.f32 v3;
	(v2sf) =	vpush v2, $0xF;
	s6 =	smul.f32 $2.500000000e-01, s8  }
0x690: {  	v2, _, _ =	vpop (xrf2)  }
0x691: {  	v17 =	vld [tilespmem:s1+$0xD0];
	(v2sf) =	vpush v2, $0xF;
	v2 =	vmov s6  }
0x692: {  	v2 =	vmax.f32 v2, $-5.000000000e+00  }
0x693: {  	s12 =	spop (v2sf);
	v15 =	vpop (erf);
	v2 =	vmin.f32 v2, $5.000000000e+00  }
0x694: {  	v19 =	vld [tilespmem:s4+$0xC0];
	s8 =	smul.f32 $2.500000000e-01, s12;
	v16 =	vmul.f32 v15, v16;
	v18, _, _ =	vpop (xrf2)  }
0x695: {  	(v2sf) =	vpush v18, $0xF;
	v3 =	vpop (erf)  }
0x696: {  	v20 =	vmov s8;
	[tilespmem:s0+$0x70] =	vst v16;
	v18 =	vmul.f32 $1.442695020e+00, v2;
	v16 =	vmul.f32 v3, v17;
	v2, _, _ =	vpop (xrf2)  }
0x697: {  	v21 =	vld [tilespmem:s7+$0x70];
	s16 =	spop (v2sf);
	v17 =	vmax.f32 v20, $-5.000000000e+00;
	(v2sf) =	vpush v2, $0xF  }
0x698: {  	v20 =	vld [tilespmem:s11+$0xB0];
	s6 =	smul.f32 $2.500000000e-01, s16;
	v17 =	vmin.f32 v17, $5.000000000e+00;
	v18 =	vbroadcast v18, $0x0;
	[tilespmem:s14+$0x60] =	vst v16;
	v2 =	vpop (erf);
	s17 =	spop (v2sf)  }
0x699: {  	v16 =	vmul.f32 $1.442695020e+00, v17;
	v17 =	vld [tilespmem:s1+$0xA0];
	v19 =	vmul.f32 v2, v19;
	s8 =	smul.f32 $2.500000000e-01, s17  }
0x69a: {  	v22 =	vmov s6;
	v23 =	vld [tilespmem:s10+$0x60];
	s6 =	simm.s32 $0x11940;
	(erf) = vpow2.f32 v18  }
0x69b: {  	v22 =	vmax.f32 v22, $-5.000000000e+00;
	v16 =	vbroadcast v16, $0x0;
	[tilespmem:s6+$0x50] =	vst v19;
	v18 =	vmov s8  }
0x69c: {  	v19 =	vmin.f32 v22, $5.000000000e+00;
	v22 =	vld [tilespmem:s4+$0x90];
	v18 =	vmax.f32 v18, $-5.000000000e+00;
	s18 =	spop (v2sf)  }
0x69d: {  	(erf) = vpow2.f32 v16;
	v19 =	vmul.f32 $1.442695020e+00, v19;
	v24 =	vld [tilespmem:s9+$0x50];
	v16 =	vmin.f32 v18, $5.000000000e+00;
	s19 =	smul.f32 $2.500000000e-01, s18  }
0x69e: {  	v18 =	vmul.f32 v21, v20;
	v16 =	vmul.f32 $1.442695020e+00, v16;
	s31 =	spop (v2sf)  }
0x69f: {  	s8 =	simm.s32 $0xCD20;
	v17 =	vmul.f32 v23, v17;
	v19 =	vbroadcast v19, $0x0;
	s16 =	smul.f32 $2.500000000e-01, s31;
	v21 =	vmov s19  }
0x6a0: {  	s12 =	simm.s32 $0x105A0;
	(xrf2) =	vadd.scan.msk.f32 $0xffff, v18;
	v18 =	vld [tilespmem:s8+$0x80];
	v16 =	vbroadcast v16, $0x0;
	v21 =	vmax.f32 v21, $-5.000000000e+00  }
0x6a1: {  	s17 =	spop (v2sf);
	(xrf2) =	vadd.scan.msk.f32 $0xffff, v17;
	v17 =	vld [tilespmem:s12+$0x40];
	(erf) = vpow2.f32 v19;
	v25 =	vmov s16;
	v21 =	vmin.f32 v21, $5.000000000e+00  }
0x6a2: {  	s17 =	smul.f32 $2.500000000e-01, s17;
	v22 =	vmul.f32 v24, v22;
	v19 =	vmul.f32 $1.442695020e+00, v21;
	v21 =	vmax.f32 v25, $-5.000000000e+00  }
0x6a3: {  	v23 =	vld [tilespmem:s4+$0xFFFFFF40];
	(erf) = vpow2.f32 v16;
	v16 =	vmin.f32 v21, $5.000000000e+00  }
0x6a4: {  	v26 =	vld [tilespmem:s12+$0xFFFFFFC0];
	s18 =	spop (v2sf);
	v21 =	vmov s17;
	v16 =	vmul.f32 $1.442695020e+00, v16  }
0x6a5: {  	v25 =	vld [tilespmem:s8+$0xFFFFFF80];
	s16 =	smul.f32 $2.500000000e-01, s18;
	v19 =	vbroadcast v19, $0x0;
	v21 =	vmax.f32 v21, $-5.000000000e+00  }
0x6a6: {  	v20 =	vld [tilespmem:s4+$0xFFFFFFC0];
	(xrf2) =	vadd.scan.msk.f32 $0xffff, v22;
	v22 =	vpop (erf);
	v17 =	vmul.f32 v17, v18;
	v21 =	vmin.f32 v21, $5.000000000e+00;
	v16 =	vbroadcast v16, $0x0;
	s19 =	spop (v2sf)  }
0x6a7: {  	v27 =	vld [tilespmem:s12+$0xFFFFFF80];
	v18 =	vpop (erf);
	v21 =	vmul.f32 $1.442695020e+00, v21;
	(erf) = vpow2.f32 v19;
	v19 =	vmov s16;
	s31 =	smul.f32 $2.500000000e-01, s19  }
0x6a8: {  	v6 =	vnsel vm0, $0x0, v6;
	v28 =	vld [tilespmem:s8+$0xFFFFFF00];
	v23 =	vmul.f32 v18, v23;
	(xrf2) =	vadd.scan.msk.f32 $0xffff, v17;
	v17 =	vmax.f32 v19, $-5.000000000e+00  }
0x6a9: {  	v29 =	vld [tilespmem:s1+$0xFFFFFF50];
	(erf) = vpow2.f32 v16;
	v16 =	vbroadcast v21, $0x0;
	v21 =	vmov s31  }
0x6aa: {  	v30 =	vld [tilespmem:s12+$0x0];
	v25 =	vmul.f32 v26, v25;
	v17 =	vmin.f32 v17, $5.000000000e+00;
	v21 =	vmax.f32 v21, $-5.000000000e+00  }
0x6ab: {  	v24 =	vld [tilespmem:s4+$0x40];
	v20 =	vmul.f32 v22, v20;
	v31, _, _ =	vpop (xrf2);
	[tilespmem:s6+$0xFFFFFF60] =	vst v23;
	v17 =	vmul.f32 $1.442695020e+00, v17;
	v21 =	vmin.f32 v21, $5.000000000e+00  }
0x6ac: {  	v19 =	vld [tilespmem:s8+$0x0];
	(v2sf) =	vpush v31, $0xF;
	v23, _, _ =	vpop (xrf2);
	(xrf2) =	vadd.scan.msk.f32 $0xffff, v25;
	(erf) = vpow2.f32 v16;
	v21 =	vmul.f32 $1.442695020e+00, v21  }
0x6ad: {  	v25 =	vld [tilespmem:s4+$0xFFFFFF10];
	(v2sf) =	vpush v23, $0xF;
	v23 =	vmul.f32 v27, v28;
	v16 =	vbroadcast v17, $0x0  }
0x6ae: {  	v6 =	vadd.f32 $0.0e+00, v6;
	v4 =	vnsel vm0, $0x0, v4;
	[tilespmem:s6+$0xFFFFFFB0] =	vst v20;
	v17 =	vld [tilespmem:s9+$0xFFFFFF90];
	v20 =	vbroadcast v21, $0x0  }
0x6af: {  	v4 =	vadd.f32 $0.0e+00, v4;
	v5 =	vnsel vm0, $0x0, v5;
	v52 =	vpop (erf);
	(xrf2) =	vadd.scan.msk.f32 $0xffff, v23;
	(erf) = vpow2.f32 v16;
	v16 =	vld [tilespmem:s4+$0xFFFFFF90]  }
0x6b0: {  	v5 =	vadd.f32 $0.0e+00, v5;
	v12 =	vnsel vm0, $0x0, v12;
	v21 =	vpop (erf);
	(erf) = vpow2.f32 v20;
	v20 =	vld [tilespmem:s9+$0xFFFFFFD0]  }
0x6b1: {  	v12 =	vadd.f32 $0.0e+00, v12;
	v24 =	vmul.f32 v52, v24;
	v19 =	vmul.f32 v30, v19;
	v23, _, _ =	vpop (xrf2)  }
0x6b2: {  	v11 =	vnsel vm0, $0x0, v11;
	v7 =	vsel vm1, $0x0, v7;
	v26 =	vld [tilespmem:s1+$0xFFFFFFD0];
	(v2sf) =	vpush v23, $0xF  }
0x6b3: {  	v7 =	vadd.f32 v7, v6;
	v31 =	vld [tilespmem:s1+$0x50];
	[tilespmem:s6+$0x0] =	vst v24;
	(xrf2) =	vadd.scan.msk.f32 $0xffff, v19;
	v6, _, _ =	vpop (xrf2);
	v17 =	vmul.f32 v17, v25  }
0x6b4: {  	v11 =	vadd.f32 $0.0e+00, v11;
	v8 =	vsel vm1, $0x0, v8;
	v24 =	vld [tilespmem:s9+$0x10];
	(v2sf) =	vpush v6, $0xF  }
0x6b5: {  	v9 =	vsel vm1, $0x0, v9;
	v19 =	vld [tilespmem:s4+$0x10];
	v23 =	vmul.f32 v21, v29;
	(xrf2) =	vadd.scan.msk.f32 $0xffff, v17;
	v16 =	vmul.f32 v20, v16  }
0x6b6: {  	v10 =	vnsel vm0, $0x0, v10;
	v27 =	vld [tilespmem:s11+$0xFFFFFF60];
	v28 =	vadd.f32 v8, v4;
	v4 =	vnsel vm0, $0x0, v18;
	v20, _, _ =	vpop (xrf2)  }
0x6b7: {  	v25 =	vpop (erf);
	v29 =	vadd.f32 v9, v5;
	v5 =	vld [tilespmem:s11+$0xFFFFFFE0];
	v17 =	vnsel vm0, $0x0, v22;
	[tilespmem:s14+$0xFFFFFF70] =	vst v23;
	(v2sf) =	vpush v20, $0xF  }
0x6b8: {  	v10 =	vadd.f32 $0.0e+00, v10;
	v8 =	vadd.f32 $0.0e+00, v4;
	v6 =	vmul.f32 v25, v26;
	v9 =	vpop (erf);
	v18 =	vld [tilespmem:s1+$0xFFFFFF20]  }
0x6b9: {  	v21 =	vsel vm1, $0x0, v21;
	v22 =	vnsel vm0, $0x0, v52;
	v4 =	vadd.f32 $0.0e+00, v17;
	v23 =	vld [tilespmem:s10+$0xFFFFFFA0];
	(xrf2) =	vadd.scan.msk.f32 $0xffff, v16;
	v16, _, _ =	vpop (xrf2)  }
0x6ba: {  	[tilespmem:s14+$0xFFFFFFC0] =	vst v6;
	v6 =	vadd.f32 $0.0e+00, v22;
	v19 =	vmul.f32 v24, v19;
	v17 =	vpop (erf);
	(v2sf) =	vpush v16, $0xF  }
0x6bb: {  	v26 =	vld [tilespmem:s1+$0xFFFFFFA0];
	v20 =	vmul.f32 v9, v31;
	v22 =	vmul.f32 v17, v27;
	v17 =	vsel vm2, $0x0, v17;
	s17 =	spop (v2sf)  }
0x6bc: {  	v24 =	vpop (erf);
	s16 =	smul.f32 $2.500000000e-01, s17;
	v16 =	vsel vm1, $0x0, v25;
	v25 =	vsel vm1, $0x0, v9;
	v9 =	vadd.f32 v21, v12;
	v21 =	vld [tilespmem:s10+$0xFFFFFFE0];
	s18 =	spop (v2sf)  }
0x6bd: {  	v7 =	vadd.f32 v17, v7;
	(xrf2) =	vadd.scan.msk.f32 $0xffff, v19;
	v19 =	vmul.f32 v24, v5;
	v5 =	vadd.f32 v16, v11;
	v11, _, _ =	vpop (xrf2);
	s17 =	smul.f32 $2.500000000e-01, s18  }
0x6be: {  	v30 =	vld [tilespmem:s11+$0x60];
	[tilespmem:s14+$0x10] =	vst v20;
	v18 =	vmul.f32 v23, v18;
	(v2sf) =	vpush v11, $0xF;
	v11 =	vmov s16  }
0x6bf: {  	v17 =	vsel vm2, $0x0, v24;
	[tilespmem:s0+$0xFFFFFF80] =	vst v22;
	v22 =	vld [tilespmem:s10+$0x20];
	v23, _, _ =	vpop (xrf2);
	v11 =	vmax.f32 v11, $-5.000000000e+00;
	v20 =	vmov s17  }
0x6c0: {  	(xrf2) =	vadd.scan.msk.f32 $0xffff, v18;
	v18 =	vld [tilespmem:s1+$0x20];
	(v2sf) =	vpush v23, $0xF;
	v11 =	vmin.f32 v11, $5.000000000e+00;
	v20 =	vmax.f32 v20, $-5.000000000e+00  }
0x6c1: {  	s19 =	spop (v2sf);
	v21 =	vmul.f32 v21, v26;
	v24 =	vmul.f32 $1.442695020e+00, v11;
	v11 =	vmin.f32 v20, $5.000000000e+00;
	v20 =	vld [tilespmem:s11+$0xFFFFFF30]  }
0x6c2: {  	v13 =	vnsel vm0, $0x0, v13;
	v12 =	vpop (erf);
	s16 =	smul.f32 $2.500000000e-01, s19;
	v23 =	vmul.f32 $1.442695020e+00, v11;
	v11 =	vadd.f32 v17, v28;
	v17 =	vld [tilespmem:s7+$0xFFFFFFB0]  }
0x6c3: {  	v16 =	vmul.f32 v12, v30;
	v10 =	vadd.f32 v25, v10;
	s31 =	spop (v2sf);
	v24 =	vbroadcast v24, $0x0  }
0x6c4: {  	[tilespmem:s0+$0xFFFFFFD0] =	vst v19;
	(xrf2) =	vadd.scan.msk.f32 $0xffff, v21;
	v25 =	vmov s16;
	v19 =	vbroadcast v23, $0x0;
	s16 =	smul.f32 $2.500000000e-01, s31  }
0x6c5: {  	[tilespmem:s0+$0x20] =	vst v16;
	v16 =	vmul.f32 v22, v18;
	v21, _, _ =	vpop (xrf2);
	v25 =	vmax.f32 v25, $-5.000000000e+00;
	(erf) = vpow2.f32 v24  }
0x6c6: {  	(v2sf) =	vpush v21, $0xF;
	(erf) = vpow2.f32 v19;
	v19 =	vmov s16;
	s17 =	spop (v2sf)  }
0x6c7: {  	v27 =	vld [tilespmem:s8+$0xFFFFFFC0];
	v21 =	vmin.f32 v25, $5.000000000e+00;
	v18 =	vmax.f32 v19, $-5.000000000e+00;
	v17 =	vmul.f32 v17, v20;
	s16 =	smul.f32 $2.500000000e-01, s17  }
0x6c8: {  	v13 =	vadd.f32 $0.0e+00, v13;
	v26 =	vld [tilespmem:s7+$0xFFFFFFF0];
	v21 =	vmul.f32 $1.442695020e+00, v21;
	v24, _, _ =	vpop (xrf2);
	(xrf2) =	vadd.scan.msk.f32 $0xffff, v16;
	v18 =	vmin.f32 v18, $5.000000000e+00  }
0x6c9: {  	v23 =	vld [tilespmem:s11+$0xFFFFFFB0];
	(v2sf) =	vpush v24, $0xF;
	v18 =	vmul.f32 $1.442695020e+00, v18;
	(xrf2) =	vadd.scan.msk.f32 $0xffff, v17;
	v17 =	vmov s16;
	s18 =	spop (v2sf)  }
0x6ca: {  	v14 =	vsel vm1, $0x0, v14;
	v20 =	vld [tilespmem:s7+$0x30];
	v19 =	vbroadcast v21, $0x0;
	v17 =	vmax.f32 v17, $-5.000000000e+00;
	s7 =	smul.f32 $2.500000000e-01, s18  }
0x6cb: {  	v13 =	vadd.f32 v14, v13;
	v21 =	vld [tilespmem:s11+$0x30];
	v18 =	vbroadcast v18, $0x0;
	v17 =	vmin.f32 v17, $5.000000000e+00  }
0x6cc: {  	v22 =	vld [tilespmem:s1+$0xE0];
	v16, _, _ =	vpop (xrf2);
	(erf) = vpow2.f32 v19;
	v17 =	vmul.f32 $1.442695020e+00, v17;
	v14 =	vmov s7  }
0x6cd: {  	v15 =	vsel vm2, $0x0, v15;
	v31 =	vld [tilespmem:s8+$0xC0];
	(v2sf) =	vpush v16, $0xF;
	s19 =	spop (v2sf);
	v14 =	vmax.f32 v14, $-5.000000000e+00  }
0x6ce: {  	v12 =	vsel vm2, $0x0, v12;
	v30 =	vld [tilespmem:s11+$0xF0];
	v16 =	vmul.f32 v26, v23;
	v19, _, _ =	vpop (xrf2);
	s7 =	smul.f32 $2.500000000e-01, s19;
	v17 =	vbroadcast v17, $0x0  }
0x6cf: {  	v12 =	vadd.f32 v12, v29;
	v28 =	vld [tilespmem:s8+$0xFFFFFF40];
	(erf) = vpow2.f32 v18;
	v18 =	vpop (erf);
	v29 =	vmin.f32 v14, $5.000000000e+00  }
0x6d0: {  	v25 =	vld [tilespmem:s8+$0x40];
	(xrf2) =	vadd.scan.msk.f32 $0xffff, v16;
	v20 =	vmul.f32 v20, v21;
	s31 =	spop (v2sf);
	v16 =	vmul.f32 $1.442695020e+00, v29;
	v29 =	vmov s7;
	v14 =	vpop (erf)  }
0x6d1: {  	v26 =	vld [tilespmem:s4+$0xD0];
	(v2sf) =	vpush v19, $0xF;
	s7 =	smul.f32 $2.500000000e-01, s31;
	v29 =	vmax.f32 v29, $-5.000000000e+00;
	v22 =	vmul.f32 v14, v22  }
0x6d2: {  	v13 =	vadd.f32 v15, v13;
	v24 =	vld [tilespmem:s4+$0xFFFFFF50];
	(xrf2) =	vadd.scan.msk.f32 $0xffff, v20;
	(erf) = vpow2.f32 v17;
	v15 =	vmin.f32 v29, $5.000000000e+00;
	v17, _, _ =	vpop (xrf2)  }
0x6d3: {  	v23 =	vld [tilespmem:s4+$0xFFFFFFD0];
	(v2sf) =	vpush v17, $0xF;
	[tilespmem:s14+$0x70] =	vst v22;
	v22 =	vmov s7  }
0x6d4: {  	v19 =	vld [tilespmem:s4+$0x50];
	v16 =	vbroadcast v16, $0x0;
	v29 =	vsel vm3, $0x0, v18  }
0x6d5: {  	v20 =	vmul.f32 $1.442695020e+00, v15;
	v29 =	vadd.f32 v29, v13;
	v15 =	vpop (erf);
	v53 =	vld [tilespmem:s1+$0xB0];
	v17 =	vmax.f32 v22, $-5.000000000e+00  }
0x6d6: {  	s16 =	spop (v2sf);
	(erf) = vpow2.f32 v16;
	v16 =	vmul.f32 v15, v26;
	v26 =	vld [tilespmem:s10+$0x70];
	v13 =	vmin.f32 v17, $5.000000000e+00;
	v22, _, _ =	vpop (xrf2)  }
0x6d7: {  	v21 =	vld [tilespmem:s1+$0xFFFFFF60];
	s7 =	smul.f32 $2.500000000e-01, s16;
	v54 =	vbroadcast v20, $0x0;
	(v2sf) =	vpush v22, $0xF  }
0x6d8: {  	v30 =	vmul.f32 v18, v30;
	v18 =	vld [tilespmem:s11+$0xFFFFFF70];
	s17 =	spop (v2sf);
	[tilespmem:s6+$0x60] =	vst v16;
	v16 =	vmul.f32 $1.442695020e+00, v13  }
0x6d9: {  	v17 =	vmov s7;
	(erf) = vpow2.f32 v54;
	s18 =	smul.f32 $2.500000000e-01, s17;
	v13 =	vpop (erf);
	v55 =	vld [tilespmem:s4+$0xA0]  }
0x6da: {  	v17 =	vmax.f32 v17, $-5.000000000e+00;
	v56 =	vld [tilespmem:s9+$0x60];
	v31 =	vmul.f32 v13, v31;
	v57 =	vbroadcast v16, $0x0  }
0x6db: {  	v20 =	vld [tilespmem:s1+$0xFFFFFFE0];
	s7 =	simm.s32 $0x11A80;
	v58, _, _ =	vpop (xrf2);
	v16 =	vmin.f32 v17, $5.000000000e+00;
	v17 =	vmov s18;
	v32 =	vmul.f32 v26, v53  }
0x6dc: {  	v22 =	vld [tilespmem:s1+$0x60];
	s19 =	spop (v2sf);
	(v2sf) =	vpush v58, $0xF;
	v61, _, _ =	vpop (xrf2);
	v17 =	vmax.f32 v17, $-5.000000000e+00;
	(erf) = vpow2.f32 v57;
	[tilespmem:s7+$0x50] =	vst v31  }
0x6dd: {  	s31 =	smul.f32 $2.500000000e-01, s19;
	v59 =	vmul.f32 $1.442695020e+00, v16;
	v26 =	vpop (erf);
	v60 =	vmin.f32 v17, $5.000000000e+00;
	v31 =	vld [tilespmem:s8+$0x90];
	(xrf2) =	vadd.scan.msk.f32 $0xffff, v32  }
0x6de: {  	(v2sf) =	vpush v61, $0xF;
	v35 =	vmul.f32 v26, v27;
	v62 =	vmul.f32 $1.442695020e+00, v60;
	v32 =	vld [tilespmem:s12+$0x50]  }
0x6df: {  	[tilespmem:s0+$0x90] =	vst v29;
	s16 =	simm.s32 $0xC;
	v16 =	vld [tilespmem:s11+$0xFFFFFFF0];
	v63 =	vmov s31;
	v29 =	vbroadcast v59, $0x0;
	v27 =	vpop (erf);
	v34 =	vmul.f32 v56, v55  }
0x6e0: {  	[tilespmem:s0+$0x80] =	vst v30;
	s17 =	simm.s32 $0xCF20;
	v17 =	vld [tilespmem:s11+$0x70];
	s30 =	spop (v2sf);
	s11 =	simm.s32 $0x105A0;
	v33 =	vmax.f32 v63, $-5.000000000e+00;
	v28 =	vmul.f32 v27, v28;
	v30 =	vbroadcast v62, $0x0  }
.LBB2_10:
0x6e1: {  	v36 =	vld [tilespmem:s17+$0x80];
	[tilespmem:s7+$0xFFFFFFB0] =	vst v35;
	s12 =	sadd.s32 $0x100, s12;
	(erf) = vpow2.f32 v29;
	(xrf2) =	vadd.scan.msk.f32 $0xffff, v34;
	v29 =	vmin.f32 v33, $5.000000000e+00;
	s18 =	smul.f32 $2.500000000e-01, s30  }
0x6e2: {  	v27 =	vnsel vm0, $0x0, v27;
	v26 =	vnsel vm0, $0x0, v26;
	v33 =	vld [tilespmem:s12+$0x40];
	[tilespmem:s7+$0xFFFFFF60] =	vst v28;
	v34 =	vpop (erf);
	v28 =	vmul.f32 $1.442695020e+00, v29;
	s19 =	spop (v2sf)  }
0x6e3: {  	v29 =	vld [tilespmem:s12+$0xFFFFFF80];
	v25 =	vmul.f32 v34, v25;
	v37 =	vmul.f32 v32, v31;
	v32 =	vmov s18;
	s18 =	smul.f32 $2.500000000e-01, s19  }
0x6e4: {  	v35 =	vld [tilespmem:s17+$0xFFFFFF80];
	(erf) = vpow2.f32 v30;
	v39 =	vbroadcast v28, $0x0;
	v30 =	vmax.f32 v32, $-5.000000000e+00  }
0x6e5: {  	s16 =	sadd.s32 $0x4, s16;
	v32 =	vld [tilespmem:s12+$0xFFFFFFC0];
	[tilespmem:s7+$0x0] =	vst v25;
	(xrf2) =	vadd.scan.msk.f32 $0xffff, v37;
	v31 =	vpop (erf);
	v25 =	vmin.f32 v30, $5.000000000e+00;
	v30 =	vmov s18  }
0x6e6: {  	p0 =	slt.u32 s16, $0x4C;
	v37 =	vld [tilespmem:s17+$0x0];
	v24 =	vmul.f32 v31, v24;
	v25 =	vmul.f32 $1.442695020e+00, v25;
	v30 =	vmax.f32 v30, $-5.000000000e+00;
	s18 =	spop (v2sf)  }
0x6e7: {  	v38 =	vld [tilespmem:s12+$0x0];
	v33 =	vmul.f32 v33, v36;
	v30 =	vmin.f32 v30, $5.000000000e+00;
	(erf) = vpow2.f32 v39;
	v28, _, _ =	vpop (xrf2);
	s18 =	smul.f32 $2.500000000e-01, s18  }
0x6e8: {  	v36 =	vld [tilespmem:s17+$0xFFFFFF00];
	[tilespmem:s6+$0xFFFFFF70] =	vst v24;
	v24 =	vbroadcast v25, $0x0;
	v25 =	vmul.f32 $1.442695020e+00, v30;
	(v2sf) =	vpush v28, $0xF  }
0x6e9: {  	v30 =	vadd.f32 $0.0e+00, v27;
	v28 =	vld [tilespmem:s17+$0xFFFFFF40];
	(xrf2) =	vadd.scan.msk.f32 $0xffff, v33;
	v33 =	vnsel vm0, $0x0, v34;
	v34 =	vmov s18  }
0x6ea: {  	v32 =	vmul.f32 v32, v35;
	v27 =	vld [tilespmem:s17+$0xFFFFFFC0];
	v35 =	vpop (erf);
	v39 =	vbroadcast v25, $0x0;
	v34 =	vmax.f32 v34, $-5.000000000e+00  }
0x6eb: {  	v25 =	vld [tilespmem:s17+$0x40];
	v23 =	vmul.f32 v35, v23;
	v40, _, _ =	vpop (xrf2);
	(erf) = vpow2.f32 v24;
	v24 =	vmin.f32 v34, $5.000000000e+00;
	s18 =	spop (v2sf)  }
0x6ec: {  	v34 =	vmul.f32 v38, v37;
	(xrf2) =	vadd.scan.msk.f32 $0xffff, v32;
	v32 =	vld [tilespmem:s8+$0xFFFFFF10];
	(v2sf) =	vpush v40, $0xF;
	(erf) = vpow2.f32 v39;
	s18 =	smul.f32 $2.500000000e-01, s18  }
0x6ed: {  	v26 =	vadd.f32 $0.0e+00, v26;
	v29 =	vmul.f32 v29, v36;
	v36 =	vld [tilespmem:s11+$0xFFFFFF90];
	[tilespmem:s6+$0xFFFFFFC0] =	vst v23;
	v37 =	vpop (erf);
	v23 =	vmul.f32 $1.442695020e+00, v24;
	s19 =	spop (v2sf)  }
0x6ee: {  	v33 =	vadd.f32 $0.0e+00, v33;
	v38 =	vld [tilespmem:s8+$0xFFFFFF90];
	v19 =	vmul.f32 v37, v19;
	v24 =	vmov s18;
	s18 =	smul.f32 $2.500000000e-01, s19  }
0x6ef: {  	v31 =	vsel vm1, $0x0, v31;
	(xrf2) =	vadd.scan.msk.f32 $0xffff, v29;
	v29 =	vld [tilespmem:s11+$0xFFFFFFD0];
	v39, _, _ =	vpop (xrf2);
	v23 =	vbroadcast v23, $0x0;
	v24 =	vmax.f32 v24, $-5.000000000e+00  }
0x6f0: {  	v40 =	vld [tilespmem:s8+$0x10];
	(v2sf) =	vpush v39, $0xF;
	[tilespmem:s6+$0x10] =	vst v19;
	v39 =	vpop (erf);
	v19 =	vmin.f32 v24, $5.000000000e+00;
	v24 =	vmov s18  }
0x6f1: {  	v41 =	vld [tilespmem:s11+$0x10];
	v21 =	vmul.f32 v39, v21;
	v19 =	vmul.f32 $1.442695020e+00, v19;
	v42 =	vmax.f32 v24, $-5.000000000e+00  }
0x6f2: {  	(xrf2) =	vadd.scan.msk.f32 $0xffff, v34;
	v32 =	vmul.f32 v36, v32;
	v24 =	vld [tilespmem:s8+$0xFFFFFF50];
	v34 =	vmin.f32 v42, $5.000000000e+00;
	(erf) = vpow2.f32 v23  }
0x6f3: {  	v35 =	vsel vm1, $0x0, v35;
	v36, _, _ =	vpop (xrf2);
	v23 =	vld [tilespmem:s8+$0xFFFFFFD0];
	[tilespmem:s14+$0xFFFFFF80] =	vst v21;
	v21 =	vbroadcast v19, $0x0;
	v34 =	vmul.f32 $1.442695020e+00, v34  }
0x6f4: {  	(v2sf) =	vpush v36, $0xF;
	v29 =	vmul.f32 v29, v38;
	v19 =	vld [tilespmem:s8+$0x50];
	v36 =	vsel vm1, $0x0, v37;
	v37 =	vpop (erf)  }
0x6f5: {  	v31 =	vadd.f32 v31, v8;
	(xrf2) =	vadd.scan.msk.f32 $0xffff, v32;
	v32 =	vld [tilespmem:s4+$0xFFFFFF20];
	v42 =	vmul.f32 v37, v20;
	v20 =	vpop (erf);
	v34 =	vbroadcast v34, $0x0  }
0x6f6: {  	v35 =	vadd.f32 v35, v4;
	v38, _, _ =	vpop (xrf2);
	v40 =	vmul.f32 v41, v40;
	v41 =	vld [tilespmem:s9+$0xFFFFFFA0];
	v43 =	vmul.f32 v20, v22  }
0x6f7: {  	v8 =	vmovc v30;
	v4 =	vmovc v26;
	v36 =	vadd.f32 v36, v6;
	(v2sf) =	vpush v38, $0xF;
	v38 =	vld [tilespmem:s4+$0xFFFFFFA0];
	[tilespmem:s14+$0xFFFFFFD0] =	vst v42;
	s18 =	spop (v2sf);
	(erf) = vpow2.f32 v21  }
0x6f8: {  	v6 =	vmovc v33;
	v21 =	vsel vm2, $0x0, v39;
	(xrf2) =	vadd.scan.msk.f32 $0xffff, v29;
	v26 =	vld [tilespmem:s9+$0xFFFFFFE0];
	[tilespmem:s14+$0x20] =	vst v43;
	s18 =	smul.f32 $2.500000000e-01, s18;
	(erf) = vpow2.f32 v34  }
0x6f9: {  	v20 =	vsel vm2, $0x0, v20;
	v30 =	vadd.f32 v21, v9;
	v21 =	vsel vm2, $0x0, v37;
	v22, _, _ =	vpop (xrf2);
	v29 =	vld [tilespmem:s4+$0x20]  }
0x6fa: {  	v9 =	vmovc v31;
	v34 =	vadd.f32 v21, v5;
	v5 =	vmovc v35;
	(v2sf) =	vpush v22, $0xF;
	v33 =	vld [tilespmem:s9+$0x20];
	v37 =	vmov s18  }
0x6fb: {  	(xrf2) =	vadd.scan.msk.f32 $0xffff, v40;
	v31 =	vmul.f32 v41, v32;
	v21 =	vld [tilespmem:s4+$0xFFFFFF60];
	s18 =	spop (v2sf);
	v32 =	vadd.f32 v20, v10;
	v40 =	vmax.f32 v37, $-5.000000000e+00;
	v22 =	vpop (erf)  }
0x6fc: {  	v35, _, _ =	vpop (xrf2);
	v20 =	vld [tilespmem:s4+$0xFFFFFFE0];
	s18 =	smul.f32 $2.500000000e-01, s18;
	v39 =	vmin.f32 v40, $5.000000000e+00;
	v18 =	vmul.f32 v22, v18;
	v37 =	vsel vm3, $0x0, v22  }
0x6fd: {  	v10 =	vmovc v36;
	(v2sf) =	vpush v35, $0xF;
	v26 =	vmul.f32 v26, v38;
	v22 =	vld [tilespmem:s4+$0x60];
	v35 =	vmul.f32 $1.442695020e+00, v39  }
0x6fe: {  	v36 =	vmov s18;
	(xrf2) =	vadd.scan.msk.f32 $0xffff, v31;
	v31 =	vld [tilespmem:s1+$0xFFFFFF30];
	[tilespmem:s0+$0xFFFFFF90] =	vst v18;
	v18 =	vadd.f32 v37, v7;
	v7 =	vmovc v30  }
0x6ff: {  	v30, _, _ =	vpop (xrf2);
	s18 =	spop (v2sf);
	v29 =	vmul.f32 v33, v29;
	v33 =	vmax.f32 v36, $-5.000000000e+00;
	v36 =	vld [tilespmem:s10+$0xFFFFFFB0];
	v35 =	vbroadcast v35, $0x0  }
0x700: {  	s18 =	smul.f32 $2.500000000e-01, s18;
	(v2sf) =	vpush v30, $0xF;
	v30 =	vmin.f32 v33, $5.000000000e+00;
	v33 =	vld [tilespmem:s1+$0xFFFFFFB0];
	[tilespmem:s0+$0xFFFFFFA0] =	vst v18;
	v37 =	vpop (erf)  }
0x701: {  	v18 =	vmul.f32 $1.442695020e+00, v30;
	(xrf2) =	vadd.scan.msk.f32 $0xffff, v26;
	v30 =	vld [tilespmem:s10+$0xFFFFFFF0];
	(erf) = vpow2.f32 v35;
	v35 =	vsel vm3, $0x0, v37;
	v26 =	vpop (erf)  }
0x702: {  	v38 =	vmov s18;
	v39, _, _ =	vpop (xrf2);
	v40 =	vld [tilespmem:s1+$0x30];
	v35 =	vadd.f32 v35, v11;
	v41 =	vsel vm3, $0x0, v26  }
0x703: {  	v11 =	vmovc v34;
	s18 =	spop (v2sf);
	v38 =	vmax.f32 v38, $-5.000000000e+00;
	(v2sf) =	vpush v39, $0xF;
	v39 =	vbroadcast v18, $0x0;
	v42 =	vld [tilespmem:s10+$0x30];
	s10 =	smov.u32 s9;
	s9 =	smov.u32 s11  }
0x704: {  	s11 =	smov.u32 s12;
	s18 =	smul.f32 $2.500000000e-01, s18;
	v38 =	vmin.f32 v38, $5.000000000e+00;
	v31 =	vmul.f32 v36, v31;
	v18 =	vld [tilespmem:s1+$0xFFFFFF70];
	[tilespmem:s0+$0xFFFFFFF0] =	vst v35;
	v35 =	vadd.f32 v41, v12;
	v12 =	vmovc v32  }
0x705: {  	v32 =	vmul.f32 $1.442695020e+00, v38;
	v34, _, _ =	vpop (xrf2);
	(xrf2) =	vadd.scan.msk.f32 $0xffff, v29;
	(erf) = vpow2.f32 v39;
	v29 =	vld [tilespmem:s1+$0xFFFFFFF0];
	v39 =	vnsel vm0, $0x0, v1  }
0x706: {  	v1 =	vmovc v2;
	v2 =	vmovc v13;
	v36 =	vmov s18;
	s18 =	spop (v2sf);
	(v2sf) =	vpush v34, $0xF;
	v34 =	vld [tilespmem:s1+$0x70];
	v38 =	vadd.f32 $0.0e+00, v39;
	[tilespmem:s0+$0x40] =	vst v35  }
0x707: {  	v35 =	vsel vm1, $0x0, v3;
	v3 =	vmovc v15;
	s18 =	smul.f32 $2.500000000e-01, s18;
	v13 =	vmax.f32 v36, $-5.000000000e+00;
	v32 =	vbroadcast v32, $0x0  }
0x708: {  	v30 =	vmul.f32 v30, v33;
	v13 =	vmin.f32 v13, $5.000000000e+00;
	v15, _, _ =	vpop (xrf2);
	v35 =	vadd.f32 v35, v38  }
0x709: {  	v14 =	vsel vm2, $0x0, v14;
	v13 =	vmul.f32 $1.442695020e+00, v13;
	s19 =	spop (v2sf);
	(erf) = vpow2.f32 v32;
	(xrf2) =	vadd.scan.msk.f32 $0xffff, v31  }
0x70a: {  	v36 =	vmov s18;
	s19 =	smul.f32 $2.500000000e-01, s19;
	v32 =	vld [tilespmem:s4+$0xE0];
	(v2sf) =	vpush v15, $0xF;
	v14 =	vadd.f32 v14, v35;
	v33 =	vpop (erf)  }
0x70b: {  	v15 =	vmax.f32 v36, $-5.000000000e+00;
	v13 =	vbroadcast v13, $0x0;
	v31, _, _ =	vpop (xrf2);
	v35 =	vsel vm3, $0x0, v33  }
0x70c: {  	v15 =	vmin.f32 v15, $5.000000000e+00;
	v36 =	vmov s19;
	s18 =	spop (v2sf);
	v35 =	vadd.f32 v35, v14  }
0x70d: {  	v15 =	vmul.f32 $1.442695020e+00, v15;
	v36 =	vmax.f32 v36, $-5.000000000e+00;
	s18 =	smul.f32 $2.500000000e-01, s18;
	(erf) = vpow2.f32 v13;
	v13 =	vld [tilespmem:s8+$0xD0];
	(xrf2) =	vadd.scan.msk.f32 $0xffff, v30  }
0x70e: {  	v30 =	vmin.f32 v36, $5.000000000e+00;
	(v2sf) =	vpush v31, $0xF;
	v14 =	vpop (erf);
	v31 =	vmul.f32 v42, v40;
	v36 =	vld [tilespmem:s1+$0xF0];
	[tilespmem:s14+$0x90] =	vst v35;
	s1 =	smov.u32 s4;
	s4 =	smov.u32 s8;
	s8 =	smov.u32 s17  }
0x70f: {  	v30 =	vmul.f32 $1.442695020e+00, v30;
	v35 =	vmov s18;
	s18 =	spop (v2sf);
	v32 =	vmul.f32 v14, v32;
	v38, _, _ =	vpop (xrf2)  }
0x710: {  	v39 =	vbroadcast v15, $0x0;
	v35 =	vmax.f32 v35, $-5.000000000e+00;
	s18 =	smul.f32 $2.500000000e-01, s18;
	(v2sf) =	vpush v38, $0xF;
	(xrf2) =	vadd.scan.msk.f32 $0xffff, v31  }
0x711: {  	v30 =	vbroadcast v30, $0x0;
	v31 =	vmin.f32 v35, $5.000000000e+00;
	v35 =	vld [tilespmem:s17+$0xC0];
	[tilespmem:s6+$0x70] =	vst v32;
	v32 =	vmul.f32 v37, v16;
	v16 =	vmovc v29  }
0x712: {  	v29 =	vmul.f32 $1.442695020e+00, v31;
	(erf) = vpow2.f32 v39;
	v31 =	vmov s18;
	s18 =	spop (v2sf);
	v15 =	vpop (erf);
	v37 =	vld [tilespmem:s1+$0xB0]  }
0x713: {  	(erf) = vpow2.f32 v30;
	v30 =	vmax.f32 v31, $-5.000000000e+00;
	s18 =	smul.f32 $2.500000000e-01, s18;
	v39 =	vmul.f32 v15, v13;
	v31 =	vld [tilespmem:s10+$0x70];
	v38, _, _ =	vpop (xrf2);
	[tilespmem:s0+$0xFFFFFFE0] =	vst v32  }
0x714: {  	v29 =	vbroadcast v29, $0x0;
	v30 =	vmin.f32 v30, $5.000000000e+00;
	(v2sf) =	vpush v38, $0xF  }
0x715: {  	v26 =	vmul.f32 v26, v17;
	v17 =	vmovc v34;
	v30 =	vmul.f32 $1.442695020e+00, v30;
	v32 =	vmov s18;
	[tilespmem:s7+$0x60] =	vst v39;
	s18 =	spop (v2sf)  }
0x716: {  	(erf) = vpow2.f32 v29;
	v13 =	vpop (erf);
	v29 =	vmax.f32 v32, $-5.000000000e+00;
	s18 =	smul.f32 $2.500000000e-01, s18;
	v34 =	vld [tilespmem:s4+$0xA0];
	v32 =	vmul.f32 v33, v36  }
0x717: {  	v38 =	vmul.f32 v13, v35;
	v30 =	vbroadcast v30, $0x0;
	v29 =	vmin.f32 v29, $5.000000000e+00;
	v36 =	vld [tilespmem:s9+$0x60];
	v35, _, _ =	vpop (xrf2);
	[tilespmem:s0+$0x30] =	vst v26;
	s0 =	smov.u32 s14;
	s14 =	smov.u32 s6;
	s6 =	smov.u32 s7  }
0x718: {  	s7 =	sadd.s32 $0x140, s7;
	v39 =	vmul.f32 $1.442695020e+00, v29;
	v29 =	vmov s18;
	v37 =	vmul.f32 v31, v37;
	[tilespmem:s0+$0x80] =	vst v32  }
.Ltmp4:
0x719: {  	[tilespmem:s7+$0x50] =	vst v38;
	v32 =	vmax.f32 v29, $-5.000000000e+00;
	(erf) = vpow2.f32 v30;
	s18 =	spop (v2sf);
	(v2sf) =	vpush v35, $0xF;
	(pc) =	sbr.rel @p0 .LBB2_10-.Ltmp4, $4  }
0x71a: {  	v31 =	vld [tilespmem:s17+$0x90];
	v29 =	vbroadcast v39, $0x0;
	v30 =	vmin.f32 v32, $5.000000000e+00;
	s18 =	smul.f32 $2.500000000e-01, s18;
	(xrf2) =	vadd.scan.msk.f32 $0xffff, v37;
	v33, _, _ =	vpop (xrf2)  }
0x71b: {  	v32 =	vld [tilespmem:s12+$0x50];
	v26 =	vpop (erf);
	v30 =	vmul.f32 $1.442695020e+00, v30;
	(v2sf) =	vpush v33, $0xF  }
0x71c: {  	v35 =	vmul.f32 v26, v27;
	v27 =	vpop (erf);
	v34 =	vmul.f32 v36, v34;
	v33 =	vmov s18  }
0x71d: {  	s17 =	sadd.s32 $0x200, s17;
	v28 =	vmul.f32 v27, v28;
	v30 =	vbroadcast v30, $0x0;
	v33 =	vmax.f32 v33, $-5.000000000e+00;
	s30 =	spop (v2sf)  }
0x71e: {  	_ = 	snop  }
0x71f: {  	[tilespmem:s7+$0xFFFFFF60] =	vst v28  }
0x720: {  	v36 =	vld [tilespmem:s8+$0xFFFFFF10]  }
0x721: {  	v28 =	vpop (erf);
	v37 =	vld [tilespmem:s11+$0xFFFFFF90]  }
0x722: {  	[tilespmem:s7+$0xFFFFFFB0] =	vst v35;
	v25 =	vmul.f32 v28, v25  }
0x723: {  	(xrf2) =	vadd.scan.msk.f32 $0xffff, v34;
	v44 =	vld [tilespmem:s8+$0xFFFFFF90];
	v31 =	vmul.f32 v32, v31  }
0x724: {  	v45 =	vld [tilespmem:s11+$0xFFFFFFD0];
	[tilespmem:s7+$0x0] =	vst v25  }
0x725: {  	(xrf2) =	vadd.scan.msk.f32 $0xffff, v31;
	v46 =	vld [tilespmem:s8+$0x10]  }
0x726: {  	v47 =	vld [tilespmem:s11+$0x10];
	v48 =	vmul.f32 v37, v36;
	_ =	sdelay $0x1  }
0x727: {  	(xrf2) =	vadd.scan.msk.f32 $0xffff, v48  }
0x728: {  	v25 =	vmul.f32 v45, v44;
	_ =	sdelay $0x1  }
0x729: {  	v31 =	vmul.f32 v47, v46;
	(xrf2) =	vadd.scan.msk.f32 $0xffff, v25  }
0x72a: {  	v49, _, _ =	vpop (xrf2)  }
0x72b: {  	v50, _, _ =	vpop (xrf2);
	(xrf2) =	vadd.scan.msk.f32 $0xffff, v31  }
0x72c: {  	(v2sf) =	vpush v49, $0xF  }
0x72d: {  	(v2sf) =	vpush v50, $0xF;
	v51, _, _ =	vpop (xrf2)  }
0x72e: {  	(v2sf) =	vpush v51, $0xF  }
0x72f: {  	(erf) = vpow2.f32 v29;
	s12 =	smul.f32 $2.500000000e-01, s30;
	s16 =	spop (v2sf)  }
0x730: {  	s16 =	smul.f32 $2.500000000e-01, s16;
	v52, _, _ =	vpop (xrf2)  }
0x731: {  	v53 =	vmin.f32 v33, $5.000000000e+00;
	v55 =	vmov s12;
	(v2sf) =	vpush v52, $0xF  }
0x732: {  	v54 =	vmul.f32 $1.442695020e+00, v53;
	v29 =	vmax.f32 v55, $-5.000000000e+00;
	v56 =	vmov s16  }
0x733: {  	(erf) = vpow2.f32 v30;
	v29 =	vmin.f32 v29, $5.000000000e+00;
	s19 =	spop (v2sf);
	v30 =	vmax.f32 v56, $-5.000000000e+00;
	v57, _, _ =	vpop (xrf2)  }
0x734: {  	v29 =	vmul.f32 $1.442695020e+00, v29;
	s12 =	smul.f32 $2.500000000e-01, s19;
	v30 =	vmin.f32 v30, $5.000000000e+00;
	(v2sf) =	vpush v57, $0xF  }
0x735: {  	v58 =	vbroadcast v54, $0x0;
	v30 =	vmul.f32 $1.442695020e+00, v30;
	s30 =	spop (v2sf);
	v59, _, _ =	vpop (xrf2)  }
0x736: {  	v29 =	vbroadcast v29, $0x0;
	v60 =	vmov s12;
	s12 =	smul.f32 $2.500000000e-01, s30;
	s31 =	spop (v2sf);
	(v2sf) =	vpush v59, $0xF  }
0x737: {  	v62 =	vmax.f32 v60, $-5.000000000e+00;
	v30 =	vbroadcast v30, $0x0;
	v25 =	vpop (erf);
	(erf) = vpow2.f32 v58;
	s16 =	smul.f32 $2.500000000e-01, s31  }
0x738: {  	v61 =	vmul.f32 v25, v24;
	v24 =	vpop (erf);
	(erf) = vpow2.f32 v29;
	v39 =	vmov s12  }
0x739: {  	v31 =	vmin.f32 v62, $5.000000000e+00;
	v40 =	vmax.f32 v39, $-5.000000000e+00;
	v41 =	vmov s16  }
0x73a: {  	v38 =	vmul.f32 $1.442695020e+00, v31;
	v29 =	vmin.f32 v40, $5.000000000e+00;
	v31 =	vmax.f32 v41, $-5.000000000e+00  }
0x73b: {  	v63 =	vmul.f32 v24, v23;
	v29 =	vmul.f32 $1.442695020e+00, v29;
	v42 =	vmin.f32 v31, $5.000000000e+00;
	s16 =	spop (v2sf)  }
0x73c: {  	v23 =	vbroadcast v38, $0x0;
	v43 =	vmul.f32 $1.442695020e+00, v42;
	s12 =	smul.f32 $2.500000000e-01, s16;
	s17 =	spop (v2sf)  }
0x73d: {  	(erf) = vpow2.f32 v30;
	v29 =	vbroadcast v29, $0x0;
	s16 =	smul.f32 $2.500000000e-01, s17;
	s18 =	spop (v2sf)  }
0x73e: {  	(erf) = vpow2.f32 v23;
	v23 =	vbroadcast v43, $0x0;
	v44 =	vmov s12;
	s12 =	smul.f32 $2.500000000e-01, s18  }
0x73f: {  	(erf) = vpow2.f32 v29;
	v30 =	vmax.f32 v44, $-5.000000000e+00;
	v45 =	vmov s16  }
0x740: {  	v30 =	vmin.f32 v30, $5.000000000e+00;
	v31 =	vmax.f32 v45, $-5.000000000e+00;
	v46 =	vmov s12;
	s19 =	spop (v2sf)  }
0x741: {  	v30 =	vmul.f32 $1.442695020e+00, v30;
	v31 =	vmin.f32 v31, $5.000000000e+00;
	v48 =	vmax.f32 v46, $-5.000000000e+00;
	s12 =	smul.f32 $2.500000000e-01, s19  }
0x742: {  	v37 =	vld [tilespmem:s8+$0xFFFFFF50];
	(erf) = vpow2.f32 v23;
	v47 =	vmul.f32 $1.442695020e+00, v31;
	v31 =	vmin.f32 v48, $5.000000000e+00  }
0x743: {  	v60 =	vld [tilespmem:s4+$0xE0];
	v23 =	vpop (erf);
	v30 =	vbroadcast v30, $0x0;
	v31 =	vmul.f32 $1.442695020e+00, v31;
	s30 =	spop (v2sf);
	v49 =	vmov s12  }
0x744: {  	[tilespmem:s6+$0xFFFFFF70] =	vst v61;
	v39 =	vld [tilespmem:s8+$0x50];
	v19 =	vmul.f32 v23, v19;
	v29 =	vbroadcast v47, $0x0;
	s12 =	smul.f32 $2.500000000e-01, s30;
	v51 =	vmax.f32 v49, $-5.000000000e+00  }
0x745: {  	v50 =	vld [tilespmem:s4+$0xFFFFFF20];
	[tilespmem:s6+$0xFFFFFFC0] =	vst v63;
	(erf) = vpow2.f32 v30;
	v53 =	vbroadcast v31, $0x0;
	s31 =	spop (v2sf);
	v30 =	vmin.f32 v51, $5.000000000e+00  }
0x746: {  	v40 =	vld [tilespmem:s4+$0xFFFFFFA0];
	(erf) = vpow2.f32 v29;
	s16 =	smul.f32 $2.500000000e-01, s31;
	v54 =	vmov s12;
	v30 =	vmul.f32 $1.442695020e+00, v30  }
0x747: {  	v52 =	vld [tilespmem:s9+$0xFFFFFFA0];
	v31 =	vpop (erf);
	(erf) = vpow2.f32 v53;
	v57 =	vmax.f32 v54, $-5.000000000e+00  }
0x748: {  	v56 =	vld [tilespmem:s9+$0xFFFFFFE0];
	[tilespmem:s6+$0x10] =	vst v19;
	v58 =	vmov s16;
	v29 =	vmin.f32 v57, $5.000000000e+00;
	v30 =	vbroadcast v30, $0x0  }
0x749: {  	v41 =	vld [tilespmem:s4+$0x20];
	v55 =	vmul.f32 v31, v21;
	v35 =	vpop (erf);
	v33 =	vmax.f32 v58, $-5.000000000e+00;
	v43 =	vmul.f32 $1.442695020e+00, v29  }
0x74a: {  	v42 =	vld [tilespmem:s9+$0x20];
	v34 =	vpop (erf);
	v33 =	vmin.f32 v33, $5.000000000e+00;
	(erf) = vpow2.f32 v30  }
0x74b: {  	v47 =	vld [tilespmem:s8+$0xD0];
	[tilespmem:s14+$0xFFFFFF80] =	vst v55;
	v45 =	vmul.f32 $1.442695020e+00, v33;
	v29 =	vpop (erf);
	v43 =	vbroadcast v43, $0x0  }
0x74c: {  	v36 =	vmul.f32 v52, v50;
	v59 =	vmul.f32 v35, v20;
	v44 =	vld [tilespmem:s1+$0xFFFFFF30];
	v30 =	vpop (erf)  }
0x74d: {  	v61 =	vld [tilespmem:s10+$0xFFFFFFB0];
	v45 =	vbroadcast v45, $0x0;
	v32 =	vpop (erf);
	(erf) = vpow2.f32 v43  }
0x74e: {  	v38 =	vld [tilespmem:s8+$0xFFFFFFD0];
	v46 =	vmul.f32 v34, v22;
	[tilespmem:s14+$0xFFFFFFD0] =	vst v59;
	v33 =	vpop (erf)  }
0x74f: {  	v40 =	vmul.f32 v56, v40;
	(xrf2) =	vadd.scan.msk.f32 $0xffff, v36;
	v62 =	vld [tilespmem:s1+$0xFFFFFFB0];
	v22 =	vpop (erf);
	(erf) = vpow2.f32 v45  }
0x750: {  	v48 =	vmul.f32 v42, v41;
	[tilespmem:s14+$0x20] =	vst v46;
	v63 =	vld [tilespmem:s10+$0xFFFFFFF0];
	v20 =	vmul.f32 v22, v60  }
0x751: {  	(xrf2) =	vadd.scan.msk.f32 $0xffff, v40;
	v49 =	vld [tilespmem:s1+$0x30];
	v21 =	vpop (erf)  }
0x752: {  	(xrf2) =	vadd.scan.msk.f32 $0xffff, v48;
	v50 =	vld [tilespmem:s10+$0x30];
	v19 =	vmul.f32 v61, v44;
	v51 =	vmul.f32 v21, v47;
	[tilespmem:s6+$0x70] =	vst v20  }
0x753: {  	v52 =	vld [tilespmem:s4+$0xB0];
	v36 =	vpop (erf)  }
0x754: {  	v53 =	vld [tilespmem:s9+$0x70];
	[tilespmem:s7+$0x60] =	vst v51;
	v55 =	vmul.f32 v36, v37  }
0x755: {  	(xrf2) =	vadd.scan.msk.f32 $0xffff, v19;
	v54 =	vld [tilespmem:s8+$0xA0]  }
0x756: {  	v43 =	vmul.f32 v63, v62;
	v56 =	vld [tilespmem:s11+$0x60];
	[tilespmem:s7+$0xFFFFFF70] =	vst v55;
	v19 =	vpop (erf)  }
0x757: {  	v40 =	vmul.f32 v50, v49;
	v38 =	vmul.f32 v19, v38;
	v57 =	vld [tilespmem:s8+$0xFFFFFF20]  }
0x758: {  	(xrf2) =	vadd.scan.msk.f32 $0xffff, v43;
	v58 =	vld [tilespmem:s11+$0xFFFFFFA0];
	v20 =	vpop (erf)  }
0x759: {  	v59, _, _ =	vpop (xrf2);
	(xrf2) =	vadd.scan.msk.f32 $0xffff, v40;
	[tilespmem:s7+$0xFFFFFFC0] =	vst v38;
	v61 =	vmul.f32 v20, v39  }
0x75a: {  	v60 =	vmul.f32 v53, v52;
	v62 =	vld [tilespmem:s8+$0xFFFFFFA0]  }
0x75b: {  	(v2sf) =	vpush v59, $0xF;
	v63, _, _ =	vpop (xrf2);
	v45 =	vld [tilespmem:s11+$0xFFFFFFE0];
	[tilespmem:s7+$0x10] =	vst v61  }
0x75c: {  	(v2sf) =	vpush v63, $0xF;
	v46, _, _ =	vpop (xrf2);
	v37 =	vmul.f32 v56, v54;
	(xrf2) =	vadd.scan.msk.f32 $0xffff, v60;
	v47 =	vld [tilespmem:s8+$0x20]  }
0x75d: {  	(v2sf) =	vpush v46, $0xF;
	v48 =	vld [tilespmem:s11+$0x20];
	v41 =	vmul.f32 v58, v57  }
0x75e: {  	(xrf2) =	vadd.scan.msk.f32 $0xffff, v37  }
0x75f: {  	v49, _, _ =	vpop (xrf2);
	(xrf2) =	vadd.scan.msk.f32 $0xffff, v41  }
0x760: {  	(v2sf) =	vpush v49, $0xF;
	v38 =	vmul.f32 v45, v62;
	_ =	sdelay $0x1  }
0x761: {  	v50, _, _ =	vpop (xrf2);
	v37 =	vmul.f32 v48, v47;
	(xrf2) =	vadd.scan.msk.f32 $0xffff, v38  }
0x762: {  	(v2sf) =	vpush v50, $0xF;
	v51, _, _ =	vpop (xrf2)  }
0x763: {  	(v2sf) =	vpush v51, $0xF;
	(xrf2) =	vadd.scan.msk.f32 $0xffff, v37;
	_ =	sdelay $0x1  }
0x764: {  	v52, _, _ =	vpop (xrf2)  }
0x765: {  	(v2sf) =	vpush v52, $0xF  }
0x766: {  	v53, _, _ =	vpop (xrf2)  }
0x767: {  	(v2sf) =	vpush v53, $0xF;
	v54, _, _ =	vpop (xrf2)  }
0x768: {  	s17 =	spop (v2sf);
	(v2sf) =	vpush v54, $0xF  }
0x769: {  	s10 =	smul.f32 $2.500000000e-01, s17;
	s18 =	spop (v2sf)  }
0x76a: {  	s19 =	smul.f32 $2.500000000e-01, s18;
	s30 =	spop (v2sf);
	v56, _, _ =	vpop (xrf2)  }
0x76b: {  	s12 =	smul.f32 $2.500000000e-01, s30;
	(v2sf) =	vpush v56, $0xF  }
0x76c: {  	v55 =	vmov s10;
	v57 =	vmov s19;
	v58, _, _ =	vpop (xrf2)  }
0x76d: {  	v37 =	vmax.f32 v55, $-5.000000000e+00;
	v59 =	vmov s12;
	s31 =	spop (v2sf);
	(v2sf) =	vpush v58, $0xF  }
0x76e: {  	v38 =	vmax.f32 v57, $-5.000000000e+00;
	v37 =	vmin.f32 v37, $5.000000000e+00;
	v60 =	vmax.f32 v59, $-5.000000000e+00  }
0x76f: {  	v38 =	vmin.f32 v38, $5.000000000e+00;
	v37 =	vmul.f32 $1.442695020e+00, v37;
	v39 =	vmin.f32 v60, $5.000000000e+00;
	s10 =	smul.f32 $2.500000000e-01, s31  }
0x770: {  	v38 =	vmul.f32 $1.442695020e+00, v38;
	v39 =	vmul.f32 $1.442695020e+00, v39;
	s12 =	spop (v2sf)  }
0x771: {  	v37 =	vbroadcast v37, $0x0;
	s16 =	spop (v2sf);
	v61 =	vmov s10;
	s10 =	smul.f32 $2.500000000e-01, s12  }
0x772: {  	v38 =	vbroadcast v38, $0x0;
	v62 =	vbroadcast v39, $0x0;
	s12 =	smul.f32 $2.500000000e-01, s16;
	v40 =	vmax.f32 v61, $-5.000000000e+00  }
0x773: {  	(erf) = vpow2.f32 v37;
	v63 =	vmin.f32 v40, $5.000000000e+00;
	v43 =	vmov s10  }
0x774: {  	v45 =	vmov s12;
	v42 =	vmul.f32 $1.442695020e+00, v63;
	v44 =	vmax.f32 v43, $-5.000000000e+00;
	s17 =	spop (v2sf)  }
0x775: {  	(erf) = vpow2.f32 v38;
	v39 =	vmax.f32 v45, $-5.000000000e+00;
	v37 =	vmin.f32 v44, $5.000000000e+00;
	s10 =	smul.f32 $2.500000000e-01, s17  }
0x776: {  	v39 =	vmin.f32 v39, $5.000000000e+00;
	v38 =	vbroadcast v42, $0x0;
	v37 =	vmul.f32 $1.442695020e+00, v37;
	s18 =	spop (v2sf)  }
0x777: {  	(erf) = vpow2.f32 v62;
	v39 =	vmul.f32 $1.442695020e+00, v39;
	s12 =	smul.f32 $2.500000000e-01, s18;
	v46 =	vmov s10;
	s19 =	spop (v2sf)  }
0x778: {  	(erf) = vpow2.f32 v38;
	v37 =	vbroadcast v37, $0x0;
	v47 =	vmax.f32 v46, $-5.000000000e+00;
	s10 =	smul.f32 $2.500000000e-01, s19  }
0x779: {  	v39 =	vbroadcast v39, $0x0;
	v48 =	vmov s12;
	v38 =	vmin.f32 v47, $5.000000000e+00  }
0x77a: {  	v40 =	vmax.f32 v48, $-5.000000000e+00;
	v38 =	vmul.f32 $1.442695020e+00, v38;
	v49 =	vmov s10;
	s30 =	spop (v2sf)  }
0x77b: {  	(erf) = vpow2.f32 v37;
	v40 =	vmin.f32 v40, $5.000000000e+00;
	v51 =	vmax.f32 v49, $-5.000000000e+00;
	s10 =	smul.f32 $2.500000000e-01, s30  }
0x77c: {  	v40 =	vmul.f32 $1.442695020e+00, v40;
	v50 =	vbroadcast v38, $0x0;
	v38 =	vmin.f32 v51, $5.000000000e+00;
	s31 =	spop (v2sf)  }
0x77d: {  	(erf) = vpow2.f32 v39;
	v53 =	vmul.f32 $1.442695020e+00, v38;
	v54 =	vmov s10;
	s12 =	smul.f32 $2.500000000e-01, s31  }
0x77e: {  	v57 =	vld [tilespmem:s4+$0xFFFFFFE0];
	v52 =	vbroadcast v40, $0x0;
	(erf) = vpow2.f32 v50;
	v38 =	vmax.f32 v54, $-5.000000000e+00  }
0x77f: {  	v55 =	vld [tilespmem:s4+$0xFFFFFF60];
	v37 =	vbroadcast v53, $0x0;
	v38 =	vmin.f32 v38, $5.000000000e+00;
	v56 =	vmov s12  }
0x780: {  	v58 =	vld [tilespmem:s4+$0x60];
	(erf) = vpow2.f32 v52;
	v38 =	vmul.f32 $1.442695020e+00, v38;
	v39 =	vmax.f32 v56, $-5.000000000e+00  }
0x781: {  	v45 =	vpop (erf);
	v39 =	vmin.f32 v39, $5.000000000e+00;
	(erf) = vpow2.f32 v37  }
0x782: {  	v46 =	vpop (erf);
	v38 =	vbroadcast v38, $0x0;
	v39 =	vmul.f32 $1.442695020e+00, v39  }
0x783: {  	v48 =	vld [tilespmem:s8+$0xFFFFFFE0];
	v59 =	vmul.f32 v46, v57  }
0x784: {  	v47 =	vpop (erf);
	v51 =	vld [tilespmem:s8+$0x60];
	v39 =	vbroadcast v39, $0x0;
	(erf) = vpow2.f32 v38  }
0x785: {  	v60 =	vmul.f32 v47, v58;
	v40 =	vmul.f32 v45, v55;
	[tilespmem:s6+$0xFFFFFFD0] =	vst v59;
	v49 =	vpop (erf);
	v50 =	vld [tilespmem:s8+$0xE0]  }
0x786: {  	v43 =	vpop (erf);
	v54 =	vld [tilespmem:s9+$0xFFFFFFF0];
	(erf) = vpow2.f32 v39  }
0x787: {  	[tilespmem:s6+$0x20] =	vst v60;
	v42 =	vpop (erf);
	v37 =	vld [tilespmem:s8+$0xFFFFFF60]  }
0x788: {  	[tilespmem:s6+$0xFFFFFF80] =	vst v40;
	v63 =	vld [tilespmem:s4+$0x30];
	v41 =	vpop (erf)  }
0x789: {  	v52 =	vld [tilespmem:s4+$0xFFFFFF30];
	v40 =	vpop (erf)  }
0x78a: {  	v61 =	vld [tilespmem:s9+$0xFFFFFFB0];
	v62 =	vmul.f32 v40, v50  }
0x78b: {  	v53 =	vld [tilespmem:s4+$0xFFFFFFB0];
	v38 =	vpop (erf)  }
0x78c: {  	v55 =	vld [tilespmem:s9+$0x30];
	[tilespmem:s7+$0x70] =	vst v62;
	v60 =	vmul.f32 v38, v37  }
0x78d: {  	v56 =	vld [tilespmem:s8+$0xB0];
	v37 =	vpop (erf)  }
0x78e: {  	v57 =	vld [tilespmem:s11+$0x70];
	[tilespmem:s7+$0xFFFFFF80] =	vst v60;
	v48 =	vmul.f32 v37, v48  }
0x78f: {  	v44 =	vmul.f32 v61, v52;
	v52 =	vld [tilespmem:s8+$0xFFFFFF30];
	v39 =	vpop (erf)  }
0x790: {  	v53 =	vmul.f32 v54, v53;
	v62 =	vld [tilespmem:s11+$0xFFFFFFB0];
	v61 =	vmul.f32 v39, v51;
	[tilespmem:s7+$0xFFFFFFD0] =	vst v48  }
0x791: {  	(xrf2) =	vadd.scan.msk.f32 $0xffff, v44;
	v50 =	vmul.f32 v55, v63;
	v63 =	vld [tilespmem:s8+$0xFFFFFFB0]  }
0x792: {  	(xrf2) =	vadd.scan.msk.f32 $0xffff, v53;
	v59 =	vld [tilespmem:s11+$0xFFFFFFF0];
	[tilespmem:s7+$0x20] =	vst v61  }
0x793: {  	v58 =	vmul.f32 v57, v56;
	v60 =	vld [tilespmem:s8+$0x30]  }
0x794: {  	(xrf2) =	vadd.scan.msk.f32 $0xffff, v50;
	v61 =	vld [tilespmem:s11+$0x30]  }
0x795: {  	(xrf2) =	vadd.scan.msk.f32 $0xffff, v58  }
0x796: {  	v48 =	vmul.f32 v62, v52  }
0x797: {  	v1 =	vnsel vm0, $0x0, v1  }
0x798: {  	v2 =	vnsel vm0, $0x0, v2;
	v1 =	vadd.f32 $0.0e+00, v1;
	(xrf2) =	vadd.scan.msk.f32 $0xffff, v48;
	v44 =	vmul.f32 v59, v63  }
0x799: {  	v3 =	vsel vm1, $0x0, v3;
	v2 =	vadd.f32 $0.0e+00, v2;
	v62 =	vmul.f32 v61, v60  }
0x79a: {  	v15 =	vsel vm1, $0x0, v15;
	v1 =	vadd.f32 v3, v1;
	v25 =	vsel vm1, $0x0, v25;
	(xrf2) =	vadd.scan.msk.f32 $0xffff, v44  }
0x79b: {  	v2 =	vadd.f32 v15, v2;
	v8 =	vadd.f32 v25, v8;
	v24 =	vsel vm1, $0x0, v24;
	v63, _, _ =	vpop (xrf2);
	(xrf2) =	vadd.scan.msk.f32 $0xffff, v62  }
0x79c: {  	v24 =	vadd.f32 v24, v4;
	(v2sf) =	vpush v63, $0xF;
	v44, _, _ =	vpop (xrf2)  }
0x79d: {  	v23 =	vsel vm1, $0x0, v23;
	v3 =	vsel vm3, $0x0, v29;
	(v2sf) =	vpush v44, $0xF  }
0x79e: {  	v6 =	vadd.f32 v23, v6;
	v7 =	vadd.f32 v3, v7;
	v3 =	vsel vm2, $0x0, v14;
	v50, _, _ =	vpop (xrf2)  }
0x79f: {  	v1 =	vadd.f32 v3, v1;
	v55 =	vsel vm3, $0x0, v30;
	(v2sf) =	vpush v50, $0xF;
	v52, _, _ =	vpop (xrf2)  }
0x7a0: {  	v3 =	vsel vm3, $0x0, v32;
	v11 =	vadd.f32 v55, v11;
	v55 =	vld [tilespmem:s1+$0x70];
	(v2sf) =	vpush v52, $0xF  }
0x7a1: {  	v18 =	vmul.f32 v29, v18;
	v12 =	vadd.f32 v3, v12;
	v54 =	vld [tilespmem:s1+$0xF0];
	v53 =	vsel vm2, $0x0, v34  }
0x7a2: {  	v3 =	vsel vm3, $0x0, v33;
	v10 =	vadd.f32 v53, v10;
	v51 =	vsel vm2, $0x0, v35;
	v56, _, _ =	vpop (xrf2)  }
0x7a3: {  	v57 =	vadd.f32 v3, v1;
	v3 =	vnsel vm0, $0x0, v27;
	(v2sf) =	vpush v56, $0xF  }
0x7a4: {  	v5 =	vadd.f32 v51, v5;
	v4 =	vadd.f32 $0.0e+00, v3;
	v51 =	vsel vm2, $0x0, v22;
	v1, _, _ =	vpop (xrf2)  }
0x7a5: {  	v22 =	vmul.f32 v42, v55;
	v58 =	vmul.f32 v30, v16;
	(v2sf) =	vpush v1, $0xF;
	v1, _, _ =	vpop (xrf2)  }
0x7a6: {  	v16 =	vmul.f32 v32, v17;
	v17 =	vmul.f32 v33, v54;
	(v2sf) =	vpush v1, $0xF  }
0x7a7: {  	v32 =	vsel vm3, $0x0, v43;
	v33 =	vsel vm3, $0x0, v42;
	v2 =	vadd.f32 v51, v2  }
0x7a8: {  	v30 =	vnsel vm0, $0x0, v13;
	v5 =	vadd.f32 v32, v5;
	v10 =	vadd.f32 v33, v10;
	v59 =	vld [tilespmem:s1+$0xFFFFFF70]  }
0x7a9: {  	[tilespmem:s0+$0x40] =	vst v12;
	v12 =	vadd.f32 $0.0e+00, v30;
	v33 =	vsel vm1, $0x0, v21;
	v48 =	vsel vm2, $0x0, v31  }
0x7aa: {  	v31 =	vsel vm3, $0x0, v49;
	v9 =	vadd.f32 v48, v9;
	v63 =	vsel vm2, $0x0, v47  }
0x7ab: {  	v60 =	vnsel vm0, $0x0, v28;
	v61 =	vsel vm2, $0x0, v45;
	v28 =	vsel vm1, $0x0, v36;
	s16 =	spop (v2sf)  }
0x7ac: {  	v6 =	vadd.f32 v63, v6;
	v8 =	vadd.f32 v61, v8;
	v62 =	vsel vm2, $0x0, v46;
	s9 =	smul.f32 $2.500000000e-01, s16;
	s17 =	spop (v2sf)  }
0x7ad: {  	v24 =	vadd.f32 v62, v24;
	v25 =	vmul.f32 v49, v59;
	v56 =	vsel vm3, $0x0, v41;
	s18 =	smul.f32 $2.500000000e-01, s17  }
0x7ae: {  	v2 =	vadd.f32 v56, v2;
	v1 =	vnsel vm0, $0x0, v26;
	v34 =	vmov s9;
	s19 =	spop (v2sf)  }
0x7af: {  	v3 =	vadd.f32 $0.0e+00, v1;
	v35 =	vmax.f32 v34, $-5.000000000e+00;
	s10 =	smul.f32 $2.500000000e-01, s19;
	s30 =	spop (v2sf);
	v44 =	vmov s18  }
0x7b0: {  	v1 =	vadd.f32 $0.0e+00, v60;
	v36 =	vmin.f32 v35, $5.000000000e+00;
	s31 =	smul.f32 $2.500000000e-01, s30;
	v26 =	vmax.f32 v44, $-5.000000000e+00  }
0x7b1: {  	v15 =	vmul.f32 $1.442695020e+00, v36;
	v45 =	vmov s10;
	v26 =	vmin.f32 v26, $5.000000000e+00  }
0x7b2: {  	[tilespmem:s0+$0xFFFFFF90] =	vst v18;
	v27 =	vmax.f32 v45, $-5.000000000e+00;
	v46 =	vmov s31;
	s11 =	spop (v2sf);
	v26 =	vmul.f32 $1.442695020e+00, v26  }
0x7b3: {  	[tilespmem:s0+$0xFFFFFFA0] =	vst v7;
	v48 =	vbroadcast v15, $0x0;
	v27 =	vmin.f32 v27, $5.000000000e+00;
	v29 =	vmax.f32 v46, $-5.000000000e+00;
	s9 =	smul.f32 $2.500000000e-01, s11  }
0x7b4: {  	[tilespmem:s0+$0xFFFFFFF0] =	vst v11;
	v49 =	vmul.f32 $1.442695020e+00, v27;
	v50 =	vmin.f32 v29, $5.000000000e+00;
	v52 =	vbroadcast v26, $0x0;
	s12 =	spop (v2sf)  }
0x7b5: {  	[tilespmem:s14+$0x90] =	vst v57;
	(erf) = vpow2.f32 v48;
	v53 =	vmul.f32 $1.442695020e+00, v50;
	v59 =	vmov s9;
	s16 =	smul.f32 $2.500000000e-01, s12;
	s17 =	spop (v2sf)  }
0x7b6: {  	[tilespmem:s14+$0x30] =	vst v22;
	v54 =	vbroadcast v49, $0x0;
	v7 =	vmax.f32 v59, $-5.000000000e+00;
	(erf) = vpow2.f32 v52;
	s18 =	smul.f32 $2.500000000e-01, s17  }
0x7b7: {  	[tilespmem:s0+$0xFFFFFFE0] =	vst v58;
	v47 =	vld [tilespmem:s1+$0xFFFFFFF0];
	v57 =	vbroadcast v53, $0x0;
	v7 =	vmin.f32 v7, $5.000000000e+00;
	v61 =	vmov s16  }
0x7b8: {  	[tilespmem:s0+$0x30] =	vst v16;
	(erf) = vpow2.f32 v54;
	v15 =	vmax.f32 v61, $-5.000000000e+00;
	v62 =	vmov s18  }
0x7b9: {  	[tilespmem:s14+$0x80] =	vst v17;
	v60 =	vld [tilespmem:s4+$0xF0];
	v7 =	vmul.f32 $1.442695020e+00, v7;
	v15 =	vmin.f32 v15, $5.000000000e+00;
	v17 =	vmax.f32 v62, $-5.000000000e+00  }
0x7ba: {  	v63 =	vld [tilespmem:s4+$0xFFFFFF70];
	[tilespmem:s14+$0xFFFFFF90] =	vst v25;
	(erf) = vpow2.f32 v57;
	v23 =	vmul.f32 $1.442695020e+00, v15;
	v25 =	vmin.f32 v17, $5.000000000e+00  }
0x7bb: {  	[tilespmem:s14+$0x40] =	vst v10;
	v9 =	vadd.f32 v31, v9;
	v26 =	vbroadcast v7, $0x0;
	v27 =	vmul.f32 $1.442695020e+00, v25  }
0x7bc: {  	v12 =	vadd.f32 v33, v12;
	[tilespmem:s14+$0xFFFFFFF0] =	vst v5;
	v58 =	vmul.f32 v43, v47;
	v34 =	vld [tilespmem:s4+$0xFFFFFFF0];
	v11 =	vbroadcast v23, $0x0  }
0x7bd: {  	v4 =	vadd.f32 v28, v4;
	[tilespmem:s14+$0xFFFFFFA0] =	vst v9;
	(erf) = vpow2.f32 v26;
	v31 =	vbroadcast v27, $0x0  }
0x7be: {  	v43 =	vsel vm2, $0x0, v40;
	[tilespmem:s6+$0x90] =	vst v2;
	v29 =	vmul.f32 v41, v60;
	v41 =	vld [tilespmem:s4+$0x70];
	v2 =	vpop (erf);
	(erf) = vpow2.f32 v11  }
0x7bf: {  	[tilespmem:s14+$0xFFFFFFE0] =	vst v58;
	v32 =	vmul.f32 v2, v63;
	v2 =	vsel vm3, $0x0, v2;
	v35 =	vpop (erf);
	(erf) = vpow2.f32 v31  }
0x7c0: {  	v47 =	vld [tilespmem:s8+$0xF0];
	v10 =	vadd.f32 v43, v12;
	[tilespmem:s6+$0x80] =	vst v29;
	v2 =	vadd.f32 v2, v8  }
0x7c1: {  	v48 =	vsel vm1, $0x0, v19;
	[tilespmem:s6+$0xFFFFFF90] =	vst v32;
	v42 =	vsel vm3, $0x0, v35;
	v53 =	vmul.f32 v35, v34  }
0x7c2: {  	v3 =	vadd.f32 v48, v3;
	[tilespmem:s6+$0xFFFFFFA0] =	vst v2;
	v2 =	vld [tilespmem:s8+$0xFFFFFF70];
	v36 =	vpop (erf);
	v44 =	vadd.f32 v42, v24  }
0x7c3: {  	v50 =	vsel vm1, $0x0, v20;
	v45 =	vsel vm3, $0x0, v36;
	v5 =	vmul.f32 v36, v41;
	[tilespmem:s6+$0xFFFFFFE0] =	vst v53  }
0x7c4: {  	v55 =	vsel vm2, $0x0, v39;
	v1 =	vadd.f32 v50, v1;
	v46 =	vpop (erf);
	v6 =	vadd.f32 v45, v6;
	[tilespmem:s6+$0xFFFFFFF0] =	vst v44  }
0x7c5: {  	v52 =	vsel vm2, $0x0, v38;
	v49 =	vsel vm3, $0x0, v46;
	v57 =	vmul.f32 v46, v47;
	[tilespmem:s6+$0x30] =	vst v5  }
0x7c6: {  	v56 =	vld [tilespmem:s8+$0xFFFFFFF0];
	v4 =	vadd.f32 v52, v4;
	v54 =	vsel vm2, $0x0, v37;
	v51 =	vadd.f32 v49, v10;
	[tilespmem:s6+$0x40] =	vst v6;
	v58 =	vpop (erf)  }
0x7c7: {  	v59 =	vld [tilespmem:s8+$0x70];
	v3 =	vadd.f32 v54, v3;
	[tilespmem:s7+$0x80] =	vst v57;
	v2 =	vmul.f32 v58, v2;
	v60 =	vsel vm3, $0x0, v58;
	v61 =	vpop (erf)  }
0x7c8: {  	v1 =	vadd.f32 v55, v1;
	[tilespmem:s7+$0x90] =	vst v51;
	v4 =	vadd.f32 v60, v4;
	v62 =	vsel vm3, $0x0, v61;
	v63 =	vpop (erf)  }
0x7c9: {  	[tilespmem:s7+$0xFFFFFF90] =	vst v2;
	v2 =	vadd.f32 v62, v3;
	v3 =	vsel vm3, $0x0, v63  }
0x7ca: {  	[tilespmem:s7+$0xFFFFFFA0] =	vst v4;
	v1 =	vadd.f32 v3, v1  }
0x7cb: {  	[tilespmem:s7+$0xFFFFFFF0] =	vst v2;
	v2 =	vmul.f32 v61, v56  }
0x7cc: {  	[tilespmem:s7+$0x40] =	vst v1;
	v1 =	vmul.f32 v63, v59  }
0x7cd: {  	[tilespmem:s7+$0xFFFFFFE0] =	vst v2  }
0x7ce: {  	[tilespmem:s7+$0x30] =	vst v1  }
0x7cf: {  	[spmem:s3] =	stream.indirect.scatter.add.f32 [tilespmem:s26], [sflag:$0x3], $0x50, s29, s15, $0xb8;
	[tilespmem:$0x1F720] =	vst v63  }
0x7d0: {  	_ =	swait.ge [sflag:s13], $0x1900  }
0x7d1: {  	[sflag:s13] =	ssyncset.done $0x0  }
0x7d2: {  	[sflag:s13] =	ssyncadd.s32 $0xFFFFE700  }
0x7d3: {  	[bflag:$0x0] =	sbarrier.arrive $0xFFFF  }
0x7d4: {  	s8 =	rddreg [dreg:$0x5]  }
0x7d5: {  	s19 =	rddreg [dreg:$0x8]  }
0x7d6: {  	s1 =	rddreg [dreg:$0xa]  }
0x7d7: {  	[hbm:s19], [sflag:s8] =	dma.local [spmem:s1], $0x1900  }
0x7d8: {  	_ =	swait.ge [sflag:s13], $0x1900  }
0x7d9: {  	s30 =	rddreg [dreg:$0xb]  }
0x7da: {  	s31 =	rddreg [dreg:$0x9];
	s4 =	sadd.s32 $0x1, s30  }
0x7db: {  	p0 =	sne.s32 s4, s31  }
.Ltmp5:
0x7dc: {  	_ = 	snop;
	(pc) =	sbr.rel @p0 .LBB2_1-.Ltmp5, $3  }
0x7dd: {  	_ =	sdelay $0x1  }
0x7de: {  	[sflag:s13] =	ssyncset.done $0x0  }
0x7df: {  	[sflag:s13] =	ssyncadd.s32 $0xFFFFE700  }
0x7e0: {  	_ =	sfence.sel $0x180000  }
0x7e1: {  	[bflag:$0x0] =	sbarrier.arrive $0xFFFF  }
0x7e2: {  	_ =	strace $0x90000047  }
0x7e3: {  	s0 =	stileid.u32;
	[bflag:$0x2] =	sbarrier.arrive $0xFFFF  }
0x7e4: {  	p0 =	sne.s32 s0, $0x0;
	s0 =	rddreg [dreg:$0x3]  }
0x7e5: {  	s0 =	sadd.s32 @!p0 $0x100000, s0  }
0x7e6: {  	[sflag:s0] =	ssyncadd.tile.s32 @!p0 $0x1;
	_ =	shalt  }
.Lfunc_end2:
_tile_overlayer_lowered:
.L_overlay_start_2:
0x7e7: {  	(tag) =	ssettag $0x2  }
0x7e8: {  	s0 =	rddreg [dreg:$0x0];
	s2 =	stileid.u32  }
0x7e9: {  	s1 =	rddreg [dreg:$0x1];
	p0 =	sne.s32 s2, $0x0  }
0x7ea: {  	s3 =	rddreg [dreg:$0x2];
	[bflag:$0x3] =	sbarrier.arrive $0xFFFF;
	s2 =	simm.s32 @!p0 $0x1C03  }
0x7eb: {  	[timem:s3], [sflag:s2] =	dma.local @!p0 [hbm:s0], s1  }
0x7ec: {  	s0 =	simm.s32 @!p0 $0x3  }
0x7ed: {  	_ =	swait.ge @!p0 [sflag:s0], s1  }
0x7ee: {  	s1 =	ssub.s32 @!p0 $0x0, s1;
	[sflag:s0] =	ssyncset.done @!p0 $0x0  }
0x7ef: {  	[sflag:s0] =	ssyncadd.s32 @!p0 s1  }
0x7f0: {  	[bflag:$0x3] =	sbarrier.arrive $0xFFFF  }
0x7f1: {  	_ =	shalt  }

</sc_bundles>
